<compile_context>
chip_gen: v7x
topology: tpu7x:2x2x1
jax: 0.10.2.dev20260603
libtpu: 0.0.44.dev20260713+nightly
codegen_flags: <defaults>
</compile_context>

<pallas_src>
import functools

import jax
import jax.numpy as jnp
from jax import lax
from jax.experimental import pallas as pl
from jax.experimental.pallas import tpu as pltpu
from jax.experimental.pallas import tpu_sc as plsc

N = 10000
E = 320000
H = 128
C = 16

NC, NS = 2, 16
NW = NC * NS
EW = E // NW
KC = 50
EC = E // KC
CW = EC // NW
GW = CW // 8
KCD = 125
ECD = E // KCD
CWD = ECD // NW
NP = 10240
RPW = NP // NS
DEGW = 128
DGRP = 8


def _make_sc_agg(mesh):
    out_type = jax.ShapeDtypeStruct((NC * NP, H), jnp.float32)
    scratch = [
        pltpu.VMEM((8, KC), jnp.int32),
        pltpu.VMEM((8, KC), jnp.int32),
        pltpu.VMEM((8, KC), jnp.int32),
        pltpu.VMEM((8, KC), jnp.int32),
        pltpu.VMEM((KC, H), jnp.float32),
        pltpu.VMEM((KC, H), jnp.float32),
        pltpu.VMEM((KC, H), jnp.float32),
        pltpu.VMEM((KC, H), jnp.float32),
        pltpu.VMEM_SHARED((NP, H), jnp.float32),
        pltpu.SemaphoreType.DMA,
        pltpu.SemaphoreType.DMA,
        pltpu.SemaphoreType.DMA,
        pltpu.SemaphoreType.DMA,
        pltpu.SemaphoreType.DMA,
    ]

    def body(h_hbm, src_hbm, dst_hbm, z_hbm, out_hbm,
             srcg0, srcg1, dstg0, dstg1, rows0, rows1, rows2, rows3,
             agg_sh, sem0, sem1, sem2, sem3, semg):
        c = lax.axis_index("c")
        s = lax.axis_index("s")
        wid = s * NC + c
        crow = pl.multiple_of(wid * CW, 8)

        row0 = pl.multiple_of(s * RPW, 8)
        pltpu.sync_copy(z_hbm, agg_sh.at[pl.ds(row0, RPW)])
        pltpu.sync_copy(src_hbm.at[pl.ds(crow, 8)], srcg0)
        pltpu.sync_copy(dst_hbm.at[pl.ds(crow, 8)], dstg0)
        pltpu.async_copy(src_hbm.at[pl.ds(crow + 8, 8)], srcg1, semg)
        pltpu.async_copy(dst_hbm.at[pl.ds(crow + 8, 8)], dstg1, semg)
        plsc.subcore_barrier()

        bufs = ((rows0, sem0), (rows1, sem1), (rows2, sem2), (rows3, sem3))
        srcgs = (srcg0, srcg1)
        dstgs = (dstg0, dstg1)
        for b, (rows, sem) in enumerate(bufs):
            pltpu.async_copy(h_hbm.at[srcg0.at[b]], rows, sem)

        def g_step(g, carry):
            for j in range(8):
                i = g * 8 + j
                rows, sem = bufs[j % 4]
                pltpu.make_async_copy(h_hbm.at[srcg0.at[j % 8]], rows,
                                      sem).wait()
                for b in range(2):
                    @pl.when(lax.rem(g, 2) == b)
                    def _():
                        pltpu.sync_copy(rows, agg_sh.at[dstgs[b].at[j]],
                                        add=True)

                if j < 4:
                    for b in range(2):
                        @pl.when(lax.rem(g, 2) == b)
                        def _():
                            pltpu.async_copy(h_hbm.at[srcgs[b].at[j + 4]],
                                             rows, sem)
                else:
                    if j == 4:
                        @pl.when(g + 1 < GW)
                        def _():
                            pltpu.make_async_copy(
                                src_hbm.at[pl.ds(crow, 8)], srcg1, semg).wait()
                            pltpu.make_async_copy(
                                dst_hbm.at[pl.ds(crow, 8)], dstg1, semg).wait()

                    @pl.when(g + 1 < GW)
                    def _():
                        for b in range(2):
                            @pl.when(lax.rem(g + 1, 2) == b)
                            def _():
                                pltpu.async_copy(h_hbm.at[srcgs[b].at[j - 4]],
                                                 rows, sem)

            @pl.when(g + 2 < GW)
            def _():
                grow = pl.multiple_of(crow + (g + 2) * 8, 8)
                for b in range(2):
                    @pl.when(lax.rem(g, 2) == b)
                    def _():
                        pltpu.async_copy(src_hbm.at[pl.ds(grow, 8)],
                                         srcgs[b], semg)
                        pltpu.async_copy(dst_hbm.at[pl.ds(grow, 8)],
                                         dstgs[b], semg)
            return carry

        lax.fori_loop(0, GW, g_step, 0)
        plsc.subcore_barrier()

        pltpu.sync_copy(agg_sh.at[pl.ds(row0, RPW)],
                        out_hbm.at[pl.ds(c * NP + row0, RPW)])

    return pl.kernel(body, out_type=out_type, mesh=mesh,
                     scratch_types=scratch)


def _make_sc_deg(mesh):
    out_type = jax.ShapeDtypeStruct((NC * NP, DEGW), jnp.float32)
    scratch = [
        pltpu.VMEM((CWD, KCD), jnp.int32),
        pltpu.VMEM((KCD, DEGW), jnp.float32),
        pltpu.VMEM_SHARED((NP, DEGW), jnp.float32),
        pltpu.SemaphoreType.DMA,
    ]

    def body(dst_hbm, z_hbm, ones_hbm,
             out_hbm, dst_v, ones_v, deg_sh, sem):
        c = lax.axis_index("c")
        s = lax.axis_index("s")
        wid = s * NC + c

        row0 = pl.multiple_of(s * RPW, 8)
        pltpu.sync_copy(z_hbm, deg_sh.at[pl.ds(row0, RPW)])
        pltpu.sync_copy(dst_hbm.at[pl.ds(wid * CWD, CWD)], dst_v)
        pltpu.sync_copy(ones_hbm, ones_v)
        plsc.subcore_barrier()

        for j in range(DGRP):
            pltpu.async_copy(ones_v, deg_sh.at[dst_v.at[j]], sem, add=True)

        def step(i, carry):
            pltpu.make_async_copy(ones_v, deg_sh.at[dst_v.at[0]], sem).wait()
            pltpu.async_copy(ones_v, deg_sh.at[dst_v.at[i + DGRP]],
                             sem, add=True)
            return carry

        lax.fori_loop(0, CWD - DGRP, step, 0)
        for j in range(DGRP):
            pltpu.make_async_copy(ones_v, deg_sh.at[dst_v.at[0]], sem).wait()
        plsc.subcore_barrier()

        pltpu.sync_copy(deg_sh.at[pl.ds(row0, RPW)],
                        out_hbm.at[pl.ds(c * NP + row0, RPW)])

    return pl.kernel(body, out_type=out_type, mesh=mesh,
                     scratch_types=scratch)


@functools.cache
def _get_sc_kernels():
    mesh = plsc.VectorSubcoreMesh(core_axis_name="c", subcore_axis_name="s",
                                  num_cores=NC, num_subcores=NS)
    return _make_sc_agg(mesh), _make_sc_deg(mesh)


_R = 1000


def _dense_body(h_ref, p_ref, deg_ref, ws_ref, wn_ref, b_ref, o_ref):
    p = p_ref[...]
    agg = p[0] + p[1]
    d = deg_ref[...]
    deg = jnp.maximum((d[0] + d[1])[:, 0:1], 1.0)
    hn = agg / deg
    acc = jnp.dot(h_ref[...], ws_ref[...], preferred_element_type=jnp.float32)
    acc = acc + jnp.dot(hn, wn_ref[...], preferred_element_type=jnp.float32)
    o_ref[...] = jnp.maximum(acc + b_ref[...], 0.0)


_dense = pl.pallas_call(
    _dense_body,
    grid=(N // _R,),
    in_specs=[
        pl.BlockSpec((_R, H), lambda i: (i, 0)),
        pl.BlockSpec((NC, _R, H), lambda i: (0, i, 0)),
        pl.BlockSpec((NC, _R, DEGW), lambda i: (0, i, 0)),
        pl.BlockSpec((H, H), lambda i: (0, 0)),
        pl.BlockSpec((H, H), lambda i: (0, 0)),
        pl.BlockSpec((1, H), lambda i: (0, 0)),
    ],
    out_specs=pl.BlockSpec((_R, H), lambda i: (i, 0)),
    out_shape=jax.ShapeDtypeStruct((N, H), jnp.float32),
)


def _head_body(h_ref, p_ref, deg_ref, ws_ref, wn_ref, b_ref, g_ref,
               pht_ref, pgt_ref, o_ref):
    p = p_ref[...]
    agg = p[0] + p[1]
    d = deg_ref[...]
    deg = jnp.maximum((d[0] + d[1])[:, 0:1], 1.0)
    hn = agg / deg
    acc = jnp.dot(h_ref[...], ws_ref[...], preferred_element_type=jnp.float32)
    acc = acc + jnp.dot(hn, wn_ref[...], preferred_element_type=jnp.float32)
    h2 = jnp.maximum(acc + b_ref[...], 0.0)
    g = g_ref[...]
    pht = pht_ref[...]
    pgt = pgt_ref[...]
    psq = jnp.sum(pht * pht, axis=0) + jnp.sum(pgt * pgt, axis=0)
    sq = (jnp.sum(h2 * h2, axis=1, keepdims=True)
          + jnp.sum(g * g, axis=1, keepdims=True))
    dotp = (jnp.dot(h2, pht, preferred_element_type=jnp.float32)
            + jnp.dot(g, pgt, preferred_element_type=jnp.float32))
    o_ref[...] = 2.0 * dotp - sq - psq[None, :]


_head = pl.pallas_call(
    _head_body,
    grid=(N // _R,),
    in_specs=[
        pl.BlockSpec((_R, H), lambda i: (i, 0)),
        pl.BlockSpec((NC, _R, H), lambda i: (0, i, 0)),
        pl.BlockSpec((NC, _R, DEGW), lambda i: (0, i, 0)),
        pl.BlockSpec((H, H), lambda i: (0, 0)),
        pl.BlockSpec((H, H), lambda i: (0, 0)),
        pl.BlockSpec((1, H), lambda i: (0, 0)),
        pl.BlockSpec((_R, H), lambda i: (i, 0)),
        pl.BlockSpec((H, C), lambda i: (0, 0)),
        pl.BlockSpec((H, C), lambda i: (0, 0)),
    ],
    out_specs=pl.BlockSpec((_R, C), lambda i: (i, 0)),
    out_shape=jax.ShapeDtypeStruct((N, C), jnp.float32),
)


def kernel(x, gfeat, edge_index, W_self0, W_neigh0, b0,
           W_self1, W_neigh1, b1, proto):
    src = edge_index[0].reshape(EC, KC)
    dst = edge_index[1].reshape(EC, KC)
    dstd = edge_index[1].reshape(ECD, KCD)
    z_h = jnp.zeros((RPW, H), jnp.float32)
    z_d = jnp.zeros((RPW, DEGW), jnp.float32)
    ones = jnp.ones((KCD, DEGW), jnp.float32)
    b0_2 = b0.reshape(1, H)
    b1_2 = b1.reshape(1, H)
    pht = proto[:, :H].T
    pgt = proto[:, H:].T

    _sc_agg, _sc_deg = _get_sc_kernels()
    degp = _sc_deg(dstd, z_d, ones).reshape(NC, NP, DEGW)
    p0 = _sc_agg(x, src, dst, z_h).reshape(NC, NP, H)
    h1 = _dense(x, p0, degp, W_self0, W_neigh0, b0_2)
    p1 = _sc_agg(h1, src, dst, z_h).reshape(NC, NP, H)
    logits = _head(h1, p1, degp, W_self1, W_neigh1, b1_2, gfeat, pht, pgt)
    return logits

# --- scband reference (transcript-rebuilt; emitter-appended) ---
"""Pipeline reference for scband-graph-sage-87892210745355 (READ-ONLY COPY).

The authoritative reference and input builder live on the scoring server;
editing this copy changes nothing except your own understanding.
"""

import jax, jax.numpy as jnp
import numpy as np

N = 10000
E = 320000
D = 128   # in_feats
H = 128   # n_hidden
C = 16    # n_classes


def setup_inputs(seed: int = 0) -> dict:
    key = jax.random.key(seed)
    ks = jax.random.split(key, 12)
    x = jax.random.normal(ks[0], (N, D), dtype=jnp.float32)
    gfeat = jax.random.normal(ks[1], (N, H), dtype=jnp.float32)
    edge_index = jax.random.randint(ks[2], (2, E), 0, N, dtype=jnp.int32)
    s_in = 1.0 / np.sqrt(D)
    s_h = 1.0 / np.sqrt(H)
    W_self0 = jax.random.normal(ks[3], (D, H), dtype=jnp.float32) * s_in
    W_neigh0 = jax.random.normal(ks[4], (D, H), dtype=jnp.float32) * s_in
    b0 = jnp.zeros((H,), dtype=jnp.float32)
    W_self1 = jax.random.normal(ks[5], (H, H), dtype=jnp.float32) * s_h
    W_neigh1 = jax.random.normal(ks[6], (H, H), dtype=jnp.float32) * s_h
    b1 = jnp.zeros((H,), dtype=jnp.float32)
    proto = jax.random.normal(ks[7], (C, 2 * H), dtype=jnp.float32) * 0.1
    return {
        "x": x,
        "gfeat": gfeat,
        "edge_index": edge_index,
        "W_self0": W_self0,
        "W_neigh0": W_neigh0,
        "b0": b0,
        "W_self1": W_self1,
        "W_neigh1": W_neigh1,
        "b1": b1,
        "proto": proto,
    }


def _sage_conv_mean(h, edge_index, W_self, W_neigh, b):
    # DGL SAGEConv with aggregator_type='mean':
    #   h_neigh = mean over incoming neighbors of h[src]
    #   out = h_dst @ W_self + h_neigh @ W_neigh + b
    src = edge_index[0]
    dst = edge_index[1]
    n = h.shape[0]
    msg = jnp.take(h, src, axis=0)                       # gather [E, d]
    agg = jax.ops.segment_sum(msg, dst, num_segments=n)  # scatter-add [N, d]
    deg = jax.ops.segment_sum(jnp.ones((msg.shape[0],), dtype=h.dtype), dst, num_segments=n)
    h_neigh = agg / jnp.maximum(deg, 1.0)[:, None]
    return h @ W_self + h_neigh @ W_neigh + b


def reference(x, gfeat, edge_index, W_self0, W_neigh0, b0, W_self1, W_neigh1, b1, proto):
    # dropout p=0.0 -> identity (eval-faithful)
    h = x
    h = _sage_conv_mean(h, edge_index, W_self0, W_neigh0, b0)
    h = jax.nn.relu(h)  # activation between layers
    h = _sage_conv_mean(h, edge_index, W_self1, W_neigh1, b1)
    h = jax.nn.relu(h)  # final activation
    h = jnp.concatenate([h, gfeat], axis=1)              # [N, 2H]
    # Prototype head: negative squared Euclidean distance to class prototypes
    # out[i, c] = -||h_i - proto_c||^2
    sq = jnp.sum(h * h, axis=1, keepdims=True)           # [N, 1]
    psq = jnp.sum(proto * proto, axis=1)[None, :]        # [1, C]
    logits = -(sq - 2.0 * (h @ proto.T) + psq)           # [N, C]
    return logits

if __name__ == "__main__":
    import jax
    _d = setup_inputs()
    print(jax.jit(kernel)(*tuple(_d.values())))

</pallas_src>

<mosaic_0001>
#map = affine_map<(d0, d1) -> (0, 0)>
module attributes {stable_mosaic.version = 14 : i64} {
  func.func @body(%arg0: i32, %arg1: i32, %arg2: memref<10000x128xf32, #tpu.memory_space<hbm>>, %arg3: memref<6400x50xi32, #tpu.memory_space<hbm>>, %arg4: memref<6400x50xi32, #tpu.memory_space<hbm>>, %arg5: memref<640x128xf32, #tpu.memory_space<hbm>>, %arg6: memref<20480x128xf32, #tpu.memory_space<hbm>>, %arg7: memref<8x50xi32, #tpu.memory_space<vmem>>, %arg8: memref<8x50xi32, #tpu.memory_space<vmem>>, %arg9: memref<8x50xi32, #tpu.memory_space<vmem>>, %arg10: memref<8x50xi32, #tpu.memory_space<vmem>>, %arg11: memref<50x128xf32, #tpu.memory_space<vmem>>, %arg12: memref<50x128xf32, #tpu.memory_space<vmem>>, %arg13: memref<50x128xf32, #tpu.memory_space<vmem>>, %arg14: memref<50x128xf32, #tpu.memory_space<vmem>>, %arg15: memref<10240x128xf32, #tpu.memory_space<vmem_shared>>, %arg16: memref<!tpu.dma_semaphore, #tpu.memory_space<semaphore_mem>>, %arg17: memref<!tpu.dma_semaphore, #tpu.memory_space<semaphore_mem>>, %arg18: memref<!tpu.dma_semaphore, #tpu.memory_space<semaphore_mem>>, %arg19: memref<!tpu.dma_semaphore, #tpu.memory_space<semaphore_mem>>, %arg20: memref<!tpu.dma_semaphore, #tpu.memory_space<semaphore_mem>>) attributes {dimension_semantics = [#tpu.dimension_semantics<core_parallel>, #tpu.dimension_semantics<subcore_parallel>], iteration_bounds = array<i64: 2, 16>, scalar_prefetch = 0 : i64, scratch_operands = 14 : i64, tpu.core_type = #tpu.core_type<sc_vector_subcore>, window_params = [{transform_indices = #map}, {transform_indices = #map}, {transform_indices = #map}, {transform_indices = #map}, {transform_indices = #map}]} {
    %mul3A = arith.constant 2 : i32
    %mul3A_0 = arith.muli %arg1, %mul3A : i32
    %add3A = arith.addi %mul3A_0, %arg0 : i32
    %mul3A_1 = arith.constant 200 : i32
    %mul3A_2 = arith.muli %add3A, %mul3A_1 : i32
    %multiple_of3A = tpu.assume_multiple %mul3A_2, 8 : i32
    %mul3A_3 = arith.constant 640 : i32
    %mul3A_4 = arith.muli %arg1, %mul3A_3 : i32
    %multiple_of3A_5 = tpu.assume_multiple %mul3A_4, 8 : i32
    "tpu.region"() ({
      %run_scoped3A = tpu.sem_alloc : memref<!tpu.dma_semaphore, #tpu.memory_space<semaphore_mem>>
      %dma_start3A_54 = arith.constant 0 : i32
      %dma_start3A_55 = tpu.memref_slice %arg15[%multiple_of3A_5, %dma_start3A_54] : memref<10240x128xf32, #tpu.memory_space<vmem_shared>> -> memref<640x128xf32, #tpu.memory_space<vmem_shared>>
      tpu.enqueue_dma source(%arg5 : memref<640x128xf32, #tpu.memory_space<hbm>>) target(%dma_start3A_55 : memref<640x128xf32, #tpu.memory_space<vmem_shared>>) target_semaphore(%run_scoped3A : memref<!tpu.dma_semaphore, #tpu.memory_space<semaphore_mem>>)
      %dma_wait3A = arith.constant 0 : i32
      %dma_wait3A_56 = tpu.memref_slice %arg15[%multiple_of3A_5, %dma_wait3A] : memref<10240x128xf32, #tpu.memory_space<vmem_shared>> -> memref<640x128xf32, #tpu.memory_space<vmem_shared>>
      tpu.wait_dma2 semaphore(%run_scoped3A : memref<!tpu.dma_semaphore, #tpu.memory_space<semaphore_mem>>) src(%arg5 : memref<640x128xf32, #tpu.memory_space<hbm>>) dst(%dma_wait3A_56 : memref<640x128xf32, #tpu.memory_space<vmem_shared>>)
      tpu.yield
    }) : () -> ()
    "tpu.region"() ({
      %run_scoped3A = tpu.sem_alloc : memref<!tpu.dma_semaphore, #tpu.memory_space<semaphore_mem>>
      %dma_start3A_54 = arith.constant 0 : i32
      %dma_start3A_55 = tpu.memref_slice %arg3[%multiple_of3A, %dma_start3A_54] : memref<6400x50xi32, #tpu.memory_space<hbm>> -> memref<8x50xi32, #tpu.memory_space<hbm>>
      %dma_start3A_56 = arith.constant 0 : i32
      %dma_start3A_57 = tpu.memref_slice %arg3[%multiple_of3A, %dma_start3A_56] : memref<6400x50xi32, #tpu.memory_space<hbm>> -> memref<8x50xi32, #tpu.memory_space<hbm>>
      tpu.enqueue_dma source(%dma_start3A_57 : memref<8x50xi32, #tpu.memory_space<hbm>>) target(%arg7 : memref<8x50xi32, #tpu.memory_space<vmem>>) target_semaphore(%run_scoped3A : memref<!tpu.dma_semaphore, #tpu.memory_space<semaphore_mem>>)
      %dma_wait3A = arith.constant 0 : i32
      %dma_wait3A_58 = tpu.memref_slice %arg3[%multiple_of3A, %dma_wait3A] : memref<6400x50xi32, #tpu.memory_space<hbm>> -> memref<8x50xi32, #tpu.memory_space<hbm>>
      %dma_wait3A_59 = arith.constant 0 : i32
      %dma_wait3A_60 = tpu.memref_slice %arg3[%multiple_of3A, %dma_wait3A_59] : memref<6400x50xi32, #tpu.memory_space<hbm>> -> memref<8x50xi32, #tpu.memory_space<hbm>>
      tpu.wait_dma2 semaphore(%run_scoped3A : memref<!tpu.dma_semaphore, #tpu.memory_space<semaphore_mem>>) src(%dma_wait3A_60 : memref<8x50xi32, #tpu.memory_space<hbm>>) dst(%arg7 : memref<8x50xi32, #tpu.memory_space<vmem>>)
      tpu.yield
    }) : () -> ()
    "tpu.region"() ({
      %run_scoped3A = tpu.sem_alloc : memref<!tpu.dma_semaphore, #tpu.memory_space<semaphore_mem>>
      %dma_start3A_54 = arith.constant 0 : i32
      %dma_start3A_55 = tpu.memref_slice %arg4[%multiple_of3A, %dma_start3A_54] : memref<6400x50xi32, #tpu.memory_space<hbm>> -> memref<8x50xi32, #tpu.memory_space<hbm>>
      %dma_start3A_56 = arith.constant 0 : i32
      %dma_start3A_57 = tpu.memref_slice %arg4[%multiple_of3A, %dma_start3A_56] : memref<6400x50xi32, #tpu.memory_space<hbm>> -> memref<8x50xi32, #tpu.memory_space<hbm>>
      tpu.enqueue_dma source(%dma_start3A_57 : memref<8x50xi32, #tpu.memory_space<hbm>>) target(%arg9 : memref<8x50xi32, #tpu.memory_space<vmem>>) target_semaphore(%run_scoped3A : memref<!tpu.dma_semaphore, #tpu.memory_space<semaphore_mem>>)
      %dma_wait3A = arith.constant 0 : i32
      %dma_wait3A_58 = tpu.memref_slice %arg4[%multiple_of3A, %dma_wait3A] : memref<6400x50xi32, #tpu.memory_space<hbm>> -> memref<8x50xi32, #tpu.memory_space<hbm>>
      %dma_wait3A_59 = arith.constant 0 : i32
      %dma_wait3A_60 = tpu.memref_slice %arg4[%multiple_of3A, %dma_wait3A_59] : memref<6400x50xi32, #tpu.memory_space<hbm>> -> memref<8x50xi32, #tpu.memory_space<hbm>>
      tpu.wait_dma2 semaphore(%run_scoped3A : memref<!tpu.dma_semaphore, #tpu.memory_space<semaphore_mem>>) src(%dma_wait3A_60 : memref<8x50xi32, #tpu.memory_space<hbm>>) dst(%arg9 : memref<8x50xi32, #tpu.memory_space<vmem>>)
      tpu.yield
    }) : () -> ()
    %add3A_6 = arith.constant 8 : i32
    %add3A_7 = arith.addi %multiple_of3A, %add3A_6 : i32
    %dma_start3A = arith.constant 0 : i32
    %dma_start3A_8 = tpu.memref_slice %arg3[%add3A_7, %dma_start3A] : memref<6400x50xi32, #tpu.memory_space<hbm>> -> memref<8x50xi32, #tpu.memory_space<hbm>>
    %dma_start3A_9 = arith.constant 0 : i32
    %dma_start3A_10 = tpu.memref_slice %arg3[%add3A_7, %dma_start3A_9] : memref<6400x50xi32, #tpu.memory_space<hbm>> -> memref<8x50xi32, #tpu.memory_space<hbm>>
    tpu.enqueue_dma source(%dma_start3A_10 : memref<8x50xi32, #tpu.memory_space<hbm>>) target(%arg8 : memref<8x50xi32, #tpu.memory_space<vmem>>) target_semaphore(%arg20 : memref<!tpu.dma_semaphore, #tpu.memory_space<semaphore_mem>>)
    %add3A_11 = arith.constant 8 : i32
    %add3A_12 = arith.addi %multiple_of3A, %add3A_11 : i32
    %dma_start3A_13 = arith.constant 0 : i32
    %dma_start3A_14 = tpu.memref_slice %arg4[%add3A_12, %dma_start3A_13] : memref<6400x50xi32, #tpu.memory_space<hbm>> -> memref<8x50xi32, #tpu.memory_space<hbm>>
    %dma_start3A_15 = arith.constant 0 : i32
    %dma_start3A_16 = tpu.memref_slice %arg4[%add3A_12, %dma_start3A_15] : memref<6400x50xi32, #tpu.memory_space<hbm>> -> memref<8x50xi32, #tpu.memory_space<hbm>>
    tpu.enqueue_dma source(%dma_start3A_16 : memref<8x50xi32, #tpu.memory_space<hbm>>) target(%arg10 : memref<8x50xi32, #tpu.memory_space<vmem>>) target_semaphore(%arg20 : memref<!tpu.dma_semaphore, #tpu.memory_space<semaphore_mem>>)
    %barrier3A = arith.constant 0 : index
    tpu.barrier barrier_id(%barrier3A)
    %dma_start3A_17 = arith.constant 0 : i32
    %dma_start3A_18 = arith.constant 0 : i32
    %dma_start3A_19 = tpu.memref_slice %arg7[%dma_start3A_17, %dma_start3A_18] : memref<8x50xi32, #tpu.memory_space<vmem>> -> memref<1x50xi32, #tpu.memory_space<vmem>>
    %dma_start3A_20 = tpu.memref_squeeze %dma_start3A_19 : memref<1x50xi32, #tpu.memory_space<vmem>> -> memref<50xi32, #tpu.memory_space<vmem>>
    %dma_start3A_21 = arith.constant 0 : i32
    %dma_start3A_22 = arith.constant 0 : i32
    %dma_start3A_23 = tpu.memref_slice %arg2[%dma_start3A_21, %dma_start3A_22] : memref<10000x128xf32, #tpu.memory_space<hbm>> -> memref<10000x128xf32, #tpu.memory_space<hbm>>
    tpu.enqueue_indirect_dma source(%dma_start3A_23 : memref<10000x128xf32, #tpu.memory_space<hbm>>) target(%arg11 : memref<50x128xf32, #tpu.memory_space<vmem>>) offsets(%dma_start3A_20 : memref<50xi32, #tpu.memory_space<vmem>>) semaphore(%arg16 : memref<!tpu.dma_semaphore, #tpu.memory_space<semaphore_mem>>)
    %dma_start3A_24 = arith.constant 1 : i32
    %dma_start3A_25 = arith.constant 0 : i32
    %dma_start3A_26 = tpu.memref_slice %arg7[%dma_start3A_24, %dma_start3A_25] : memref<8x50xi32, #tpu.memory_space<vmem>> -> memref<1x50xi32, #tpu.memory_space<vmem>>
    %dma_start3A_27 = tpu.memref_squeeze %dma_start3A_26 : memref<1x50xi32, #tpu.memory_space<vmem>> -> memref<50xi32, #tpu.memory_space<vmem>>
    %dma_start3A_28 = arith.constant 0 : i32
    %dma_start3A_29 = arith.constant 0 : i32
    %dma_start3A_30 = tpu.memref_slice %arg2[%dma_start3A_28, %dma_start3A_29] : memref<10000x128xf32, #tpu.memory_space<hbm>> -> memref<10000x128xf32, #tpu.memory_space<hbm>>
    tpu.enqueue_indirect_dma source(%dma_start3A_30 : memref<10000x128xf32, #tpu.memory_space<hbm>>) target(%arg12 : memref<50x128xf32, #tpu.memory_space<vmem>>) offsets(%dma_start3A_27 : memref<50xi32, #tpu.memory_space<vmem>>) semaphore(%arg17 : memref<!tpu.dma_semaphore, #tpu.memory_space<semaphore_mem>>)
    %dma_start3A_31 = arith.constant 2 : i32
    %dma_start3A_32 = arith.constant 0 : i32
    %dma_start3A_33 = tpu.memref_slice %arg7[%dma_start3A_31, %dma_start3A_32] : memref<8x50xi32, #tpu.memory_space<vmem>> -> memref<1x50xi32, #tpu.memory_space<vmem>>
    %dma_start3A_34 = tpu.memref_squeeze %dma_start3A_33 : memref<1x50xi32, #tpu.memory_space<vmem>> -> memref<50xi32, #tpu.memory_space<vmem>>
    %dma_start3A_35 = arith.constant 0 : i32
    %dma_start3A_36 = arith.constant 0 : i32
    %dma_start3A_37 = tpu.memref_slice %arg2[%dma_start3A_35, %dma_start3A_36] : memref<10000x128xf32, #tpu.memory_space<hbm>> -> memref<10000x128xf32, #tpu.memory_space<hbm>>
    tpu.enqueue_indirect_dma source(%dma_start3A_37 : memref<10000x128xf32, #tpu.memory_space<hbm>>) target(%arg13 : memref<50x128xf32, #tpu.memory_space<vmem>>) offsets(%dma_start3A_34 : memref<50xi32, #tpu.memory_space<vmem>>) semaphore(%arg18 : memref<!tpu.dma_semaphore, #tpu.memory_space<semaphore_mem>>)
    %dma_start3A_38 = arith.constant 3 : i32
    %dma_start3A_39 = arith.constant 0 : i32
    %dma_start3A_40 = tpu.memref_slice %arg7[%dma_start3A_38, %dma_start3A_39] : memref<8x50xi32, #tpu.memory_space<vmem>> -> memref<1x50xi32, #tpu.memory_space<vmem>>
    %dma_start3A_41 = tpu.memref_squeeze %dma_start3A_40 : memref<1x50xi32, #tpu.memory_space<vmem>> -> memref<50xi32, #tpu.memory_space<vmem>>
    %dma_start3A_42 = arith.constant 0 : i32
    %dma_start3A_43 = arith.constant 0 : i32
    %dma_start3A_44 = tpu.memref_slice %arg2[%dma_start3A_42, %dma_start3A_43] : memref<10000x128xf32, #tpu.memory_space<hbm>> -> memref<10000x128xf32, #tpu.memory_space<hbm>>
    tpu.enqueue_indirect_dma source(%dma_start3A_44 : memref<10000x128xf32, #tpu.memory_space<hbm>>) target(%arg14 : memref<50x128xf32, #tpu.memory_space<vmem>>) offsets(%dma_start3A_41 : memref<50xi32, #tpu.memory_space<vmem>>) semaphore(%arg19 : memref<!tpu.dma_semaphore, #tpu.memory_space<semaphore_mem>>)
    %scan3A = arith.constant 0 : i32
    %scan3A_45 = arith.constant 0 : i32
    %scan3A_46 = arith.constant 25 : i32
    %scan3A_47 = arith.addi %scan3A_45, %scan3A_46 : i32
    %scan3A_48 = arith.constant 1 : i32
    scf.for %scan3A_54 = %scan3A_45 to %scan3A_47 step %scan3A_48  : i32 {
      %mul3A_55 = arith.constant 8 : i32
      %mul3A_56 = arith.muli %scan3A_54, %mul3A_55 : i32
      %add3A_57 = arith.constant 0 : i32
      %add3A_58 = arith.addi %mul3A_56, %add3A_57 : i32
      %dma_wait3A = arith.constant 0 : i32
      %dma_wait3A_59 = arith.constant 0 : i32
      %dma_wait3A_60 = tpu.memref_slice %arg7[%dma_wait3A, %dma_wait3A_59] : memref<8x50xi32, #tpu.memory_space<vmem>> -> memref<1x50xi32, #tpu.memory_space<vmem>>
      %dma_wait3A_61 = tpu.memref_squeeze %dma_wait3A_60 : memref<1x50xi32, #tpu.memory_space<vmem>> -> memref<50xi32, #tpu.memory_space<vmem>>
      %dma_wait3A_62 = arith.constant 0 : i32
      %dma_wait3A_63 = arith.constant 0 : i32
      %dma_wait3A_64 = tpu.memref_slice %arg2[%dma_wait3A_62, %dma_wait3A_63] : memref<10000x128xf32, #tpu.memory_space<hbm>> -> memref<10000x128xf32, #tpu.memory_space<hbm>>
      tpu.wait_indirect_dma semaphore(%arg16 : memref<!tpu.dma_semaphore, #tpu.memory_space<semaphore_mem>>) src(%dma_wait3A_64 : memref<10000x128xf32, #tpu.memory_space<hbm>>) dst(%arg11 : memref<50x128xf32, #tpu.memory_space<vmem>>)
      %rem3A = arith.constant 2 : i32
      %rem3A_65 = arith.remsi %scan3A_54, %rem3A : i32
      %eq3A = arith.constant 0 : i32
      %eq3A_66 = arith.cmpi eq, %rem3A_65, %eq3A : i32
      %convert_element_type3A = arith.extui %eq3A_66 : i1 to i32
      %cond3A = arith.constant 0 : i32
      %cond3A_67 = arith.cmpi ne, %convert_element_type3A, %cond3A : i32
      scf.if %cond3A_67 {
        %run_scoped3A = arith.constant 0 : i32
        "tpu.region"() ({
          %run_scoped3A_347 = tpu.sem_alloc : memref<!tpu.dma_semaphore, #tpu.memory_space<semaphore_mem>>
          %dma_start3A_348 = arith.constant 0 : i32
          %dma_start3A_349 = tpu.memref_slice %arg9[%run_scoped3A, %dma_start3A_348] : memref<8x50xi32, #tpu.memory_space<vmem>> -> memref<1x50xi32, #tpu.memory_space<vmem>>
          %dma_start3A_350 = tpu.memref_squeeze %dma_start3A_349 : memref<1x50xi32, #tpu.memory_space<vmem>> -> memref<50xi32, #tpu.memory_space<vmem>>
          %dma_start3A_351 = arith.constant 0 : i32
          %dma_start3A_352 = arith.constant 0 : i32
          %dma_start3A_353 = tpu.memref_slice %arg15[%dma_start3A_351, %dma_start3A_352] : memref<10240x128xf32, #tpu.memory_space<vmem_shared>> -> memref<10240x128xf32, #tpu.memory_space<vmem_shared>>
          tpu.enqueue_indirect_dma source(%arg11 : memref<50x128xf32, #tpu.memory_space<vmem>>) target(%dma_start3A_353 : memref<10240x128xf32, #tpu.memory_space<vmem_shared>>) offsets(%dma_start3A_350 : memref<50xi32, #tpu.memory_space<vmem>>) semaphore(%run_scoped3A_347 : memref<!tpu.dma_semaphore, #tpu.memory_space<semaphore_mem>>) {add = true}
          %dma_wait3A_354 = arith.constant 0 : i32
          %dma_wait3A_355 = tpu.memref_slice %arg9[%run_scoped3A, %dma_wait3A_354] : memref<8x50xi32, #tpu.memory_space<vmem>> -> memref<1x50xi32, #tpu.memory_space<vmem>>
          %dma_wait3A_356 = tpu.memref_squeeze %dma_wait3A_355 : memref<1x50xi32, #tpu.memory_space<vmem>> -> memref<50xi32, #tpu.memory_space<vmem>>
          %dma_wait3A_357 = arith.constant 0 : i32
          %dma_wait3A_358 = arith.constant 0 : i32
          %dma_wait3A_359 = tpu.memref_slice %arg15[%dma_wait3A_357, %dma_wait3A_358] : memref<10240x128xf32, #tpu.memory_space<vmem_shared>> -> memref<10240x128xf32, #tpu.memory_space<vmem_shared>>
          tpu.wait_indirect_dma semaphore(%run_scoped3A_347 : memref<!tpu.dma_semaphore, #tpu.memory_space<semaphore_mem>>) src(%arg11 : memref<50x128xf32, #tpu.memory_space<vmem>>) dst(%dma_wait3A_359 : memref<10240x128xf32, #tpu.memory_space<vmem_shared>>)
          tpu.yield
        }) : () -> ()
      } else {
      }
      %rem3A_68 = arith.constant 2 : i32
      %rem3A_69 = arith.remsi %scan3A_54, %rem3A_68 : i32
      %eq3A_70 = arith.constant 1 : i32
      %eq3A_71 = arith.cmpi eq, %rem3A_69, %eq3A_70 : i32
      %convert_element_type3A_72 = arith.extui %eq3A_71 : i1 to i32
      %cond3A_73 = arith.constant 0 : i32
      %cond3A_74 = arith.cmpi ne, %convert_element_type3A_72, %cond3A_73 : i32
      scf.if %cond3A_74 {
        %run_scoped3A = arith.constant 0 : i32
        "tpu.region"() ({
          %run_scoped3A_347 = tpu.sem_alloc : memref<!tpu.dma_semaphore, #tpu.memory_space<semaphore_mem>>
          %dma_start3A_348 = arith.constant 0 : i32
          %dma_start3A_349 = tpu.memref_slice %arg10[%run_scoped3A, %dma_start3A_348] : memref<8x50xi32, #tpu.memory_space<vmem>> -> memref<1x50xi32, #tpu.memory_space<vmem>>
          %dma_start3A_350 = tpu.memref_squeeze %dma_start3A_349 : memref<1x50xi32, #tpu.memory_space<vmem>> -> memref<50xi32, #tpu.memory_space<vmem>>
          %dma_start3A_351 = arith.constant 0 : i32
          %dma_start3A_352 = arith.constant 0 : i32
          %dma_start3A_353 = tpu.memref_slice %arg15[%dma_start3A_351, %dma_start3A_352] : memref<10240x128xf32, #tpu.memory_space<vmem_shared>> -> memref<10240x128xf32, #tpu.memory_space<vmem_shared>>
          tpu.enqueue_indirect_dma source(%arg11 : memref<50x128xf32, #tpu.memory_space<vmem>>) target(%dma_start3A_353 : memref<10240x128xf32, #tpu.memory_space<vmem_shared>>) offsets(%dma_start3A_350 : memref<50xi32, #tpu.memory_space<vmem>>) semaphore(%run_scoped3A_347 : memref<!tpu.dma_semaphore, #tpu.memory_space<semaphore_mem>>) {add = true}
          %dma_wait3A_354 = arith.constant 0 : i32
          %dma_wait3A_355 = tpu.memref_slice %arg10[%run_scoped3A, %dma_wait3A_354] : memref<8x50xi32, #tpu.memory_space<vmem>> -> memref<1x50xi32, #tpu.memory_space<vmem>>
          %dma_wait3A_356 = tpu.memref_squeeze %dma_wait3A_355 : memref<1x50xi32, #tpu.memory_space<vmem>> -> memref<50xi32, #tpu.memory_space<vmem>>
          %dma_wait3A_357 = arith.constant 0 : i32
          %dma_wait3A_358 = arith.constant 0 : i32
          %dma_wait3A_359 = tpu.memref_slice %arg15[%dma_wait3A_357, %dma_wait3A_358] : memref<10240x128xf32, #tpu.memory_space<vmem_shared>> -> memref<10240x128xf32, #tpu.memory_space<vmem_shared>>
          tpu.wait_indirect_dma semaphore(%run_scoped3A_347 : memref<!tpu.dma_semaphore, #tpu.memory_space<semaphore_mem>>) src(%arg11 : memref<50x128xf32, #tpu.memory_space<vmem>>) dst(%dma_wait3A_359 : memref<10240x128xf32, #tpu.memory_space<vmem_shared>>)
          tpu.yield
        }) : () -> ()
      } else {
      }
      %rem3A_75 = arith.constant 2 : i32
      %rem3A_76 = arith.remsi %scan3A_54, %rem3A_75 : i32
      %eq3A_77 = arith.constant 0 : i32
      %eq3A_78 = arith.cmpi eq, %rem3A_76, %eq3A_77 : i32
      %convert_element_type3A_79 = arith.extui %eq3A_78 : i1 to i32
      %cond3A_80 = arith.constant 0 : i32
      %cond3A_81 = arith.cmpi ne, %convert_element_type3A_79, %cond3A_80 : i32
      scf.if %cond3A_81 {
        %dma_start3A_347 = arith.constant 4 : i32
        %dma_start3A_348 = arith.constant 0 : i32
        %dma_start3A_349 = tpu.memref_slice %arg7[%dma_start3A_347, %dma_start3A_348] : memref<8x50xi32, #tpu.memory_space<vmem>> -> memref<1x50xi32, #tpu.memory_space<vmem>>
        %dma_start3A_350 = tpu.memref_squeeze %dma_start3A_349 : memref<1x50xi32, #tpu.memory_space<vmem>> -> memref<50xi32, #tpu.memory_space<vmem>>
        %dma_start3A_351 = arith.constant 0 : i32
        %dma_start3A_352 = arith.constant 0 : i32
        %dma_start3A_353 = tpu.memref_slice %arg2[%dma_start3A_351, %dma_start3A_352] : memref<10000x128xf32, #tpu.memory_space<hbm>> -> memref<10000x128xf32, #tpu.memory_space<hbm>>
        tpu.enqueue_indirect_dma source(%dma_start3A_353 : memref<10000x128xf32, #tpu.memory_space<hbm>>) target(%arg11 : memref<50x128xf32, #tpu.memory_space<vmem>>) offsets(%dma_start3A_350 : memref<50xi32, #tpu.memory_space<vmem>>) semaphore(%arg16 : memref<!tpu.dma_semaphore, #tpu.memory_space<semaphore_mem>>)
      } else {
      }
      %rem3A_82 = arith.constant 2 : i32
      %rem3A_83 = arith.remsi %scan3A_54, %rem3A_82 : i32
      %eq3A_84 = arith.constant 1 : i32
      %eq3A_85 = arith.cmpi eq, %rem3A_83, %eq3A_84 : i32
      %convert_element_type3A_86 = arith.extui %eq3A_85 : i1 to i32
      %cond3A_87 = arith.constant 0 : i32
      %cond3A_88 = arith.cmpi ne, %convert_element_type3A_86, %cond3A_87 : i32
      scf.if %cond3A_88 {
        %dma_start3A_347 = arith.constant 4 : i32
        %dma_start3A_348 = arith.constant 0 : i32
        %dma_start3A_349 = tpu.memref_slice %arg8[%dma_start3A_347, %dma_start3A_348] : memref<8x50xi32, #tpu.memory_space<vmem>> -> memref<1x50xi32, #tpu.memory_space<vmem>>
        %dma_start3A_350 = tpu.memref_squeeze %dma_start3A_349 : memref<1x50xi32, #tpu.memory_space<vmem>> -> memref<50xi32, #tpu.memory_space<vmem>>
        %dma_start3A_351 = arith.constant 0 : i32
        %dma_start3A_352 = arith.constant 0 : i32
        %dma_start3A_353 = tpu.memref_slice %arg2[%dma_start3A_351, %dma_start3A_352] : memref<10000x128xf32, #tpu.memory_space<hbm>> -> memref<10000x128xf32, #tpu.memory_space<hbm>>
        tpu.enqueue_indirect_dma source(%dma_start3A_353 : memref<10000x128xf32, #tpu.memory_space<hbm>>) target(%arg11 : memref<50x128xf32, #tpu.memory_space<vmem>>) offsets(%dma_start3A_350 : memref<50xi32, #tpu.memory_space<vmem>>) semaphore(%arg16 : memref<!tpu.dma_semaphore, #tpu.memory_space<semaphore_mem>>)
      } else {
      }
      %mul3A_89 = arith.constant 8 : i32
      %mul3A_90 = arith.muli %scan3A_54, %mul3A_89 : i32
      %add3A_91 = arith.constant 1 : i32
      %add3A_92 = arith.addi %mul3A_90, %add3A_91 : i32
      %dma_wait3A_93 = arith.constant 1 : i32
      %dma_wait3A_94 = arith.constant 0 : i32
      %dma_wait3A_95 = tpu.memref_slice %arg7[%dma_wait3A_93, %dma_wait3A_94] : memref<8x50xi32, #tpu.memory_space<vmem>> -> memref<1x50xi32, #tpu.memory_space<vmem>>
      %dma_wait3A_96 = tpu.memref_squeeze %dma_wait3A_95 : memref<1x50xi32, #tpu.memory_space<vmem>> -> memref<50xi32, #tpu.memory_space<vmem>>
      %dma_wait3A_97 = arith.constant 0 : i32
      %dma_wait3A_98 = arith.constant 0 : i32
      %dma_wait3A_99 = tpu.memref_slice %arg2[%dma_wait3A_97, %dma_wait3A_98] : memref<10000x128xf32, #tpu.memory_space<hbm>> -> memref<10000x128xf32, #tpu.memory_space<hbm>>
      tpu.wait_indirect_dma semaphore(%arg17 : memref<!tpu.dma_semaphore, #tpu.memory_space<semaphore_mem>>) src(%dma_wait3A_99 : memref<10000x128xf32, #tpu.memory_space<hbm>>) dst(%arg12 : memref<50x128xf32, #tpu.memory_space<vmem>>)
      %rem3A_100 = arith.constant 2 : i32
      %rem3A_101 = arith.remsi %scan3A_54, %rem3A_100 : i32
      %eq3A_102 = arith.constant 0 : i32
      %eq3A_103 = arith.cmpi eq, %rem3A_101, %eq3A_102 : i32
      %convert_element_type3A_104 = arith.extui %eq3A_103 : i1 to i32
      %cond3A_105 = arith.constant 0 : i32
      %cond3A_106 = arith.cmpi ne, %convert_element_type3A_104, %cond3A_105 : i32
      scf.if %cond3A_106 {
        %run_scoped3A = arith.constant 1 : i32
        "tpu.region"() ({
          %run_scoped3A_347 = tpu.sem_alloc : memref<!tpu.dma_semaphore, #tpu.memory_space<semaphore_mem>>
          %dma_start3A_348 = arith.constant 0 : i32
          %dma_start3A_349 = tpu.memref_slice %arg9[%run_scoped3A, %dma_start3A_348] : memref<8x50xi32, #tpu.memory_space<vmem>> -> memref<1x50xi32, #tpu.memory_space<vmem>>
          %dma_start3A_350 = tpu.memref_squeeze %dma_start3A_349 : memref<1x50xi32, #tpu.memory_space<vmem>> -> memref<50xi32, #tpu.memory_space<vmem>>
          %dma_start3A_351 = arith.constant 0 : i32
          %dma_start3A_352 = arith.constant 0 : i32
          %dma_start3A_353 = tpu.memref_slice %arg15[%dma_start3A_351, %dma_start3A_352] : memref<10240x128xf32, #tpu.memory_space<vmem_shared>> -> memref<10240x128xf32, #tpu.memory_space<vmem_shared>>
          tpu.enqueue_indirect_dma source(%arg12 : memref<50x128xf32, #tpu.memory_space<vmem>>) target(%dma_start3A_353 : memref<10240x128xf32, #tpu.memory_space<vmem_shared>>) offsets(%dma_start3A_350 : memref<50xi32, #tpu.memory_space<vmem>>) semaphore(%run_scoped3A_347 : memref<!tpu.dma_semaphore, #tpu.memory_space<semaphore_mem>>) {add = true}
          %dma_wait3A_354 = arith.constant 0 : i32
          %dma_wait3A_355 = tpu.memref_slice %arg9[%run_scoped3A, %dma_wait3A_354] : memref<8x50xi32, #tpu.memory_space<vmem>> -> memref<1x50xi32, #tpu.memory_space<vmem>>
          %dma_wait3A_356 = tpu.memref_squeeze %dma_wait3A_355 : memref<1x50xi32, #tpu.memory_space<vmem>> -> memref<50xi32, #tpu.memory_space<vmem>>
          %dma_wait3A_357 = arith.constant 0 : i32
          %dma_wait3A_358 = arith.constant 0 : i32
          %dma_wait3A_359 = tpu.memref_slice %arg15[%dma_wait3A_357, %dma_wait3A_358] : memref<10240x128xf32, #tpu.memory_space<vmem_shared>> -> memref<10240x128xf32, #tpu.memory_space<vmem_shared>>
          tpu.wait_indirect_dma semaphore(%run_scoped3A_347 : memref<!tpu.dma_semaphore, #tpu.memory_space<semaphore_mem>>) src(%arg12 : memref<50x128xf32, #tpu.memory_space<vmem>>) dst(%dma_wait3A_359 : memref<10240x128xf32, #tpu.memory_space<vmem_shared>>)
          tpu.yield
        }) : () -> ()
      } else {
      }
      %rem3A_107 = arith.constant 2 : i32
      %rem3A_108 = arith.remsi %scan3A_54, %rem3A_107 : i32
      %eq3A_109 = arith.constant 1 : i32
      %eq3A_110 = arith.cmpi eq, %rem3A_108, %eq3A_109 : i32
      %convert_element_type3A_111 = arith.extui %eq3A_110 : i1 to i32
      %cond3A_112 = arith.constant 0 : i32
      %cond3A_113 = arith.cmpi ne, %convert_element_type3A_111, %cond3A_112 : i32
      scf.if %cond3A_113 {
        %run_scoped3A = arith.constant 1 : i32
        "tpu.region"() ({
          %run_scoped3A_347 = tpu.sem_alloc : memref<!tpu.dma_semaphore, #tpu.memory_space<semaphore_mem>>
          %dma_start3A_348 = arith.constant 0 : i32
          %dma_start3A_349 = tpu.memref_slice %arg10[%run_scoped3A, %dma_start3A_348] : memref<8x50xi32, #tpu.memory_space<vmem>> -> memref<1x50xi32, #tpu.memory_space<vmem>>
          %dma_start3A_350 = tpu.memref_squeeze %dma_start3A_349 : memref<1x50xi32, #tpu.memory_space<vmem>> -> memref<50xi32, #tpu.memory_space<vmem>>
          %dma_start3A_351 = arith.constant 0 : i32
          %dma_start3A_352 = arith.constant 0 : i32
          %dma_start3A_353 = tpu.memref_slice %arg15[%dma_start3A_351, %dma_start3A_352] : memref<10240x128xf32, #tpu.memory_space<vmem_shared>> -> memref<10240x128xf32, #tpu.memory_space<vmem_shared>>
          tpu.enqueue_indirect_dma source(%arg12 : memref<50x128xf32, #tpu.memory_space<vmem>>) target(%dma_start3A_353 : memref<10240x128xf32, #tpu.memory_space<vmem_shared>>) offsets(%dma_start3A_350 : memref<50xi32, #tpu.memory_space<vmem>>) semaphore(%run_scoped3A_347 : memref<!tpu.dma_semaphore, #tpu.memory_space<semaphore_mem>>) {add = true}
          %dma_wait3A_354 = arith.constant 0 : i32
          %dma_wait3A_355 = tpu.memref_slice %arg10[%run_scoped3A, %dma_wait3A_354] : memref<8x50xi32, #tpu.memory_space<vmem>> -> memref<1x50xi32, #tpu.memory_space<vmem>>
          %dma_wait3A_356 = tpu.memref_squeeze %dma_wait3A_355 : memref<1x50xi32, #tpu.memory_space<vmem>> -> memref<50xi32, #tpu.memory_space<vmem>>
          %dma_wait3A_357 = arith.constant 0 : i32
          %dma_wait3A_358 = arith.constant 0 : i32
          %dma_wait3A_359 = tpu.memref_slice %arg15[%dma_wait3A_357, %dma_wait3A_358] : memref<10240x128xf32, #tpu.memory_space<vmem_shared>> -> memref<10240x128xf32, #tpu.memory_space<vmem_shared>>
          tpu.wait_indirect_dma semaphore(%run_scoped3A_347 : memref<!tpu.dma_semaphore, #tpu.memory_space<semaphore_mem>>) src(%arg12 : memref<50x128xf32, #tpu.memory_space<vmem>>) dst(%dma_wait3A_359 : memref<10240x128xf32, #tpu.memory_space<vmem_shared>>)
          tpu.yield
        }) : () -> ()
      } else {
      }
      %rem3A_114 = arith.constant 2 : i32
      %rem3A_115 = arith.remsi %scan3A_54, %rem3A_114 : i32
      %eq3A_116 = arith.constant 0 : i32
      %eq3A_117 = arith.cmpi eq, %rem3A_115, %eq3A_116 : i32
      %convert_element_type3A_118 = arith.extui %eq3A_117 : i1 to i32
      %cond3A_119 = arith.constant 0 : i32
      %cond3A_120 = arith.cmpi ne, %convert_element_type3A_118, %cond3A_119 : i32
      scf.if %cond3A_120 {
        %dma_start3A_347 = arith.constant 5 : i32
        %dma_start3A_348 = arith.constant 0 : i32
        %dma_start3A_349 = tpu.memref_slice %arg7[%dma_start3A_347, %dma_start3A_348] : memref<8x50xi32, #tpu.memory_space<vmem>> -> memref<1x50xi32, #tpu.memory_space<vmem>>
        %dma_start3A_350 = tpu.memref_squeeze %dma_start3A_349 : memref<1x50xi32, #tpu.memory_space<vmem>> -> memref<50xi32, #tpu.memory_space<vmem>>
        %dma_start3A_351 = arith.constant 0 : i32
        %dma_start3A_352 = arith.constant 0 : i32
        %dma_start3A_353 = tpu.memref_slice %arg2[%dma_start3A_351, %dma_start3A_352] : memref<10000x128xf32, #tpu.memory_space<hbm>> -> memref<10000x128xf32, #tpu.memory_space<hbm>>
        tpu.enqueue_indirect_dma source(%dma_start3A_353 : memref<10000x128xf32, #tpu.memory_space<hbm>>) target(%arg12 : memref<50x128xf32, #tpu.memory_space<vmem>>) offsets(%dma_start3A_350 : memref<50xi32, #tpu.memory_space<vmem>>) semaphore(%arg17 : memref<!tpu.dma_semaphore, #tpu.memory_space<semaphore_mem>>)
      } else {
      }
      %rem3A_121 = arith.constant 2 : i32
      %rem3A_122 = arith.remsi %scan3A_54, %rem3A_121 : i32
      %eq3A_123 = arith.constant 1 : i32
      %eq3A_124 = arith.cmpi eq, %rem3A_122, %eq3A_123 : i32
      %convert_element_type3A_125 = arith.extui %eq3A_124 : i1 to i32
      %cond3A_126 = arith.constant 0 : i32
      %cond3A_127 = arith.cmpi ne, %convert_element_type3A_125, %cond3A_126 : i32
      scf.if %cond3A_127 {
        %dma_start3A_347 = arith.constant 5 : i32
        %dma_start3A_348 = arith.constant 0 : i32
        %dma_start3A_349 = tpu.memref_slice %arg8[%dma_start3A_347, %dma_start3A_348] : memref<8x50xi32, #tpu.memory_space<vmem>> -> memref<1x50xi32, #tpu.memory_space<vmem>>
        %dma_start3A_350 = tpu.memref_squeeze %dma_start3A_349 : memref<1x50xi32, #tpu.memory_space<vmem>> -> memref<50xi32, #tpu.memory_space<vmem>>
        %dma_start3A_351 = arith.constant 0 : i32
        %dma_start3A_352 = arith.constant 0 : i32
        %dma_start3A_353 = tpu.memref_slice %arg2[%dma_start3A_351, %dma_start3A_352] : memref<10000x128xf32, #tpu.memory_space<hbm>> -> memref<10000x128xf32, #tpu.memory_space<hbm>>
        tpu.enqueue_indirect_dma source(%dma_start3A_353 : memref<10000x128xf32, #tpu.memory_space<hbm>>) target(%arg12 : memref<50x128xf32, #tpu.memory_space<vmem>>) offsets(%dma_start3A_350 : memref<50xi32, #tpu.memory_space<vmem>>) semaphore(%arg17 : memref<!tpu.dma_semaphore, #tpu.memory_space<semaphore_mem>>)
      } else {
      }
      %mul3A_128 = arith.constant 8 : i32
      %mul3A_129 = arith.muli %scan3A_54, %mul3A_128 : i32
      %add3A_130 = arith.constant 2 : i32
      %add3A_131 = arith.addi %mul3A_129, %add3A_130 : i32
      %dma_wait3A_132 = arith.constant 2 : i32
      %dma_wait3A_133 = arith.constant 0 : i32
      %dma_wait3A_134 = tpu.memref_slice %arg7[%dma_wait3A_132, %dma_wait3A_133] : memref<8x50xi32, #tpu.memory_space<vmem>> -> memref<1x50xi32, #tpu.memory_space<vmem>>
      %dma_wait3A_135 = tpu.memref_squeeze %dma_wait3A_134 : memref<1x50xi32, #tpu.memory_space<vmem>> -> memref<50xi32, #tpu.memory_space<vmem>>
      %dma_wait3A_136 = arith.constant 0 : i32
      %dma_wait3A_137 = arith.constant 0 : i32
      %dma_wait3A_138 = tpu.memref_slice %arg2[%dma_wait3A_136, %dma_wait3A_137] : memref<10000x128xf32, #tpu.memory_space<hbm>> -> memref<10000x128xf32, #tpu.memory_space<hbm>>
      tpu.wait_indirect_dma semaphore(%arg18 : memref<!tpu.dma_semaphore, #tpu.memory_space<semaphore_mem>>) src(%dma_wait3A_138 : memref<10000x128xf32, #tpu.memory_space<hbm>>) dst(%arg13 : memref<50x128xf32, #tpu.memory_space<vmem>>)
      %rem3A_139 = arith.constant 2 : i32
      %rem3A_140 = arith.remsi %scan3A_54, %rem3A_139 : i32
      %eq3A_141 = arith.constant 0 : i32
      %eq3A_142 = arith.cmpi eq, %rem3A_140, %eq3A_141 : i32
      %convert_element_type3A_143 = arith.extui %eq3A_142 : i1 to i32
      %cond3A_144 = arith.constant 0 : i32
      %cond3A_145 = arith.cmpi ne, %convert_element_type3A_143, %cond3A_144 : i32
      scf.if %cond3A_145 {
        %run_scoped3A = arith.constant 2 : i32
        "tpu.region"() ({
          %run_scoped3A_347 = tpu.sem_alloc : memref<!tpu.dma_semaphore, #tpu.memory_space<semaphore_mem>>
          %dma_start3A_348 = arith.constant 0 : i32
          %dma_start3A_349 = tpu.memref_slice %arg9[%run_scoped3A, %dma_start3A_348] : memref<8x50xi32, #tpu.memory_space<vmem>> -> memref<1x50xi32, #tpu.memory_space<vmem>>
          %dma_start3A_350 = tpu.memref_squeeze %dma_start3A_349 : memref<1x50xi32, #tpu.memory_space<vmem>> -> memref<50xi32, #tpu.memory_space<vmem>>
          %dma_start3A_351 = arith.constant 0 : i32
          %dma_start3A_352 = arith.constant 0 : i32
          %dma_start3A_353 = tpu.memref_slice %arg15[%dma_start3A_351, %dma_start3A_352] : memref<10240x128xf32, #tpu.memory_space<vmem_shared>> -> memref<10240x128xf32, #tpu.memory_space<vmem_shared>>
          tpu.enqueue_indirect_dma source(%arg13 : memref<50x128xf32, #tpu.memory_space<vmem>>) target(%dma_start3A_353 : memref<10240x128xf32, #tpu.memory_space<vmem_shared>>) offsets(%dma_start3A_350 : memref<50xi32, #tpu.memory_space<vmem>>) semaphore(%run_scoped3A_347 : memref<!tpu.dma_semaphore, #tpu.memory_space<semaphore_mem>>) {add = true}
          %dma_wait3A_354 = arith.constant 0 : i32
          %dma_wait3A_355 = tpu.memref_slice %arg9[%run_scoped3A, %dma_wait3A_354] : memref<8x50xi32, #tpu.memory_space<vmem>> -> memref<1x50xi32, #tpu.memory_space<vmem>>
          %dma_wait3A_356 = tpu.memref_squeeze %dma_wait3A_355 : memref<1x50xi32, #tpu.memory_space<vmem>> -> memref<50xi32, #tpu.memory_space<vmem>>
          %dma_wait3A_357 = arith.constant 0 : i32
          %dma_wait3A_358 = arith.constant 0 : i32
          %dma_wait3A_359 = tpu.memref_slice %arg15[%dma_wait3A_357, %dma_wait3A_358] : memref<10240x128xf32, #tpu.memory_space<vmem_shared>> -> memref<10240x128xf32, #tpu.memory_space<vmem_shared>>
          tpu.wait_indirect_dma semaphore(%run_scoped3A_347 : memref<!tpu.dma_semaphore, #tpu.memory_space<semaphore_mem>>) src(%arg13 : memref<50x128xf32, #tpu.memory_space<vmem>>) dst(%dma_wait3A_359 : memref<10240x128xf32, #tpu.memory_space<vmem_shared>>)
          tpu.yield
        }) : () -> ()
      } else {
      }
      %rem3A_146 = arith.constant 2 : i32
      %rem3A_147 = arith.remsi %scan3A_54, %rem3A_146 : i32
      %eq3A_148 = arith.constant 1 : i32
      %eq3A_149 = arith.cmpi eq, %rem3A_147, %eq3A_148 : i32
      %convert_element_type3A_150 = arith.extui %eq3A_149 : i1 to i32
      %cond3A_151 = arith.constant 0 : i32
      %cond3A_152 = arith.cmpi ne, %convert_element_type3A_150, %cond3A_151 : i32
      scf.if %cond3A_152 {
        %run_scoped3A = arith.constant 2 : i32
        "tpu.region"() ({
          %run_scoped3A_347 = tpu.sem_alloc : memref<!tpu.dma_semaphore, #tpu.memory_space<semaphore_mem>>
          %dma_start3A_348 = arith.constant 0 : i32
          %dma_start3A_349 = tpu.memref_slice %arg10[%run_scoped3A, %dma_start3A_348] : memref<8x50xi32, #tpu.memory_space<vmem>> -> memref<1x50xi32, #tpu.memory_space<vmem>>
          %dma_start3A_350 = tpu.memref_squeeze %dma_start3A_349 : memref<1x50xi32, #tpu.memory_space<vmem>> -> memref<50xi32, #tpu.memory_space<vmem>>
          %dma_start3A_351 = arith.constant 0 : i32
          %dma_start3A_352 = arith.constant 0 : i32
          %dma_start3A_353 = tpu.memref_slice %arg15[%dma_start3A_351, %dma_start3A_352] : memref<10240x128xf32, #tpu.memory_space<vmem_shared>> -> memref<10240x128xf32, #tpu.memory_space<vmem_shared>>
          tpu.enqueue_indirect_dma source(%arg13 : memref<50x128xf32, #tpu.memory_space<vmem>>) target(%dma_start3A_353 : memref<10240x128xf32, #tpu.memory_space<vmem_shared>>) offsets(%dma_start3A_350 : memref<50xi32, #tpu.memory_space<vmem>>) semaphore(%run_scoped3A_347 : memref<!tpu.dma_semaphore, #tpu.memory_space<semaphore_mem>>) {add = true}
          %dma_wait3A_354 = arith.constant 0 : i32
          %dma_wait3A_355 = tpu.memref_slice %arg10[%run_scoped3A, %dma_wait3A_354] : memref<8x50xi32, #tpu.memory_space<vmem>> -> memref<1x50xi32, #tpu.memory_space<vmem>>
          %dma_wait3A_356 = tpu.memref_squeeze %dma_wait3A_355 : memref<1x50xi32, #tpu.memory_space<vmem>> -> memref<50xi32, #tpu.memory_space<vmem>>
          %dma_wait3A_357 = arith.constant 0 : i32
          %dma_wait3A_358 = arith.constant 0 : i32
          %dma_wait3A_359 = tpu.memref_slice %arg15[%dma_wait3A_357, %dma_wait3A_358] : memref<10240x128xf32, #tpu.memory_space<vmem_shared>> -> memref<10240x128xf32, #tpu.memory_space<vmem_shared>>
          tpu.wait_indirect_dma semaphore(%run_scoped3A_347 : memref<!tpu.dma_semaphore, #tpu.memory_space<semaphore_mem>>) src(%arg13 : memref<50x128xf32, #tpu.memory_space<vmem>>) dst(%dma_wait3A_359 : memref<10240x128xf32, #tpu.memory_space<vmem_shared>>)
          tpu.yield
        }) : () -> ()
      } else {
      }
      %rem3A_153 = arith.constant 2 : i32
      %rem3A_154 = arith.remsi %scan3A_54, %rem3A_153 : i32
      %eq3A_155 = arith.constant 0 : i32
      %eq3A_156 = arith.cmpi eq, %rem3A_154, %eq3A_155 : i32
      %convert_element_type3A_157 = arith.extui %eq3A_156 : i1 to i32
      %cond3A_158 = arith.constant 0 : i32
      %cond3A_159 = arith.cmpi ne, %convert_element_type3A_157, %cond3A_158 : i32
      scf.if %cond3A_159 {
        %dma_start3A_347 = arith.constant 6 : i32
        %dma_start3A_348 = arith.constant 0 : i32
        %dma_start3A_349 = tpu.memref_slice %arg7[%dma_start3A_347, %dma_start3A_348] : memref<8x50xi32, #tpu.memory_space<vmem>> -> memref<1x50xi32, #tpu.memory_space<vmem>>
        %dma_start3A_350 = tpu.memref_squeeze %dma_start3A_349 : memref<1x50xi32, #tpu.memory_space<vmem>> -> memref<50xi32, #tpu.memory_space<vmem>>
        %dma_start3A_351 = arith.constant 0 : i32
        %dma_start3A_352 = arith.constant 0 : i32
        %dma_start3A_353 = tpu.memref_slice %arg2[%dma_start3A_351, %dma_start3A_352] : memref<10000x128xf32, #tpu.memory_space<hbm>> -> memref<10000x128xf32, #tpu.memory_space<hbm>>
        tpu.enqueue_indirect_dma source(%dma_start3A_353 : memref<10000x128xf32, #tpu.memory_space<hbm>>) target(%arg13 : memref<50x128xf32, #tpu.memory_space<vmem>>) offsets(%dma_start3A_350 : memref<50xi32, #tpu.memory_space<vmem>>) semaphore(%arg18 : memref<!tpu.dma_semaphore, #tpu.memory_space<semaphore_mem>>)
      } else {
      }
      %rem3A_160 = arith.constant 2 : i32
      %rem3A_161 = arith.remsi %scan3A_54, %rem3A_160 : i32
      %eq3A_162 = arith.constant 1 : i32
      %eq3A_163 = arith.cmpi eq, %rem3A_161, %eq3A_162 : i32
      %convert_element_type3A_164 = arith.extui %eq3A_163 : i1 to i32
      %cond3A_165 = arith.constant 0 : i32
      %cond3A_166 = arith.cmpi ne, %convert_element_type3A_164, %cond3A_165 : i32
      scf.if %cond3A_166 {
        %dma_start3A_347 = arith.constant 6 : i32
        %dma_start3A_348 = arith.constant 0 : i32
        %dma_start3A_349 = tpu.memref_slice %arg8[%dma_start3A_347, %dma_start3A_348] : memref<8x50xi32, #tpu.memory_space<vmem>> -> memref<1x50xi32, #tpu.memory_space<vmem>>
        %dma_start3A_350 = tpu.memref_squeeze %dma_start3A_349 : memref<1x50xi32, #tpu.memory_space<vmem>> -> memref<50xi32, #tpu.memory_space<vmem>>
        %dma_start3A_351 = arith.constant 0 : i32
        %dma_start3A_352 = arith.constant 0 : i32
        %dma_start3A_353 = tpu.memref_slice %arg2[%dma_start3A_351, %dma_start3A_352] : memref<10000x128xf32, #tpu.memory_space<hbm>> -> memref<10000x128xf32, #tpu.memory_space<hbm>>
        tpu.enqueue_indirect_dma source(%dma_start3A_353 : memref<10000x128xf32, #tpu.memory_space<hbm>>) target(%arg13 : memref<50x128xf32, #tpu.memory_space<vmem>>) offsets(%dma_start3A_350 : memref<50xi32, #tpu.memory_space<vmem>>) semaphore(%arg18 : memref<!tpu.dma_semaphore, #tpu.memory_space<semaphore_mem>>)
      } else {
      }
      %mul3A_167 = arith.constant 8 : i32
      %mul3A_168 = arith.muli %scan3A_54, %mul3A_167 : i32
      %add3A_169 = arith.constant 3 : i32
      %add3A_170 = arith.addi %mul3A_168, %add3A_169 : i32
      %dma_wait3A_171 = arith.constant 3 : i32
      %dma_wait3A_172 = arith.constant 0 : i32
      %dma_wait3A_173 = tpu.memref_slice %arg7[%dma_wait3A_171, %dma_wait3A_172] : memref<8x50xi32, #tpu.memory_space<vmem>> -> memref<1x50xi32, #tpu.memory_space<vmem>>
      %dma_wait3A_174 = tpu.memref_squeeze %dma_wait3A_173 : memref<1x50xi32, #tpu.memory_space<vmem>> -> memref<50xi32, #tpu.memory_space<vmem>>
      %dma_wait3A_175 = arith.constant 0 : i32
      %dma_wait3A_176 = arith.constant 0 : i32
      %dma_wait3A_177 = tpu.memref_slice %arg2[%dma_wait3A_175, %dma_wait3A_176] : memref<10000x128xf32, #tpu.memory_space<hbm>> -> memref<10000x128xf32, #tpu.memory_space<hbm>>
      tpu.wait_indirect_dma semaphore(%arg19 : memref<!tpu.dma_semaphore, #tpu.memory_space<semaphore_mem>>) src(%dma_wait3A_177 : memref<10000x128xf32, #tpu.memory_space<hbm>>) dst(%arg14 : memref<50x128xf32, #tpu.memory_space<vmem>>)
      %rem3A_178 = arith.constant 2 : i32
      %rem3A_179 = arith.remsi %scan3A_54, %rem3A_178 : i32
      %eq3A_180 = arith.constant 0 : i32
      %eq3A_181 = arith.cmpi eq, %rem3A_179, %eq3A_180 : i32
      %convert_element_type3A_182 = arith.extui %eq3A_181 : i1 to i32
      %cond3A_183 = arith.constant 0 : i32
      %cond3A_184 = arith.cmpi ne, %convert_element_type3A_182, %cond3A_183 : i32
      scf.if %cond3A_184 {
        %run_scoped3A = arith.constant 3 : i32
        "tpu.region"() ({
          %run_scoped3A_347 = tpu.sem_alloc : memref<!tpu.dma_semaphore, #tpu.memory_space<semaphore_mem>>
          %dma_start3A_348 = arith.constant 0 : i32
          %dma_start3A_349 = tpu.memref_slice %arg9[%run_scoped3A, %dma_start3A_348] : memref<8x50xi32, #tpu.memory_space<vmem>> -> memref<1x50xi32, #tpu.memory_space<vmem>>
          %dma_start3A_350 = tpu.memref_squeeze %dma_start3A_349 : memref<1x50xi32, #tpu.memory_space<vmem>> -> memref<50xi32, #tpu.memory_space<vmem>>
          %dma_start3A_351 = arith.constant 0 : i32
          %dma_start3A_352 = arith.constant 0 : i32
          %dma_start3A_353 = tpu.memref_slice %arg15[%dma_start3A_351, %dma_start3A_352] : memref<10240x128xf32, #tpu.memory_space<vmem_shared>> -> memref<10240x128xf32, #tpu.memory_space<vmem_shared>>
          tpu.enqueue_indirect_dma source(%arg14 : memref<50x128xf32, #tpu.memory_space<vmem>>) target(%dma_start3A_353 : memref<10240x128xf32, #tpu.memory_space<vmem_shared>>) offsets(%dma_start3A_350 : memref<50xi32, #tpu.memory_space<vmem>>) semaphore(%run_scoped3A_347 : memref<!tpu.dma_semaphore, #tpu.memory_space<semaphore_mem>>) {add = true}
          %dma_wait3A_354 = arith.constant 0 : i32
          %dma_wait3A_355 = tpu.memref_slice %arg9[%run_scoped3A, %dma_wait3A_354] : memref<8x50xi32, #tpu.memory_space<vmem>> -> memref<1x50xi32, #tpu.memory_space<vmem>>
          %dma_wait3A_356 = tpu.memref_squeeze %dma_wait3A_355 : memref<1x50xi32, #tpu.memory_space<vmem>> -> memref<50xi32, #tpu.memory_space<vmem>>
          %dma_wait3A_357 = arith.constant 0 : i32
          %dma_wait3A_358 = arith.constant 0 : i32
          %dma_wait3A_359 = tpu.memref_slice %arg15[%dma_wait3A_357, %dma_wait3A_358] : memref<10240x128xf32, #tpu.memory_space<vmem_shared>> -> memref<10240x128xf32, #tpu.memory_space<vmem_shared>>
          tpu.wait_indirect_dma semaphore(%run_scoped3A_347 : memref<!tpu.dma_semaphore, #tpu.memory_space<semaphore_mem>>) src(%arg14 : memref<50x128xf32, #tpu.memory_space<vmem>>) dst(%dma_wait3A_359 : memref<10240x128xf32, #tpu.memory_space<vmem_shared>>)
          tpu.yield
        }) : () -> ()
      } else {
      }
      %rem3A_185 = arith.constant 2 : i32
      %rem3A_186 = arith.remsi %scan3A_54, %rem3A_185 : i32
      %eq3A_187 = arith.constant 1 : i32
      %eq3A_188 = arith.cmpi eq, %rem3A_186, %eq3A_187 : i32
      %convert_element_type3A_189 = arith.extui %eq3A_188 : i1 to i32
      %cond3A_190 = arith.constant 0 : i32
      %cond3A_191 = arith.cmpi ne, %convert_element_type3A_189, %cond3A_190 : i32
      scf.if %cond3A_191 {
        %run_scoped3A = arith.constant 3 : i32
        "tpu.region"() ({
          %run_scoped3A_347 = tpu.sem_alloc : memref<!tpu.dma_semaphore, #tpu.memory_space<semaphore_mem>>
          %dma_start3A_348 = arith.constant 0 : i32
          %dma_start3A_349 = tpu.memref_slice %arg10[%run_scoped3A, %dma_start3A_348] : memref<8x50xi32, #tpu.memory_space<vmem>> -> memref<1x50xi32, #tpu.memory_space<vmem>>
          %dma_start3A_350 = tpu.memref_squeeze %dma_start3A_349 : memref<1x50xi32, #tpu.memory_space<vmem>> -> memref<50xi32, #tpu.memory_space<vmem>>
          %dma_start3A_351 = arith.constant 0 : i32
          %dma_start3A_352 = arith.constant 0 : i32
          %dma_start3A_353 = tpu.memref_slice %arg15[%dma_start3A_351, %dma_start3A_352] : memref<10240x128xf32, #tpu.memory_space<vmem_shared>> -> memref<10240x128xf32, #tpu.memory_space<vmem_shared>>
          tpu.enqueue_indirect_dma source(%arg14 : memref<50x128xf32, #tpu.memory_space<vmem>>) target(%dma_start3A_353 : memref<10240x128xf32, #tpu.memory_space<vmem_shared>>) offsets(%dma_start3A_350 : memref<50xi32, #tpu.memory_space<vmem>>) semaphore(%run_scoped3A_347 : memref<!tpu.dma_semaphore, #tpu.memory_space<semaphore_mem>>) {add = true}
          %dma_wait3A_354 = arith.constant 0 : i32
          %dma_wait3A_355 = tpu.memref_slice %arg10[%run_scoped3A, %dma_wait3A_354] : memref<8x50xi32, #tpu.memory_space<vmem>> -> memref<1x50xi32, #tpu.memory_space<vmem>>
          %dma_wait3A_356 = tpu.memref_squeeze %dma_wait3A_355 : memref<1x50xi32, #tpu.memory_space<vmem>> -> memref<50xi32, #tpu.memory_space<vmem>>
          %dma_wait3A_357 = arith.constant 0 : i32
          %dma_wait3A_358 = arith.constant 0 : i32
          %dma_wait3A_359 = tpu.memref_slice %arg15[%dma_wait3A_357, %dma_wait3A_358] : memref<10240x128xf32, #tpu.memory_space<vmem_shared>> -> memref<10240x128xf32, #tpu.memory_space<vmem_shared>>
          tpu.wait_indirect_dma semaphore(%run_scoped3A_347 : memref<!tpu.dma_semaphore, #tpu.memory_space<semaphore_mem>>) src(%arg14 : memref<50x128xf32, #tpu.memory_space<vmem>>) dst(%dma_wait3A_359 : memref<10240x128xf32, #tpu.memory_space<vmem_shared>>)
          tpu.yield
        }) : () -> ()
      } else {
      }
      %rem3A_192 = arith.constant 2 : i32
      %rem3A_193 = arith.remsi %scan3A_54, %rem3A_192 : i32
      %eq3A_194 = arith.constant 0 : i32
      %eq3A_195 = arith.cmpi eq, %rem3A_193, %eq3A_194 : i32
      %convert_element_type3A_196 = arith.extui %eq3A_195 : i1 to i32
      %cond3A_197 = arith.constant 0 : i32
      %cond3A_198 = arith.cmpi ne, %convert_element_type3A_196, %cond3A_197 : i32
      scf.if %cond3A_198 {
        %dma_start3A_347 = arith.constant 7 : i32
        %dma_start3A_348 = arith.constant 0 : i32
        %dma_start3A_349 = tpu.memref_slice %arg7[%dma_start3A_347, %dma_start3A_348] : memref<8x50xi32, #tpu.memory_space<vmem>> -> memref<1x50xi32, #tpu.memory_space<vmem>>
        %dma_start3A_350 = tpu.memref_squeeze %dma_start3A_349 : memref<1x50xi32, #tpu.memory_space<vmem>> -> memref<50xi32, #tpu.memory_space<vmem>>
        %dma_start3A_351 = arith.constant 0 : i32
        %dma_start3A_352 = arith.constant 0 : i32
        %dma_start3A_353 = tpu.memref_slice %arg2[%dma_start3A_351, %dma_start3A_352] : memref<10000x128xf32, #tpu.memory_space<hbm>> -> memref<10000x128xf32, #tpu.memory_space<hbm>>
        tpu.enqueue_indirect_dma source(%dma_start3A_353 : memref<10000x128xf32, #tpu.memory_space<hbm>>) target(%arg14 : memref<50x128xf32, #tpu.memory_space<vmem>>) offsets(%dma_start3A_350 : memref<50xi32, #tpu.memory_space<vmem>>) semaphore(%arg19 : memref<!tpu.dma_semaphore, #tpu.memory_space<semaphore_mem>>)
      } else {
      }
      %rem3A_199 = arith.constant 2 : i32
      %rem3A_200 = arith.remsi %scan3A_54, %rem3A_199 : i32
      %eq3A_201 = arith.constant 1 : i32
      %eq3A_202 = arith.cmpi eq, %rem3A_200, %eq3A_201 : i32
      %convert_element_type3A_203 = arith.extui %eq3A_202 : i1 to i32
      %cond3A_204 = arith.constant 0 : i32
      %cond3A_205 = arith.cmpi ne, %convert_element_type3A_203, %cond3A_204 : i32
      scf.if %cond3A_205 {
        %dma_start3A_347 = arith.constant 7 : i32
        %dma_start3A_348 = arith.constant 0 : i32
        %dma_start3A_349 = tpu.memref_slice %arg8[%dma_start3A_347, %dma_start3A_348] : memref<8x50xi32, #tpu.memory_space<vmem>> -> memref<1x50xi32, #tpu.memory_space<vmem>>
        %dma_start3A_350 = tpu.memref_squeeze %dma_start3A_349 : memref<1x50xi32, #tpu.memory_space<vmem>> -> memref<50xi32, #tpu.memory_space<vmem>>
        %dma_start3A_351 = arith.constant 0 : i32
        %dma_start3A_352 = arith.constant 0 : i32
        %dma_start3A_353 = tpu.memref_slice %arg2[%dma_start3A_351, %dma_start3A_352] : memref<10000x128xf32, #tpu.memory_space<hbm>> -> memref<10000x128xf32, #tpu.memory_space<hbm>>
        tpu.enqueue_indirect_dma source(%dma_start3A_353 : memref<10000x128xf32, #tpu.memory_space<hbm>>) target(%arg14 : memref<50x128xf32, #tpu.memory_space<vmem>>) offsets(%dma_start3A_350 : memref<50xi32, #tpu.memory_space<vmem>>) semaphore(%arg19 : memref<!tpu.dma_semaphore, #tpu.memory_space<semaphore_mem>>)
      } else {
      }
      %mul3A_206 = arith.constant 8 : i32
      %mul3A_207 = arith.muli %scan3A_54, %mul3A_206 : i32
      %add3A_208 = arith.constant 4 : i32
      %add3A_209 = arith.addi %mul3A_207, %add3A_208 : i32
      %dma_wait3A_210 = arith.constant 4 : i32
      %dma_wait3A_211 = arith.constant 0 : i32
      %dma_wait3A_212 = tpu.memref_slice %arg7[%dma_wait3A_210, %dma_wait3A_211] : memref<8x50xi32, #tpu.memory_space<vmem>> -> memref<1x50xi32, #tpu.memory_space<vmem>>
      %dma_wait3A_213 = tpu.memref_squeeze %dma_wait3A_212 : memref<1x50xi32, #tpu.memory_space<vmem>> -> memref<50xi32, #tpu.memory_space<vmem>>
      %dma_wait3A_214 = arith.constant 0 : i32
      %dma_wait3A_215 = arith.constant 0 : i32
      %dma_wait3A_216 = tpu.memref_slice %arg2[%dma_wait3A_214, %dma_wait3A_215] : memref<10000x128xf32, #tpu.memory_space<hbm>> -> memref<10000x128xf32, #tpu.memory_space<hbm>>
      tpu.wait_indirect_dma semaphore(%arg16 : memref<!tpu.dma_semaphore, #tpu.memory_space<semaphore_mem>>) src(%dma_wait3A_216 : memref<10000x128xf32, #tpu.memory_space<hbm>>) dst(%arg11 : memref<50x128xf32, #tpu.memory_space<vmem>>)
      %rem3A_217 = arith.constant 2 : i32
      %rem3A_218 = arith.remsi %scan3A_54, %rem3A_217 : i32
      %eq3A_219 = arith.constant 0 : i32
      %eq3A_220 = arith.cmpi eq, %rem3A_218, %eq3A_219 : i32
      %convert_element_type3A_221 = arith.extui %eq3A_220 : i1 to i32
      %cond3A_222 = arith.constant 0 : i32
      %cond3A_223 = arith.cmpi ne, %convert_element_type3A_221, %cond3A_222 : i32
      scf.if %cond3A_223 {
        %run_scoped3A = arith.constant 4 : i32
        "tpu.region"() ({
          %run_scoped3A_347 = tpu.sem_alloc : memref<!tpu.dma_semaphore, #tpu.memory_space<semaphore_mem>>
          %dma_start3A_348 = arith.constant 0 : i32
          %dma_start3A_349 = tpu.memref_slice %arg9[%run_scoped3A, %dma_start3A_348] : memref<8x50xi32, #tpu.memory_space<vmem>> -> memref<1x50xi32, #tpu.memory_space<vmem>>
          %dma_start3A_350 = tpu.memref_squeeze %dma_start3A_349 : memref<1x50xi32, #tpu.memory_space<vmem>> -> memref<50xi32, #tpu.memory_space<vmem>>
          %dma_start3A_351 = arith.constant 0 : i32
          %dma_start3A_352 = arith.constant 0 : i32
          %dma_start3A_353 = tpu.memref_slice %arg15[%dma_start3A_351, %dma_start3A_352] : memref<10240x128xf32, #tpu.memory_space<vmem_shared>> -> memref<10240x128xf32, #tpu.memory_space<vmem_shared>>
          tpu.enqueue_indirect_dma source(%arg11 : memref<50x128xf32, #tpu.memory_space<vmem>>) target(%dma_start3A_353 : memref<10240x128xf32, #tpu.memory_space<vmem_shared>>) offsets(%dma_start3A_350 : memref<50xi32, #tpu.memory_space<vmem>>) semaphore(%run_scoped3A_347 : memref<!tpu.dma_semaphore, #tpu.memory_space<semaphore_mem>>) {add = true}
          %dma_wait3A_354 = arith.constant 0 : i32
          %dma_wait3A_355 = tpu.memref_slice %arg9[%run_scoped3A, %dma_wait3A_354] : memref<8x50xi32, #tpu.memory_space<vmem>> -> memref<1x50xi32, #tpu.memory_space<vmem>>
          %dma_wait3A_356 = tpu.memref_squeeze %dma_wait3A_355 : memref<1x50xi32, #tpu.memory_space<vmem>> -> memref<50xi32, #tpu.memory_space<vmem>>
          %dma_wait3A_357 = arith.constant 0 : i32
          %dma_wait3A_358 = arith.constant 0 : i32
          %dma_wait3A_359 = tpu.memref_slice %arg15[%dma_wait3A_357, %dma_wait3A_358] : memref<10240x128xf32, #tpu.memory_space<vmem_shared>> -> memref<10240x128xf32, #tpu.memory_space<vmem_shared>>
          tpu.wait_indirect_dma semaphore(%run_scoped3A_347 : memref<!tpu.dma_semaphore, #tpu.memory_space<semaphore_mem>>) src(%arg11 : memref<50x128xf32, #tpu.memory_space<vmem>>) dst(%dma_wait3A_359 : memref<10240x128xf32, #tpu.memory_space<vmem_shared>>)
          tpu.yield
        }) : () -> ()
      } else {
      }
      %rem3A_224 = arith.constant 2 : i32
      %rem3A_225 = arith.remsi %scan3A_54, %rem3A_224 : i32
      %eq3A_226 = arith.constant 1 : i32
      %eq3A_227 = arith.cmpi eq, %rem3A_225, %eq3A_226 : i32
      %convert_element_type3A_228 = arith.extui %eq3A_227 : i1 to i32
      %cond3A_229 = arith.constant 0 : i32
      %cond3A_230 = arith.cmpi ne, %convert_element_type3A_228, %cond3A_229 : i32
      scf.if %cond3A_230 {
        %run_scoped3A = arith.constant 4 : i32
        "tpu.region"() ({
          %run_scoped3A_347 = tpu.sem_alloc : memref<!tpu.dma_semaphore, #tpu.memory_space<semaphore_mem>>
          %dma_start3A_348 = arith.constant 0 : i32
          %dma_start3A_349 = tpu.memref_slice %arg10[%run_scoped3A, %dma_start3A_348] : memref<8x50xi32, #tpu.memory_space<vmem>> -> memref<1x50xi32, #tpu.memory_space<vmem>>
          %dma_start3A_350 = tpu.memref_squeeze %dma_start3A_349 : memref<1x50xi32, #tpu.memory_space<vmem>> -> memref<50xi32, #tpu.memory_space<vmem>>
          %dma_start3A_351 = arith.constant 0 : i32
          %dma_start3A_352 = arith.constant 0 : i32
          %dma_start3A_353 = tpu.memref_slice %arg15[%dma_start3A_351, %dma_start3A_352] : memref<10240x128xf32, #tpu.memory_space<vmem_shared>> -> memref<10240x128xf32, #tpu.memory_space<vmem_shared>>
          tpu.enqueue_indirect_dma source(%arg11 : memref<50x128xf32, #tpu.memory_space<vmem>>) target(%dma_start3A_353 : memref<10240x128xf32, #tpu.memory_space<vmem_shared>>) offsets(%dma_start3A_350 : memref<50xi32, #tpu.memory_space<vmem>>) semaphore(%run_scoped3A_347 : memref<!tpu.dma_semaphore, #tpu.memory_space<semaphore_mem>>) {add = true}
          %dma_wait3A_354 = arith.constant 0 : i32
          %dma_wait3A_355 = tpu.memref_slice %arg10[%run_scoped3A, %dma_wait3A_354] : memref<8x50xi32, #tpu.memory_space<vmem>> -> memref<1x50xi32, #tpu.memory_space<vmem>>
          %dma_wait3A_356 = tpu.memref_squeeze %dma_wait3A_355 : memref<1x50xi32, #tpu.memory_space<vmem>> -> memref<50xi32, #tpu.memory_space<vmem>>
          %dma_wait3A_357 = arith.constant 0 : i32
          %dma_wait3A_358 = arith.constant 0 : i32
          %dma_wait3A_359 = tpu.memref_slice %arg15[%dma_wait3A_357, %dma_wait3A_358] : memref<10240x128xf32, #tpu.memory_space<vmem_shared>> -> memref<10240x128xf32, #tpu.memory_space<vmem_shared>>
          tpu.wait_indirect_dma semaphore(%run_scoped3A_347 : memref<!tpu.dma_semaphore, #tpu.memory_space<semaphore_mem>>) src(%arg11 : memref<50x128xf32, #tpu.memory_space<vmem>>) dst(%dma_wait3A_359 : memref<10240x128xf32, #tpu.memory_space<vmem_shared>>)
          tpu.yield
        }) : () -> ()
      } else {
      }
      %add3A_231 = arith.constant 1 : i32
      %add3A_232 = arith.addi %scan3A_54, %add3A_231 : i32
      %lt3A = arith.constant 25 : i32
      %lt3A_233 = arith.cmpi slt, %add3A_232, %lt3A : i32
      %convert_element_type3A_234 = arith.extui %lt3A_233 : i1 to i32
      %cond3A_235 = arith.constant 0 : i32
      %cond3A_236 = arith.cmpi ne, %convert_element_type3A_234, %cond3A_235 : i32
      scf.if %cond3A_236 {
        %dma_wait3A_347 = arith.constant 0 : i32
        %dma_wait3A_348 = tpu.memref_slice %arg3[%multiple_of3A, %dma_wait3A_347] : memref<6400x50xi32, #tpu.memory_space<hbm>> -> memref<8x50xi32, #tpu.memory_space<hbm>>
        %dma_wait3A_349 = arith.constant 0 : i32
        %dma_wait3A_350 = tpu.memref_slice %arg3[%multiple_of3A, %dma_wait3A_349] : memref<6400x50xi32, #tpu.memory_space<hbm>> -> memref<8x50xi32, #tpu.memory_space<hbm>>
        tpu.wait_dma2 semaphore(%arg20 : memref<!tpu.dma_semaphore, #tpu.memory_space<semaphore_mem>>) src(%dma_wait3A_350 : memref<8x50xi32, #tpu.memory_space<hbm>>) dst(%arg8 : memref<8x50xi32, #tpu.memory_space<vmem>>)
        %dma_wait3A_351 = arith.constant 0 : i32
        %dma_wait3A_352 = tpu.memref_slice %arg4[%multiple_of3A, %dma_wait3A_351] : memref<6400x50xi32, #tpu.memory_space<hbm>> -> memref<8x50xi32, #tpu.memory_space<hbm>>
        %dma_wait3A_353 = arith.constant 0 : i32
        %dma_wait3A_354 = tpu.memref_slice %arg4[%multiple_of3A, %dma_wait3A_353] : memref<6400x50xi32, #tpu.memory_space<hbm>> -> memref<8x50xi32, #tpu.memory_space<hbm>>
        tpu.wait_dma2 semaphore(%arg20 : memref<!tpu.dma_semaphore, #tpu.memory_space<semaphore_mem>>) src(%dma_wait3A_354 : memref<8x50xi32, #tpu.memory_space<hbm>>) dst(%arg10 : memref<8x50xi32, #tpu.memory_space<vmem>>)
      } else {
      }
      %add3A_237 = arith.constant 1 : i32
      %add3A_238 = arith.addi %scan3A_54, %add3A_237 : i32
      %lt3A_239 = arith.constant 25 : i32
      %lt3A_240 = arith.cmpi slt, %add3A_238, %lt3A_239 : i32
      %convert_element_type3A_241 = arith.extui %lt3A_240 : i1 to i32
      %cond3A_242 = arith.constant 0 : i32
      %cond3A_243 = arith.cmpi ne, %convert_element_type3A_241, %cond3A_242 : i32
      scf.if %cond3A_243 {
        %add3A_347 = arith.constant 1 : i32
        %add3A_348 = arith.addi %scan3A_54, %add3A_347 : i32
        %rem3A_349 = arith.constant 2 : i32
        %rem3A_350 = arith.remsi %add3A_348, %rem3A_349 : i32
        %eq3A_351 = arith.constant 0 : i32
        %eq3A_352 = arith.cmpi eq, %rem3A_350, %eq3A_351 : i32
        %convert_element_type3A_353 = arith.extui %eq3A_352 : i1 to i32
        %cond3A_354 = arith.constant 0 : i32
        %cond3A_355 = arith.cmpi ne, %convert_element_type3A_353, %cond3A_354 : i32
        scf.if %cond3A_355 {
          %dma_start3A_365 = arith.constant 0 : i32
          %dma_start3A_366 = arith.constant 0 : i32
          %dma_start3A_367 = tpu.memref_slice %arg7[%dma_start3A_365, %dma_start3A_366] : memref<8x50xi32, #tpu.memory_space<vmem>> -> memref<1x50xi32, #tpu.memory_space<vmem>>
          %dma_start3A_368 = tpu.memref_squeeze %dma_start3A_367 : memref<1x50xi32, #tpu.memory_space<vmem>> -> memref<50xi32, #tpu.memory_space<vmem>>
          %dma_start3A_369 = arith.constant 0 : i32
          %dma_start3A_370 = arith.constant 0 : i32
          %dma_start3A_371 = tpu.memref_slice %arg2[%dma_start3A_369, %dma_start3A_370] : memref<10000x128xf32, #tpu.memory_space<hbm>> -> memref<10000x128xf32, #tpu.memory_space<hbm>>
          tpu.enqueue_indirect_dma source(%dma_start3A_371 : memref<10000x128xf32, #tpu.memory_space<hbm>>) target(%arg11 : memref<50x128xf32, #tpu.memory_space<vmem>>) offsets(%dma_start3A_368 : memref<50xi32, #tpu.memory_space<vmem>>) semaphore(%arg16 : memref<!tpu.dma_semaphore, #tpu.memory_space<semaphore_mem>>)
        } else {
        }
        %add3A_356 = arith.constant 1 : i32
        %add3A_357 = arith.addi %scan3A_54, %add3A_356 : i32
        %rem3A_358 = arith.constant 2 : i32
        %rem3A_359 = arith.remsi %add3A_357, %rem3A_358 : i32
        %eq3A_360 = arith.constant 1 : i32
        %eq3A_361 = arith.cmpi eq, %rem3A_359, %eq3A_360 : i32
        %convert_element_type3A_362 = arith.extui %eq3A_361 : i1 to i32
        %cond3A_363 = arith.constant 0 : i32
        %cond3A_364 = arith.cmpi ne, %convert_element_type3A_362, %cond3A_363 : i32
        scf.if %cond3A_364 {
          %dma_start3A_365 = arith.constant 0 : i32
          %dma_start3A_366 = arith.constant 0 : i32
          %dma_start3A_367 = tpu.memref_slice %arg8[%dma_start3A_365, %dma_start3A_366] : memref<8x50xi32, #tpu.memory_space<vmem>> -> memref<1x50xi32, #tpu.memory_space<vmem>>
          %dma_start3A_368 = tpu.memref_squeeze %dma_start3A_367 : memref<1x50xi32, #tpu.memory_space<vmem>> -> memref<50xi32, #tpu.memory_space<vmem>>
          %dma_start3A_369 = arith.constant 0 : i32
          %dma_start3A_370 = arith.constant 0 : i32
          %dma_start3A_371 = tpu.memref_slice %arg2[%dma_start3A_369, %dma_start3A_370] : memref<10000x128xf32, #tpu.memory_space<hbm>> -> memref<10000x128xf32, #tpu.memory_space<hbm>>
          tpu.enqueue_indirect_dma source(%dma_start3A_371 : memref<10000x128xf32, #tpu.memory_space<hbm>>) target(%arg11 : memref<50x128xf32, #tpu.memory_space<vmem>>) offsets(%dma_start3A_368 : memref<50xi32, #tpu.memory_space<vmem>>) semaphore(%arg16 : memref<!tpu.dma_semaphore, #tpu.memory_space<semaphore_mem>>)
        } else {
        }
      } else {
      }
      %mul3A_244 = arith.constant 8 : i32
      %mul3A_245 = arith.muli %scan3A_54, %mul3A_244 : i32
      %add3A_246 = arith.constant 5 : i32
      %add3A_247 = arith.addi %mul3A_245, %add3A_246 : i32
      %dma_wait3A_248 = arith.constant 5 : i32
      %dma_wait3A_249 = arith.constant 0 : i32
      %dma_wait3A_250 = tpu.memref_slice %arg7[%dma_wait3A_248, %dma_wait3A_249] : memref<8x50xi32, #tpu.memory_space<vmem>> -> memref<1x50xi32, #tpu.memory_space<vmem>>
      %dma_wait3A_251 = tpu.memref_squeeze %dma_wait3A_250 : memref<1x50xi32, #tpu.memory_space<vmem>> -> memref<50xi32, #tpu.memory_space<vmem>>
      %dma_wait3A_252 = arith.constant 0 : i32
      %dma_wait3A_253 = arith.constant 0 : i32
      %dma_wait3A_254 = tpu.memref_slice %arg2[%dma_wait3A_252, %dma_wait3A_253] : memref<10000x128xf32, #tpu.memory_space<hbm>> -> memref<10000x128xf32, #tpu.memory_space<hbm>>
      tpu.wait_indirect_dma semaphore(%arg17 : memref<!tpu.dma_semaphore, #tpu.memory_space<semaphore_mem>>) src(%dma_wait3A_254 : memref<10000x128xf32, #tpu.memory_space<hbm>>) dst(%arg12 : memref<50x128xf32, #tpu.memory_space<vmem>>)
      %rem3A_255 = arith.constant 2 : i32
      %rem3A_256 = arith.remsi %scan3A_54, %rem3A_255 : i32
      %eq3A_257 = arith.constant 0 : i32
      %eq3A_258 = arith.cmpi eq, %rem3A_256, %eq3A_257 : i32
      %convert_element_type3A_259 = arith.extui %eq3A_258 : i1 to i32
      %cond3A_260 = arith.constant 0 : i32
      %cond3A_261 = arith.cmpi ne, %convert_element_type3A_259, %cond3A_260 : i32
      scf.if %cond3A_261 {
        %run_scoped3A = arith.constant 5 : i32
        "tpu.region"() ({
          %run_scoped3A_347 = tpu.sem_alloc : memref<!tpu.dma_semaphore, #tpu.memory_space<semaphore_mem>>
          %dma_start3A_348 = arith.constant 0 : i32
          %dma_start3A_349 = tpu.memref_slice %arg9[%run_scoped3A, %dma_start3A_348] : memref<8x50xi32, #tpu.memory_space<vmem>> -> memref<1x50xi32, #tpu.memory_space<vmem>>
          %dma_start3A_350 = tpu.memref_squeeze %dma_start3A_349 : memref<1x50xi32, #tpu.memory_space<vmem>> -> memref<50xi32, #tpu.memory_space<vmem>>
          %dma_start3A_351 = arith.constant 0 : i32
          %dma_start3A_352 = arith.constant 0 : i32
          %dma_start3A_353 = tpu.memref_slice %arg15[%dma_start3A_351, %dma_start3A_352] : memref<10240x128xf32, #tpu.memory_space<vmem_shared>> -> memref<10240x128xf32, #tpu.memory_space<vmem_shared>>
          tpu.enqueue_indirect_dma source(%arg12 : memref<50x128xf32, #tpu.memory_space<vmem>>) target(%dma_start3A_353 : memref<10240x128xf32, #tpu.memory_space<vmem_shared>>) offsets(%dma_start3A_350 : memref<50xi32, #tpu.memory_space<vmem>>) semaphore(%run_scoped3A_347 : memref<!tpu.dma_semaphore, #tpu.memory_space<semaphore_mem>>) {add = true}
          %dma_wait3A_354 = arith.constant 0 : i32
          %dma_wait3A_355 = tpu.memref_slice %arg9[%run_scoped3A, %dma_wait3A_354] : memref<8x50xi32, #tpu.memory_space<vmem>> -> memref<1x50xi32, #tpu.memory_space<vmem>>
          %dma_wait3A_356 = tpu.memref_squeeze %dma_wait3A_355 : memref<1x50xi32, #tpu.memory_space<vmem>> -> memref<50xi32, #tpu.memory_space<vmem>>
          %dma_wait3A_357 = arith.constant 0 : i32
          %dma_wait3A_358 = arith.constant 0 : i32
          %dma_wait3A_359 = tpu.memref_slice %arg15[%dma_wait3A_357, %dma_wait3A_358] : memref<10240x128xf32, #tpu.memory_space<vmem_shared>> -> memref<10240x128xf32, #tpu.memory_space<vmem_shared>>
          tpu.wait_indirect_dma semaphore(%run_scoped3A_347 : memref<!tpu.dma_semaphore, #tpu.memory_space<semaphore_mem>>) src(%arg12 : memref<50x128xf32, #tpu.memory_space<vmem>>) dst(%dma_wait3A_359 : memref<10240x128xf32, #tpu.memory_space<vmem_shared>>)
          tpu.yield
        }) : () -> ()
      } else {
      }
      %rem3A_262 = arith.constant 2 : i32
      %rem3A_263 = arith.remsi %scan3A_54, %rem3A_262 : i32
      %eq3A_264 = arith.constant 1 : i32
      %eq3A_265 = arith.cmpi eq, %rem3A_263, %eq3A_264 : i32
      %convert_element_type3A_266 = arith.extui %eq3A_265 : i1 to i32
      %cond3A_267 = arith.constant 0 : i32
      %cond3A_268 = arith.cmpi ne, %convert_element_type3A_266, %cond3A_267 : i32
      scf.if %cond3A_268 {
        %run_scoped3A = arith.constant 5 : i32
        "tpu.region"() ({
          %run_scoped3A_347 = tpu.sem_alloc : memref<!tpu.dma_semaphore, #tpu.memory_space<semaphore_mem>>
          %dma_start3A_348 = arith.constant 0 : i32
          %dma_start3A_349 = tpu.memref_slice %arg10[%run_scoped3A, %dma_start3A_348] : memref<8x50xi32, #tpu.memory_space<vmem>> -> memref<1x50xi32, #tpu.memory_space<vmem>>
          %dma_start3A_350 = tpu.memref_squeeze %dma_start3A_349 : memref<1x50xi32, #tpu.memory_space<vmem>> -> memref<50xi32, #tpu.memory_space<vmem>>
          %dma_start3A_351 = arith.constant 0 : i32
          %dma_start3A_352 = arith.constant 0 : i32
          %dma_start3A_353 = tpu.memref_slice %arg15[%dma_start3A_351, %dma_start3A_352] : memref<10240x128xf32, #tpu.memory_space<vmem_shared>> -> memref<10240x128xf32, #tpu.memory_space<vmem_shared>>
          tpu.enqueue_indirect_dma source(%arg12 : memref<50x128xf32, #tpu.memory_space<vmem>>) target(%dma_start3A_353 : memref<10240x128xf32, #tpu.memory_space<vmem_shared>>) offsets(%dma_start3A_350 : memref<50xi32, #tpu.memory_space<vmem>>) semaphore(%run_scoped3A_347 : memref<!tpu.dma_semaphore, #tpu.memory_space<semaphore_mem>>) {add = true}
          %dma_wait3A_354 = arith.constant 0 : i32
          %dma_wait3A_355 = tpu.memref_slice %arg10[%run_scoped3A, %dma_wait3A_354] : memref<8x50xi32, #tpu.memory_space<vmem>> -> memref<1x50xi32, #tpu.memory_space<vmem>>
          %dma_wait3A_356 = tpu.memref_squeeze %dma_wait3A_355 : memref<1x50xi32, #tpu.memory_space<vmem>> -> memref<50xi32, #tpu.memory_space<vmem>>
          %dma_wait3A_357 = arith.constant 0 : i32
          %dma_wait3A_358 = arith.constant 0 : i32
          %dma_wait3A_359 = tpu.memref_slice %arg15[%dma_wait3A_357, %dma_wait3A_358] : memref<10240x128xf32, #tpu.memory_space<vmem_shared>> -> memref<10240x128xf32, #tpu.memory_space<vmem_shared>>
          tpu.wait_indirect_dma semaphore(%run_scoped3A_347 : memref<!tpu.dma_semaphore, #tpu.memory_space<semaphore_mem>>) src(%arg12 : memref<50x128xf32, #tpu.memory_space<vmem>>) dst(%dma_wait3A_359 : memref<10240x128xf32, #tpu.memory_space<vmem_shared>>)
          tpu.yield
        }) : () -> ()
      } else {
      }
      %add3A_269 = arith.constant 1 : i32
      %add3A_270 = arith.addi %scan3A_54, %add3A_269 : i32
      %lt3A_271 = arith.constant 25 : i32
      %lt3A_272 = arith.cmpi slt, %add3A_270, %lt3A_271 : i32
      %convert_element_type3A_273 = arith.extui %lt3A_272 : i1 to i32
      %cond3A_274 = arith.constant 0 : i32
      %cond3A_275 = arith.cmpi ne, %convert_element_type3A_273, %cond3A_274 : i32
      scf.if %cond3A_275 {
        %add3A_347 = arith.constant 1 : i32
        %add3A_348 = arith.addi %scan3A_54, %add3A_347 : i32
        %rem3A_349 = arith.constant 2 : i32
        %rem3A_350 = arith.remsi %add3A_348, %rem3A_349 : i32
        %eq3A_351 = arith.constant 0 : i32
        %eq3A_352 = arith.cmpi eq, %rem3A_350, %eq3A_351 : i32
        %convert_element_type3A_353 = arith.extui %eq3A_352 : i1 to i32
        %cond3A_354 = arith.constant 0 : i32
        %cond3A_355 = arith.cmpi ne, %convert_element_type3A_353, %cond3A_354 : i32
        scf.if %cond3A_355 {
          %dma_start3A_365 = arith.constant 1 : i32
          %dma_start3A_366 = arith.constant 0 : i32
          %dma_start3A_367 = tpu.memref_slice %arg7[%dma_start3A_365, %dma_start3A_366] : memref<8x50xi32, #tpu.memory_space<vmem>> -> memref<1x50xi32, #tpu.memory_space<vmem>>
          %dma_start3A_368 = tpu.memref_squeeze %dma_start3A_367 : memref<1x50xi32, #tpu.memory_space<vmem>> -> memref<50xi32, #tpu.memory_space<vmem>>
          %dma_start3A_369 = arith.constant 0 : i32
          %dma_start3A_370 = arith.constant 0 : i32
          %dma_start3A_371 = tpu.memref_slice %arg2[%dma_start3A_369, %dma_start3A_370] : memref<10000x128xf32, #tpu.memory_space<hbm>> -> memref<10000x128xf32, #tpu.memory_space<hbm>>
          tpu.enqueue_indirect_dma source(%dma_start3A_371 : memref<10000x128xf32, #tpu.memory_space<hbm>>) target(%arg12 : memref<50x128xf32, #tpu.memory_space<vmem>>) offsets(%dma_start3A_368 : memref<50xi32, #tpu.memory_space<vmem>>) semaphore(%arg17 : memref<!tpu.dma_semaphore, #tpu.memory_space<semaphore_mem>>)
        } else {
        }
        %add3A_356 = arith.constant 1 : i32
        %add3A_357 = arith.addi %scan3A_54, %add3A_356 : i32
        %rem3A_358 = arith.constant 2 : i32
        %rem3A_359 = arith.remsi %add3A_357, %rem3A_358 : i32
        %eq3A_360 = arith.constant 1 : i32
        %eq3A_361 = arith.cmpi eq, %rem3A_359, %eq3A_360 : i32
        %convert_element_type3A_362 = arith.extui %eq3A_361 : i1 to i32
        %cond3A_363 = arith.constant 0 : i32
        %cond3A_364 = arith.cmpi ne, %convert_element_type3A_362, %cond3A_363 : i32
        scf.if %cond3A_364 {
          %dma_start3A_365 = arith.constant 1 : i32
          %dma_start3A_366 = arith.constant 0 : i32
          %dma_start3A_367 = tpu.memref_slice %arg8[%dma_start3A_365, %dma_start3A_366] : memref<8x50xi32, #tpu.memory_space<vmem>> -> memref<1x50xi32, #tpu.memory_space<vmem>>
          %dma_start3A_368 = tpu.memref_squeeze %dma_start3A_367 : memref<1x50xi32, #tpu.memory_space<vmem>> -> memref<50xi32, #tpu.memory_space<vmem>>
          %dma_start3A_369 = arith.constant 0 : i32
          %dma_start3A_370 = arith.constant 0 : i32
          %dma_start3A_371 = tpu.memref_slice %arg2[%dma_start3A_369, %dma_start3A_370] : memref<10000x128xf32, #tpu.memory_space<hbm>> -> memref<10000x128xf32, #tpu.memory_space<hbm>>
          tpu.enqueue_indirect_dma source(%dma_start3A_371 : memref<10000x128xf32, #tpu.memory_space<hbm>>) target(%arg12 : memref<50x128xf32, #tpu.memory_space<vmem>>) offsets(%dma_start3A_368 : memref<50xi32, #tpu.memory_space<vmem>>) semaphore(%arg17 : memref<!tpu.dma_semaphore, #tpu.memory_space<semaphore_mem>>)
        } else {
        }
      } else {
      }
      %mul3A_276 = arith.constant 8 : i32
      %mul3A_277 = arith.muli %scan3A_54, %mul3A_276 : i32
      %add3A_278 = arith.constant 6 : i32
      %add3A_279 = arith.addi %mul3A_277, %add3A_278 : i32
      %dma_wait3A_280 = arith.constant 6 : i32
      %dma_wait3A_281 = arith.constant 0 : i32
      %dma_wait3A_282 = tpu.memref_slice %arg7[%dma_wait3A_280, %dma_wait3A_281] : memref<8x50xi32, #tpu.memory_space<vmem>> -> memref<1x50xi32, #tpu.memory_space<vmem>>
      %dma_wait3A_283 = tpu.memref_squeeze %dma_wait3A_282 : memref<1x50xi32, #tpu.memory_space<vmem>> -> memref<50xi32, #tpu.memory_space<vmem>>
      %dma_wait3A_284 = arith.constant 0 : i32
      %dma_wait3A_285 = arith.constant 0 : i32
      %dma_wait3A_286 = tpu.memref_slice %arg2[%dma_wait3A_284, %dma_wait3A_285] : memref<10000x128xf32, #tpu.memory_space<hbm>> -> memref<10000x128xf32, #tpu.memory_space<hbm>>
      tpu.wait_indirect_dma semaphore(%arg18 : memref<!tpu.dma_semaphore, #tpu.memory_space<semaphore_mem>>) src(%dma_wait3A_286 : memref<10000x128xf32, #tpu.memory_space<hbm>>) dst(%arg13 : memref<50x128xf32, #tpu.memory_space<vmem>>)
      %rem3A_287 = arith.constant 2 : i32
      %rem3A_288 = arith.remsi %scan3A_54, %rem3A_287 : i32
      %eq3A_289 = arith.constant 0 : i32
      %eq3A_290 = arith.cmpi eq, %rem3A_288, %eq3A_289 : i32
      %convert_element_type3A_291 = arith.extui %eq3A_290 : i1 to i32
      %cond3A_292 = arith.constant 0 : i32
      %cond3A_293 = arith.cmpi ne, %convert_element_type3A_291, %cond3A_292 : i32
      scf.if %cond3A_293 {
        %run_scoped3A = arith.constant 6 : i32
        "tpu.region"() ({
          %run_scoped3A_347 = tpu.sem_alloc : memref<!tpu.dma_semaphore, #tpu.memory_space<semaphore_mem>>
          %dma_start3A_348 = arith.constant 0 : i32
          %dma_start3A_349 = tpu.memref_slice %arg9[%run_scoped3A, %dma_start3A_348] : memref<8x50xi32, #tpu.memory_space<vmem>> -> memref<1x50xi32, #tpu.memory_space<vmem>>
          %dma_start3A_350 = tpu.memref_squeeze %dma_start3A_349 : memref<1x50xi32, #tpu.memory_space<vmem>> -> memref<50xi32, #tpu.memory_space<vmem>>
          %dma_start3A_351 = arith.constant 0 : i32
          %dma_start3A_352 = arith.constant 0 : i32
          %dma_start3A_353 = tpu.memref_slice %arg15[%dma_start3A_351, %dma_start3A_352] : memref<10240x128xf32, #tpu.memory_space<vmem_shared>> -> memref<10240x128xf32, #tpu.memory_space<vmem_shared>>
          tpu.enqueue_indirect_dma source(%arg13 : memref<50x128xf32, #tpu.memory_space<vmem>>) target(%dma_start3A_353 : memref<10240x128xf32, #tpu.memory_space<vmem_shared>>) offsets(%dma_start3A_350 : memref<50xi32, #tpu.memory_space<vmem>>) semaphore(%run_scoped3A_347 : memref<!tpu.dma_semaphore, #tpu.memory_space<semaphore_mem>>) {add = true}
          %dma_wait3A_354 = arith.constant 0 : i32
          %dma_wait3A_355 = tpu.memref_slice %arg9[%run_scoped3A, %dma_wait3A_354] : memref<8x50xi32, #tpu.memory_space<vmem>> -> memref<1x50xi32, #tpu.memory_space<vmem>>
          %dma_wait3A_356 = tpu.memref_squeeze %dma_wait3A_355 : memref<1x50xi32, #tpu.memory_space<vmem>> -> memref<50xi32, #tpu.memory_space<vmem>>
          %dma_wait3A_357 = arith.constant 0 : i32
          %dma_wait3A_358 = arith.constant 0 : i32
          %dma_wait3A_359 = tpu.memref_slice %arg15[%dma_wait3A_357, %dma_wait3A_358] : memref<10240x128xf32, #tpu.memory_space<vmem_shared>> -> memref<10240x128xf32, #tpu.memory_space<vmem_shared>>
          tpu.wait_indirect_dma semaphore(%run_scoped3A_347 : memref<!tpu.dma_semaphore, #tpu.memory_space<semaphore_mem>>) src(%arg13 : memref<50x128xf32, #tpu.memory_space<vmem>>) dst(%dma_wait3A_359 : memref<10240x128xf32, #tpu.memory_space<vmem_shared>>)
          tpu.yield
        }) : () -> ()
      } else {
      }
      %rem3A_294 = arith.constant 2 : i32
      %rem3A_295 = arith.remsi %scan3A_54, %rem3A_294 : i32
      %eq3A_296 = arith.constant 1 : i32
      %eq3A_297 = arith.cmpi eq, %rem3A_295, %eq3A_296 : i32
      %convert_element_type3A_298 = arith.extui %eq3A_297 : i1 to i32
      %cond3A_299 = arith.constant 0 : i32
      %cond3A_300 = arith.cmpi ne, %convert_element_type3A_298, %cond3A_299 : i32
      scf.if %cond3A_300 {
        %run_scoped3A = arith.constant 6 : i32
        "tpu.region"() ({
          %run_scoped3A_347 = tpu.sem_alloc : memref<!tpu.dma_semaphore, #tpu.memory_space<semaphore_mem>>
          %dma_start3A_348 = arith.constant 0 : i32
          %dma_start3A_349 = tpu.memref_slice %arg10[%run_scoped3A, %dma_start3A_348] : memref<8x50xi32, #tpu.memory_space<vmem>> -> memref<1x50xi32, #tpu.memory_space<vmem>>
          %dma_start3A_350 = tpu.memref_squeeze %dma_start3A_349 : memref<1x50xi32, #tpu.memory_space<vmem>> -> memref<50xi32, #tpu.memory_space<vmem>>
          %dma_start3A_351 = arith.constant 0 : i32
          %dma_start3A_352 = arith.constant 0 : i32
          %dma_start3A_353 = tpu.memref_slice %arg15[%dma_start3A_351, %dma_start3A_352] : memref<10240x128xf32, #tpu.memory_space<vmem_shared>> -> memref<10240x128xf32, #tpu.memory_space<vmem_shared>>
          tpu.enqueue_indirect_dma source(%arg13 : memref<50x128xf32, #tpu.memory_space<vmem>>) target(%dma_start3A_353 : memref<10240x128xf32, #tpu.memory_space<vmem_shared>>) offsets(%dma_start3A_350 : memref<50xi32, #tpu.memory_space<vmem>>) semaphore(%run_scoped3A_347 : memref<!tpu.dma_semaphore, #tpu.memory_space<semaphore_mem>>) {add = true}
          %dma_wait3A_354 = arith.constant 0 : i32
          %dma_wait3A_355 = tpu.memref_slice %arg10[%run_scoped3A, %dma_wait3A_354] : memref<8x50xi32, #tpu.memory_space<vmem>> -> memref<1x50xi32, #tpu.memory_space<vmem>>
          %dma_wait3A_356 = tpu.memref_squeeze %dma_wait3A_355 : memref<1x50xi32, #tpu.memory_space<vmem>> -> memref<50xi32, #tpu.memory_space<vmem>>
          %dma_wait3A_357 = arith.constant 0 : i32
          %dma_wait3A_358 = arith.constant 0 : i32
          %dma_wait3A_359 = tpu.memref_slice %arg15[%dma_wait3A_357, %dma_wait3A_358] : memref<10240x128xf32, #tpu.memory_space<vmem_shared>> -> memref<10240x128xf32, #tpu.memory_space<vmem_shared>>
          tpu.wait_indirect_dma semaphore(%run_scoped3A_347 : memref<!tpu.dma_semaphore, #tpu.memory_space<semaphore_mem>>) src(%arg13 : memref<50x128xf32, #tpu.memory_space<vmem>>) dst(%dma_wait3A_359 : memref<10240x128xf32, #tpu.memory_space<vmem_shared>>)
          tpu.yield
        }) : () -> ()
      } else {
      }
      %add3A_301 = arith.constant 1 : i32
      %add3A_302 = arith.addi %scan3A_54, %add3A_301 : i32
      %lt3A_303 = arith.constant 25 : i32
      %lt3A_304 = arith.cmpi slt, %add3A_302, %lt3A_303 : i32
      %convert_element_type3A_305 = arith.extui %lt3A_304 : i1 to i32
      %cond3A_306 = arith.constant 0 : i32
      %cond3A_307 = arith.cmpi ne, %convert_element_type3A_305, %cond3A_306 : i32
      scf.if %cond3A_307 {
        %add3A_347 = arith.constant 1 : i32
        %add3A_348 = arith.addi %scan3A_54, %add3A_347 : i32
        %rem3A_349 = arith.constant 2 : i32
        %rem3A_350 = arith.remsi %add3A_348, %rem3A_349 : i32
        %eq3A_351 = arith.constant 0 : i32
        %eq3A_352 = arith.cmpi eq, %rem3A_350, %eq3A_351 : i32
        %convert_element_type3A_353 = arith.extui %eq3A_352 : i1 to i32
        %cond3A_354 = arith.constant 0 : i32
        %cond3A_355 = arith.cmpi ne, %convert_element_type3A_353, %cond3A_354 : i32
        scf.if %cond3A_355 {
          %dma_start3A_365 = arith.constant 2 : i32
          %dma_start3A_366 = arith.constant 0 : i32
          %dma_start3A_367 = tpu.memref_slice %arg7[%dma_start3A_365, %dma_start3A_366] : memref<8x50xi32, #tpu.memory_space<vmem>> -> memref<1x50xi32, #tpu.memory_space<vmem>>
          %dma_start3A_368 = tpu.memref_squeeze %dma_start3A_367 : memref<1x50xi32, #tpu.memory_space<vmem>> -> memref<50xi32, #tpu.memory_space<vmem>>
          %dma_start3A_369 = arith.constant 0 : i32
          %dma_start3A_370 = arith.constant 0 : i32
          %dma_start3A_371 = tpu.memref_slice %arg2[%dma_start3A_369, %dma_start3A_370] : memref<10000x128xf32, #tpu.memory_space<hbm>> -> memref<10000x128xf32, #tpu.memory_space<hbm>>
          tpu.enqueue_indirect_dma source(%dma_start3A_371 : memref<10000x128xf32, #tpu.memory_space<hbm>>) target(%arg13 : memref<50x128xf32, #tpu.memory_space<vmem>>) offsets(%dma_start3A_368 : memref<50xi32, #tpu.memory_space<vmem>>) semaphore(%arg18 : memref<!tpu.dma_semaphore, #tpu.memory_space<semaphore_mem>>)
        } else {
        }
        %add3A_356 = arith.constant 1 : i32
        %add3A_357 = arith.addi %scan3A_54, %add3A_356 : i32
        %rem3A_358 = arith.constant 2 : i32
        %rem3A_359 = arith.remsi %add3A_357, %rem3A_358 : i32
        %eq3A_360 = arith.constant 1 : i32
        %eq3A_361 = arith.cmpi eq, %rem3A_359, %eq3A_360 : i32
        %convert_element_type3A_362 = arith.extui %eq3A_361 : i1 to i32
        %cond3A_363 = arith.constant 0 : i32
        %cond3A_364 = arith.cmpi ne, %convert_element_type3A_362, %cond3A_363 : i32
        scf.if %cond3A_364 {
          %dma_start3A_365 = arith.constant 2 : i32
          %dma_start3A_366 = arith.constant 0 : i32
          %dma_start3A_367 = tpu.memref_slice %arg8[%dma_start3A_365, %dma_start3A_366] : memref<8x50xi32, #tpu.memory_space<vmem>> -> memref<1x50xi32, #tpu.memory_space<vmem>>
          %dma_start3A_368 = tpu.memref_squeeze %dma_start3A_367 : memref<1x50xi32, #tpu.memory_space<vmem>> -> memref<50xi32, #tpu.memory_space<vmem>>
          %dma_start3A_369 = arith.constant 0 : i32
          %dma_start3A_370 = arith.constant 0 : i32
          %dma_start3A_371 = tpu.memref_slice %arg2[%dma_start3A_369, %dma_start3A_370] : memref<10000x128xf32, #tpu.memory_space<hbm>> -> memref<10000x128xf32, #tpu.memory_space<hbm>>
          tpu.enqueue_indirect_dma source(%dma_start3A_371 : memref<10000x128xf32, #tpu.memory_space<hbm>>) target(%arg13 : memref<50x128xf32, #tpu.memory_space<vmem>>) offsets(%dma_start3A_368 : memref<50xi32, #tpu.memory_space<vmem>>) semaphore(%arg18 : memref<!tpu.dma_semaphore, #tpu.memory_space<semaphore_mem>>)
        } else {
        }
      } else {
      }
      %mul3A_308 = arith.constant 8 : i32
      %mul3A_309 = arith.muli %scan3A_54, %mul3A_308 : i32
      %add3A_310 = arith.constant 7 : i32
      %add3A_311 = arith.addi %mul3A_309, %add3A_310 : i32
      %dma_wait3A_312 = arith.constant 7 : i32
      %dma_wait3A_313 = arith.constant 0 : i32
      %dma_wait3A_314 = tpu.memref_slice %arg7[%dma_wait3A_312, %dma_wait3A_313] : memref<8x50xi32, #tpu.memory_space<vmem>> -> memref<1x50xi32, #tpu.memory_space<vmem>>
      %dma_wait3A_315 = tpu.memref_squeeze %dma_wait3A_314 : memref<1x50xi32, #tpu.memory_space<vmem>> -> memref<50xi32, #tpu.memory_space<vmem>>
      %dma_wait3A_316 = arith.constant 0 : i32
      %dma_wait3A_317 = arith.constant 0 : i32
      %dma_wait3A_318 = tpu.memref_slice %arg2[%dma_wait3A_316, %dma_wait3A_317] : memref<10000x128xf32, #tpu.memory_space<hbm>> -> memref<10000x128xf32, #tpu.memory_space<hbm>>
      tpu.wait_indirect_dma semaphore(%arg19 : memref<!tpu.dma_semaphore, #tpu.memory_space<semaphore_mem>>) src(%dma_wait3A_318 : memref<10000x128xf32, #tpu.memory_space<hbm>>) dst(%arg14 : memref<50x128xf32, #tpu.memory_space<vmem>>)
      %rem3A_319 = arith.constant 2 : i32
      %rem3A_320 = arith.remsi %scan3A_54, %rem3A_319 : i32
      %eq3A_321 = arith.constant 0 : i32
      %eq3A_322 = arith.cmpi eq, %rem3A_320, %eq3A_321 : i32
      %convert_element_type3A_323 = arith.extui %eq3A_322 : i1 to i32
      %cond3A_324 = arith.constant 0 : i32
      %cond3A_325 = arith.cmpi ne, %convert_element_type3A_323, %cond3A_324 : i32
      scf.if %cond3A_325 {
        %run_scoped3A = arith.constant 7 : i32
        "tpu.region"() ({
          %run_scoped3A_347 = tpu.sem_alloc : memref<!tpu.dma_semaphore, #tpu.memory_space<semaphore_mem>>
          %dma_start3A_348 = arith.constant 0 : i32
          %dma_start3A_349 = tpu.memref_slice %arg9[%run_scoped3A, %dma_start3A_348] : memref<8x50xi32, #tpu.memory_space<vmem>> -> memref<1x50xi32, #tpu.memory_space<vmem>>
          %dma_start3A_350 = tpu.memref_squeeze %dma_start3A_349 : memref<1x50xi32, #tpu.memory_space<vmem>> -> memref<50xi32, #tpu.memory_space<vmem>>
          %dma_start3A_351 = arith.constant 0 : i32
          %dma_start3A_352 = arith.constant 0 : i32
          %dma_start3A_353 = tpu.memref_slice %arg15[%dma_start3A_351, %dma_start3A_352] : memref<10240x128xf32, #tpu.memory_space<vmem_shared>> -> memref<10240x128xf32, #tpu.memory_space<vmem_shared>>
          tpu.enqueue_indirect_dma source(%arg14 : memref<50x128xf32, #tpu.memory_space<vmem>>) target(%dma_start3A_353 : memref<10240x128xf32, #tpu.memory_space<vmem_shared>>) offsets(%dma_start3A_350 : memref<50xi32, #tpu.memory_space<vmem>>) semaphore(%run_scoped3A_347 : memref<!tpu.dma_semaphore, #tpu.memory_space<semaphore_mem>>) {add = true}
          %dma_wait3A_354 = arith.constant 0 : i32
          %dma_wait3A_355 = tpu.memref_slice %arg9[%run_scoped3A, %dma_wait3A_354] : memref<8x50xi32, #tpu.memory_space<vmem>> -> memref<1x50xi32, #tpu.memory_space<vmem>>
          %dma_wait3A_356 = tpu.memref_squeeze %dma_wait3A_355 : memref<1x50xi32, #tpu.memory_space<vmem>> -> memref<50xi32, #tpu.memory_space<vmem>>
          %dma_wait3A_357 = arith.constant 0 : i32
          %dma_wait3A_358 = arith.constant 0 : i32
          %dma_wait3A_359 = tpu.memref_slice %arg15[%dma_wait3A_357, %dma_wait3A_358] : memref<10240x128xf32, #tpu.memory_space<vmem_shared>> -> memref<10240x128xf32, #tpu.memory_space<vmem_shared>>
          tpu.wait_indirect_dma semaphore(%run_scoped3A_347 : memref<!tpu.dma_semaphore, #tpu.memory_space<semaphore_mem>>) src(%arg14 : memref<50x128xf32, #tpu.memory_space<vmem>>) dst(%dma_wait3A_359 : memref<10240x128xf32, #tpu.memory_space<vmem_shared>>)
          tpu.yield
        }) : () -> ()
      } else {
      }
      %rem3A_326 = arith.constant 2 : i32
      %rem3A_327 = arith.remsi %scan3A_54, %rem3A_326 : i32
      %eq3A_328 = arith.constant 1 : i32
      %eq3A_329 = arith.cmpi eq, %rem3A_327, %eq3A_328 : i32
      %convert_element_type3A_330 = arith.extui %eq3A_329 : i1 to i32
      %cond3A_331 = arith.constant 0 : i32
      %cond3A_332 = arith.cmpi ne, %convert_element_type3A_330, %cond3A_331 : i32
      scf.if %cond3A_332 {
        %run_scoped3A = arith.constant 7 : i32
        "tpu.region"() ({
          %run_scoped3A_347 = tpu.sem_alloc : memref<!tpu.dma_semaphore, #tpu.memory_space<semaphore_mem>>
          %dma_start3A_348 = arith.constant 0 : i32
          %dma_start3A_349 = tpu.memref_slice %arg10[%run_scoped3A, %dma_start3A_348] : memref<8x50xi32, #tpu.memory_space<vmem>> -> memref<1x50xi32, #tpu.memory_space<vmem>>
          %dma_start3A_350 = tpu.memref_squeeze %dma_start3A_349 : memref<1x50xi32, #tpu.memory_space<vmem>> -> memref<50xi32, #tpu.memory_space<vmem>>
          %dma_start3A_351 = arith.constant 0 : i32
          %dma_start3A_352 = arith.constant 0 : i32
          %dma_start3A_353 = tpu.memref_slice %arg15[%dma_start3A_351, %dma_start3A_352] : memref<10240x128xf32, #tpu.memory_space<vmem_shared>> -> memref<10240x128xf32, #tpu.memory_space<vmem_shared>>
          tpu.enqueue_indirect_dma source(%arg14 : memref<50x128xf32, #tpu.memory_space<vmem>>) target(%dma_start3A_353 : memref<10240x128xf32, #tpu.memory_space<vmem_shared>>) offsets(%dma_start3A_350 : memref<50xi32, #tpu.memory_space<vmem>>) semaphore(%run_scoped3A_347 : memref<!tpu.dma_semaphore, #tpu.memory_space<semaphore_mem>>) {add = true}
          %dma_wait3A_354 = arith.constant 0 : i32
          %dma_wait3A_355 = tpu.memref_slice %arg10[%run_scoped3A, %dma_wait3A_354] : memref<8x50xi32, #tpu.memory_space<vmem>> -> memref<1x50xi32, #tpu.memory_space<vmem>>
          %dma_wait3A_356 = tpu.memref_squeeze %dma_wait3A_355 : memref<1x50xi32, #tpu.memory_space<vmem>> -> memref<50xi32, #tpu.memory_space<vmem>>
          %dma_wait3A_357 = arith.constant 0 : i32
          %dma_wait3A_358 = arith.constant 0 : i32
          %dma_wait3A_359 = tpu.memref_slice %arg15[%dma_wait3A_357, %dma_wait3A_358] : memref<10240x128xf32, #tpu.memory_space<vmem_shared>> -> memref<10240x128xf32, #tpu.memory_space<vmem_shared>>
          tpu.wait_indirect_dma semaphore(%run_scoped3A_347 : memref<!tpu.dma_semaphore, #tpu.memory_space<semaphore_mem>>) src(%arg14 : memref<50x128xf32, #tpu.memory_space<vmem>>) dst(%dma_wait3A_359 : memref<10240x128xf32, #tpu.memory_space<vmem_shared>>)
          tpu.yield
        }) : () -> ()
      } else {
      }
      %add3A_333 = arith.constant 1 : i32
      %add3A_334 = arith.addi %scan3A_54, %add3A_333 : i32
      %lt3A_335 = arith.constant 25 : i32
      %lt3A_336 = arith.cmpi slt, %add3A_334, %lt3A_335 : i32
      %convert_element_type3A_337 = arith.extui %lt3A_336 : i1 to i32
      %cond3A_338 = arith.constant 0 : i32
      %cond3A_339 = arith.cmpi ne, %convert_element_type3A_337, %cond3A_338 : i32
      scf.if %cond3A_339 {
        %add3A_347 = arith.constant 1 : i32
        %add3A_348 = arith.addi %scan3A_54, %add3A_347 : i32
        %rem3A_349 = arith.constant 2 : i32
        %rem3A_350 = arith.remsi %add3A_348, %rem3A_349 : i32
        %eq3A_351 = arith.constant 0 : i32
        %eq3A_352 = arith.cmpi eq, %rem3A_350, %eq3A_351 : i32
        %convert_element_type3A_353 = arith.extui %eq3A_352 : i1 to i32
        %cond3A_354 = arith.constant 0 : i32
        %cond3A_355 = arith.cmpi ne, %convert_element_type3A_353, %cond3A_354 : i32
        scf.if %cond3A_355 {
          %dma_start3A_365 = arith.constant 3 : i32
          %dma_start3A_366 = arith.constant 0 : i32
          %dma_start3A_367 = tpu.memref_slice %arg7[%dma_start3A_365, %dma_start3A_366] : memref<8x50xi32, #tpu.memory_space<vmem>> -> memref<1x50xi32, #tpu.memory_space<vmem>>
          %dma_start3A_368 = tpu.memref_squeeze %dma_start3A_367 : memref<1x50xi32, #tpu.memory_space<vmem>> -> memref<50xi32, #tpu.memory_space<vmem>>
          %dma_start3A_369 = arith.constant 0 : i32
          %dma_start3A_370 = arith.constant 0 : i32
          %dma_start3A_371 = tpu.memref_slice %arg2[%dma_start3A_369, %dma_start3A_370] : memref<10000x128xf32, #tpu.memory_space<hbm>> -> memref<10000x128xf32, #tpu.memory_space<hbm>>
          tpu.enqueue_indirect_dma source(%dma_start3A_371 : memref<10000x128xf32, #tpu.memory_space<hbm>>) target(%arg14 : memref<50x128xf32, #tpu.memory_space<vmem>>) offsets(%dma_start3A_368 : memref<50xi32, #tpu.memory_space<vmem>>) semaphore(%arg19 : memref<!tpu.dma_semaphore, #tpu.memory_space<semaphore_mem>>)
        } else {
        }
        %add3A_356 = arith.constant 1 : i32
        %add3A_357 = arith.addi %scan3A_54, %add3A_356 : i32
        %rem3A_358 = arith.constant 2 : i32
        %rem3A_359 = arith.remsi %add3A_357, %rem3A_358 : i32
        %eq3A_360 = arith.constant 1 : i32
        %eq3A_361 = arith.cmpi eq, %rem3A_359, %eq3A_360 : i32
        %convert_element_type3A_362 = arith.extui %eq3A_361 : i1 to i32
        %cond3A_363 = arith.constant 0 : i32
        %cond3A_364 = arith.cmpi ne, %convert_element_type3A_362, %cond3A_363 : i32
        scf.if %cond3A_364 {
          %dma_start3A_365 = arith.constant 3 : i32
          %dma_start3A_366 = arith.constant 0 : i32
          %dma_start3A_367 = tpu.memref_slice %arg8[%dma_start3A_365, %dma_start3A_366] : memref<8x50xi32, #tpu.memory_space<vmem>> -> memref<1x50xi32, #tpu.memory_space<vmem>>
          %dma_start3A_368 = tpu.memref_squeeze %dma_start3A_367 : memref<1x50xi32, #tpu.memory_space<vmem>> -> memref<50xi32, #tpu.memory_space<vmem>>
          %dma_start3A_369 = arith.constant 0 : i32
          %dma_start3A_370 = arith.constant 0 : i32
          %dma_start3A_371 = tpu.memref_slice %arg2[%dma_start3A_369, %dma_start3A_370] : memref<10000x128xf32, #tpu.memory_space<hbm>> -> memref<10000x128xf32, #tpu.memory_space<hbm>>
          tpu.enqueue_indirect_dma source(%dma_start3A_371 : memref<10000x128xf32, #tpu.memory_space<hbm>>) target(%arg14 : memref<50x128xf32, #tpu.memory_space<vmem>>) offsets(%dma_start3A_368 : memref<50xi32, #tpu.memory_space<vmem>>) semaphore(%arg19 : memref<!tpu.dma_semaphore, #tpu.memory_space<semaphore_mem>>)
        } else {
        }
      } else {
      }
      %add3A_340 = arith.constant 2 : i32
      %add3A_341 = arith.addi %scan3A_54, %add3A_340 : i32
      %lt3A_342 = arith.constant 25 : i32
      %lt3A_343 = arith.cmpi slt, %add3A_341, %lt3A_342 : i32
      %convert_element_type3A_344 = arith.extui %lt3A_343 : i1 to i32
      %cond3A_345 = arith.constant 0 : i32
      %cond3A_346 = arith.cmpi ne, %convert_element_type3A_344, %cond3A_345 : i32
      scf.if %cond3A_346 {
        %add3A_347 = arith.constant 2 : i32
        %add3A_348 = arith.addi %scan3A_54, %add3A_347 : i32
        %mul3A_349 = arith.constant 8 : i32
        %mul3A_350 = arith.muli %add3A_348, %mul3A_349 : i32
        %add3A_351 = arith.addi %multiple_of3A, %mul3A_350 : i32
        %multiple_of3A_352 = tpu.assume_multiple %add3A_351, 8 : i32
        %rem3A_353 = arith.constant 2 : i32
        %rem3A_354 = arith.remsi %scan3A_54, %rem3A_353 : i32
        %eq3A_355 = arith.constant 0 : i32
        %eq3A_356 = arith.cmpi eq, %rem3A_354, %eq3A_355 : i32
        %convert_element_type3A_357 = arith.extui %eq3A_356 : i1 to i32
        %cond3A_358 = arith.constant 0 : i32
        %cond3A_359 = arith.cmpi ne, %convert_element_type3A_357, %cond3A_358 : i32
        scf.if %cond3A_359 {
          %dma_start3A_367 = arith.constant 0 : i32
          %dma_start3A_368 = tpu.memref_slice %arg3[%multiple_of3A_352, %dma_start3A_367] : memref<6400x50xi32, #tpu.memory_space<hbm>> -> memref<8x50xi32, #tpu.memory_space<hbm>>
          %dma_start3A_369 = arith.constant 0 : i32
          %dma_start3A_370 = tpu.memref_slice %arg3[%multiple_of3A_352, %dma_start3A_369] : memref<6400x50xi32, #tpu.memory_space<hbm>> -> memref<8x50xi32, #tpu.memory_space<hbm>>
          tpu.enqueue_dma source(%dma_start3A_370 : memref<8x50xi32, #tpu.memory_space<hbm>>) target(%arg7 : memref<8x50xi32, #tpu.memory_space<vmem>>) target_semaphore(%arg20 : memref<!tpu.dma_semaphore, #tpu.memory_space<semaphore_mem>>)
          %dma_start3A_371 = arith.constant 0 : i32
          %dma_start3A_372 = tpu.memref_slice %arg4[%multiple_of3A_352, %dma_start3A_371] : memref<6400x50xi32, #tpu.memory_space<hbm>> -> memref<8x50xi32, #tpu.memory_space<hbm>>
          %dma_start3A_373 = arith.constant 0 : i32
          %dma_start3A_374 = tpu.memref_slice %arg4[%multiple_of3A_352, %dma_start3A_373] : memref<6400x50xi32, #tpu.memory_space<hbm>> -> memref<8x50xi32, #tpu.memory_space<hbm>>
          tpu.enqueue_dma source(%dma_start3A_374 : memref<8x50xi32, #tpu.memory_space<hbm>>) target(%arg9 : memref<8x50xi32, #tpu.memory_space<vmem>>) target_semaphore(%arg20 : memref<!tpu.dma_semaphore, #tpu.memory_space<semaphore_mem>>)
        } else {
        }
        %rem3A_360 = arith.constant 2 : i32
        %rem3A_361 = arith.remsi %scan3A_54, %rem3A_360 : i32
        %eq3A_362 = arith.constant 1 : i32
        %eq3A_363 = arith.cmpi eq, %rem3A_361, %eq3A_362 : i32
        %convert_element_type3A_364 = arith.extui %eq3A_363 : i1 to i32
        %cond3A_365 = arith.constant 0 : i32
        %cond3A_366 = arith.cmpi ne, %convert_element_type3A_364, %cond3A_365 : i32
        scf.if %cond3A_366 {
          %dma_start3A_367 = arith.constant 0 : i32
          %dma_start3A_368 = tpu.memref_slice %arg3[%multiple_of3A_352, %dma_start3A_367] : memref<6400x50xi32, #tpu.memory_space<hbm>> -> memref<8x50xi32, #tpu.memory_space<hbm>>
          %dma_start3A_369 = arith.constant 0 : i32
          %dma_start3A_370 = tpu.memref_slice %arg3[%multiple_of3A_352, %dma_start3A_369] : memref<6400x50xi32, #tpu.memory_space<hbm>> -> memref<8x50xi32, #tpu.memory_space<hbm>>
          tpu.enqueue_dma source(%dma_start3A_370 : memref<8x50xi32, #tpu.memory_space<hbm>>) target(%arg8 : memref<8x50xi32, #tpu.memory_space<vmem>>) target_semaphore(%arg20 : memref<!tpu.dma_semaphore, #tpu.memory_space<semaphore_mem>>)
          %dma_start3A_371 = arith.constant 0 : i32
          %dma_start3A_372 = tpu.memref_slice %arg4[%multiple_of3A_352, %dma_start3A_371] : memref<6400x50xi32, #tpu.memory_space<hbm>> -> memref<8x50xi32, #tpu.memory_space<hbm>>
          %dma_start3A_373 = arith.constant 0 : i32
          %dma_start3A_374 = tpu.memref_slice %arg4[%multiple_of3A_352, %dma_start3A_373] : memref<6400x50xi32, #tpu.memory_space<hbm>> -> memref<8x50xi32, #tpu.memory_space<hbm>>
          tpu.enqueue_dma source(%dma_start3A_374 : memref<8x50xi32, #tpu.memory_space<hbm>>) target(%arg10 : memref<8x50xi32, #tpu.memory_space<vmem>>) target_semaphore(%arg20 : memref<!tpu.dma_semaphore, #tpu.memory_space<semaphore_mem>>)
        } else {
        }
      } else {
      }
    }
    %scan3A_49 = arith.constant 25 : i32
    %barrier3A_50 = arith.constant 0 : index
    tpu.barrier barrier_id(%barrier3A_50)
    %mul3A_51 = arith.constant 10240 : i32
    %mul3A_52 = arith.muli %arg0, %mul3A_51 : i32
    %add3A_53 = arith.addi %mul3A_52, %multiple_of3A_5 : i32
    "tpu.region"() ({
      %run_scoped3A = tpu.sem_alloc : memref<!tpu.dma_semaphore, #tpu.memory_space<semaphore_mem>>
      %dma_start3A_54 = arith.constant 0 : i32
      %dma_start3A_55 = tpu.memref_slice %arg6[%add3A_53, %dma_start3A_54] : memref<20480x128xf32, #tpu.memory_space<hbm>> -> memref<640x128xf32, #tpu.memory_space<hbm>>
      %dma_start3A_56 = arith.constant 0 : i32
      %dma_start3A_57 = tpu.memref_slice %arg15[%multiple_of3A_5, %dma_start3A_56] : memref<10240x128xf32, #tpu.memory_space<vmem_shared>> -> memref<640x128xf32, #tpu.memory_space<vmem_shared>>
      tpu.enqueue_dma source(%dma_start3A_57 : memref<640x128xf32, #tpu.memory_space<vmem_shared>>) target(%dma_start3A_55 : memref<640x128xf32, #tpu.memory_space<hbm>>) target_semaphore(%run_scoped3A : memref<!tpu.dma_semaphore, #tpu.memory_space<semaphore_mem>>)
      %dma_wait3A = arith.constant 0 : i32
      %dma_wait3A_58 = tpu.memref_slice %arg6[%add3A_53, %dma_wait3A] : memref<20480x128xf32, #tpu.memory_space<hbm>> -> memref<640x128xf32, #tpu.memory_space<hbm>>
      %dma_wait3A_59 = arith.constant 0 : i32
      %dma_wait3A_60 = tpu.memref_slice %arg15[%multiple_of3A_5, %dma_wait3A_59] : memref<10240x128xf32, #tpu.memory_space<vmem_shared>> -> memref<640x128xf32, #tpu.memory_space<vmem_shared>>
      tpu.wait_dma2 semaphore(%run_scoped3A : memref<!tpu.dma_semaphore, #tpu.memory_space<semaphore_mem>>) src(%dma_wait3A_60 : memref<640x128xf32, #tpu.memory_space<vmem_shared>>) dst(%dma_wait3A_58 : memref<640x128xf32, #tpu.memory_space<hbm>>)
      tpu.yield
    }) : () -> ()
    return
  }
}

#map = affine_map<(d0, d1) -> (0, 0)>
module attributes {stable_mosaic.version = 14 : i64} {
  func.func @body(%arg0: i32, %arg1: i32, %arg2: memref<10000x128xf32, #tpu.memory_space<hbm>>, %arg3: memref<6400x50xi32, #tpu.memory_space<hbm>>, %arg4: memref<6400x50xi32, #tpu.memory_space<hbm>>, %arg5: memref<640x128xf32, #tpu.memory_space<hbm>>, %arg6: memref<20480x128xf32, #tpu.memory_space<hbm>>, %arg7: memref<8x50xi32, #tpu.memory_space<vmem>>, %arg8: memref<8x50xi32, #tpu.memory_space<vmem>>, %arg9: memref<8x50xi32, #tpu.memory_space<vmem>>, %arg10: memref<8x50xi32, #tpu.memory_space<vmem>>, %arg11: memref<50x128xf32, #tpu.memory_space<vmem>>, %arg12: memref<50x128xf32, #tpu.memory_space<vmem>>, %arg13: memref<50x128xf32, #tpu.memory_space<vmem>>, %arg14: memref<50x128xf32, #tpu.memory_space<vmem>>, %arg15: memref<10240x128xf32, #tpu.memory_space<vmem_shared>>, %arg16: memref<!tpu.dma_semaphore, #tpu.memory_space<semaphore_mem>>, %arg17: memref<!tpu.dma_semaphore, #tpu.memory_space<semaphore_mem>>, %arg18: memref<!tpu.dma_semaphore, #tpu.memory_space<semaphore_mem>>, %arg19: memref<!tpu.dma_semaphore, #tpu.memory_space<semaphore_mem>>, %arg20: memref<!tpu.dma_semaphore, #tpu.memory_space<semaphore_mem>>) attributes {dimension_semantics = [#tpu.dimension_semantics<core_parallel>, #tpu.dimension_semantics<subcore_parallel>], iteration_bounds = array<i64: 2, 16>, scalar_prefetch = 0 : i64, scratch_operands = 14 : i64, tpu.core_type = #tpu.core_type<sc_vector_subcore>, window_params = [{transform_indices = #map}, {transform_indices = #map}, {transform_indices = #map}, {transform_indices = #map}, {transform_indices = #map}]} {
    %mul3A = arith.constant 2 : i32
    %mul3A_0 = arith.muli %arg1, %mul3A : i32
    %add3A = arith.addi %mul3A_0, %arg0 : i32
    %mul3A_1 = arith.constant 200 : i32
    %mul3A_2 = arith.muli %add3A, %mul3A_1 : i32
    %multiple_of3A = tpu.assume_multiple %mul3A_2, 8 : i32
    %mul3A_3 = arith.constant 640 : i32
    %mul3A_4 = arith.muli %arg1, %mul3A_3 : i32
    %multiple_of3A_5 = tpu.assume_multiple %mul3A_4, 8 : i32
    "tpu.region"() ({
      %run_scoped3A = tpu.sem_alloc : memref<!tpu.dma_semaphore, #tpu.memory_space<semaphore_mem>>
      %dma_start3A_54 = arith.constant 0 : i32
      %dma_start3A_55 = tpu.memref_slice %arg15[%multiple_of3A_5, %dma_start3A_54] : memref<10240x128xf32, #tpu.memory_space<vmem_shared>> -> memref<640x128xf32, #tpu.memory_space<vmem_shared>>
      tpu.enqueue_dma source(%arg5 : memref<640x128xf32, #tpu.memory_space<hbm>>) target(%dma_start3A_55 : memref<640x128xf32, #tpu.memory_space<vmem_shared>>) target_semaphore(%run_scoped3A : memref<!tpu.dma_semaphore, #tpu.memory_space<semaphore_mem>>)
      %dma_wait3A = arith.constant 0 : i32
      %dma_wait3A_56 = tpu.memref_slice %arg15[%multiple_of3A_5, %dma_wait3A] : memref<10240x128xf32, #tpu.memory_space<vmem_shared>> -> memref<640x128xf32, #tpu.memory_space<vmem_shared>>
      tpu.wait_dma2 semaphore(%run_scoped3A : memref<!tpu.dma_semaphore, #tpu.memory_space<semaphore_mem>>) src(%arg5 : memref<640x128xf32, #tpu.memory_space<hbm>>) dst(%dma_wait3A_56 : memref<640x128xf32, #tpu.memory_space<vmem_shared>>)
      tpu.yield
    }) : () -> ()
    "tpu.region"() ({
      %run_scoped3A = tpu.sem_alloc : memref<!tpu.dma_semaphore, #tpu.memory_space<semaphore_mem>>
      %dma_start3A_54 = arith.constant 0 : i32
      %dma_start3A_55 = tpu.memref_slice %arg3[%multiple_of3A, %dma_start3A_54] : memref<6400x50xi32, #tpu.memory_space<hbm>> -> memref<8x50xi32, #tpu.memory_space<hbm>>
      %dma_start3A_56 = arith.constant 0 : i32
      %dma_start3A_57 = tpu.memref_slice %arg3[%multiple_of3A, %dma_start3A_56] : memref<6400x50xi32, #tpu.memory_space<hbm>> -> memref<8x50xi32, #tpu.memory_space<hbm>>
      tpu.enqueue_dma source(%dma_start3A_57 : memref<8x50xi32, #tpu.memory_space<hbm>>) target(%arg7 : memref<8x50xi32, #tpu.memory_space<vmem>>) target_semaphore(%run_scoped3A : memref<!tpu.dma_semaphore, #tpu.memory_space<semaphore_mem>>)
      %dma_wait3A = arith.constant 0 : i32
      %dma_wait3A_58 = tpu.memref_slice %arg3[%multiple_of3A, %dma_wait3A] : memref<6400x50xi32, #tpu.memory_space<hbm>> -> memref<8x50xi32, #tpu.memory_space<hbm>>
      %dma_wait3A_59 = arith.constant 0 : i32
      %dma_wait3A_60 = tpu.memref_slice %arg3[%multiple_of3A, %dma_wait3A_59] : memref<6400x50xi32, #tpu.memory_space<hbm>> -> memref<8x50xi32, #tpu.memory_space<hbm>>
      tpu.wait_dma2 semaphore(%run_scoped3A : memref<!tpu.dma_semaphore, #tpu.memory_space<semaphore_mem>>) src(%dma_wait3A_60 : memref<8x50xi32, #tpu.memory_space<hbm>>) dst(%arg7 : memref<8x50xi32, #tpu.memory_space<vmem>>)
      tpu.yield
    }) : () -> ()
    "tpu.region"() ({
      %run_scoped3A = tpu.sem_alloc : memref<!tpu.dma_semaphore, #tpu.memory_space<semaphore_mem>>
      %dma_start3A_54 = arith.constant 0 : i32
      %dma_start3A_55 = tpu.memref_slice %arg4[%multiple_of3A, %dma_start3A_54] : memref<6400x50xi32, #tpu.memory_space<hbm>> -> memref<8x50xi32, #tpu.memory_space<hbm>>
      %dma_start3A_56 = arith.constant 0 : i32
      %dma_start3A_57 = tpu.memref_slice %arg4[%multiple_of3A, %dma_start3A_56] : memref<6400x50xi32, #tpu.memory_space<hbm>> -> memref<8x50xi32, #tpu.memory_space<hbm>>
      tpu.enqueue_dma source(%dma_start3A_57 : memref<8x50xi32, #tpu.memory_space<hbm>>) target(%arg9 : memref<8x50xi32, #tpu.memory_space<vmem>>) target_semaphore(%run_scoped3A : memref<!tpu.dma_semaphore, #tpu.memory_space<semaphore_mem>>)
      %dma_wait3A = arith.constant 0 : i32
      %dma_wait3A_58 = tpu.memref_slice %arg4[%multiple_of3A, %dma_wait3A] : memref<6400x50xi32, #tpu.memory_space<hbm>> -> memref<8x50xi32, #tpu.memory_space<hbm>>
      %dma_wait3A_59 = arith.constant 0 : i32
      %dma_wait3A_60 = tpu.memref_slice %arg4[%multiple_of3A, %dma_wait3A_59] : memref<6400x50xi32, #tpu.memory_space<hbm>> -> memref<8x50xi32, #tpu.memory_space<hbm>>
      tpu.wait_dma2 semaphore(%run_scoped3A : memref<!tpu.dma_semaphore, #tpu.memory_space<semaphore_mem>>) src(%dma_wait3A_60 : memref<8x50xi32, #tpu.memory_space<hbm>>) dst(%arg9 : memref<8x50xi32, #tpu.memory_space<vmem>>)
      tpu.yield
    }) : () -> ()
    %add3A_6 = arith.constant 8 : i32
    %add3A_7 = arith.addi %multiple_of3A, %add3A_6 : i32
    %dma_start3A = arith.constant 0 : i32
    %dma_start3A_8 = tpu.memref_slice %arg3[%add3A_7, %dma_start3A] : memref<6400x50xi32, #tpu.memory_space<hbm>> -> memref<8x50xi32, #tpu.memory_space<hbm>>
    %dma_start3A_9 = arith.constant 0 : i32
    %dma_start3A_10 = tpu.memref_slice %arg3[%add3A_7, %dma_start3A_9] : memref<6400x50xi32, #tpu.memory_space<hbm>> -> memref<8x50xi32, #tpu.memory_space<hbm>>
    tpu.enqueue_dma source(%dma_start3A_10 : memref<8x50xi32, #tpu.memory_space<hbm>>) target(%arg8 : memref<8x50xi32, #tpu.memory_space<vmem>>) target_semaphore(%arg20 : memref<!tpu.dma_semaphore, #tpu.memory_space<semaphore_mem>>)
    %add3A_11 = arith.constant 8 : i32
    %add3A_12 = arith.addi %multiple_of3A, %add3A_11 : i32
    %dma_start3A_13 = arith.constant 0 : i32
    %dma_start3A_14 = tpu.memref_slice %arg4[%add3A_12, %dma_start3A_13] : memref<6400x50xi32, #tpu.memory_space<hbm>> -> memref<8x50xi32, #tpu.memory_space<hbm>>
    %dma_start3A_15 = arith.constant 0 : i32
    %dma_start3A_16 = tpu.memref_slice %arg4[%add3A_12, %dma_start3A_15] : memref<6400x50xi32, #tpu.memory_space<hbm>> -> memref<8x50xi32, #tpu.memory_space<hbm>>
    tpu.enqueue_dma source(%dma_start3A_16 : memref<8x50xi32, #tpu.memory_space<hbm>>) target(%arg10 : memref<8x50xi32, #tpu.memory_space<vmem>>) target_semaphore(%arg20 : memref<!tpu.dma_semaphore, #tpu.memory_space<semaphore_mem>>)
    %barrier3A = arith.constant 0 : index
    tpu.barrier barrier_id(%barrier3A)
    %dma_start3A_17 = arith.constant 0 : i32
    %dma_start3A_18 = arith.constant 0 : i32
    %dma_start3A_19 = tpu.memref_slice %arg7[%dma_start3A_17, %dma_start3A_18] : memref<8x50xi32, #tpu.memory_space<vmem>> -> memref<1x50xi32, #tpu.memory_space<vmem>>
    %dma_start3A_20 = tpu.memref_squeeze %dma_start3A_19 : memref<1x50xi32, #tpu.memory_space<vmem>> -> memref<50xi32, #tpu.memory_space<vmem>>
    %dma_start3A_21 = arith.constant 0 : i32
    %dma_start3A_22 = arith.constant 0 : i32
    %dma_start3A_23 = tpu.memref_slice %arg2[%dma_start3A_21, %dma_start3A_22] : memref<10000x128xf32, #tpu.memory_space<hbm>> -> memref<10000x128xf32, #tpu.memory_space<hbm>>
    tpu.enqueue_indirect_dma source(%dma_start3A_23 : memref<10000x128xf32, #tpu.memory_space<hbm>>) target(%arg11 : memref<50x128xf32, #tpu.memory_space<vmem>>) offsets(%dma_start3A_20 : memref<50xi32, #tpu.memory_space<vmem>>) semaphore(%arg16 : memref<!tpu.dma_semaphore, #tpu.memory_space<semaphore_mem>>)
    %dma_start3A_24 = arith.constant 1 : i32
    %dma_start3A_25 = arith.constant 0 : i32
    %dma_start3A_26 = tpu.memref_slice %arg7[%dma_start3A_24, %dma_start3A_25] : memref<8x50xi32, #tpu.memory_space<vmem>> -> memref<1x50xi32, #tpu.memory_space<vmem>>
    %dma_start3A_27 = tpu.memref_squeeze %dma_start3A_26 : memref<1x50xi32, #tpu.memory_space<vmem>> -> memref<50xi32, #tpu.memory_space<vmem>>
    %dma_start3A_28 = arith.constant 0 : i32
    %dma_start3A_29 = arith.constant 0 : i32
    %dma_start3A_30 = tpu.memref_slice %arg2[%dma_start3A_28, %dma_start3A_29] : memref<10000x128xf32, #tpu.memory_space<hbm>> -> memref<10000x128xf32, #tpu.memory_space<hbm>>
    tpu.enqueue_indirect_dma source(%dma_start3A_30 : memref<10000x128xf32, #tpu.memory_space<hbm>>) target(%arg12 : memref<50x128xf32, #tpu.memory_space<vmem>>) offsets(%dma_start3A_27 : memref<50xi32, #tpu.memory_space<vmem>>) semaphore(%arg17 : memref<!tpu.dma_semaphore, #tpu.memory_space<semaphore_mem>>)
    %dma_start3A_31 = arith.constant 2 : i32
    %dma_start3A_32 = arith.constant 0 : i32
    %dma_start3A_33 = tpu.memref_slice %arg7[%dma_start3A_31, %dma_start3A_32] : memref<8x50xi32, #tpu.memory_space<vmem>> -> memref<1x50xi32, #tpu.memory_space<vmem>>
    %dma_start3A_34 = tpu.memref_squeeze %dma_start3A_33 : memref<1x50xi32, #tpu.memory_space<vmem>> -> memref<50xi32, #tpu.memory_space<vmem>>
    %dma_start3A_35 = arith.constant 0 : i32
    %dma_start3A_36 = arith.constant 0 : i32
    %dma_start3A_37 = tpu.memref_slice %arg2[%dma_start3A_35, %dma_start3A_36] : memref<10000x128xf32, #tpu.memory_space<hbm>> -> memref<10000x128xf32, #tpu.memory_space<hbm>>
    tpu.enqueue_indirect_dma source(%dma_start3A_37 : memref<10000x128xf32, #tpu.memory_space<hbm>>) target(%arg13 : memref<50x128xf32, #tpu.memory_space<vmem>>) offsets(%dma_start3A_34 : memref<50xi32, #tpu.memory_space<vmem>>) semaphore(%arg18 : memref<!tpu.dma_semaphore, #tpu.memory_space<semaphore_mem>>)
    %dma_start3A_38 = arith.constant 3 : i32
    %dma_start3A_39 = arith.constant 0 : i32
    %dma_start3A_40 = tpu.memref_slice %arg7[%dma_start3A_38, %dma_start3A_39] : memref<8x50xi32, #tpu.memory_space<vmem>> -> memref<1x50xi32, #tpu.memory_space<vmem>>
    %dma_start3A_41 = tpu.memref_squeeze %dma_start3A_40 : memref<1x50xi32, #tpu.memory_space<vmem>> -> memref<50xi32, #tpu.memory_space<vmem>>
    %dma_start3A_42 = arith.constant 0 : i32
    %dma_start3A_43 = arith.constant 0 : i32
    %dma_start3A_44 = tpu.memref_slice %arg2[%dma_start3A_42, %dma_start3A_43] : memref<10000x128xf32, #tpu.memory_space<hbm>> -> memref<10000x128xf32, #tpu.memory_space<hbm>>
    tpu.enqueue_indirect_dma source(%dma_start3A_44 : memref<10000x128xf32, #tpu.memory_space<hbm>>) target(%arg14 : memref<50x128xf32, #tpu.memory_space<vmem>>) offsets(%dma_start3A_41 : memref<50xi32, #tpu.memory_space<vmem>>) semaphore(%arg19 : memref<!tpu.dma_semaphore, #tpu.memory_space<semaphore_mem>>)
    %scan3A = arith.constant 0 : i32
    %scan3A_45 = arith.constant 0 : i32
    %scan3A_46 = arith.constant 25 : i32
    %scan3A_47 = arith.addi %scan3A_45, %scan3A_46 : i32
    %scan3A_48 = arith.constant 1 : i32
    scf.for %scan3A_54 = %scan3A_45 to %scan3A_47 step %scan3A_48  : i32 {
      %mul3A_55 = arith.constant 8 : i32
      %mul3A_56 = arith.muli %scan3A_54, %mul3A_55 : i32
      %add3A_57 = arith.constant 0 : i32
      %add3A_58 = arith.addi %mul3A_56, %add3A_57 : i32
      %dma_wait3A = arith.constant 0 : i32
      %dma_wait3A_59 = arith.constant 0 : i32
      %dma_wait3A_60 = tpu.memref_slice %arg7[%dma_wait3A, %dma_wait3A_59] : memref<8x50xi32, #tpu.memory_space<vmem>> -> memref<1x50xi32, #tpu.memory_space<vmem>>
      %dma_wait3A_61 = tpu.memref_squeeze %dma_wait3A_60 : memref<1x50xi32, #tpu.memory_space<vmem>> -> memref<50xi32, #tpu.memory_space<vmem>>
      %dma_wait3A_62 = arith.constant 0 : i32
      %dma_wait3A_63 = arith.constant 0 : i32
      %dma_wait3A_64 = tpu.memref_slice %arg2[%dma_wait3A_62, %dma_wait3A_63] : memref<10000x128xf32, #tpu.memory_space<hbm>> -> memref<10000x128xf32, #tpu.memory_space<hbm>>
      tpu.wait_indirect_dma semaphore(%arg16 : memref<!tpu.dma_semaphore, #tpu.memory_space<semaphore_mem>>) src(%dma_wait3A_64 : memref<10000x128xf32, #tpu.memory_space<hbm>>) dst(%arg11 : memref<50x128xf32, #tpu.memory_space<vmem>>)
      %rem3A = arith.constant 2 : i32
      %rem3A_65 = arith.remsi %scan3A_54, %rem3A : i32
      %eq3A = arith.constant 0 : i32
      %eq3A_66 = arith.cmpi eq, %rem3A_65, %eq3A : i32
      %convert_element_type3A = arith.extui %eq3A_66 : i1 to i32
      %cond3A = arith.constant 0 : i32
      %cond3A_67 = arith.cmpi ne, %convert_element_type3A, %cond3A : i32
      scf.if %cond3A_67 {
        %run_scoped3A = arith.constant 0 : i32
        "tpu.region"() ({
          %run_scoped3A_347 = tpu.sem_alloc : memref<!tpu.dma_semaphore, #tpu.memory_space<semaphore_mem>>
          %dma_start3A_348 = arith.constant 0 : i32
          %dma_start3A_349 = tpu.memref_slice %arg9[%run_scoped3A, %dma_start3A_348] : memref<8x50xi32, #tpu.memory_space<vmem>> -> memref<1x50xi32, #tpu.memory_space<vmem>>
          %dma_start3A_350 = tpu.memref_squeeze %dma_start3A_349 : memref<1x50xi32, #tpu.memory_space<vmem>> -> memref<50xi32, #tpu.memory_space<vmem>>
          %dma_start3A_351 = arith.constant 0 : i32
          %dma_start3A_352 = arith.constant 0 : i32
          %dma_start3A_353 = tpu.memref_slice %arg15[%dma_start3A_351, %dma_start3A_352] : memref<10240x128xf32, #tpu.memory_space<vmem_shared>> -> memref<10240x128xf32, #tpu.memory_space<vmem_shared>>
          tpu.enqueue_indirect_dma source(%arg11 : memref<50x128xf32, #tpu.memory_space<vmem>>) target(%dma_start3A_353 : memref<10240x128xf32, #tpu.memory_space<vmem_shared>>) offsets(%dma_start3A_350 : memref<50xi32, #tpu.memory_space<vmem>>) semaphore(%run_scoped3A_347 : memref<!tpu.dma_semaphore, #tpu.memory_space<semaphore_mem>>) {add = true}
          %dma_wait3A_354 = arith.constant 0 : i32
          %dma_wait3A_355 = tpu.memref_slice %arg9[%run_scoped3A, %dma_wait3A_354] : memref<8x50xi32, #tpu.memory_space<vmem>> -> memref<1x50xi32, #tpu.memory_space<vmem>>
          %dma_wait3A_356 = tpu.memref_squeeze %dma_wait3A_355 : memref<1x50xi32, #tpu.memory_space<vmem>> -> memref<50xi32, #tpu.memory_space<vmem>>
          %dma_wait3A_357 = arith.constant 0 : i32
          %dma_wait3A_358 = arith.constant 0 : i32
          %dma_wait3A_359 = tpu.memref_slice %arg15[%dma_wait3A_357, %dma_wait3A_358] : memref<10240x128xf32, #tpu.memory_space<vmem_shared>> -> memref<10240x128xf32, #tpu.memory_space<vmem_shared>>
          tpu.wait_indirect_dma semaphore(%run_scoped3A_347 : memref<!tpu.dma_semaphore, #tpu.memory_space<semaphore_mem>>) src(%arg11 : memref<50x128xf32, #tpu.memory_space<vmem>>) dst(%dma_wait3A_359 : memref<10240x128xf32, #tpu.memory_space<vmem_shared>>)
          tpu.yield
        }) : () -> ()
      } else {
      }
      %rem3A_68 = arith.constant 2 : i32
      %rem3A_69 = arith.remsi %scan3A_54, %rem3A_68 : i32
      %eq3A_70 = arith.constant 1 : i32
      %eq3A_71 = arith.cmpi eq, %rem3A_69, %eq3A_70 : i32
      %convert_element_type3A_72 = arith.extui %eq3A_71 : i1 to i32
      %cond3A_73 = arith.constant 0 : i32
      %cond3A_74 = arith.cmpi ne, %convert_element_type3A_72, %cond3A_73 : i32
      scf.if %cond3A_74 {
        %run_scoped3A = arith.constant 0 : i32
        "tpu.region"() ({
          %run_scoped3A_347 = tpu.sem_alloc : memref<!tpu.dma_semaphore, #tpu.memory_space<semaphore_mem>>
          %dma_start3A_348 = arith.constant 0 : i32
          %dma_start3A_349 = tpu.memref_slice %arg10[%run_scoped3A, %dma_start3A_348] : memref<8x50xi32, #tpu.memory_space<vmem>> -> memref<1x50xi32, #tpu.memory_space<vmem>>
          %dma_start3A_350 = tpu.memref_squeeze %dma_start3A_349 : memref<1x50xi32, #tpu.memory_space<vmem>> -> memref<50xi32, #tpu.memory_space<vmem>>
          %dma_start3A_351 = arith.constant 0 : i32
          %dma_start3A_352 = arith.constant 0 : i32
          %dma_start3A_353 = tpu.memref_slice %arg15[%dma_start3A_351, %dma_start3A_352] : memref<10240x128xf32, #tpu.memory_space<vmem_shared>> -> memref<10240x128xf32, #tpu.memory_space<vmem_shared>>
          tpu.enqueue_indirect_dma source(%arg11 : memref<50x128xf32, #tpu.memory_space<vmem>>) target(%dma_start3A_353 : memref<10240x128xf32, #tpu.memory_space<vmem_shared>>) offsets(%dma_start3A_350 : memref<50xi32, #tpu.memory_space<vmem>>) semaphore(%run_scoped3A_347 : memref<!tpu.dma_semaphore, #tpu.memory_space<semaphore_mem>>) {add = true}
          %dma_wait3A_354 = arith.constant 0 : i32
          %dma_wait3A_355 = tpu.memref_slice %arg10[%run_scoped3A, %dma_wait3A_354] : memref<8x50xi32, #tpu.memory_space<vmem>> -> memref<1x50xi32, #tpu.memory_space<vmem>>
          %dma_wait3A_356 = tpu.memref_squeeze %dma_wait3A_355 : memref<1x50xi32, #tpu.memory_space<vmem>> -> memref<50xi32, #tpu.memory_space<vmem>>
          %dma_wait3A_357 = arith.constant 0 : i32
          %dma_wait3A_358 = arith.constant 0 : i32
          %dma_wait3A_359 = tpu.memref_slice %arg15[%dma_wait3A_357, %dma_wait3A_358] : memref<10240x128xf32, #tpu.memory_space<vmem_shared>> -> memref<10240x128xf32, #tpu.memory_space<vmem_shared>>
          tpu.wait_indirect_dma semaphore(%run_scoped3A_347 : memref<!tpu.dma_semaphore, #tpu.memory_space<semaphore_mem>>) src(%arg11 : memref<50x128xf32, #tpu.memory_space<vmem>>) dst(%dma_wait3A_359 : memref<10240x128xf32, #tpu.memory_space<vmem_shared>>)
          tpu.yield
        }) : () -> ()
      } else {
      }
      %rem3A_75 = arith.constant 2 : i32
      %rem3A_76 = arith.remsi %scan3A_54, %rem3A_75 : i32
      %eq3A_77 = arith.constant 0 : i32
      %eq3A_78 = arith.cmpi eq, %rem3A_76, %eq3A_77 : i32
      %convert_element_type3A_79 = arith.extui %eq3A_78 : i1 to i32
      %cond3A_80 = arith.constant 0 : i32
      %cond3A_81 = arith.cmpi ne, %convert_element_type3A_79, %cond3A_80 : i32
      scf.if %cond3A_81 {
        %dma_start3A_347 = arith.constant 4 : i32
        %dma_start3A_348 = arith.constant 0 : i32
        %dma_start3A_349 = tpu.memref_slice %arg7[%dma_start3A_347, %dma_start3A_348] : memref<8x50xi32, #tpu.memory_space<vmem>> -> memref<1x50xi32, #tpu.memory_space<vmem>>
        %dma_start3A_350 = tpu.memref_squeeze %dma_start3A_349 : memref<1x50xi32, #tpu.memory_space<vmem>> -> memref<50xi32, #tpu.memory_space<vmem>>
        %dma_start3A_351 = arith.constant 0 : i32
        %dma_start3A_352 = arith.constant 0 : i32
        %dma_start3A_353 = tpu.memref_slice %arg2[%dma_start3A_351, %dma_start3A_352] : memref<10000x128xf32, #tpu.memory_space<hbm>> -> memref<10000x128xf32, #tpu.memory_space<hbm>>
        tpu.enqueue_indirect_dma source(%dma_start3A_353 : memref<10000x128xf32, #tpu.memory_space<hbm>>) target(%arg11 : memref<50x128xf32, #tpu.memory_space<vmem>>) offsets(%dma_start3A_350 : memref<50xi32, #tpu.memory_space<vmem>>) semaphore(%arg16 : memref<!tpu.dma_semaphore, #tpu.memory_space<semaphore_mem>>)
      } else {
      }
      %rem3A_82 = arith.constant 2 : i32
      %rem3A_83 = arith.remsi %scan3A_54, %rem3A_82 : i32
      %eq3A_84 = arith.constant 1 : i32
      %eq3A_85 = arith.cmpi eq, %rem3A_83, %eq3A_84 : i32
      %convert_element_type3A_86 = arith.extui %eq3A_85 : i1 to i32
      %cond3A_87 = arith.constant 0 : i32
      %cond3A_88 = arith.cmpi ne, %convert_element_type3A_86, %cond3A_87 : i32
      scf.if %cond3A_88 {
        %dma_start3A_347 = arith.constant 4 : i32
        %dma_start3A_348 = arith.constant 0 : i32
        %dma_start3A_349 = tpu.memref_slice %arg8[%dma_start3A_347, %dma_start3A_348] : memref<8x50xi32, #tpu.memory_space<vmem>> -> memref<1x50xi32, #tpu.memory_space<vmem>>
        %dma_start3A_350 = tpu.memref_squeeze %dma_start3A_349 : memref<1x50xi32, #tpu.memory_space<vmem>> -> memref<50xi32, #tpu.memory_space<vmem>>
        %dma_start3A_351 = arith.constant 0 : i32
        %dma_start3A_352 = arith.constant 0 : i32
        %dma_start3A_353 = tpu.memref_slice %arg2[%dma_start3A_351, %dma_start3A_352] : memref<10000x128xf32, #tpu.memory_space<hbm>> -> memref<10000x128xf32, #tpu.memory_space<hbm>>
        tpu.enqueue_indirect_dma source(%dma_start3A_353 : memref<10000x128xf32, #tpu.memory_space<hbm>>) target(%arg11 : memref<50x128xf32, #tpu.memory_space<vmem>>) offsets(%dma_start3A_350 : memref<50xi32, #tpu.memory_space<vmem>>) semaphore(%arg16 : memref<!tpu.dma_semaphore, #tpu.memory_space<semaphore_mem>>)
      } else {
      }
      %mul3A_89 = arith.constant 8 : i32
      %mul3A_90 = arith.muli %scan3A_54, %mul3A_89 : i32
      %add3A_91 = arith.constant 1 : i32
      %add3A_92 = arith.addi %mul3A_90, %add3A_91 : i32
      %dma_wait3A_93 = arith.constant 1 : i32
      %dma_wait3A_94 = arith.constant 0 : i32
      %dma_wait3A_95 = tpu.memref_slice %arg7[%dma_wait3A_93, %dma_wait3A_94] : memref<8x50xi32, #tpu.memory_space<vmem>> -> memref<1x50xi32, #tpu.memory_space<vmem>>
      %dma_wait3A_96 = tpu.memref_squeeze %dma_wait3A_95 : memref<1x50xi32, #tpu.memory_space<vmem>> -> memref<50xi32, #tpu.memory_space<vmem>>
      %dma_wait3A_97 = arith.constant 0 : i32
      %dma_wait3A_98 = arith.constant 0 : i32
      %dma_wait3A_99 = tpu.memref_slice %arg2[%dma_wait3A_97, %dma_wait3A_98] : memref<10000x128xf32, #tpu.memory_space<hbm>> -> memref<10000x128xf32, #tpu.memory_space<hbm>>
      tpu.wait_indirect_dma semaphore(%arg17 : memref<!tpu.dma_semaphore, #tpu.memory_space<semaphore_mem>>) src(%dma_wait3A_99 : memref<10000x128xf32, #tpu.memory_space<hbm>>) dst(%arg12 : memref<50x128xf32, #tpu.memory_space<vmem>>)
      %rem3A_100 = arith.constant 2 : i32
      %rem3A_101 = arith.remsi %scan3A_54, %rem3A_100 : i32
      %eq3A_102 = arith.constant 0 : i32
      %eq3A_103 = arith.cmpi eq, %rem3A_101, %eq3A_102 : i32
      %convert_element_type3A_104 = arith.extui %eq3A_103 : i1 to i32
      %cond3A_105 = arith.constant 0 : i32
      %cond3A_106 = arith.cmpi ne, %convert_element_type3A_104, %cond3A_105 : i32
      scf.if %cond3A_106 {
        %run_scoped3A = arith.constant 1 : i32
        "tpu.region"() ({
          %run_scoped3A_347 = tpu.sem_alloc : memref<!tpu.dma_semaphore, #tpu.memory_space<semaphore_mem>>
          %dma_start3A_348 = arith.constant 0 : i32
          %dma_start3A_349 = tpu.memref_slice %arg9[%run_scoped3A, %dma_start3A_348] : memref<8x50xi32, #tpu.memory_space<vmem>> -> memref<1x50xi32, #tpu.memory_space<vmem>>
          %dma_start3A_350 = tpu.memref_squeeze %dma_start3A_349 : memref<1x50xi32, #tpu.memory_space<vmem>> -> memref<50xi32, #tpu.memory_space<vmem>>
          %dma_start3A_351 = arith.constant 0 : i32
          %dma_start3A_352 = arith.constant 0 : i32
          %dma_start3A_353 = tpu.memref_slice %arg15[%dma_start3A_351, %dma_start3A_352] : memref<10240x128xf32, #tpu.memory_space<vmem_shared>> -> memref<10240x128xf32, #tpu.memory_space<vmem_shared>>
          tpu.enqueue_indirect_dma source(%arg12 : memref<50x128xf32, #tpu.memory_space<vmem>>) target(%dma_start3A_353 : memref<10240x128xf32, #tpu.memory_space<vmem_shared>>) offsets(%dma_start3A_350 : memref<50xi32, #tpu.memory_space<vmem>>) semaphore(%run_scoped3A_347 : memref<!tpu.dma_semaphore, #tpu.memory_space<semaphore_mem>>) {add = true}
          %dma_wait3A_354 = arith.constant 0 : i32
          %dma_wait3A_355 = tpu.memref_slice %arg9[%run_scoped3A, %dma_wait3A_354] : memref<8x50xi32, #tpu.memory_space<vmem>> -> memref<1x50xi32, #tpu.memory_space<vmem>>
          %dma_wait3A_356 = tpu.memref_squeeze %dma_wait3A_355 : memref<1x50xi32, #tpu.memory_space<vmem>> -> memref<50xi32, #tpu.memory_space<vmem>>
          %dma_wait3A_357 = arith.constant 0 : i32
          %dma_wait3A_358 = arith.constant 0 : i32
          %dma_wait3A_359 = tpu.memref_slice %arg15[%dma_wait3A_357, %dma_wait3A_358] : memref<10240x128xf32, #tpu.memory_space<vmem_shared>> -> memref<10240x128xf32, #tpu.memory_space<vmem_shared>>
          tpu.wait_indirect_dma semaphore(%run_scoped3A_347 : memref<!tpu.dma_semaphore, #tpu.memory_space<semaphore_mem>>) src(%arg12 : memref<50x128xf32, #tpu.memory_space<vmem>>) dst(%dma_wait3A_359 : memref<10240x128xf32, #tpu.memory_space<vmem_shared>>)
          tpu.yield
        }) : () -> ()
      } else {
      }
      %rem3A_107 = arith.constant 2 : i32
      %rem3A_108 = arith.remsi %scan3A_54, %rem3A_107 : i32
      %eq3A_109 = arith.constant 1 : i32
      %eq3A_110 = arith.cmpi eq, %rem3A_108, %eq3A_109 : i32
      %convert_element_type3A_111 = arith.extui %eq3A_110 : i1 to i32
      %cond3A_112 = arith.constant 0 : i32
      %cond3A_113 = arith.cmpi ne, %convert_element_type3A_111, %cond3A_112 : i32
      scf.if %cond3A_113 {
        %run_scoped3A = arith.constant 1 : i32
        "tpu.region"() ({
          %run_scoped3A_347 = tpu.sem_alloc : memref<!tpu.dma_semaphore, #tpu.memory_space<semaphore_mem>>
          %dma_start3A_348 = arith.constant 0 : i32
          %dma_start3A_349 = tpu.memref_slice %arg10[%run_scoped3A, %dma_start3A_348] : memref<8x50xi32, #tpu.memory_space<vmem>> -> memref<1x50xi32, #tpu.memory_space<vmem>>
          %dma_start3A_350 = tpu.memref_squeeze %dma_start3A_349 : memref<1x50xi32, #tpu.memory_space<vmem>> -> memref<50xi32, #tpu.memory_space<vmem>>
          %dma_start3A_351 = arith.constant 0 : i32
          %dma_start3A_352 = arith.constant 0 : i32
          %dma_start3A_353 = tpu.memref_slice %arg15[%dma_start3A_351, %dma_start3A_352] : memref<10240x128xf32, #tpu.memory_space<vmem_shared>> -> memref<10240x128xf32, #tpu.memory_space<vmem_shared>>
          tpu.enqueue_indirect_dma source(%arg12 : memref<50x128xf32, #tpu.memory_space<vmem>>) target(%dma_start3A_353 : memref<10240x128xf32, #tpu.memory_space<vmem_shared>>) offsets(%dma_start3A_350 : memref<50xi32, #tpu.memory_space<vmem>>) semaphore(%run_scoped3A_347 : memref<!tpu.dma_semaphore, #tpu.memory_space<semaphore_mem>>) {add = true}
          %dma_wait3A_354 = arith.constant 0 : i32
          %dma_wait3A_355 = tpu.memref_slice %arg10[%run_scoped3A, %dma_wait3A_354] : memref<8x50xi32, #tpu.memory_space<vmem>> -> memref<1x50xi32, #tpu.memory_space<vmem>>
          %dma_wait3A_356 = tpu.memref_squeeze %dma_wait3A_355 : memref<1x50xi32, #tpu.memory_space<vmem>> -> memref<50xi32, #tpu.memory_space<vmem>>
          %dma_wait3A_357 = arith.constant 0 : i32
          %dma_wait3A_358 = arith.constant 0 : i32
          %dma_wait3A_359 = tpu.memref_slice %arg15[%dma_wait3A_357, %dma_wait3A_358] : memref<10240x128xf32, #tpu.memory_space<vmem_shared>> -> memref<10240x128xf32, #tpu.memory_space<vmem_shared>>
          tpu.wait_indirect_dma semaphore(%run_scoped3A_347 : memref<!tpu.dma_semaphore, #tpu.memory_space<semaphore_mem>>) src(%arg12 : memref<50x128xf32, #tpu.memory_space<vmem>>) dst(%dma_wait3A_359 : memref<10240x128xf32, #tpu.memory_space<vmem_shared>>)
          tpu.yield
        }) : () -> ()
      } else {
      }
      %rem3A_114 = arith.constant 2 : i32
      %rem3A_115 = arith.remsi %scan3A_54, %rem3A_114 : i32
      %eq3A_116 = arith.constant 0 : i32
      %eq3A_117 = arith.cmpi eq, %rem3A_115, %eq3A_116 : i32
      %convert_element_type3A_118 = arith.extui %eq3A_117 : i1 to i32
      %cond3A_119 = arith.constant 0 : i32
      %cond3A_120 = arith.cmpi ne, %convert_element_type3A_118, %cond3A_119 : i32
      scf.if %cond3A_120 {
        %dma_start3A_347 = arith.constant 5 : i32
        %dma_start3A_348 = arith.constant 0 : i32
        %dma_start3A_349 = tpu.memref_slice %arg7[%dma_start3A_347, %dma_start3A_348] : memref<8x50xi32, #tpu.memory_space<vmem>> -> memref<1x50xi32, #tpu.memory_space<vmem>>
        %dma_start3A_350 = tpu.memref_squeeze %dma_start3A_349 : memref<1x50xi32, #tpu.memory_space<vmem>> -> memref<50xi32, #tpu.memory_space<vmem>>
        %dma_start3A_351 = arith.constant 0 : i32
        %dma_start3A_352 = arith.constant 0 : i32
        %dma_start3A_353 = tpu.memref_slice %arg2[%dma_start3A_351, %dma_start3A_352] : memref<10000x128xf32, #tpu.memory_space<hbm>> -> memref<10000x128xf32, #tpu.memory_space<hbm>>
        tpu.enqueue_indirect_dma source(%dma_start3A_353 : memref<10000x128xf32, #tpu.memory_space<hbm>>) target(%arg12 : memref<50x128xf32, #tpu.memory_space<vmem>>) offsets(%dma_start3A_350 : memref<50xi32, #tpu.memory_space<vmem>>) semaphore(%arg17 : memref<!tpu.dma_semaphore, #tpu.memory_space<semaphore_mem>>)
      } else {
      }
      %rem3A_121 = arith.constant 2 : i32
      %rem3A_122 = arith.remsi %scan3A_54, %rem3A_121 : i32
      %eq3A_123 = arith.constant 1 : i32
      %eq3A_124 = arith.cmpi eq, %rem3A_122, %eq3A_123 : i32
      %convert_element_type3A_125 = arith.extui %eq3A_124 : i1 to i32
      %cond3A_126 = arith.constant 0 : i32
      %cond3A_127 = arith.cmpi ne, %convert_element_type3A_125, %cond3A_126 : i32
      scf.if %cond3A_127 {
        %dma_start3A_347 = arith.constant 5 : i32
        %dma_start3A_348 = arith.constant 0 : i32
        %dma_start3A_349 = tpu.memref_slice %arg8[%dma_start3A_347, %dma_start3A_348] : memref<8x50xi32, #tpu.memory_space<vmem>> -> memref<1x50xi32, #tpu.memory_space<vmem>>
        %dma_start3A_350 = tpu.memref_squeeze %dma_start3A_349 : memref<1x50xi32, #tpu.memory_space<vmem>> -> memref<50xi32, #tpu.memory_space<vmem>>
        %dma_start3A_351 = arith.constant 0 : i32
        %dma_start3A_352 = arith.constant 0 : i32
        %dma_start3A_353 = tpu.memref_slice %arg2[%dma_start3A_351, %dma_start3A_352] : memref<10000x128xf32, #tpu.memory_space<hbm>> -> memref<10000x128xf32, #tpu.memory_space<hbm>>
        tpu.enqueue_indirect_dma source(%dma_start3A_353 : memref<10000x128xf32, #tpu.memory_space<hbm>>) target(%arg12 : memref<50x128xf32, #tpu.memory_space<vmem>>) offsets(%dma_start3A_350 : memref<50xi32, #tpu.memory_space<vmem>>) semaphore(%arg17 : memref<!tpu.dma_semaphore, #tpu.memory_space<semaphore_mem>>)
      } else {
      }
      %mul3A_128 = arith.constant 8 : i32
      %mul3A_129 = arith.muli %scan3A_54, %mul3A_128 : i32
      %add3A_130 = arith.constant 2 : i32
      %add3A_131 = arith.addi %mul3A_129, %add3A_130 : i32
      %dma_wait3A_132 = arith.constant 2 : i32
      %dma_wait3A_133 = arith.constant 0 : i32
      %dma_wait3A_134 = tpu.memref_slice %arg7[%dma_wait3A_132, %dma_wait3A_133] : memref<8x50xi32, #tpu.memory_space<vmem>> -> memref<1x50xi32, #tpu.memory_space<vmem>>
      %dma_wait3A_135 = tpu.memref_squeeze %dma_wait3A_134 : memref<1x50xi32, #tpu.memory_space<vmem>> -> memref<50xi32, #tpu.memory_space<vmem>>
      %dma_wait3A_136 = arith.constant 0 : i32
      %dma_wait3A_137 = arith.constant 0 : i32
      %dma_wait3A_138 = tpu.memref_slice %arg2[%dma_wait3A_136, %dma_wait3A_137] : memref<10000x128xf32, #tpu.memory_space<hbm>> -> memref<10000x128xf32, #tpu.memory_space<hbm>>
      tpu.wait_indirect_dma semaphore(%arg18 : memref<!tpu.dma_semaphore, #tpu.memory_space<semaphore_mem>>) src(%dma_wait3A_138 : memref<10000x128xf32, #tpu.memory_space<hbm>>) dst(%arg13 : memref<50x128xf32, #tpu.memory_space<vmem>>)
      %rem3A_139 = arith.constant 2 : i32
      %rem3A_140 = arith.remsi %scan3A_54, %rem3A_139 : i32
      %eq3A_141 = arith.constant 0 : i32
      %eq3A_142 = arith.cmpi eq, %rem3A_140, %eq3A_141 : i32
      %convert_element_type3A_143 = arith.extui %eq3A_142 : i1 to i32
      %cond3A_144 = arith.constant 0 : i32
      %cond3A_145 = arith.cmpi ne, %convert_element_type3A_143, %cond3A_144 : i32
      scf.if %cond3A_145 {
        %run_scoped3A = arith.constant 2 : i32
        "tpu.region"() ({
          %run_scoped3A_347 = tpu.sem_alloc : memref<!tpu.dma_semaphore, #tpu.memory_space<semaphore_mem>>
          %dma_start3A_348 = arith.constant 0 : i32
          %dma_start3A_349 = tpu.memref_slice %arg9[%run_scoped3A, %dma_start3A_348] : memref<8x50xi32, #tpu.memory_space<vmem>> -> memref<1x50xi32, #tpu.memory_space<vmem>>
          %dma_start3A_350 = tpu.memref_squeeze %dma_start3A_349 : memref<1x50xi32, #tpu.memory_space<vmem>> -> memref<50xi32, #tpu.memory_space<vmem>>
          %dma_start3A_351 = arith.constant 0 : i32
          %dma_start3A_352 = arith.constant 0 : i32
          %dma_start3A_353 = tpu.memref_slice %arg15[%dma_start3A_351, %dma_start3A_352] : memref<10240x128xf32, #tpu.memory_space<vmem_shared>> -> memref<10240x128xf32, #tpu.memory_space<vmem_shared>>
          tpu.enqueue_indirect_dma source(%arg13 : memref<50x128xf32, #tpu.memory_space<vmem>>) target(%dma_start3A_353 : memref<10240x128xf32, #tpu.memory_space<vmem_shared>>) offsets(%dma_start3A_350 : memref<50xi32, #tpu.memory_space<vmem>>) semaphore(%run_scoped3A_347 : memref<!tpu.dma_semaphore, #tpu.memory_space<semaphore_mem>>) {add = true}
          %dma_wait3A_354 = arith.constant 0 : i32
          %dma_wait3A_355 = tpu.memref_slice %arg9[%run_scoped3A, %dma_wait3A_354] : memref<8x50xi32, #tpu.memory_space<vmem>> -> memref<1x50xi32, #tpu.memory_space<vmem>>
          %dma_wait3A_356 = tpu.memref_squeeze %dma_wait3A_355 : memref<1x50xi32, #tpu.memory_space<vmem>> -> memref<50xi32, #tpu.memory_space<vmem>>
          %dma_wait3A_357 = arith.constant 0 : i32
          %dma_wait3A_358 = arith.constant 0 : i32
          %dma_wait3A_359 = tpu.memref_slice %arg15[%dma_wait3A_357, %dma_wait3A_358] : memref<10240x128xf32, #tpu.memory_space<vmem_shared>> -> memref<10240x128xf32, #tpu.memory_space<vmem_shared>>
          tpu.wait_indirect_dma semaphore(%run_scoped3A_347 : memref<!tpu.dma_semaphore, #tpu.memory_space<semaphore_mem>>) src(%arg13 : memref<50x128xf32, #tpu.memory_space<vmem>>) dst(%dma_wait3A_359 : memref<10240x128xf32, #tpu.memory_space<vmem_shared>>)
          tpu.yield
        }) : () -> ()
      } else {
      }
      %rem3A_146 = arith.constant 2 : i32
      %rem3A_147 = arith.remsi %scan3A_54, %rem3A_146 : i32
      %eq3A_148 = arith.constant 1 : i32
      %eq3A_149 = arith.cmpi eq, %rem3A_147, %eq3A_148 : i32
      %convert_element_type3A_150 = arith.extui %eq3A_149 : i1 to i32
      %cond3A_151 = arith.constant 0 : i32
      %cond3A_152 = arith.cmpi ne, %convert_element_type3A_150, %cond3A_151 : i32
      scf.if %cond3A_152 {
        %run_scoped3A = arith.constant 2 : i32
        "tpu.region"() ({
          %run_scoped3A_347 = tpu.sem_alloc : memref<!tpu.dma_semaphore, #tpu.memory_space<semaphore_mem>>
          %dma_start3A_348 = arith.constant 0 : i32
          %dma_start3A_349 = tpu.memref_slice %arg10[%run_scoped3A, %dma_start3A_348] : memref<8x50xi32, #tpu.memory_space<vmem>> -> memref<1x50xi32, #tpu.memory_space<vmem>>
          %dma_start3A_350 = tpu.memref_squeeze %dma_start3A_349 : memref<1x50xi32, #tpu.memory_space<vmem>> -> memref<50xi32, #tpu.memory_space<vmem>>
          %dma_start3A_351 = arith.constant 0 : i32
          %dma_start3A_352 = arith.constant 0 : i32
          %dma_start3A_353 = tpu.memref_slice %arg15[%dma_start3A_351, %dma_start3A_352] : memref<10240x128xf32, #tpu.memory_space<vmem_shared>> -> memref<10240x128xf32, #tpu.memory_space<vmem_shared>>
          tpu.enqueue_indirect_dma source(%arg13 : memref<50x128xf32, #tpu.memory_space<vmem>>) target(%dma_start3A_353 : memref<10240x128xf32, #tpu.memory_space<vmem_shared>>) offsets(%dma_start3A_350 : memref<50xi32, #tpu.memory_space<vmem>>) semaphore(%run_scoped3A_347 : memref<!tpu.dma_semaphore, #tpu.memory_space<semaphore_mem>>) {add = true}
          %dma_wait3A_354 = arith.constant 0 : i32
          %dma_wait3A_355 = tpu.memref_slice %arg10[%run_scoped3A, %dma_wait3A_354] : memref<8x50xi32, #tpu.memory_space<vmem>> -> memref<1x50xi32, #tpu.memory_space<vmem>>
          %dma_wait3A_356 = tpu.memref_squeeze %dma_wait3A_355 : memref<1x50xi32, #tpu.memory_space<vmem>> -> memref<50xi32, #tpu.memory_space<vmem>>
          %dma_wait3A_357 = arith.constant 0 : i32
          %dma_wait3A_358 = arith.constant 0 : i32
          %dma_wait3A_359 = tpu.memref_slice %arg15[%dma_wait3A_357, %dma_wait3A_358] : memref<10240x128xf32, #tpu.memory_space<vmem_shared>> -> memref<10240x128xf32, #tpu.memory_space<vmem_shared>>
          tpu.wait_indirect_dma semaphore(%run_scoped3A_347 : memref<!tpu.dma_semaphore, #tpu.memory_space<semaphore_mem>>) src(%arg13 : memref<50x128xf32, #tpu.memory_space<vmem>>) dst(%dma_wait3A_359 : memref<10240x128xf32, #tpu.memory_space<vmem_shared>>)
          tpu.yield
        }) : () -> ()
      } else {
      }
      %rem3A_153 = arith.constant 2 : i32
      %rem3A_154 = arith.remsi %scan3A_54, %rem3A_153 : i32
      %eq3A_155 = arith.constant 0 : i32
      %eq3A_156 = arith.cmpi eq, %rem3A_154, %eq3A_155 : i32
      %convert_element_type3A_157 = arith.extui %eq3A_156 : i1 to i32
      %cond3A_158 = arith.constant 0 : i32
      %cond3A_159 = arith.cmpi ne, %convert_element_type3A_157, %cond3A_158 : i32
      scf.if %cond3A_159 {
        %dma_start3A_347 = arith.constant 6 : i32
        %dma_start3A_348 = arith.constant 0 : i32
        %dma_start3A_349 = tpu.memref_slice %arg7[%dma_start3A_347, %dma_start3A_348] : memref<8x50xi32, #tpu.memory_space<vmem>> -> memref<1x50xi32, #tpu.memory_space<vmem>>
        %dma_start3A_350 = tpu.memref_squeeze %dma_start3A_349 : memref<1x50xi32, #tpu.memory_space<vmem>> -> memref<50xi32, #tpu.memory_space<vmem>>
        %dma_start3A_351 = arith.constant 0 : i32
        %dma_start3A_352 = arith.constant 0 : i32
        %dma_start3A_353 = tpu.memref_slice %arg2[%dma_start3A_351, %dma_start3A_352] : memref<10000x128xf32, #tpu.memory_space<hbm>> -> memref<10000x128xf32, #tpu.memory_space<hbm>>
        tpu.enqueue_indirect_dma source(%dma_start3A_353 : memref<10000x128xf32, #tpu.memory_space<hbm>>) target(%arg13 : memref<50x128xf32, #tpu.memory_space<vmem>>) offsets(%dma_start3A_350 : memref<50xi32, #tpu.memory_space<vmem>>) semaphore(%arg18 : memref<!tpu.dma_semaphore, #tpu.memory_space<semaphore_mem>>)
      } else {
      }
      %rem3A_160 = arith.constant 2 : i32
      %rem3A_161 = arith.remsi %scan3A_54, %rem3A_160 : i32
      %eq3A_162 = arith.constant 1 : i32
      %eq3A_163 = arith.cmpi eq, %rem3A_161, %eq3A_162 : i32
      %convert_element_type3A_164 = arith.extui %eq3A_163 : i1 to i32
      %cond3A_165 = arith.constant 0 : i32
      %cond3A_166 = arith.cmpi ne, %convert_element_type3A_164, %cond3A_165 : i32
      scf.if %cond3A_166 {
        %dma_start3A_347 = arith.constant 6 : i32
        %dma_start3A_348 = arith.constant 0 : i32
        %dma_start3A_349 = tpu.memref_slice %arg8[%dma_start3A_347, %dma_start3A_348] : memref<8x50xi32, #tpu.memory_space<vmem>> -> memref<1x50xi32, #tpu.memory_space<vmem>>
        %dma_start3A_350 = tpu.memref_squeeze %dma_start3A_349 : memref<1x50xi32, #tpu.memory_space<vmem>> -> memref<50xi32, #tpu.memory_space<vmem>>
        %dma_start3A_351 = arith.constant 0 : i32
        %dma_start3A_352 = arith.constant 0 : i32
        %dma_start3A_353 = tpu.memref_slice %arg2[%dma_start3A_351, %dma_start3A_352] : memref<10000x128xf32, #tpu.memory_space<hbm>> -> memref<10000x128xf32, #tpu.memory_space<hbm>>
        tpu.enqueue_indirect_dma source(%dma_start3A_353 : memref<10000x128xf32, #tpu.memory_space<hbm>>) target(%arg13 : memref<50x128xf32, #tpu.memory_space<vmem>>) offsets(%dma_start3A_350 : memref<50xi32, #tpu.memory_space<vmem>>) semaphore(%arg18 : memref<!tpu.dma_semaphore, #tpu.memory_space<semaphore_mem>>)
      } else {
      }
      %mul3A_167 = arith.constant 8 : i32
      %mul3A_168 = arith.muli %scan3A_54, %mul3A_167 : i32
      %add3A_169 = arith.constant 3 : i32
      %add3A_170 = arith.addi %mul3A_168, %add3A_169 : i32
      %dma_wait3A_171 = arith.constant 3 : i32
      %dma_wait3A_172 = arith.constant 0 : i32
      %dma_wait3A_173 = tpu.memref_slice %arg7[%dma_wait3A_171, %dma_wait3A_172] : memref<8x50xi32, #tpu.memory_space<vmem>> -> memref<1x50xi32, #tpu.memory_space<vmem>>
      %dma_wait3A_174 = tpu.memref_squeeze %dma_wait3A_173 : memref<1x50xi32, #tpu.memory_space<vmem>> -> memref<50xi32, #tpu.memory_space<vmem>>
      %dma_wait3A_175 = arith.constant 0 : i32
      %dma_wait3A_176 = arith.constant 0 : i32
      %dma_wait3A_177 = tpu.memref_slice %arg2[%dma_wait3A_175, %dma_wait3A_176] : memref<10000x128xf32, #tpu.memory_space<hbm>> -> memref<10000x128xf32, #tpu.memory_space<hbm>>
      tpu.wait_indirect_dma semaphore(%arg19 : memref<!tpu.dma_semaphore, #tpu.memory_space<semaphore_mem>>) src(%dma_wait3A_177 : memref<10000x128xf32, #tpu.memory_space<hbm>>) dst(%arg14 : memref<50x128xf32, #tpu.memory_space<vmem>>)
      %rem3A_178 = arith.constant 2 : i32
      %rem3A_179 = arith.remsi %scan3A_54, %rem3A_178 : i32
      %eq3A_180 = arith.constant 0 : i32
      %eq3A_181 = arith.cmpi eq, %rem3A_179, %eq3A_180 : i32
      %convert_element_type3A_182 = arith.extui %eq3A_181 : i1 to i32
      %cond3A_183 = arith.constant 0 : i32
      %cond3A_184 = arith.cmpi ne, %convert_element_type3A_182, %cond3A_183 : i32
      scf.if %cond3A_184 {
        %run_scoped3A = arith.constant 3 : i32
        "tpu.region"() ({
          %run_scoped3A_347 = tpu.sem_alloc : memref<!tpu.dma_semaphore, #tpu.memory_space<semaphore_mem>>
          %dma_start3A_348 = arith.constant 0 : i32
          %dma_start3A_349 = tpu.memref_slice %arg9[%run_scoped3A, %dma_start3A_348] : memref<8x50xi32, #tpu.memory_space<vmem>> -> memref<1x50xi32, #tpu.memory_space<vmem>>
          %dma_start3A_350 = tpu.memref_squeeze %dma_start3A_349 : memref<1x50xi32, #tpu.memory_space<vmem>> -> memref<50xi32, #tpu.memory_space<vmem>>
          %dma_start3A_351 = arith.constant 0 : i32
          %dma_start3A_352 = arith.constant 0 : i32
          %dma_start3A_353 = tpu.memref_slice %arg15[%dma_start3A_351, %dma_start3A_352] : memref<10240x128xf32, #tpu.memory_space<vmem_shared>> -> memref<10240x128xf32, #tpu.memory_space<vmem_shared>>
          tpu.enqueue_indirect_dma source(%arg14 : memref<50x128xf32, #tpu.memory_space<vmem>>) target(%dma_start3A_353 : memref<10240x128xf32, #tpu.memory_space<vmem_shared>>) offsets(%dma_start3A_350 : memref<50xi32, #tpu.memory_space<vmem>>) semaphore(%run_scoped3A_347 : memref<!tpu.dma_semaphore, #tpu.memory_space<semaphore_mem>>) {add = true}
          %dma_wait3A_354 = arith.constant 0 : i32
          %dma_wait3A_355 = tpu.memref_slice %arg9[%run_scoped3A, %dma_wait3A_354] : memref<8x50xi32, #tpu.memory_space<vmem>> -> memref<1x50xi32, #tpu.memory_space<vmem>>
          %dma_wait3A_356 = tpu.memref_squeeze %dma_wait3A_355 : memref<1x50xi32, #tpu.memory_space<vmem>> -> memref<50xi32, #tpu.memory_space<vmem>>
          %dma_wait3A_357 = arith.constant 0 : i32
          %dma_wait3A_358 = arith.constant 0 : i32
          %dma_wait3A_359 = tpu.memref_slice %arg15[%dma_wait3A_357, %dma_wait3A_358] : memref<10240x128xf32, #tpu.memory_space<vmem_shared>> -> memref<10240x128xf32, #tpu.memory_space<vmem_shared>>
          tpu.wait_indirect_dma semaphore(%run_scoped3A_347 : memref<!tpu.dma_semaphore, #tpu.memory_space<semaphore_mem>>) src(%arg14 : memref<50x128xf32, #tpu.memory_space<vmem>>) dst(%dma_wait3A_359 : memref<10240x128xf32, #tpu.memory_space<vmem_shared>>)
          tpu.yield
        }) : () -> ()
      } else {
      }
      %rem3A_185 = arith.constant 2 : i32
      %rem3A_186 = arith.remsi %scan3A_54, %rem3A_185 : i32
      %eq3A_187 = arith.constant 1 : i32
      %eq3A_188 = arith.cmpi eq, %rem3A_186, %eq3A_187 : i32
      %convert_element_type3A_189 = arith.extui %eq3A_188 : i1 to i32
      %cond3A_190 = arith.constant 0 : i32
      %cond3A_191 = arith.cmpi ne, %convert_element_type3A_189, %cond3A_190 : i32
      scf.if %cond3A_191 {
        %run_scoped3A = arith.constant 3 : i32
        "tpu.region"() ({
          %run_scoped3A_347 = tpu.sem_alloc : memref<!tpu.dma_semaphore, #tpu.memory_space<semaphore_mem>>
          %dma_start3A_348 = arith.constant 0 : i32
          %dma_start3A_349 = tpu.memref_slice %arg10[%run_scoped3A, %dma_start3A_348] : memref<8x50xi32, #tpu.memory_space<vmem>> -> memref<1x50xi32, #tpu.memory_space<vmem>>
          %dma_start3A_350 = tpu.memref_squeeze %dma_start3A_349 : memref<1x50xi32, #tpu.memory_space<vmem>> -> memref<50xi32, #tpu.memory_space<vmem>>
          %dma_start3A_351 = arith.constant 0 : i32
          %dma_start3A_352 = arith.constant 0 : i32
          %dma_start3A_353 = tpu.memref_slice %arg15[%dma_start3A_351, %dma_start3A_352] : memref<10240x128xf32, #tpu.memory_space<vmem_shared>> -> memref<10240x128xf32, #tpu.memory_space<vmem_shared>>
          tpu.enqueue_indirect_dma source(%arg14 : memref<50x128xf32, #tpu.memory_space<vmem>>) target(%dma_start3A_353 : memref<10240x128xf32, #tpu.memory_space<vmem_shared>>) offsets(%dma_start3A_350 : memref<50xi32, #tpu.memory_space<vmem>>) semaphore(%run_scoped3A_347 : memref<!tpu.dma_semaphore, #tpu.memory_space<semaphore_mem>>) {add = true}
          %dma_wait3A_354 = arith.constant 0 : i32
          %dma_wait3A_355 = tpu.memref_slice %arg10[%run_scoped3A, %dma_wait3A_354] : memref<8x50xi32, #tpu.memory_space<vmem>> -> memref<1x50xi32, #tpu.memory_space<vmem>>
          %dma_wait3A_356 = tpu.memref_squeeze %dma_wait3A_355 : memref<1x50xi32, #tpu.memory_space<vmem>> -> memref<50xi32, #tpu.memory_space<vmem>>
          %dma_wait3A_357 = arith.constant 0 : i32
          %dma_wait3A_358 = arith.constant 0 : i32
          %dma_wait3A_359 = tpu.memref_slice %arg15[%dma_wait3A_357, %dma_wait3A_358] : memref<10240x128xf32, #tpu.memory_space<vmem_shared>> -> memref<10240x128xf32, #tpu.memory_space<vmem_shared>>
          tpu.wait_indirect_dma semaphore(%run_scoped3A_347 : memref<!tpu.dma_semaphore, #tpu.memory_space<semaphore_mem>>) src(%arg14 : memref<50x128xf32, #tpu.memory_space<vmem>>) dst(%dma_wait3A_359 : memref<10240x128xf32, #tpu.memory_space<vmem_shared>>)
          tpu.yield
        }) : () -> ()
      } else {
      }
      %rem3A_192 = arith.constant 2 : i32
      %rem3A_193 = arith.remsi %scan3A_54, %rem3A_192 : i32
      %eq3A_194 = arith.constant 0 : i32
      %eq3A_195 = arith.cmpi eq, %rem3A_193, %eq3A_194 : i32
      %convert_element_type3A_196 = arith.extui %eq3A_195 : i1 to i32
      %cond3A_197 = arith.constant 0 : i32
      %cond3A_198 = arith.cmpi ne, %convert_element_type3A_196, %cond3A_197 : i32
      scf.if %cond3A_198 {
        %dma_start3A_347 = arith.constant 7 : i32
        %dma_start3A_348 = arith.constant 0 : i32
        %dma_start3A_349 = tpu.memref_slice %arg7[%dma_start3A_347, %dma_start3A_348] : memref<8x50xi32, #tpu.memory_space<vmem>> -> memref<1x50xi32, #tpu.memory_space<vmem>>
        %dma_start3A_350 = tpu.memref_squeeze %dma_start3A_349 : memref<1x50xi32, #tpu.memory_space<vmem>> -> memref<50xi32, #tpu.memory_space<vmem>>
        %dma_start3A_351 = arith.constant 0 : i32
        %dma_start3A_352 = arith.constant 0 : i32
        %dma_start3A_353 = tpu.memref_slice %arg2[%dma_start3A_351, %dma_start3A_352] : memref<10000x128xf32, #tpu.memory_space<hbm>> -> memref<10000x128xf32, #tpu.memory_space<hbm>>
        tpu.enqueue_indirect_dma source(%dma_start3A_353 : memref<10000x128xf32, #tpu.memory_space<hbm>>) target(%arg14 : memref<50x128xf32, #tpu.memory_space<vmem>>) offsets(%dma_start3A_350 : memref<50xi32, #tpu.memory_space<vmem>>) semaphore(%arg19 : memref<!tpu.dma_semaphore, #tpu.memory_space<semaphore_mem>>)
      } else {
      }
      %rem3A_199 = arith.constant 2 : i32
      %rem3A_200 = arith.remsi %scan3A_54, %rem3A_199 : i32
      %eq3A_201 = arith.constant 1 : i32
      %eq3A_202 = arith.cmpi eq, %rem3A_200, %eq3A_201 : i32
      %convert_element_type3A_203 = arith.extui %eq3A_202 : i1 to i32
      %cond3A_204 = arith.constant 0 : i32
      %cond3A_205 = arith.cmpi ne, %convert_element_type3A_203, %cond3A_204 : i32
      scf.if %cond3A_205 {
        %dma_start3A_347 = arith.constant 7 : i32
        %dma_start3A_348 = arith.constant 0 : i32
        %dma_start3A_349 = tpu.memref_slice %arg8[%dma_start3A_347, %dma_start3A_348] : memref<8x50xi32, #tpu.memory_space<vmem>> -> memref<1x50xi32, #tpu.memory_space<vmem>>
        %dma_start3A_350 = tpu.memref_squeeze %dma_start3A_349 : memref<1x50xi32, #tpu.memory_space<vmem>> -> memref<50xi32, #tpu.memory_space<vmem>>
        %dma_start3A_351 = arith.constant 0 : i32
        %dma_start3A_352 = arith.constant 0 : i32
        %dma_start3A_353 = tpu.memref_slice %arg2[%dma_start3A_351, %dma_start3A_352] : memref<10000x128xf32, #tpu.memory_space<hbm>> -> memref<10000x128xf32, #tpu.memory_space<hbm>>
        tpu.enqueue_indirect_dma source(%dma_start3A_353 : memref<10000x128xf32, #tpu.memory_space<hbm>>) target(%arg14 : memref<50x128xf32, #tpu.memory_space<vmem>>) offsets(%dma_start3A_350 : memref<50xi32, #tpu.memory_space<vmem>>) semaphore(%arg19 : memref<!tpu.dma_semaphore, #tpu.memory_space<semaphore_mem>>)
      } else {
      }
      %mul3A_206 = arith.constant 8 : i32
      %mul3A_207 = arith.muli %scan3A_54, %mul3A_206 : i32
      %add3A_208 = arith.constant 4 : i32
      %add3A_209 = arith.addi %mul3A_207, %add3A_208 : i32
      %dma_wait3A_210 = arith.constant 4 : i32
      %dma_wait3A_211 = arith.constant 0 : i32
      %dma_wait3A_212 = tpu.memref_slice %arg7[%dma_wait3A_210, %dma_wait3A_211] : memref<8x50xi32, #tpu.memory_space<vmem>> -> memref<1x50xi32, #tpu.memory_space<vmem>>
      %dma_wait3A_213 = tpu.memref_squeeze %dma_wait3A_212 : memref<1x50xi32, #tpu.memory_space<vmem>> -> memref<50xi32, #tpu.memory_space<vmem>>
      %dma_wait3A_214 = arith.constant 0 : i32
      %dma_wait3A_215 = arith.constant 0 : i32
      %dma_wait3A_216 = tpu.memref_slice %arg2[%dma_wait3A_214, %dma_wait3A_215] : memref<10000x128xf32, #tpu.memory_space<hbm>> -> memref<10000x128xf32, #tpu.memory_space<hbm>>
      tpu.wait_indirect_dma semaphore(%arg16 : memref<!tpu.dma_semaphore, #tpu.memory_space<semaphore_mem>>) src(%dma_wait3A_216 : memref<10000x128xf32, #tpu.memory_space<hbm>>) dst(%arg11 : memref<50x128xf32, #tpu.memory_space<vmem>>)
      %rem3A_217 = arith.constant 2 : i32
      %rem3A_218 = arith.remsi %scan3A_54, %rem3A_217 : i32
      %eq3A_219 = arith.constant 0 : i32
      %eq3A_220 = arith.cmpi eq, %rem3A_218, %eq3A_219 : i32
      %convert_element_type3A_221 = arith.extui %eq3A_220 : i1 to i32
      %cond3A_222 = arith.constant 0 : i32
      %cond3A_223 = arith.cmpi ne, %convert_element_type3A_221, %cond3A_222 : i32
      scf.if %cond3A_223 {
        %run_scoped3A = arith.constant 4 : i32
        "tpu.region"() ({
          %run_scoped3A_347 = tpu.sem_alloc : memref<!tpu.dma_semaphore, #tpu.memory_space<semaphore_mem>>
          %dma_start3A_348 = arith.constant 0 : i32
          %dma_start3A_349 = tpu.memref_slice %arg9[%run_scoped3A, %dma_start3A_348] : memref<8x50xi32, #tpu.memory_space<vmem>> -> memref<1x50xi32, #tpu.memory_space<vmem>>
          %dma_start3A_350 = tpu.memref_squeeze %dma_start3A_349 : memref<1x50xi32, #tpu.memory_space<vmem>> -> memref<50xi32, #tpu.memory_space<vmem>>
          %dma_start3A_351 = arith.constant 0 : i32
          %dma_start3A_352 = arith.constant 0 : i32
          %dma_start3A_353 = tpu.memref_slice %arg15[%dma_start3A_351, %dma_start3A_352] : memref<10240x128xf32, #tpu.memory_space<vmem_shared>> -> memref<10240x128xf32, #tpu.memory_space<vmem_shared>>
          tpu.enqueue_indirect_dma source(%arg11 : memref<50x128xf32, #tpu.memory_space<vmem>>) target(%dma_start3A_353 : memref<10240x128xf32, #tpu.memory_space<vmem_shared>>) offsets(%dma_start3A_350 : memref<50xi32, #tpu.memory_space<vmem>>) semaphore(%run_scoped3A_347 : memref<!tpu.dma_semaphore, #tpu.memory_space<semaphore_mem>>) {add = true}
          %dma_wait3A_354 = arith.constant 0 : i32
          %dma_wait3A_355 = tpu.memref_slice %arg9[%run_scoped3A, %dma_wait3A_354] : memref<8x50xi32, #tpu.memory_space<vmem>> -> memref<1x50xi32, #tpu.memory_space<vmem>>
          %dma_wait3A_356 = tpu.memref_squeeze %dma_wait3A_355 : memref<1x50xi32, #tpu.memory_space<vmem>> -> memref<50xi32, #tpu.memory_space<vmem>>
          %dma_wait3A_357 = arith.constant 0 : i32
          %dma_wait3A_358 = arith.constant 0 : i32
          %dma_wait3A_359 = tpu.memref_slice %arg15[%dma_wait3A_357, %dma_wait3A_358] : memref<10240x128xf32, #tpu.memory_space<vmem_shared>> -> memref<10240x128xf32, #tpu.memory_space<vmem_shared>>
          tpu.wait_indirect_dma semaphore(%run_scoped3A_347 : memref<!tpu.dma_semaphore, #tpu.memory_space<semaphore_mem>>) src(%arg11 : memref<50x128xf32, #tpu.memory_space<vmem>>) dst(%dma_wait3A_359 : memref<10240x128xf32, #tpu.memory_space<vmem_shared>>)
          tpu.yield
        }) : () -> ()
      } else {
      }
      %rem3A_224 = arith.constant 2 : i32
      %rem3A_225 = arith.remsi %scan3A_54, %rem3A_224 : i32
      %eq3A_226 = arith.constant 1 : i32
      %eq3A_227 = arith.cmpi eq, %rem3A_225, %eq3A_226 : i32
      %convert_element_type3A_228 = arith.extui %eq3A_227 : i1 to i32
      %cond3A_229 = arith.constant 0 : i32
      %cond3A_230 = arith.cmpi ne, %convert_element_type3A_228, %cond3A_229 : i32
      scf.if %cond3A_230 {
        %run_scoped3A = arith.constant 4 : i32
        "tpu.region"() ({
          %run_scoped3A_347 = tpu.sem_alloc : memref<!tpu.dma_semaphore, #tpu.memory_space<semaphore_mem>>
          %dma_start3A_348 = arith.constant 0 : i32
          %dma_start3A_349 = tpu.memref_slice %arg10[%run_scoped3A, %dma_start3A_348] : memref<8x50xi32, #tpu.memory_space<vmem>> -> memref<1x50xi32, #tpu.memory_space<vmem>>
          %dma_start3A_350 = tpu.memref_squeeze %dma_start3A_349 : memref<1x50xi32, #tpu.memory_space<vmem>> -> memref<50xi32, #tpu.memory_space<vmem>>
          %dma_start3A_351 = arith.constant 0 : i32
          %dma_start3A_352 = arith.constant 0 : i32
          %dma_start3A_353 = tpu.memref_slice %arg15[%dma_start3A_351, %dma_start3A_352] : memref<10240x128xf32, #tpu.memory_space<vmem_shared>> -> memref<10240x128xf32, #tpu.memory_space<vmem_shared>>
          tpu.enqueue_indirect_dma source(%arg11 : memref<50x128xf32, #tpu.memory_space<vmem>>) target(%dma_start3A_353 : memref<10240x128xf32, #tpu.memory_space<vmem_shared>>) offsets(%dma_start3A_350 : memref<50xi32, #tpu.memory_space<vmem>>) semaphore(%run_scoped3A_347 : memref<!tpu.dma_semaphore, #tpu.memory_space<semaphore_mem>>) {add = true}
          %dma_wait3A_354 = arith.constant 0 : i32
          %dma_wait3A_355 = tpu.memref_slice %arg10[%run_scoped3A, %dma_wait3A_354] : memref<8x50xi32, #tpu.memory_space<vmem>> -> memref<1x50xi32, #tpu.memory_space<vmem>>
          %dma_wait3A_356 = tpu.memref_squeeze %dma_wait3A_355 : memref<1x50xi32, #tpu.memory_space<vmem>> -> memref<50xi32, #tpu.memory_space<vmem>>
          %dma_wait3A_357 = arith.constant 0 : i32
          %dma_wait3A_358 = arith.constant 0 : i32
          %dma_wait3A_359 = tpu.memref_slice %arg15[%dma_wait3A_357, %dma_wait3A_358] : memref<10240x128xf32, #tpu.memory_space<vmem_shared>> -> memref<10240x128xf32, #tpu.memory_space<vmem_shared>>
          tpu.wait_indirect_dma semaphore(%run_scoped3A_347 : memref<!tpu.dma_semaphore, #tpu.memory_space<semaphore_mem>>) src(%arg11 : memref<50x128xf32, #tpu.memory_space<vmem>>) dst(%dma_wait3A_359 : memref<10240x128xf32, #tpu.memory_space<vmem_shared>>)
          tpu.yield
        }) : () -> ()
      } else {
      }
      %add3A_231 = arith.constant 1 : i32
      %add3A_232 = arith.addi %scan3A_54, %add3A_231 : i32
      %lt3A = arith.constant 25 : i32
      %lt3A_233 = arith.cmpi slt, %add3A_232, %lt3A : i32
      %convert_element_type3A_234 = arith.extui %lt3A_233 : i1 to i32
      %cond3A_235 = arith.constant 0 : i32
      %cond3A_236 = arith.cmpi ne, %convert_element_type3A_234, %cond3A_235 : i32
      scf.if %cond3A_236 {
        %dma_wait3A_347 = arith.constant 0 : i32
        %dma_wait3A_348 = tpu.memref_slice %arg3[%multiple_of3A, %dma_wait3A_347] : memref<6400x50xi32, #tpu.memory_space<hbm>> -> memref<8x50xi32, #tpu.memory_space<hbm>>
        %dma_wait3A_349 = arith.constant 0 : i32
        %dma_wait3A_350 = tpu.memref_slice %arg3[%multiple_of3A, %dma_wait3A_349] : memref<6400x50xi32, #tpu.memory_space<hbm>> -> memref<8x50xi32, #tpu.memory_space<hbm>>
        tpu.wait_dma2 semaphore(%arg20 : memref<!tpu.dma_semaphore, #tpu.memory_space<semaphore_mem>>) src(%dma_wait3A_350 : memref<8x50xi32, #tpu.memory_space<hbm>>) dst(%arg8 : memref<8x50xi32, #tpu.memory_space<vmem>>)
        %dma_wait3A_351 = arith.constant 0 : i32
        %dma_wait3A_352 = tpu.memref_slice %arg4[%multiple_of3A, %dma_wait3A_351] : memref<6400x50xi32, #tpu.memory_space<hbm>> -> memref<8x50xi32, #tpu.memory_space<hbm>>
        %dma_wait3A_353 = arith.constant 0 : i32
        %dma_wait3A_354 = tpu.memref_slice %arg4[%multiple_of3A, %dma_wait3A_353] : memref<6400x50xi32, #tpu.memory_space<hbm>> -> memref<8x50xi32, #tpu.memory_space<hbm>>
        tpu.wait_dma2 semaphore(%arg20 : memref<!tpu.dma_semaphore, #tpu.memory_space<semaphore_mem>>) src(%dma_wait3A_354 : memref<8x50xi32, #tpu.memory_space<hbm>>) dst(%arg10 : memref<8x50xi32, #tpu.memory_space<vmem>>)
      } else {
      }
      %add3A_237 = arith.constant 1 : i32
      %add3A_238 = arith.addi %scan3A_54, %add3A_237 : i32
      %lt3A_239 = arith.constant 25 : i32
      %lt3A_240 = arith.cmpi slt, %add3A_238, %lt3A_239 : i32
      %convert_element_type3A_241 = arith.extui %lt3A_240 : i1 to i32
      %cond3A_242 = arith.constant 0 : i32
      %cond3A_243 = arith.cmpi ne, %convert_element_type3A_241, %cond3A_242 : i32
      scf.if %cond3A_243 {
        %add3A_347 = arith.constant 1 : i32
        %add3A_348 = arith.addi %scan3A_54, %add3A_347 : i32
        %rem3A_349 = arith.constant 2 : i32
        %rem3A_350 = arith.remsi %add3A_348, %rem3A_349 : i32
        %eq3A_351 = arith.constant 0 : i32
        %eq3A_352 = arith.cmpi eq, %rem3A_350, %eq3A_351 : i32
        %convert_element_type3A_353 = arith.extui %eq3A_352 : i1 to i32
        %cond3A_354 = arith.constant 0 : i32
        %cond3A_355 = arith.cmpi ne, %convert_element_type3A_353, %cond3A_354 : i32
        scf.if %cond3A_355 {
          %dma_start3A_365 = arith.constant 0 : i32
          %dma_start3A_366 = arith.constant 0 : i32
          %dma_start3A_367 = tpu.memref_slice %arg7[%dma_start3A_365, %dma_start3A_366] : memref<8x50xi32, #tpu.memory_space<vmem>> -> memref<1x50xi32, #tpu.memory_space<vmem>>
          %dma_start3A_368 = tpu.memref_squeeze %dma_start3A_367 : memref<1x50xi32, #tpu.memory_space<vmem>> -> memref<50xi32, #tpu.memory_space<vmem>>
          %dma_start3A_369 = arith.constant 0 : i32
          %dma_start3A_370 = arith.constant 0 : i32
          %dma_start3A_371 = tpu.memref_slice %arg2[%dma_start3A_369, %dma_start3A_370] : memref<10000x128xf32, #tpu.memory_space<hbm>> -> memref<10000x128xf32, #tpu.memory_space<hbm>>
          tpu.enqueue_indirect_dma source(%dma_start3A_371 : memref<10000x128xf32, #tpu.memory_space<hbm>>) target(%arg11 : memref<50x128xf32, #tpu.memory_space<vmem>>) offsets(%dma_start3A_368 : memref<50xi32, #tpu.memory_space<vmem>>) semaphore(%arg16 : memref<!tpu.dma_semaphore, #tpu.memory_space<semaphore_mem>>)
        } else {
        }
        %add3A_356 = arith.constant 1 : i32
        %add3A_357 = arith.addi %scan3A_54, %add3A_356 : i32
        %rem3A_358 = arith.constant 2 : i32
        %rem3A_359 = arith.remsi %add3A_357, %rem3A_358 : i32
        %eq3A_360 = arith.constant 1 : i32
        %eq3A_361 = arith.cmpi eq, %rem3A_359, %eq3A_360 : i32
        %convert_element_type3A_362 = arith.extui %eq3A_361 : i1 to i32
        %cond3A_363 = arith.constant 0 : i32
        %cond3A_364 = arith.cmpi ne, %convert_element_type3A_362, %cond3A_363 : i32
        scf.if %cond3A_364 {
          %dma_start3A_365 = arith.constant 0 : i32
          %dma_start3A_366 = arith.constant 0 : i32
          %dma_start3A_367 = tpu.memref_slice %arg8[%dma_start3A_365, %dma_start3A_366] : memref<8x50xi32, #tpu.memory_space<vmem>> -> memref<1x50xi32, #tpu.memory_space<vmem>>
          %dma_start3A_368 = tpu.memref_squeeze %dma_start3A_367 : memref<1x50xi32, #tpu.memory_space<vmem>> -> memref<50xi32, #tpu.memory_space<vmem>>
          %dma_start3A_369 = arith.constant 0 : i32
          %dma_start3A_370 = arith.constant 0 : i32
          %dma_start3A_371 = tpu.memref_slice %arg2[%dma_start3A_369, %dma_start3A_370] : memref<10000x128xf32, #tpu.memory_space<hbm>> -> memref<10000x128xf32, #tpu.memory_space<hbm>>
          tpu.enqueue_indirect_dma source(%dma_start3A_371 : memref<10000x128xf32, #tpu.memory_space<hbm>>) target(%arg11 : memref<50x128xf32, #tpu.memory_space<vmem>>) offsets(%dma_start3A_368 : memref<50xi32, #tpu.memory_space<vmem>>) semaphore(%arg16 : memref<!tpu.dma_semaphore, #tpu.memory_space<semaphore_mem>>)
        } else {
        }
      } else {
      }
      %mul3A_244 = arith.constant 8 : i32
      %mul3A_245 = arith.muli %scan3A_54, %mul3A_244 : i32
      %add3A_246 = arith.constant 5 : i32
      %add3A_247 = arith.addi %mul3A_245, %add3A_246 : i32
      %dma_wait3A_248 = arith.constant 5 : i32
      %dma_wait3A_249 = arith.constant 0 : i32
      %dma_wait3A_250 = tpu.memref_slice %arg7[%dma_wait3A_248, %dma_wait3A_249] : memref<8x50xi32, #tpu.memory_space<vmem>> -> memref<1x50xi32, #tpu.memory_space<vmem>>
      %dma_wait3A_251 = tpu.memref_squeeze %dma_wait3A_250 : memref<1x50xi32, #tpu.memory_space<vmem>> -> memref<50xi32, #tpu.memory_space<vmem>>
      %dma_wait3A_252 = arith.constant 0 : i32
      %dma_wait3A_253 = arith.constant 0 : i32
      %dma_wait3A_254 = tpu.memref_slice %arg2[%dma_wait3A_252, %dma_wait3A_253] : memref<10000x128xf32, #tpu.memory_space<hbm>> -> memref<10000x128xf32, #tpu.memory_space<hbm>>
      tpu.wait_indirect_dma semaphore(%arg17 : memref<!tpu.dma_semaphore, #tpu.memory_space<semaphore_mem>>) src(%dma_wait3A_254 : memref<10000x128xf32, #tpu.memory_space<hbm>>) dst(%arg12 : memref<50x128xf32, #tpu.memory_space<vmem>>)
      %rem3A_255 = arith.constant 2 : i32
      %rem3A_256 = arith.remsi %scan3A_54, %rem3A_255 : i32
      %eq3A_257 = arith.constant 0 : i32
      %eq3A_258 = arith.cmpi eq, %rem3A_256, %eq3A_257 : i32
      %convert_element_type3A_259 = arith.extui %eq3A_258 : i1 to i32
      %cond3A_260 = arith.constant 0 : i32
      %cond3A_261 = arith.cmpi ne, %convert_element_type3A_259, %cond3A_260 : i32
      scf.if %cond3A_261 {
        %run_scoped3A = arith.constant 5 : i32
        "tpu.region"() ({
          %run_scoped3A_347 = tpu.sem_alloc : memref<!tpu.dma_semaphore, #tpu.memory_space<semaphore_mem>>
          %dma_start3A_348 = arith.constant 0 : i32
          %dma_start3A_349 = tpu.memref_slice %arg9[%run_scoped3A, %dma_start3A_348] : memref<8x50xi32, #tpu.memory_space<vmem>> -> memref<1x50xi32, #tpu.memory_space<vmem>>
          %dma_start3A_350 = tpu.memref_squeeze %dma_start3A_349 : memref<1x50xi32, #tpu.memory_space<vmem>> -> memref<50xi32, #tpu.memory_space<vmem>>
          %dma_start3A_351 = arith.constant 0 : i32
          %dma_start3A_352 = arith.constant 0 : i32
          %dma_start3A_353 = tpu.memref_slice %arg15[%dma_start3A_351, %dma_start3A_352] : memref<10240x128xf32, #tpu.memory_space<vmem_shared>> -> memref<10240x128xf32, #tpu.memory_space<vmem_shared>>
          tpu.enqueue_indirect_dma source(%arg12 : memref<50x128xf32, #tpu.memory_space<vmem>>) target(%dma_start3A_353 : memref<10240x128xf32, #tpu.memory_space<vmem_shared>>) offsets(%dma_start3A_350 : memref<50xi32, #tpu.memory_space<vmem>>) semaphore(%run_scoped3A_347 : memref<!tpu.dma_semaphore, #tpu.memory_space<semaphore_mem>>) {add = true}
          %dma_wait3A_354 = arith.constant 0 : i32
          %dma_wait3A_355 = tpu.memref_slice %arg9[%run_scoped3A, %dma_wait3A_354] : memref<8x50xi32, #tpu.memory_space<vmem>> -> memref<1x50xi32, #tpu.memory_space<vmem>>
          %dma_wait3A_356 = tpu.memref_squeeze %dma_wait3A_355 : memref<1x50xi32, #tpu.memory_space<vmem>> -> memref<50xi32, #tpu.memory_space<vmem>>
          %dma_wait3A_357 = arith.constant 0 : i32
          %dma_wait3A_358 = arith.constant 0 : i32
          %dma_wait3A_359 = tpu.memref_slice %arg15[%dma_wait3A_357, %dma_wait3A_358] : memref<10240x128xf32, #tpu.memory_space<vmem_shared>> -> memref<10240x128xf32, #tpu.memory_space<vmem_shared>>
          tpu.wait_indirect_dma semaphore(%run_scoped3A_347 : memref<!tpu.dma_semaphore, #tpu.memory_space<semaphore_mem>>) src(%arg12 : memref<50x128xf32, #tpu.memory_space<vmem>>) dst(%dma_wait3A_359 : memref<10240x128xf32, #tpu.memory_space<vmem_shared>>)
          tpu.yield
        }) : () -> ()
      } else {
      }
      %rem3A_262 = arith.constant 2 : i32
      %rem3A_263 = arith.remsi %scan3A_54, %rem3A_262 : i32
      %eq3A_264 = arith.constant 1 : i32
      %eq3A_265 = arith.cmpi eq, %rem3A_263, %eq3A_264 : i32
      %convert_element_type3A_266 = arith.extui %eq3A_265 : i1 to i32
      %cond3A_267 = arith.constant 0 : i32
      %cond3A_268 = arith.cmpi ne, %convert_element_type3A_266, %cond3A_267 : i32
      scf.if %cond3A_268 {
        %run_scoped3A = arith.constant 5 : i32
        "tpu.region"() ({
          %run_scoped3A_347 = tpu.sem_alloc : memref<!tpu.dma_semaphore, #tpu.memory_space<semaphore_mem>>
          %dma_start3A_348 = arith.constant 0 : i32
          %dma_start3A_349 = tpu.memref_slice %arg10[%run_scoped3A, %dma_start3A_348] : memref<8x50xi32, #tpu.memory_space<vmem>> -> memref<1x50xi32, #tpu.memory_space<vmem>>
          %dma_start3A_350 = tpu.memref_squeeze %dma_start3A_349 : memref<1x50xi32, #tpu.memory_space<vmem>> -> memref<50xi32, #tpu.memory_space<vmem>>
          %dma_start3A_351 = arith.constant 0 : i32
          %dma_start3A_352 = arith.constant 0 : i32
          %dma_start3A_353 = tpu.memref_slice %arg15[%dma_start3A_351, %dma_start3A_352] : memref<10240x128xf32, #tpu.memory_space<vmem_shared>> -> memref<10240x128xf32, #tpu.memory_space<vmem_shared>>
          tpu.enqueue_indirect_dma source(%arg12 : memref<50x128xf32, #tpu.memory_space<vmem>>) target(%dma_start3A_353 : memref<10240x128xf32, #tpu.memory_space<vmem_shared>>) offsets(%dma_start3A_350 : memref<50xi32, #tpu.memory_space<vmem>>) semaphore(%run_scoped3A_347 : memref<!tpu.dma_semaphore, #tpu.memory_space<semaphore_mem>>) {add = true}
          %dma_wait3A_354 = arith.constant 0 : i32
          %dma_wait3A_355 = tpu.memref_slice %arg10[%run_scoped3A, %dma_wait3A_354] : memref<8x50xi32, #tpu.memory_space<vmem>> -> memref<1x50xi32, #tpu.memory_space<vmem>>
          %dma_wait3A_356 = tpu.memref_squeeze %dma_wait3A_355 : memref<1x50xi32, #tpu.memory_space<vmem>> -> memref<50xi32, #tpu.memory_space<vmem>>
          %dma_wait3A_357 = arith.constant 0 : i32
          %dma_wait3A_358 = arith.constant 0 : i32
          %dma_wait3A_359 = tpu.memref_slice %arg15[%dma_wait3A_357, %dma_wait3A_358] : memref<10240x128xf32, #tpu.memory_space<vmem_shared>> -> memref<10240x128xf32, #tpu.memory_space<vmem_shared>>
          tpu.wait_indirect_dma semaphore(%run_scoped3A_347 : memref<!tpu.dma_semaphore, #tpu.memory_space<semaphore_mem>>) src(%arg12 : memref<50x128xf32, #tpu.memory_space<vmem>>) dst(%dma_wait3A_359 : memref<10240x128xf32, #tpu.memory_space<vmem_shared>>)
          tpu.yield
        }) : () -> ()
      } else {
      }
      %add3A_269 = arith.constant 1 : i32
      %add3A_270 = arith.addi %scan3A_54, %add3A_269 : i32
      %lt3A_271 = arith.constant 25 : i32
      %lt3A_272 = arith.cmpi slt, %add3A_270, %lt3A_271 : i32
      %convert_element_type3A_273 = arith.extui %lt3A_272 : i1 to i32
      %cond3A_274 = arith.constant 0 : i32
      %cond3A_275 = arith.cmpi ne, %convert_element_type3A_273, %cond3A_274 : i32
      scf.if %cond3A_275 {
        %add3A_347 = arith.constant 1 : i32
        %add3A_348 = arith.addi %scan3A_54, %add3A_347 : i32
        %rem3A_349 = arith.constant 2 : i32
        %rem3A_350 = arith.remsi %add3A_348, %rem3A_349 : i32
        %eq3A_351 = arith.constant 0 : i32
        %eq3A_352 = arith.cmpi eq, %rem3A_350, %eq3A_351 : i32
        %convert_element_type3A_353 = arith.extui %eq3A_352 : i1 to i32
        %cond3A_354 = arith.constant 0 : i32
        %cond3A_355 = arith.cmpi ne, %convert_element_type3A_353, %cond3A_354 : i32
        scf.if %cond3A_355 {
          %dma_start3A_365 = arith.constant 1 : i32
          %dma_start3A_366 = arith.constant 0 : i32
          %dma_start3A_367 = tpu.memref_slice %arg7[%dma_start3A_365, %dma_start3A_366] : memref<8x50xi32, #tpu.memory_space<vmem>> -> memref<1x50xi32, #tpu.memory_space<vmem>>
          %dma_start3A_368 = tpu.memref_squeeze %dma_start3A_367 : memref<1x50xi32, #tpu.memory_space<vmem>> -> memref<50xi32, #tpu.memory_space<vmem>>
          %dma_start3A_369 = arith.constant 0 : i32
          %dma_start3A_370 = arith.constant 0 : i32
          %dma_start3A_371 = tpu.memref_slice %arg2[%dma_start3A_369, %dma_start3A_370] : memref<10000x128xf32, #tpu.memory_space<hbm>> -> memref<10000x128xf32, #tpu.memory_space<hbm>>
          tpu.enqueue_indirect_dma source(%dma_start3A_371 : memref<10000x128xf32, #tpu.memory_space<hbm>>) target(%arg12 : memref<50x128xf32, #tpu.memory_space<vmem>>) offsets(%dma_start3A_368 : memref<50xi32, #tpu.memory_space<vmem>>) semaphore(%arg17 : memref<!tpu.dma_semaphore, #tpu.memory_space<semaphore_mem>>)
        } else {
        }
        %add3A_356 = arith.constant 1 : i32
        %add3A_357 = arith.addi %scan3A_54, %add3A_356 : i32
        %rem3A_358 = arith.constant 2 : i32
        %rem3A_359 = arith.remsi %add3A_357, %rem3A_358 : i32
        %eq3A_360 = arith.constant 1 : i32
        %eq3A_361 = arith.cmpi eq, %rem3A_359, %eq3A_360 : i32
        %convert_element_type3A_362 = arith.extui %eq3A_361 : i1 to i32
        %cond3A_363 = arith.constant 0 : i32
        %cond3A_364 = arith.cmpi ne, %convert_element_type3A_362, %cond3A_363 : i32
        scf.if %cond3A_364 {
          %dma_start3A_365 = arith.constant 1 : i32
          %dma_start3A_366 = arith.constant 0 : i32
          %dma_start3A_367 = tpu.memref_slice %arg8[%dma_start3A_365, %dma_start3A_366] : memref<8x50xi32, #tpu.memory_space<vmem>> -> memref<1x50xi32, #tpu.memory_space<vmem>>
          %dma_start3A_368 = tpu.memref_squeeze %dma_start3A_367 : memref<1x50xi32, #tpu.memory_space<vmem>> -> memref<50xi32, #tpu.memory_space<vmem>>
          %dma_start3A_369 = arith.constant 0 : i32
          %dma_start3A_370 = arith.constant 0 : i32
          %dma_start3A_371 = tpu.memref_slice %arg2[%dma_start3A_369, %dma_start3A_370] : memref<10000x128xf32, #tpu.memory_space<hbm>> -> memref<10000x128xf32, #tpu.memory_space<hbm>>
          tpu.enqueue_indirect_dma source(%dma_start3A_371 : memref<10000x128xf32, #tpu.memory_space<hbm>>) target(%arg12 : memref<50x128xf32, #tpu.memory_space<vmem>>) offsets(%dma_start3A_368 : memref<50xi32, #tpu.memory_space<vmem>>) semaphore(%arg17 : memref<!tpu.dma_semaphore, #tpu.memory_space<semaphore_mem>>)
        } else {
        }
      } else {
      }
      %mul3A_276 = arith.constant 8 : i32
      %mul3A_277 = arith.muli %scan3A_54, %mul3A_276 : i32
      %add3A_278 = arith.constant 6 : i32
      %add3A_279 = arith.addi %mul3A_277, %add3A_278 : i32
      %dma_wait3A_280 = arith.constant 6 : i32
      %dma_wait3A_281 = arith.constant 0 : i32
      %dma_wait3A_282 = tpu.memref_slice %arg7[%dma_wait3A_280, %dma_wait3A_281] : memref<8x50xi32, #tpu.memory_space<vmem>> -> memref<1x50xi32, #tpu.memory_space<vmem>>
      %dma_wait3A_283 = tpu.memref_squeeze %dma_wait3A_282 : memref<1x50xi32, #tpu.memory_space<vmem>> -> memref<50xi32, #tpu.memory_space<vmem>>
      %dma_wait3A_284 = arith.constant 0 : i32
      %dma_wait3A_285 = arith.constant 0 : i32
      %dma_wait3A_286 = tpu.memref_slice %arg2[%dma_wait3A_284, %dma_wait3A_285] : memref<10000x128xf32, #tpu.memory_space<hbm>> -> memref<10000x128xf32, #tpu.memory_space<hbm>>
      tpu.wait_indirect_dma semaphore(%arg18 : memref<!tpu.dma_semaphore, #tpu.memory_space<semaphore_mem>>) src(%dma_wait3A_286 : memref<10000x128xf32, #tpu.memory_space<hbm>>) dst(%arg13 : memref<50x128xf32, #tpu.memory_space<vmem>>)
      %rem3A_287 = arith.constant 2 : i32
      %rem3A_288 = arith.remsi %scan3A_54, %rem3A_287 : i32
      %eq3A_289 = arith.constant 0 : i32
      %eq3A_290 = arith.cmpi eq, %rem3A_288, %eq3A_289 : i32
      %convert_element_type3A_291 = arith.extui %eq3A_290 : i1 to i32
      %cond3A_292 = arith.constant 0 : i32
      %cond3A_293 = arith.cmpi ne, %convert_element_type3A_291, %cond3A_292 : i32
      scf.if %cond3A_293 {
        %run_scoped3A = arith.constant 6 : i32
        "tpu.region"() ({
          %run_scoped3A_347 = tpu.sem_alloc : memref<!tpu.dma_semaphore, #tpu.memory_space<semaphore_mem>>
          %dma_start3A_348 = arith.constant 0 : i32
          %dma_start3A_349 = tpu.memref_slice %arg9[%run_scoped3A, %dma_start3A_348] : memref<8x50xi32, #tpu.memory_space<vmem>> -> memref<1x50xi32, #tpu.memory_space<vmem>>
          %dma_start3A_350 = tpu.memref_squeeze %dma_start3A_349 : memref<1x50xi32, #tpu.memory_space<vmem>> -> memref<50xi32, #tpu.memory_space<vmem>>
          %dma_start3A_351 = arith.constant 0 : i32
          %dma_start3A_352 = arith.constant 0 : i32
          %dma_start3A_353 = tpu.memref_slice %arg15[%dma_start3A_351, %dma_start3A_352] : memref<10240x128xf32, #tpu.memory_space<vmem_shared>> -> memref<10240x128xf32, #tpu.memory_space<vmem_shared>>
          tpu.enqueue_indirect_dma source(%arg13 : memref<50x128xf32, #tpu.memory_space<vmem>>) target(%dma_start3A_353 : memref<10240x128xf32, #tpu.memory_space<vmem_shared>>) offsets(%dma_start3A_350 : memref<50xi32, #tpu.memory_space<vmem>>) semaphore(%run_scoped3A_347 : memref<!tpu.dma_semaphore, #tpu.memory_space<semaphore_mem>>) {add = true}
          %dma_wait3A_354 = arith.constant 0 : i32
          %dma_wait3A_355 = tpu.memref_slice %arg9[%run_scoped3A, %dma_wait3A_354] : memref<8x50xi32, #tpu.memory_space<vmem>> -> memref<1x50xi32, #tpu.memory_space<vmem>>
          %dma_wait3A_356 = tpu.memref_squeeze %dma_wait3A_355 : memref<1x50xi32, #tpu.memory_space<vmem>> -> memref<50xi32, #tpu.memory_space<vmem>>
          %dma_wait3A_357 = arith.constant 0 : i32
          %dma_wait3A_358 = arith.constant 0 : i32
          %dma_wait3A_359 = tpu.memref_slice %arg15[%dma_wait3A_357, %dma_wait3A_358] : memref<10240x128xf32, #tpu.memory_space<vmem_shared>> -> memref<10240x128xf32, #tpu.memory_space<vmem_shared>>
          tpu.wait_indirect_dma semaphore(%run_scoped3A_347 : memref<!tpu.dma_semaphore, #tpu.memory_space<semaphore_mem>>) src(%arg13 : memref<50x128xf32, #tpu.memory_space<vmem>>) dst(%dma_wait3A_359 : memref<10240x128xf32, #tpu.memory_space<vmem_shared>>)
          tpu.yield
        }) : () -> ()
      } else {
      }
      %rem3A_294 = arith.constant 2 : i32
      %rem3A_295 = arith.remsi %scan3A_54, %rem3A_294 : i32
      %eq3A_296 = arith.constant 1 : i32
      %eq3A_297 = arith.cmpi eq, %rem3A_295, %eq3A_296 : i32
      %convert_element_type3A_298 = arith.extui %eq3A_297 : i1 to i32
      %cond3A_299 = arith.constant 0 : i32
      %cond3A_300 = arith.cmpi ne, %convert_element_type3A_298, %cond3A_299 : i32
      scf.if %cond3A_300 {
        %run_scoped3A = arith.constant 6 : i32
        "tpu.region"() ({
          %run_scoped3A_347 = tpu.sem_alloc : memref<!tpu.dma_semaphore, #tpu.memory_space<semaphore_mem>>
          %dma_start3A_348 = arith.constant 0 : i32
          %dma_start3A_349 = tpu.memref_slice %arg10[%run_scoped3A, %dma_start3A_348] : memref<8x50xi32, #tpu.memory_space<vmem>> -> memref<1x50xi32, #tpu.memory_space<vmem>>
          %dma_start3A_350 = tpu.memref_squeeze %dma_start3A_349 : memref<1x50xi32, #tpu.memory_space<vmem>> -> memref<50xi32, #tpu.memory_space<vmem>>
          %dma_start3A_351 = arith.constant 0 : i32
          %dma_start3A_352 = arith.constant 0 : i32
          %dma_start3A_353 = tpu.memref_slice %arg15[%dma_start3A_351, %dma_start3A_352] : memref<10240x128xf32, #tpu.memory_space<vmem_shared>> -> memref<10240x128xf32, #tpu.memory_space<vmem_shared>>
          tpu.enqueue_indirect_dma source(%arg13 : memref<50x128xf32, #tpu.memory_space<vmem>>) target(%dma_start3A_353 : memref<10240x128xf32, #tpu.memory_space<vmem_shared>>) offsets(%dma_start3A_350 : memref<50xi32, #tpu.memory_space<vmem>>) semaphore(%run_scoped3A_347 : memref<!tpu.dma_semaphore, #tpu.memory_space<semaphore_mem>>) {add = true}
          %dma_wait3A_354 = arith.constant 0 : i32
          %dma_wait3A_355 = tpu.memref_slice %arg10[%run_scoped3A, %dma_wait3A_354] : memref<8x50xi32, #tpu.memory_space<vmem>> -> memref<1x50xi32, #tpu.memory_space<vmem>>
          %dma_wait3A_356 = tpu.memref_squeeze %dma_wait3A_355 : memref<1x50xi32, #tpu.memory_space<vmem>> -> memref<50xi32, #tpu.memory_space<vmem>>
          %dma_wait3A_357 = arith.constant 0 : i32
          %dma_wait3A_358 = arith.constant 0 : i32
          %dma_wait3A_359 = tpu.memref_slice %arg15[%dma_wait3A_357, %dma_wait3A_358] : memref<10240x128xf32, #tpu.memory_space<vmem_shared>> -> memref<10240x128xf32, #tpu.memory_space<vmem_shared>>
          tpu.wait_indirect_dma semaphore(%run_scoped3A_347 : memref<!tpu.dma_semaphore, #tpu.memory_space<semaphore_mem>>) src(%arg13 : memref<50x128xf32, #tpu.memory_space<vmem>>) dst(%dma_wait3A_359 : memref<10240x128xf32, #tpu.memory_space<vmem_shared>>)
          tpu.yield
        }) : () -> ()
      } else {
      }
      %add3A_301 = arith.constant 1 : i32
      %add3A_302 = arith.addi %scan3A_54, %add3A_301 : i32
      %lt3A_303 = arith.constant 25 : i32
      %lt3A_304 = arith.cmpi slt, %add3A_302, %lt3A_303 : i32
      %convert_element_type3A_305 = arith.extui %lt3A_304 : i1 to i32
      %cond3A_306 = arith.constant 0 : i32
      %cond3A_307 = arith.cmpi ne, %convert_element_type3A_305, %cond3A_306 : i32
      scf.if %cond3A_307 {
        %add3A_347 = arith.constant 1 : i32
        %add3A_348 = arith.addi %scan3A_54, %add3A_347 : i32
        %rem3A_349 = arith.constant 2 : i32
        %rem3A_350 = arith.remsi %add3A_348, %rem3A_349 : i32
        %eq3A_351 = arith.constant 0 : i32
        %eq3A_352 = arith.cmpi eq, %rem3A_350, %eq3A_351 : i32
        %convert_element_type3A_353 = arith.extui %eq3A_352 : i1 to i32
        %cond3A_354 = arith.constant 0 : i32
        %cond3A_355 = arith.cmpi ne, %convert_element_type3A_353, %cond3A_354 : i32
        scf.if %cond3A_355 {
          %dma_start3A_365 = arith.constant 2 : i32
          %dma_start3A_366 = arith.constant 0 : i32
          %dma_start3A_367 = tpu.memref_slice %arg7[%dma_start3A_365, %dma_start3A_366] : memref<8x50xi32, #tpu.memory_space<vmem>> -> memref<1x50xi32, #tpu.memory_space<vmem>>
          %dma_start3A_368 = tpu.memref_squeeze %dma_start3A_367 : memref<1x50xi32, #tpu.memory_space<vmem>> -> memref<50xi32, #tpu.memory_space<vmem>>
          %dma_start3A_369 = arith.constant 0 : i32
          %dma_start3A_370 = arith.constant 0 : i32
          %dma_start3A_371 = tpu.memref_slice %arg2[%dma_start3A_369, %dma_start3A_370] : memref<10000x128xf32, #tpu.memory_space<hbm>> -> memref<10000x128xf32, #tpu.memory_space<hbm>>
          tpu.enqueue_indirect_dma source(%dma_start3A_371 : memref<10000x128xf32, #tpu.memory_space<hbm>>) target(%arg13 : memref<50x128xf32, #tpu.memory_space<vmem>>) offsets(%dma_start3A_368 : memref<50xi32, #tpu.memory_space<vmem>>) semaphore(%arg18 : memref<!tpu.dma_semaphore, #tpu.memory_space<semaphore_mem>>)
        } else {
        }
        %add3A_356 = arith.constant 1 : i32
        %add3A_357 = arith.addi %scan3A_54, %add3A_356 : i32
        %rem3A_358 = arith.constant 2 : i32
        %rem3A_359 = arith.remsi %add3A_357, %rem3A_358 : i32
        %eq3A_360 = arith.constant 1 : i32
        %eq3A_361 = arith.cmpi eq, %rem3A_359, %eq3A_360 : i32
        %convert_element_type3A_362 = arith.extui %eq3A_361 : i1 to i32
        %cond3A_363 = arith.constant 0 : i32
        %cond3A_364 = arith.cmpi ne, %convert_element_type3A_362, %cond3A_363 : i32
        scf.if %cond3A_364 {
          %dma_start3A_365 = arith.constant 2 : i32
          %dma_start3A_366 = arith.constant 0 : i32
          %dma_start3A_367 = tpu.memref_slice %arg8[%dma_start3A_365, %dma_start3A_366] : memref<8x50xi32, #tpu.memory_space<vmem>> -> memref<1x50xi32, #tpu.memory_space<vmem>>
          %dma_start3A_368 = tpu.memref_squeeze %dma_start3A_367 : memref<1x50xi32, #tpu.memory_space<vmem>> -> memref<50xi32, #tpu.memory_space<vmem>>
          %dma_start3A_369 = arith.constant 0 : i32
          %dma_start3A_370 = arith.constant 0 : i32
          %dma_start3A_371 = tpu.memref_slice %arg2[%dma_start3A_369, %dma_start3A_370] : memref<10000x128xf32, #tpu.memory_space<hbm>> -> memref<10000x128xf32, #tpu.memory_space<hbm>>
          tpu.enqueue_indirect_dma source(%dma_start3A_371 : memref<10000x128xf32, #tpu.memory_space<hbm>>) target(%arg13 : memref<50x128xf32, #tpu.memory_space<vmem>>) offsets(%dma_start3A_368 : memref<50xi32, #tpu.memory_space<vmem>>) semaphore(%arg18 : memref<!tpu.dma_semaphore, #tpu.memory_space<semaphore_mem>>)
        } else {
        }
      } else {
      }
      %mul3A_308 = arith.constant 8 : i32
      %mul3A_309 = arith.muli %scan3A_54, %mul3A_308 : i32
      %add3A_310 = arith.constant 7 : i32
      %add3A_311 = arith.addi %mul3A_309, %add3A_310 : i32
      %dma_wait3A_312 = arith.constant 7 : i32
      %dma_wait3A_313 = arith.constant 0 : i32
      %dma_wait3A_314 = tpu.memref_slice %arg7[%dma_wait3A_312, %dma_wait3A_313] : memref<8x50xi32, #tpu.memory_space<vmem>> -> memref<1x50xi32, #tpu.memory_space<vmem>>
      %dma_wait3A_315 = tpu.memref_squeeze %dma_wait3A_314 : memref<1x50xi32, #tpu.memory_space<vmem>> -> memref<50xi32, #tpu.memory_space<vmem>>
      %dma_wait3A_316 = arith.constant 0 : i32
      %dma_wait3A_317 = arith.constant 0 : i32
      %dma_wait3A_318 = tpu.memref_slice %arg2[%dma_wait3A_316, %dma_wait3A_317] : memref<10000x128xf32, #tpu.memory_space<hbm>> -> memref<10000x128xf32, #tpu.memory_space<hbm>>
      tpu.wait_indirect_dma semaphore(%arg19 : memref<!tpu.dma_semaphore, #tpu.memory_space<semaphore_mem>>) src(%dma_wait3A_318 : memref<10000x128xf32, #tpu.memory_space<hbm>>) dst(%arg14 : memref<50x128xf32, #tpu.memory_space<vmem>>)
      %rem3A_319 = arith.constant 2 : i32
      %rem3A_320 = arith.remsi %scan3A_54, %rem3A_319 : i32
      %eq3A_321 = arith.constant 0 : i32
      %eq3A_322 = arith.cmpi eq, %rem3A_320, %eq3A_321 : i32
      %convert_element_type3A_323 = arith.extui %eq3A_322 : i1 to i32
      %cond3A_324 = arith.constant 0 : i32
      %cond3A_325 = arith.cmpi ne, %convert_element_type3A_323, %cond3A_324 : i32
      scf.if %cond3A_325 {
        %run_scoped3A = arith.constant 7 : i32
        "tpu.region"() ({
          %run_scoped3A_347 = tpu.sem_alloc : memref<!tpu.dma_semaphore, #tpu.memory_space<semaphore_mem>>
          %dma_start3A_348 = arith.constant 0 : i32
          %dma_start3A_349 = tpu.memref_slice %arg9[%run_scoped3A, %dma_start3A_348] : memref<8x50xi32, #tpu.memory_space<vmem>> -> memref<1x50xi32, #tpu.memory_space<vmem>>
          %dma_start3A_350 = tpu.memref_squeeze %dma_start3A_349 : memref<1x50xi32, #tpu.memory_space<vmem>> -> memref<50xi32, #tpu.memory_space<vmem>>
          %dma_start3A_351 = arith.constant 0 : i32
          %dma_start3A_352 = arith.constant 0 : i32
          %dma_start3A_353 = tpu.memref_slice %arg15[%dma_start3A_351, %dma_start3A_352] : memref<10240x128xf32, #tpu.memory_space<vmem_shared>> -> memref<10240x128xf32, #tpu.memory_space<vmem_shared>>
          tpu.enqueue_indirect_dma source(%arg14 : memref<50x128xf32, #tpu.memory_space<vmem>>) target(%dma_start3A_353 : memref<10240x128xf32, #tpu.memory_space<vmem_shared>>) offsets(%dma_start3A_350 : memref<50xi32, #tpu.memory_space<vmem>>) semaphore(%run_scoped3A_347 : memref<!tpu.dma_semaphore, #tpu.memory_space<semaphore_mem>>) {add = true}
          %dma_wait3A_354 = arith.constant 0 : i32
          %dma_wait3A_355 = tpu.memref_slice %arg9[%run_scoped3A, %dma_wait3A_354] : memref<8x50xi32, #tpu.memory_space<vmem>> -> memref<1x50xi32, #tpu.memory_space<vmem>>
          %dma_wait3A_356 = tpu.memref_squeeze %dma_wait3A_355 : memref<1x50xi32, #tpu.memory_space<vmem>> -> memref<50xi32, #tpu.memory_space<vmem>>
          %dma_wait3A_357 = arith.constant 0 : i32
          %dma_wait3A_358 = arith.constant 0 : i32
          %dma_wait3A_359 = tpu.memref_slice %arg15[%dma_wait3A_357, %dma_wait3A_358] : memref<10240x128xf32, #tpu.memory_space<vmem_shared>> -> memref<10240x128xf32, #tpu.memory_space<vmem_shared>>
          tpu.wait_indirect_dma semaphore(%run_scoped3A_347 : memref<!tpu.dma_semaphore, #tpu.memory_space<semaphore_mem>>) src(%arg14 : memref<50x128xf32, #tpu.memory_space<vmem>>) dst(%dma_wait3A_359 : memref<10240x128xf32, #tpu.memory_space<vmem_shared>>)
          tpu.yield
        }) : () -> ()
      } else {
      }
      %rem3A_326 = arith.constant 2 : i32
      %rem3A_327 = arith.remsi %scan3A_54, %rem3A_326 : i32
      %eq3A_328 = arith.constant 1 : i32
      %eq3A_329 = arith.cmpi eq, %rem3A_327, %eq3A_328 : i32
      %convert_element_type3A_330 = arith.extui %eq3A_329 : i1 to i32
      %cond3A_331 = arith.constant 0 : i32
      %cond3A_332 = arith.cmpi ne, %convert_element_type3A_330, %cond3A_331 : i32
      scf.if %cond3A_332 {
        %run_scoped3A = arith.constant 7 : i32
        "tpu.region"() ({
          %run_scoped3A_347 = tpu.sem_alloc : memref<!tpu.dma_semaphore, #tpu.memory_space<semaphore_mem>>
          %dma_start3A_348 = arith.constant 0 : i32
          %dma_start3A_349 = tpu.memref_slice %arg10[%run_scoped3A, %dma_start3A_348] : memref<8x50xi32, #tpu.memory_space<vmem>> -> memref<1x50xi32, #tpu.memory_space<vmem>>
          %dma_start3A_350 = tpu.memref_squeeze %dma_start3A_349 : memref<1x50xi32, #tpu.memory_space<vmem>> -> memref<50xi32, #tpu.memory_space<vmem>>
          %dma_start3A_351 = arith.constant 0 : i32
          %dma_start3A_352 = arith.constant 0 : i32
          %dma_start3A_353 = tpu.memref_slice %arg15[%dma_start3A_351, %dma_start3A_352] : memref<10240x128xf32, #tpu.memory_space<vmem_shared>> -> memref<10240x128xf32, #tpu.memory_space<vmem_shared>>
          tpu.enqueue_indirect_dma source(%arg14 : memref<50x128xf32, #tpu.memory_space<vmem>>) target(%dma_start3A_353 : memref<10240x128xf32, #tpu.memory_space<vmem_shared>>) offsets(%dma_start3A_350 : memref<50xi32, #tpu.memory_space<vmem>>) semaphore(%run_scoped3A_347 : memref<!tpu.dma_semaphore, #tpu.memory_space<semaphore_mem>>) {add = true}
          %dma_wait3A_354 = arith.constant 0 : i32
          %dma_wait3A_355 = tpu.memref_slice %arg10[%run_scoped3A, %dma_wait3A_354] : memref<8x50xi32, #tpu.memory_space<vmem>> -> memref<1x50xi32, #tpu.memory_space<vmem>>
          %dma_wait3A_356 = tpu.memref_squeeze %dma_wait3A_355 : memref<1x50xi32, #tpu.memory_space<vmem>> -> memref<50xi32, #tpu.memory_space<vmem>>
          %dma_wait3A_357 = arith.constant 0 : i32
          %dma_wait3A_358 = arith.constant 0 : i32
          %dma_wait3A_359 = tpu.memref_slice %arg15[%dma_wait3A_357, %dma_wait3A_358] : memref<10240x128xf32, #tpu.memory_space<vmem_shared>> -> memref<10240x128xf32, #tpu.memory_space<vmem_shared>>
          tpu.wait_indirect_dma semaphore(%run_scoped3A_347 : memref<!tpu.dma_semaphore, #tpu.memory_space<semaphore_mem>>) src(%arg14 : memref<50x128xf32, #tpu.memory_space<vmem>>) dst(%dma_wait3A_359 : memref<10240x128xf32, #tpu.memory_space<vmem_shared>>)
          tpu.yield
        }) : () -> ()
      } else {
      }
      %add3A_333 = arith.constant 1 : i32
      %add3A_334 = arith.addi %scan3A_54, %add3A_333 : i32
      %lt3A_335 = arith.constant 25 : i32
      %lt3A_336 = arith.cmpi slt, %add3A_334, %lt3A_335 : i32
      %convert_element_type3A_337 = arith.extui %lt3A_336 : i1 to i32
      %cond3A_338 = arith.constant 0 : i32
      %cond3A_339 = arith.cmpi ne, %convert_element_type3A_337, %cond3A_338 : i32
      scf.if %cond3A_339 {
        %add3A_347 = arith.constant 1 : i32
        %add3A_348 = arith.addi %scan3A_54, %add3A_347 : i32
        %rem3A_349 = arith.constant 2 : i32
        %rem3A_350 = arith.remsi %add3A_348, %rem3A_349 : i32
        %eq3A_351 = arith.constant 0 : i32
        %eq3A_352 = arith.cmpi eq, %rem3A_350, %eq3A_351 : i32
        %convert_element_type3A_353 = arith.extui %eq3A_352 : i1 to i32
        %cond3A_354 = arith.constant 0 : i32
        %cond3A_355 = arith.cmpi ne, %convert_element_type3A_353, %cond3A_354 : i32
        scf.if %cond3A_355 {
          %dma_start3A_365 = arith.constant 3 : i32
          %dma_start3A_366 = arith.constant 0 : i32
          %dma_start3A_367 = tpu.memref_slice %arg7[%dma_start3A_365, %dma_start3A_366] : memref<8x50xi32, #tpu.memory_space<vmem>> -> memref<1x50xi32, #tpu.memory_space<vmem>>
          %dma_start3A_368 = tpu.memref_squeeze %dma_start3A_367 : memref<1x50xi32, #tpu.memory_space<vmem>> -> memref<50xi32, #tpu.memory_space<vmem>>
          %dma_start3A_369 = arith.constant 0 : i32
          %dma_start3A_370 = arith.constant 0 : i32
          %dma_start3A_371 = tpu.memref_slice %arg2[%dma_start3A_369, %dma_start3A_370] : memref<10000x128xf32, #tpu.memory_space<hbm>> -> memref<10000x128xf32, #tpu.memory_space<hbm>>
          tpu.enqueue_indirect_dma source(%dma_start3A_371 : memref<10000x128xf32, #tpu.memory_space<hbm>>) target(%arg14 : memref<50x128xf32, #tpu.memory_space<vmem>>) offsets(%dma_start3A_368 : memref<50xi32, #tpu.memory_space<vmem>>) semaphore(%arg19 : memref<!tpu.dma_semaphore, #tpu.memory_space<semaphore_mem>>)
        } else {
        }
        %add3A_356 = arith.constant 1 : i32
        %add3A_357 = arith.addi %scan3A_54, %add3A_356 : i32
        %rem3A_358 = arith.constant 2 : i32
        %rem3A_359 = arith.remsi %add3A_357, %rem3A_358 : i32
        %eq3A_360 = arith.constant 1 : i32
        %eq3A_361 = arith.cmpi eq, %rem3A_359, %eq3A_360 : i32
        %convert_element_type3A_362 = arith.extui %eq3A_361 : i1 to i32
        %cond3A_363 = arith.constant 0 : i32
        %cond3A_364 = arith.cmpi ne, %convert_element_type3A_362, %cond3A_363 : i32
        scf.if %cond3A_364 {
          %dma_start3A_365 = arith.constant 3 : i32
          %dma_start3A_366 = arith.constant 0 : i32
          %dma_start3A_367 = tpu.memref_slice %arg8[%dma_start3A_365, %dma_start3A_366] : memref<8x50xi32, #tpu.memory_space<vmem>> -> memref<1x50xi32, #tpu.memory_space<vmem>>
          %dma_start3A_368 = tpu.memref_squeeze %dma_start3A_367 : memref<1x50xi32, #tpu.memory_space<vmem>> -> memref<50xi32, #tpu.memory_space<vmem>>
          %dma_start3A_369 = arith.constant 0 : i32
          %dma_start3A_370 = arith.constant 0 : i32
          %dma_start3A_371 = tpu.memref_slice %arg2[%dma_start3A_369, %dma_start3A_370] : memref<10000x128xf32, #tpu.memory_space<hbm>> -> memref<10000x128xf32, #tpu.memory_space<hbm>>
          tpu.enqueue_indirect_dma source(%dma_start3A_371 : memref<10000x128xf32, #tpu.memory_space<hbm>>) target(%arg14 : memref<50x128xf32, #tpu.memory_space<vmem>>) offsets(%dma_start3A_368 : memref<50xi32, #tpu.memory_space<vmem>>) semaphore(%arg19 : memref<!tpu.dma_semaphore, #tpu.memory_space<semaphore_mem>>)
        } else {
        }
      } else {
      }
      %add3A_340 = arith.constant 2 : i32
      %add3A_341 = arith.addi %scan3A_54, %add3A_340 : i32
      %lt3A_342 = arith.constant 25 : i32
      %lt3A_343 = arith.cmpi slt, %add3A_341, %lt3A_342 : i32
      %convert_element_type3A_344 = arith.extui %lt3A_343 : i1 to i32
      %cond3A_345 = arith.constant 0 : i32
      %cond3A_346 = arith.cmpi ne, %convert_element_type3A_344, %cond3A_345 : i32
      scf.if %cond3A_346 {
        %add3A_347 = arith.constant 2 : i32
        %add3A_348 = arith.addi %scan3A_54, %add3A_347 : i32
        %mul3A_349 = arith.constant 8 : i32
        %mul3A_350 = arith.muli %add3A_348, %mul3A_349 : i32
        %add3A_351 = arith.addi %multiple_of3A, %mul3A_350 : i32
        %multiple_of3A_352 = tpu.assume_multiple %add3A_351, 8 : i32
        %rem3A_353 = arith.constant 2 : i32
        %rem3A_354 = arith.remsi %scan3A_54, %rem3A_353 : i32
        %eq3A_355 = arith.constant 0 : i32
        %eq3A_356 = arith.cmpi eq, %rem3A_354, %eq3A_355 : i32
        %convert_element_type3A_357 = arith.extui %eq3A_356 : i1 to i32
        %cond3A_358 = arith.constant 0 : i32
        %cond3A_359 = arith.cmpi ne, %convert_element_type3A_357, %cond3A_358 : i32
        scf.if %cond3A_359 {
          %dma_start3A_367 = arith.constant 0 : i32
          %dma_start3A_368 = tpu.memref_slice %arg3[%multiple_of3A_352, %dma_start3A_367] : memref<6400x50xi32, #tpu.memory_space<hbm>> -> memref<8x50xi32, #tpu.memory_space<hbm>>
          %dma_start3A_369 = arith.constant 0 : i32
          %dma_start3A_370 = tpu.memref_slice %arg3[%multiple_of3A_352, %dma_start3A_369] : memref<6400x50xi32, #tpu.memory_space<hbm>> -> memref<8x50xi32, #tpu.memory_space<hbm>>
          tpu.enqueue_dma source(%dma_start3A_370 : memref<8x50xi32, #tpu.memory_space<hbm>>) target(%arg7 : memref<8x50xi32, #tpu.memory_space<vmem>>) target_semaphore(%arg20 : memref<!tpu.dma_semaphore, #tpu.memory_space<semaphore_mem>>)
          %dma_start3A_371 = arith.constant 0 : i32
          %dma_start3A_372 = tpu.memref_slice %arg4[%multiple_of3A_352, %dma_start3A_371] : memref<6400x50xi32, #tpu.memory_space<hbm>> -> memref<8x50xi32, #tpu.memory_space<hbm>>
          %dma_start3A_373 = arith.constant 0 : i32
          %dma_start3A_374 = tpu.memref_slice %arg4[%multiple_of3A_352, %dma_start3A_373] : memref<6400x50xi32, #tpu.memory_space<hbm>> -> memref<8x50xi32, #tpu.memory_space<hbm>>
          tpu.enqueue_dma source(%dma_start3A_374 : memref<8x50xi32, #tpu.memory_space<hbm>>) target(%arg9 : memref<8x50xi32, #tpu.memory_space<vmem>>) target_semaphore(%arg20 : memref<!tpu.dma_semaphore, #tpu.memory_space<semaphore_mem>>)
        } else {
        }
        %rem3A_360 = arith.constant 2 : i32
        %rem3A_361 = arith.remsi %scan3A_54, %rem3A_360 : i32
        %eq3A_362 = arith.constant 1 : i32
        %eq3A_363 = arith.cmpi eq, %rem3A_361, %eq3A_362 : i32
        %convert_element_type3A_364 = arith.extui %eq3A_363 : i1 to i32
        %cond3A_365 = arith.constant 0 : i32
        %cond3A_366 = arith.cmpi ne, %convert_element_type3A_364, %cond3A_365 : i32
        scf.if %cond3A_366 {
          %dma_start3A_367 = arith.constant 0 : i32
          %dma_start3A_368 = tpu.memref_slice %arg3[%multiple_of3A_352, %dma_start3A_367] : memref<6400x50xi32, #tpu.memory_space<hbm>> -> memref<8x50xi32, #tpu.memory_space<hbm>>
          %dma_start3A_369 = arith.constant 0 : i32
          %dma_start3A_370 = tpu.memref_slice %arg3[%multiple_of3A_352, %dma_start3A_369] : memref<6400x50xi32, #tpu.memory_space<hbm>> -> memref<8x50xi32, #tpu.memory_space<hbm>>
          tpu.enqueue_dma source(%dma_start3A_370 : memref<8x50xi32, #tpu.memory_space<hbm>>) target(%arg8 : memref<8x50xi32, #tpu.memory_space<vmem>>) target_semaphore(%arg20 : memref<!tpu.dma_semaphore, #tpu.memory_space<semaphore_mem>>)
          %dma_start3A_371 = arith.constant 0 : i32
          %dma_start3A_372 = tpu.memref_slice %arg4[%multiple_of3A_352, %dma_start3A_371] : memref<6400x50xi32, #tpu.memory_space<hbm>> -> memref<8x50xi32, #tpu.memory_space<hbm>>
          %dma_start3A_373 = arith.constant 0 : i32
          %dma_start3A_374 = tpu.memref_slice %arg4[%multiple_of3A_352, %dma_start3A_373] : memref<6400x50xi32, #tpu.memory_space<hbm>> -> memref<8x50xi32, #tpu.memory_space<hbm>>
          tpu.enqueue_dma source(%dma_start3A_374 : memref<8x50xi32, #tpu.memory_space<hbm>>) target(%arg10 : memref<8x50xi32, #tpu.memory_space<vmem>>) target_semaphore(%arg20 : memref<!tpu.dma_semaphore, #tpu.memory_space<semaphore_mem>>)
        } else {
        }
      } else {
      }
    }
    %scan3A_49 = arith.constant 25 : i32
    %barrier3A_50 = arith.constant 0 : index
    tpu.barrier barrier_id(%barrier3A_50)
    %mul3A_51 = arith.constant 10240 : i32
    %mul3A_52 = arith.muli %arg0, %mul3A_51 : i32
    %add3A_53 = arith.addi %mul3A_52, %multiple_of3A_5 : i32
    "tpu.region"() ({
      %run_scoped3A = tpu.sem_alloc : memref<!tpu.dma_semaphore, #tpu.memory_space<semaphore_mem>>
      %dma_start3A_54 = arith.constant 0 : i32
      %dma_start3A_55 = tpu.memref_slice %arg6[%add3A_53, %dma_start3A_54] : memref<20480x128xf32, #tpu.memory_space<hbm>> -> memref<640x128xf32, #tpu.memory_space<hbm>>
      %dma_start3A_56 = arith.constant 0 : i32
      %dma_start3A_57 = tpu.memref_slice %arg15[%multiple_of3A_5, %dma_start3A_56] : memref<10240x128xf32, #tpu.memory_space<vmem_shared>> -> memref<640x128xf32, #tpu.memory_space<vmem_shared>>
      tpu.enqueue_dma source(%dma_start3A_57 : memref<640x128xf32, #tpu.memory_space<vmem_shared>>) target(%dma_start3A_55 : memref<640x128xf32, #tpu.memory_space<hbm>>) target_semaphore(%run_scoped3A : memref<!tpu.dma_semaphore, #tpu.memory_space<semaphore_mem>>)
      %dma_wait3A = arith.constant 0 : i32
      %dma_wait3A_58 = tpu.memref_slice %arg6[%add3A_53, %dma_wait3A] : memref<20480x128xf32, #tpu.memory_space<hbm>> -> memref<640x128xf32, #tpu.memory_space<hbm>>
      %dma_wait3A_59 = arith.constant 0 : i32
      %dma_wait3A_60 = tpu.memref_slice %arg15[%multiple_of3A_5, %dma_wait3A_59] : memref<10240x128xf32, #tpu.memory_space<vmem_shared>> -> memref<640x128xf32, #tpu.memory_space<vmem_shared>>
      tpu.wait_dma2 semaphore(%run_scoped3A : memref<!tpu.dma_semaphore, #tpu.memory_space<semaphore_mem>>) src(%dma_wait3A_60 : memref<640x128xf32, #tpu.memory_space<vmem_shared>>) dst(%dma_wait3A_58 : memref<640x128xf32, #tpu.memory_space<hbm>>)
      tpu.yield
    }) : () -> ()
    return
  }
}

#map = affine_map<(d0, d1) -> (0, 0)>
module attributes {stable_mosaic.version = 14 : i64} {
  func.func @body(%arg0: i32, %arg1: i32, %arg2: memref<2560x125xi32, #tpu.memory_space<hbm>>, %arg3: memref<640x128xf32, #tpu.memory_space<hbm>>, %arg4: memref<125x128xf32, #tpu.memory_space<hbm>>, %arg5: memref<20480x128xf32, #tpu.memory_space<hbm>>, %arg6: memref<80x125xi32, #tpu.memory_space<vmem>>, %arg7: memref<125x128xf32, #tpu.memory_space<vmem>>, %arg8: memref<10240x128xf32, #tpu.memory_space<vmem_shared>>, %arg9: memref<!tpu.dma_semaphore, #tpu.memory_space<semaphore_mem>>) attributes {dimension_semantics = [#tpu.dimension_semantics<core_parallel>, #tpu.dimension_semantics<subcore_parallel>], iteration_bounds = array<i64: 2, 16>, scalar_prefetch = 0 : i64, scratch_operands = 4 : i64, tpu.core_type = #tpu.core_type<sc_vector_subcore>, window_params = [{transform_indices = #map}, {transform_indices = #map}, {transform_indices = #map}, {transform_indices = #map}]} {
    %mul3A = arith.constant 2 : i32
    %mul3A_0 = arith.muli %arg1, %mul3A : i32
    %add3A = arith.addi %mul3A_0, %arg0 : i32
    %mul3A_1 = arith.constant 640 : i32
    %mul3A_2 = arith.muli %arg1, %mul3A_1 : i32
    %multiple_of3A = tpu.assume_multiple %mul3A_2, 8 : i32
    "tpu.region"() ({
      %run_scoped3A = tpu.sem_alloc : memref<!tpu.dma_semaphore, #tpu.memory_space<semaphore_mem>>
      %dma_start3A_124 = arith.constant 0 : i32
      %dma_start3A_125 = tpu.memref_slice %arg8[%multiple_of3A, %dma_start3A_124] : memref<10240x128xf32, #tpu.memory_space<vmem_shared>> -> memref<640x128xf32, #tpu.memory_space<vmem_shared>>
      tpu.enqueue_dma source(%arg3 : memref<640x128xf32, #tpu.memory_space<hbm>>) target(%dma_start3A_125 : memref<640x128xf32, #tpu.memory_space<vmem_shared>>) target_semaphore(%run_scoped3A : memref<!tpu.dma_semaphore, #tpu.memory_space<semaphore_mem>>)
      %dma_wait3A_126 = arith.constant 0 : i32
      %dma_wait3A_127 = tpu.memref_slice %arg8[%multiple_of3A, %dma_wait3A_126] : memref<10240x128xf32, #tpu.memory_space<vmem_shared>> -> memref<640x128xf32, #tpu.memory_space<vmem_shared>>
      tpu.wait_dma2 semaphore(%run_scoped3A : memref<!tpu.dma_semaphore, #tpu.memory_space<semaphore_mem>>) src(%arg3 : memref<640x128xf32, #tpu.memory_space<hbm>>) dst(%dma_wait3A_127 : memref<640x128xf32, #tpu.memory_space<vmem_shared>>)
      tpu.yield
    }) : () -> ()
    %mul3A_3 = arith.constant 80 : i32
    %mul3A_4 = arith.muli %add3A, %mul3A_3 : i32
    "tpu.region"() ({
      %run_scoped3A = tpu.sem_alloc : memref<!tpu.dma_semaphore, #tpu.memory_space<semaphore_mem>>
      %dma_start3A_124 = arith.constant 0 : i32
      %dma_start3A_125 = tpu.memref_slice %arg2[%mul3A_4, %dma_start3A_124] : memref<2560x125xi32, #tpu.memory_space<hbm>> -> memref<80x125xi32, #tpu.memory_space<hbm>>
      %dma_start3A_126 = arith.constant 0 : i32
      %dma_start3A_127 = tpu.memref_slice %arg2[%mul3A_4, %dma_start3A_126] : memref<2560x125xi32, #tpu.memory_space<hbm>> -> memref<80x125xi32, #tpu.memory_space<hbm>>
      tpu.enqueue_dma source(%dma_start3A_127 : memref<80x125xi32, #tpu.memory_space<hbm>>) target(%arg6 : memref<80x125xi32, #tpu.memory_space<vmem>>) target_semaphore(%run_scoped3A : memref<!tpu.dma_semaphore, #tpu.memory_space<semaphore_mem>>)
      %dma_wait3A_128 = arith.constant 0 : i32
      %dma_wait3A_129 = tpu.memref_slice %arg2[%mul3A_4, %dma_wait3A_128] : memref<2560x125xi32, #tpu.memory_space<hbm>> -> memref<80x125xi32, #tpu.memory_space<hbm>>
      %dma_wait3A_130 = arith.constant 0 : i32
      %dma_wait3A_131 = tpu.memref_slice %arg2[%mul3A_4, %dma_wait3A_130] : memref<2560x125xi32, #tpu.memory_space<hbm>> -> memref<80x125xi32, #tpu.memory_space<hbm>>
      tpu.wait_dma2 semaphore(%run_scoped3A : memref<!tpu.dma_semaphore, #tpu.memory_space<semaphore_mem>>) src(%dma_wait3A_131 : memref<80x125xi32, #tpu.memory_space<hbm>>) dst(%arg6 : memref<80x125xi32, #tpu.memory_space<vmem>>)
      tpu.yield
    }) : () -> ()
    "tpu.region"() ({
      %run_scoped3A = tpu.sem_alloc : memref<!tpu.dma_semaphore, #tpu.memory_space<semaphore_mem>>
      tpu.enqueue_dma source(%arg4 : memref<125x128xf32, #tpu.memory_space<hbm>>) target(%arg7 : memref<125x128xf32, #tpu.memory_space<vmem>>) target_semaphore(%run_scoped3A : memref<!tpu.dma_semaphore, #tpu.memory_space<semaphore_mem>>)
      tpu.wait_dma2 semaphore(%run_scoped3A : memref<!tpu.dma_semaphore, #tpu.memory_space<semaphore_mem>>) src(%arg4 : memref<125x128xf32, #tpu.memory_space<hbm>>) dst(%arg7 : memref<125x128xf32, #tpu.memory_space<vmem>>)
      tpu.yield
    }) : () -> ()
    %barrier3A = arith.constant 0 : index
    tpu.barrier barrier_id(%barrier3A)
    %dma_start3A = arith.constant 0 : i32
    %dma_start3A_5 = arith.constant 0 : i32
    %dma_start3A_6 = tpu.memref_slice %arg6[%dma_start3A, %dma_start3A_5] : memref<80x125xi32, #tpu.memory_space<vmem>> -> memref<1x125xi32, #tpu.memory_space<vmem>>
    %dma_start3A_7 = tpu.memref_squeeze %dma_start3A_6 : memref<1x125xi32, #tpu.memory_space<vmem>> -> memref<125xi32, #tpu.memory_space<vmem>>
    %dma_start3A_8 = arith.constant 0 : i32
    %dma_start3A_9 = arith.constant 0 : i32
    %dma_start3A_10 = tpu.memref_slice %arg8[%dma_start3A_8, %dma_start3A_9] : memref<10240x128xf32, #tpu.memory_space<vmem_shared>> -> memref<10240x128xf32, #tpu.memory_space<vmem_shared>>
    tpu.enqueue_indirect_dma source(%arg7 : memref<125x128xf32, #tpu.memory_space<vmem>>) target(%dma_start3A_10 : memref<10240x128xf32, #tpu.memory_space<vmem_shared>>) offsets(%dma_start3A_7 : memref<125xi32, #tpu.memory_space<vmem>>) semaphore(%arg9 : memref<!tpu.dma_semaphore, #tpu.memory_space<semaphore_mem>>) {add = true}
    %dma_start3A_11 = arith.constant 1 : i32
    %dma_start3A_12 = arith.constant 0 : i32
    %dma_start3A_13 = tpu.memref_slice %arg6[%dma_start3A_11, %dma_start3A_12] : memref<80x125xi32, #tpu.memory_space<vmem>> -> memref<1x125xi32, #tpu.memory_space<vmem>>
    %dma_start3A_14 = tpu.memref_squeeze %dma_start3A_13 : memref<1x125xi32, #tpu.memory_space<vmem>> -> memref<125xi32, #tpu.memory_space<vmem>>
    %dma_start3A_15 = arith.constant 0 : i32
    %dma_start3A_16 = arith.constant 0 : i32
    %dma_start3A_17 = tpu.memref_slice %arg8[%dma_start3A_15, %dma_start3A_16] : memref<10240x128xf32, #tpu.memory_space<vmem_shared>> -> memref<10240x128xf32, #tpu.memory_space<vmem_shared>>
    tpu.enqueue_indirect_dma source(%arg7 : memref<125x128xf32, #tpu.memory_space<vmem>>) target(%dma_start3A_17 : memref<10240x128xf32, #tpu.memory_space<vmem_shared>>) offsets(%dma_start3A_14 : memref<125xi32, #tpu.memory_space<vmem>>) semaphore(%arg9 : memref<!tpu.dma_semaphore, #tpu.memory_space<semaphore_mem>>) {add = true}
    %dma_start3A_18 = arith.constant 2 : i32
    %dma_start3A_19 = arith.constant 0 : i32
    %dma_start3A_20 = tpu.memref_slice %arg6[%dma_start3A_18, %dma_start3A_19] : memref<80x125xi32, #tpu.memory_space<vmem>> -> memref<1x125xi32, #tpu.memory_space<vmem>>
    %dma_start3A_21 = tpu.memref_squeeze %dma_start3A_20 : memref<1x125xi32, #tpu.memory_space<vmem>> -> memref<125xi32, #tpu.memory_space<vmem>>
    %dma_start3A_22 = arith.constant 0 : i32
    %dma_start3A_23 = arith.constant 0 : i32
    %dma_start3A_24 = tpu.memref_slice %arg8[%dma_start3A_22, %dma_start3A_23] : memref<10240x128xf32, #tpu.memory_space<vmem_shared>> -> memref<10240x128xf32, #tpu.memory_space<vmem_shared>>
    tpu.enqueue_indirect_dma source(%arg7 : memref<125x128xf32, #tpu.memory_space<vmem>>) target(%dma_start3A_24 : memref<10240x128xf32, #tpu.memory_space<vmem_shared>>) offsets(%dma_start3A_21 : memref<125xi32, #tpu.memory_space<vmem>>) semaphore(%arg9 : memref<!tpu.dma_semaphore, #tpu.memory_space<semaphore_mem>>) {add = true}
    %dma_start3A_25 = arith.constant 3 : i32
    %dma_start3A_26 = arith.constant 0 : i32
    %dma_start3A_27 = tpu.memref_slice %arg6[%dma_start3A_25, %dma_start3A_26] : memref<80x125xi32, #tpu.memory_space<vmem>> -> memref<1x125xi32, #tpu.memory_space<vmem>>
    %dma_start3A_28 = tpu.memref_squeeze %dma_start3A_27 : memref<1x125xi32, #tpu.memory_space<vmem>> -> memref<125xi32, #tpu.memory_space<vmem>>
    %dma_start3A_29 = arith.constant 0 : i32
    %dma_start3A_30 = arith.constant 0 : i32
    %dma_start3A_31 = tpu.memref_slice %arg8[%dma_start3A_29, %dma_start3A_30] : memref<10240x128xf32, #tpu.memory_space<vmem_shared>> -> memref<10240x128xf32, #tpu.memory_space<vmem_shared>>
    tpu.enqueue_indirect_dma source(%arg7 : memref<125x128xf32, #tpu.memory_space<vmem>>) target(%dma_start3A_31 : memref<10240x128xf32, #tpu.memory_space<vmem_shared>>) offsets(%dma_start3A_28 : memref<125xi32, #tpu.memory_space<vmem>>) semaphore(%arg9 : memref<!tpu.dma_semaphore, #tpu.memory_space<semaphore_mem>>) {add = true}
    %dma_start3A_32 = arith.constant 4 : i32
    %dma_start3A_33 = arith.constant 0 : i32
    %dma_start3A_34 = tpu.memref_slice %arg6[%dma_start3A_32, %dma_start3A_33] : memref<80x125xi32, #tpu.memory_space<vmem>> -> memref<1x125xi32, #tpu.memory_space<vmem>>
    %dma_start3A_35 = tpu.memref_squeeze %dma_start3A_34 : memref<1x125xi32, #tpu.memory_space<vmem>> -> memref<125xi32, #tpu.memory_space<vmem>>
    %dma_start3A_36 = arith.constant 0 : i32
    %dma_start3A_37 = arith.constant 0 : i32
    %dma_start3A_38 = tpu.memref_slice %arg8[%dma_start3A_36, %dma_start3A_37] : memref<10240x128xf32, #tpu.memory_space<vmem_shared>> -> memref<10240x128xf32, #tpu.memory_space<vmem_shared>>
    tpu.enqueue_indirect_dma source(%arg7 : memref<125x128xf32, #tpu.memory_space<vmem>>) target(%dma_start3A_38 : memref<10240x128xf32, #tpu.memory_space<vmem_shared>>) offsets(%dma_start3A_35 : memref<125xi32, #tpu.memory_space<vmem>>) semaphore(%arg9 : memref<!tpu.dma_semaphore, #tpu.memory_space<semaphore_mem>>) {add = true}
    %dma_start3A_39 = arith.constant 5 : i32
    %dma_start3A_40 = arith.constant 0 : i32
    %dma_start3A_41 = tpu.memref_slice %arg6[%dma_start3A_39, %dma_start3A_40] : memref<80x125xi32, #tpu.memory_space<vmem>> -> memref<1x125xi32, #tpu.memory_space<vmem>>
    %dma_start3A_42 = tpu.memref_squeeze %dma_start3A_41 : memref<1x125xi32, #tpu.memory_space<vmem>> -> memref<125xi32, #tpu.memory_space<vmem>>
    %dma_start3A_43 = arith.constant 0 : i32
    %dma_start3A_44 = arith.constant 0 : i32
    %dma_start3A_45 = tpu.memref_slice %arg8[%dma_start3A_43, %dma_start3A_44] : memref<10240x128xf32, #tpu.memory_space<vmem_shared>> -> memref<10240x128xf32, #tpu.memory_space<vmem_shared>>
    tpu.enqueue_indirect_dma source(%arg7 : memref<125x128xf32, #tpu.memory_space<vmem>>) target(%dma_start3A_45 : memref<10240x128xf32, #tpu.memory_space<vmem_shared>>) offsets(%dma_start3A_42 : memref<125xi32, #tpu.memory_space<vmem>>) semaphore(%arg9 : memref<!tpu.dma_semaphore, #tpu.memory_space<semaphore_mem>>) {add = true}
    %dma_start3A_46 = arith.constant 6 : i32
    %dma_start3A_47 = arith.constant 0 : i32
    %dma_start3A_48 = tpu.memref_slice %arg6[%dma_start3A_46, %dma_start3A_47] : memref<80x125xi32, #tpu.memory_space<vmem>> -> memref<1x125xi32, #tpu.memory_space<vmem>>
    %dma_start3A_49 = tpu.memref_squeeze %dma_start3A_48 : memref<1x125xi32, #tpu.memory_space<vmem>> -> memref<125xi32, #tpu.memory_space<vmem>>
    %dma_start3A_50 = arith.constant 0 : i32
    %dma_start3A_51 = arith.constant 0 : i32
    %dma_start3A_52 = tpu.memref_slice %arg8[%dma_start3A_50, %dma_start3A_51] : memref<10240x128xf32, #tpu.memory_space<vmem_shared>> -> memref<10240x128xf32, #tpu.memory_space<vmem_shared>>
    tpu.enqueue_indirect_dma source(%arg7 : memref<125x128xf32, #tpu.memory_space<vmem>>) target(%dma_start3A_52 : memref<10240x128xf32, #tpu.memory_space<vmem_shared>>) offsets(%dma_start3A_49 : memref<125xi32, #tpu.memory_space<vmem>>) semaphore(%arg9 : memref<!tpu.dma_semaphore, #tpu.memory_space<semaphore_mem>>) {add = true}
    %dma_start3A_53 = arith.constant 7 : i32
    %dma_start3A_54 = arith.constant 0 : i32
    %dma_start3A_55 = tpu.memref_slice %arg6[%dma_start3A_53, %dma_start3A_54] : memref<80x125xi32, #tpu.memory_space<vmem>> -> memref<1x125xi32, #tpu.memory_space<vmem>>
    %dma_start3A_56 = tpu.memref_squeeze %dma_start3A_55 : memref<1x125xi32, #tpu.memory_space<vmem>> -> memref<125xi32, #tpu.memory_space<vmem>>
    %dma_start3A_57 = arith.constant 0 : i32
    %dma_start3A_58 = arith.constant 0 : i32
    %dma_start3A_59 = tpu.memref_slice %arg8[%dma_start3A_57, %dma_start3A_58] : memref<10240x128xf32, #tpu.memory_space<vmem_shared>> -> memref<10240x128xf32, #tpu.memory_space<vmem_shared>>
    tpu.enqueue_indirect_dma source(%arg7 : memref<125x128xf32, #tpu.memory_space<vmem>>) target(%dma_start3A_59 : memref<10240x128xf32, #tpu.memory_space<vmem_shared>>) offsets(%dma_start3A_56 : memref<125xi32, #tpu.memory_space<vmem>>) semaphore(%arg9 : memref<!tpu.dma_semaphore, #tpu.memory_space<semaphore_mem>>) {add = true}
    %scan3A = arith.constant 0 : i32
    %scan3A_60 = arith.constant 0 : i32
    %scan3A_61 = arith.constant 72 : i32
    %scan3A_62 = arith.addi %scan3A_60, %scan3A_61 : i32
    %scan3A_63 = arith.constant 1 : i32
    scf.for %scan3A_124 = %scan3A_60 to %scan3A_62 step %scan3A_63  : i32 {
      %dma_wait3A_125 = arith.constant 0 : i32
      %dma_wait3A_126 = arith.constant 0 : i32
      %dma_wait3A_127 = tpu.memref_slice %arg6[%dma_wait3A_125, %dma_wait3A_126] : memref<80x125xi32, #tpu.memory_space<vmem>> -> memref<1x125xi32, #tpu.memory_space<vmem>>
      %dma_wait3A_128 = tpu.memref_squeeze %dma_wait3A_127 : memref<1x125xi32, #tpu.memory_space<vmem>> -> memref<125xi32, #tpu.memory_space<vmem>>
      %dma_wait3A_129 = arith.constant 0 : i32
      %dma_wait3A_130 = arith.constant 0 : i32
      %dma_wait3A_131 = tpu.memref_slice %arg8[%dma_wait3A_129, %dma_wait3A_130] : memref<10240x128xf32, #tpu.memory_space<vmem_shared>> -> memref<10240x128xf32, #tpu.memory_space<vmem_shared>>
      tpu.wait_indirect_dma semaphore(%arg9 : memref<!tpu.dma_semaphore, #tpu.memory_space<semaphore_mem>>) src(%arg7 : memref<125x128xf32, #tpu.memory_space<vmem>>) dst(%dma_wait3A_131 : memref<10240x128xf32, #tpu.memory_space<vmem_shared>>)
      %add3A_132 = arith.constant 8 : i32
      %add3A_133 = arith.addi %scan3A_124, %add3A_132 : i32
      %dma_start3A_134 = arith.constant 0 : i32
      %dma_start3A_135 = tpu.memref_slice %arg6[%add3A_133, %dma_start3A_134] : memref<80x125xi32, #tpu.memory_space<vmem>> -> memref<1x125xi32, #tpu.memory_space<vmem>>
      %dma_start3A_136 = tpu.memref_squeeze %dma_start3A_135 : memref<1x125xi32, #tpu.memory_space<vmem>> -> memref<125xi32, #tpu.memory_space<vmem>>
      %dma_start3A_137 = arith.constant 0 : i32
      %dma_start3A_138 = arith.constant 0 : i32
      %dma_start3A_139 = tpu.memref_slice %arg8[%dma_start3A_137, %dma_start3A_138] : memref<10240x128xf32, #tpu.memory_space<vmem_shared>> -> memref<10240x128xf32, #tpu.memory_space<vmem_shared>>
      tpu.enqueue_indirect_dma source(%arg7 : memref<125x128xf32, #tpu.memory_space<vmem>>) target(%dma_start3A_139 : memref<10240x128xf32, #tpu.memory_space<vmem_shared>>) offsets(%dma_start3A_136 : memref<125xi32, #tpu.memory_space<vmem>>) semaphore(%arg9 : memref<!tpu.dma_semaphore, #tpu.memory_space<semaphore_mem>>) {add = true}
    }
    %scan3A_64 = arith.constant 72 : i32
    %dma_wait3A = arith.constant 0 : i32
    %dma_wait3A_65 = arith.constant 0 : i32
    %dma_wait3A_66 = tpu.memref_slice %arg6[%dma_wait3A, %dma_wait3A_65] : memref<80x125xi32, #tpu.memory_space<vmem>> -> memref<1x125xi32, #tpu.memory_space<vmem>>
    %dma_wait3A_67 = tpu.memref_squeeze %dma_wait3A_66 : memref<1x125xi32, #tpu.memory_space<vmem>> -> memref<125xi32, #tpu.memory_space<vmem>>
    %dma_wait3A_68 = arith.constant 0 : i32
    %dma_wait3A_69 = arith.constant 0 : i32
    %dma_wait3A_70 = tpu.memref_slice %arg8[%dma_wait3A_68, %dma_wait3A_69] : memref<10240x128xf32, #tpu.memory_space<vmem_shared>> -> memref<10240x128xf32, #tpu.memory_space<vmem_shared>>
    tpu.wait_indirect_dma semaphore(%arg9 : memref<!tpu.dma_semaphore, #tpu.memory_space<semaphore_mem>>) src(%arg7 : memref<125x128xf32, #tpu.memory_space<vmem>>) dst(%dma_wait3A_70 : memref<10240x128xf32, #tpu.memory_space<vmem_shared>>)
    %dma_wait3A_71 = arith.constant 0 : i32
    %dma_wait3A_72 = arith.constant 0 : i32
    %dma_wait3A_73 = tpu.memref_slice %arg6[%dma_wait3A_71, %dma_wait3A_72] : memref<80x125xi32, #tpu.memory_space<vmem>> -> memref<1x125xi32, #tpu.memory_space<vmem>>
    %dma_wait3A_74 = tpu.memref_squeeze %dma_wait3A_73 : memref<1x125xi32, #tpu.memory_space<vmem>> -> memref<125xi32, #tpu.memory_space<vmem>>
    %dma_wait3A_75 = arith.constant 0 : i32
    %dma_wait3A_76 = arith.constant 0 : i32
    %dma_wait3A_77 = tpu.memref_slice %arg8[%dma_wait3A_75, %dma_wait3A_76] : memref<10240x128xf32, #tpu.memory_space<vmem_shared>> -> memref<10240x128xf32, #tpu.memory_space<vmem_shared>>
    tpu.wait_indirect_dma semaphore(%arg9 : memref<!tpu.dma_semaphore, #tpu.memory_space<semaphore_mem>>) src(%arg7 : memref<125x128xf32, #tpu.memory_space<vmem>>) dst(%dma_wait3A_77 : memref<10240x128xf32, #tpu.memory_space<vmem_shared>>)
    %dma_wait3A_78 = arith.constant 0 : i32
    %dma_wait3A_79 = arith.constant 0 : i32
    %dma_wait3A_80 = tpu.memref_slice %arg6[%dma_wait3A_78, %dma_wait3A_79] : memref<80x125xi32, #tpu.memory_space<vmem>> -> memref<1x125xi32, #tpu.memory_space<vmem>>
    %dma_wait3A_81 = tpu.memref_squeeze %dma_wait3A_80 : memref<1x125xi32, #tpu.memory_space<vmem>> -> memref<125xi32, #tpu.memory_space<vmem>>
    %dma_wait3A_82 = arith.constant 0 : i32
    %dma_wait3A_83 = arith.constant 0 : i32
    %dma_wait3A_84 = tpu.memref_slice %arg8[%dma_wait3A_82, %dma_wait3A_83] : memref<10240x128xf32, #tpu.memory_space<vmem_shared>> -> memref<10240x128xf32, #tpu.memory_space<vmem_shared>>
    tpu.wait_indirect_dma semaphore(%arg9 : memref<!tpu.dma_semaphore, #tpu.memory_space<semaphore_mem>>) src(%arg7 : memref<125x128xf32, #tpu.memory_space<vmem>>) dst(%dma_wait3A_84 : memref<10240x128xf32, #tpu.memory_space<vmem_shared>>)
    %dma_wait3A_85 = arith.constant 0 : i32
    %dma_wait3A_86 = arith.constant 0 : i32
    %dma_wait3A_87 = tpu.memref_slice %arg6[%dma_wait3A_85, %dma_wait3A_86] : memref<80x125xi32, #tpu.memory_space<vmem>> -> memref<1x125xi32, #tpu.memory_space<vmem>>
    %dma_wait3A_88 = tpu.memref_squeeze %dma_wait3A_87 : memref<1x125xi32, #tpu.memory_space<vmem>> -> memref<125xi32, #tpu.memory_space<vmem>>
    %dma_wait3A_89 = arith.constant 0 : i32
    %dma_wait3A_90 = arith.constant 0 : i32
    %dma_wait3A_91 = tpu.memref_slice %arg8[%dma_wait3A_89, %dma_wait3A_90] : memref<10240x128xf32, #tpu.memory_space<vmem_shared>> -> memref<10240x128xf32, #tpu.memory_space<vmem_shared>>
    tpu.wait_indirect_dma semaphore(%arg9 : memref<!tpu.dma_semaphore, #tpu.memory_space<semaphore_mem>>) src(%arg7 : memref<125x128xf32, #tpu.memory_space<vmem>>) dst(%dma_wait3A_91 : memref<10240x128xf32, #tpu.memory_space<vmem_shared>>)
    %dma_wait3A_92 = arith.constant 0 : i32
    %dma_wait3A_93 = arith.constant 0 : i32
    %dma_wait3A_94 = tpu.memref_slice %arg6[%dma_wait3A_92, %dma_wait3A_93] : memref<80x125xi32, #tpu.memory_space<vmem>> -> memref<1x125xi32, #tpu.memory_space<vmem>>
    %dma_wait3A_95 = tpu.memref_squeeze %dma_wait3A_94 : memref<1x125xi32, #tpu.memory_space<vmem>> -> memref<125xi32, #tpu.memory_space<vmem>>
    %dma_wait3A_96 = arith.constant 0 : i32
    %dma_wait3A_97 = arith.constant 0 : i32
    %dma_wait3A_98 = tpu.memref_slice %arg8[%dma_wait3A_96, %dma_wait3A_97] : memref<10240x128xf32, #tpu.memory_space<vmem_shared>> -> memref<10240x128xf32, #tpu.memory_space<vmem_shared>>
    tpu.wait_indirect_dma semaphore(%arg9 : memref<!tpu.dma_semaphore, #tpu.memory_space<semaphore_mem>>) src(%arg7 : memref<125x128xf32, #tpu.memory_space<vmem>>) dst(%dma_wait3A_98 : memref<10240x128xf32, #tpu.memory_space<vmem_shared>>)
    %dma_wait3A_99 = arith.constant 0 : i32
    %dma_wait3A_100 = arith.constant 0 : i32
    %dma_wait3A_101 = tpu.memref_slice %arg6[%dma_wait3A_99, %dma_wait3A_100] : memref<80x125xi32, #tpu.memory_space<vmem>> -> memref<1x125xi32, #tpu.memory_space<vmem>>
    %dma_wait3A_102 = tpu.memref_squeeze %dma_wait3A_101 : memref<1x125xi32, #tpu.memory_space<vmem>> -> memref<125xi32, #tpu.memory_space<vmem>>
    %dma_wait3A_103 = arith.constant 0 : i32
    %dma_wait3A_104 = arith.constant 0 : i32
    %dma_wait3A_105 = tpu.memref_slice %arg8[%dma_wait3A_103, %dma_wait3A_104] : memref<10240x128xf32, #tpu.memory_space<vmem_shared>> -> memref<10240x128xf32, #tpu.memory_space<vmem_shared>>
    tpu.wait_indirect_dma semaphore(%arg9 : memref<!tpu.dma_semaphore, #tpu.memory_space<semaphore_mem>>) src(%arg7 : memref<125x128xf32, #tpu.memory_space<vmem>>) dst(%dma_wait3A_105 : memref<10240x128xf32, #tpu.memory_space<vmem_shared>>)
    %dma_wait3A_106 = arith.constant 0 : i32
    %dma_wait3A_107 = arith.constant 0 : i32
    %dma_wait3A_108 = tpu.memref_slice %arg6[%dma_wait3A_106, %dma_wait3A_107] : memref<80x125xi32, #tpu.memory_space<vmem>> -> memref<1x125xi32, #tpu.memory_space<vmem>>
    %dma_wait3A_109 = tpu.memref_squeeze %dma_wait3A_108 : memref<1x125xi32, #tpu.memory_space<vmem>> -> memref<125xi32, #tpu.memory_space<vmem>>
    %dma_wait3A_110 = arith.constant 0 : i32
    %dma_wait3A_111 = arith.constant 0 : i32
    %dma_wait3A_112 = tpu.memref_slice %arg8[%dma_wait3A_110, %dma_wait3A_111] : memref<10240x128xf32, #tpu.memory_space<vmem_shared>> -> memref<10240x128xf32, #tpu.memory_space<vmem_shared>>
    tpu.wait_indirect_dma semaphore(%arg9 : memref<!tpu.dma_semaphore, #tpu.memory_space<semaphore_mem>>) src(%arg7 : memref<125x128xf32, #tpu.memory_space<vmem>>) dst(%dma_wait3A_112 : memref<10240x128xf32, #tpu.memory_space<vmem_shared>>)
    %dma_wait3A_113 = arith.constant 0 : i32
    %dma_wait3A_114 = arith.constant 0 : i32
    %dma_wait3A_115 = tpu.memref_slice %arg6[%dma_wait3A_113, %dma_wait3A_114] : memref<80x125xi32, #tpu.memory_space<vmem>> -> memref<1x125xi32, #tpu.memory_space<vmem>>
    %dma_wait3A_116 = tpu.memref_squeeze %dma_wait3A_115 : memref<1x125xi32, #tpu.memory_space<vmem>> -> memref<125xi32, #tpu.memory_space<vmem>>
    %dma_wait3A_117 = arith.constant 0 : i32
    %dma_wait3A_118 = arith.constant 0 : i32
    %dma_wait3A_119 = tpu.memref_slice %arg8[%dma_wait3A_117, %dma_wait3A_118] : memref<10240x128xf32, #tpu.memory_space<vmem_shared>> -> memref<10240x128xf32, #tpu.memory_space<vmem_shared>>
    tpu.wait_indirect_dma semaphore(%arg9 : memref<!tpu.dma_semaphore, #tpu.memory_space<semaphore_mem>>) src(%arg7 : memref<125x128xf32, #tpu.memory_space<vmem>>) dst(%dma_wait3A_119 : memref<10240x128xf32, #tpu.memory_space<vmem_shared>>)
    %barrier3A_120 = arith.constant 0 : index
    tpu.barrier barrier_id(%barrier3A_120)
    %mul3A_121 = arith.constant 10240 : i32
    %mul3A_122 = arith.muli %arg0, %mul3A_121 : i32
    %add3A_123 = arith.addi %mul3A_122, %multiple_of3A : i32
    "tpu.region"() ({
      %run_scoped3A = tpu.sem_alloc : memref<!tpu.dma_semaphore, #tpu.memory_space<semaphore_mem>>
      %dma_start3A_124 = arith.constant 0 : i32
      %dma_start3A_125 = tpu.memref_slice %arg5[%add3A_123, %dma_start3A_124] : memref<20480x128xf32, #tpu.memory_space<hbm>> -> memref<640x128xf32, #tpu.memory_space<hbm>>
      %dma_start3A_126 = arith.constant 0 : i32
      %dma_start3A_127 = tpu.memref_slice %arg8[%multiple_of3A, %dma_start3A_126] : memref<10240x128xf32, #tpu.memory_space<vmem_shared>> -> memref<640x128xf32, #tpu.memory_space<vmem_shared>>
      tpu.enqueue_dma source(%dma_start3A_127 : memref<640x128xf32, #tpu.memory_space<vmem_shared>>) target(%dma_start3A_125 : memref<640x128xf32, #tpu.memory_space<hbm>>) target_semaphore(%run_scoped3A : memref<!tpu.dma_semaphore, #tpu.memory_space<semaphore_mem>>)
      %dma_wait3A_128 = arith.constant 0 : i32
      %dma_wait3A_129 = tpu.memref_slice %arg5[%add3A_123, %dma_wait3A_128] : memref<20480x128xf32, #tpu.memory_space<hbm>> -> memref<640x128xf32, #tpu.memory_space<hbm>>
      %dma_wait3A_130 = arith.constant 0 : i32
      %dma_wait3A_131 = tpu.memref_slice %arg8[%multiple_of3A, %dma_wait3A_130] : memref<10240x128xf32, #tpu.memory_space<vmem_shared>> -> memref<640x128xf32, #tpu.memory_space<vmem_shared>>
      tpu.wait_dma2 semaphore(%run_scoped3A : memref<!tpu.dma_semaphore, #tpu.memory_space<semaphore_mem>>) src(%dma_wait3A_131 : memref<640x128xf32, #tpu.memory_space<vmem_shared>>) dst(%dma_wait3A_129 : memref<640x128xf32, #tpu.memory_space<hbm>>)
      tpu.yield
    }) : () -> ()
    return
  }
}

module attributes {stable_mosaic.version = 14 : i64} {
  func.func @_dense_body(%arg0: i32, %arg1: memref<1000x128xf32, #tpu.memory_space<vmem>>, %arg2: memref<2x1000x128xf32, #tpu.memory_space<vmem>>, %arg3: memref<2x1000x128xf32, #tpu.memory_space<vmem>>, %arg4: memref<128x128xf32, #tpu.memory_space<vmem>>, %arg5: memref<128x128xf32, #tpu.memory_space<vmem>>, %arg6: memref<1x128xf32, #tpu.memory_space<vmem>>, %arg7: memref<1000x128xf32, #tpu.memory_space<vmem>>) attributes {dimension_semantics = [#tpu.dimension_semantics<arbitrary>], iteration_bounds = array<i64: 10>, scalar_prefetch = 0 : i64, scratch_operands = 0 : i64, tpu.core_type = #tpu.core_type<tc>, window_params = [{transform_indices = @transform_0, window_bounds = array<i64: 1000, 128>}, {transform_indices = @transform_1, window_bounds = array<i64: 2, 1000, 128>}, {transform_indices = @transform_2, window_bounds = array<i64: 2, 1000, 128>}, {pipeline_mode = #tpu.pipeline_mode<synchronous>, transform_indices = @transform_3, window_bounds = array<i64: 128, 128>}, {pipeline_mode = #tpu.pipeline_mode<synchronous>, transform_indices = @transform_4, window_bounds = array<i64: 128, 128>}, {pipeline_mode = #tpu.pipeline_mode<synchronous>, transform_indices = @transform_5, window_bounds = array<i64: 1, 128>}, {transform_indices = @transform_6, window_bounds = array<i64: 1000, 128>}]} {
    %get3A = arith.constant 0 : index
    %get3A_0 = arith.constant 0 : index
    %get3A_1 = arith.constant 0 : index
    %get3A_2 = vector.load %arg2[%get3A, %get3A_0, %get3A_1] : memref<2x1000x128xf32, #tpu.memory_space<vmem>>, vector<2x1000x128xf32>
    %slice3A = vector.extract_strided_slice %get3A_2 {offsets = [0, 0, 0], sizes = [1, 1000, 128], strides = [1, 1, 1]} : vector<2x1000x128xf32> to vector<1x1000x128xf32>
    %squeeze3A = vector.shape_cast %slice3A : vector<1x1000x128xf32> to vector<1000x128xf32>
    %slice3A_3 = vector.extract_strided_slice %get3A_2 {offsets = [1, 0, 0], sizes = [1, 1000, 128], strides = [1, 1, 1]} : vector<2x1000x128xf32> to vector<1x1000x128xf32>
    %squeeze3A_4 = vector.shape_cast %slice3A_3 : vector<1x1000x128xf32> to vector<1000x128xf32>
    %add3A = arith.addf %squeeze3A, %squeeze3A_4 : vector<1000x128xf32>
    %get3A_5 = arith.constant 0 : index
    %get3A_6 = arith.constant 0 : index
    %get3A_7 = arith.constant 0 : index
    %get3A_8 = vector.load %arg3[%get3A_5, %get3A_6, %get3A_7] : memref<2x1000x128xf32, #tpu.memory_space<vmem>>, vector<2x1000x128xf32>
    %slice3A_9 = vector.extract_strided_slice %get3A_8 {offsets = [0, 0, 0], sizes = [1, 1000, 128], strides = [1, 1, 1]} : vector<2x1000x128xf32> to vector<1x1000x128xf32>
    %squeeze3A_10 = vector.shape_cast %slice3A_9 : vector<1x1000x128xf32> to vector<1000x128xf32>
    %slice3A_11 = vector.extract_strided_slice %get3A_8 {offsets = [1, 0, 0], sizes = [1, 1000, 128], strides = [1, 1, 1]} : vector<2x1000x128xf32> to vector<1x1000x128xf32>
    %squeeze3A_12 = vector.shape_cast %slice3A_11 : vector<1x1000x128xf32> to vector<1000x128xf32>
    %add3A_13 = arith.addf %squeeze3A_10, %squeeze3A_12 : vector<1000x128xf32>
    %slice3A_14 = vector.extract_strided_slice %add3A_13 {offsets = [0, 0], sizes = [1000, 1], strides = [1, 1]} : vector<1000x128xf32> to vector<1000x1xf32>
    %max3A = arith.constant 1.000000e+00 : f32
    %max3A_15 = vector.broadcast %max3A : f32 to vector<1000x1xf32>
    %max3A_16 = arith.maximumf %slice3A_14, %max3A_15 : vector<1000x1xf32>
    %div3A = vector.broadcast %max3A_16 : vector<1000x1xf32> to vector<1000x128xf32>
    %div3A_17 = arith.divf %add3A, %div3A : vector<1000x128xf32>
    %get3A_18 = arith.constant 0 : index
    %get3A_19 = arith.constant 0 : index
    %get3A_20 = vector.load %arg1[%get3A_18, %get3A_19] : memref<1000x128xf32, #tpu.memory_space<vmem>>, vector<1000x128xf32>
    %get3A_21 = arith.constant 0 : index
    %get3A_22 = arith.constant 0 : index
    %get3A_23 = vector.load %arg4[%get3A_21, %get3A_22] : memref<128x128xf32, #tpu.memory_space<vmem>>, vector<128x128xf32>
    %dot_general3A = arith.constant dense<0.000000e+00> : vector<1000x128xf32>
    %dot_general3A_24 = tpu.matmul %get3A_20, %get3A_23, %dot_general3A {dimension_numbers = #tpu.dot_dimension_numbers<[1], [0], [0], [1], [0, 0, 1, 1], [], []>, transpose_lhs_hint = false} : vector<1000x128xf32>, vector<128x128xf32>, vector<1000x128xf32> -> vector<1000x128xf32>
    %get3A_25 = arith.constant 0 : index
    %get3A_26 = arith.constant 0 : index
    %get3A_27 = vector.load %arg5[%get3A_25, %get3A_26] : memref<128x128xf32, #tpu.memory_space<vmem>>, vector<128x128xf32>
    %dot_general3A_28 = arith.constant dense<0.000000e+00> : vector<1000x128xf32>
    %dot_general3A_29 = tpu.matmul %div3A_17, %get3A_27, %dot_general3A_28 {dimension_numbers = #tpu.dot_dimension_numbers<[1], [0], [0], [1], [0, 0, 1, 1], [], []>, transpose_lhs_hint = false} : vector<1000x128xf32>, vector<128x128xf32>, vector<1000x128xf32> -> vector<1000x128xf32>
    %add3A_30 = arith.addf %dot_general3A_24, %dot_general3A_29 : vector<1000x128xf32>
    %get3A_31 = arith.constant 0 : index
    %get3A_32 = arith.constant 0 : index
    %get3A_33 = vector.load %arg6[%get3A_31, %get3A_32] : memref<1x128xf32, #tpu.memory_space<vmem>>, vector<1x128xf32>
    %add3A_34 = vector.broadcast %get3A_33 : vector<1x128xf32> to vector<1000x128xf32>
    %add3A_35 = arith.addf %add3A_30, %add3A_34 : vector<1000x128xf32>
    %max3A_36 = arith.constant 0.000000e+00 : f32
    %max3A_37 = vector.broadcast %max3A_36 : f32 to vector<1000x128xf32>
    %max3A_38 = arith.maximumf %add3A_35, %max3A_37 : vector<1000x128xf32>
    %swap3A = arith.constant 0 : index
    %swap3A_39 = arith.constant 0 : index
    %swap3A_40 = vector.load %arg7[%swap3A, %swap3A_39] : memref<1000x128xf32, #tpu.memory_space<vmem>>, vector<1000x128xf32>
    tpu.vector_store %arg7[%swap3A, %swap3A_39], %max3A_38 {strides = array<i32>} : memref<1000x128xf32, #tpu.memory_space<vmem>>, vector<1000x128xf32>,
    return
  }
  func.func @transform_0(%arg0: i32) -> (i32, i32) {
    %c0_i32 = arith.constant 0 : i32
    %c0_i32_0 = arith.constant 0 : i32
    return %arg0, %c0_i32 : i32, i32
  }
  func.func @transform_1(%arg0: i32) -> (i32, i32, i32) {
    %c0_i32 = arith.constant 0 : i32
    %c0_i32_0 = arith.constant 0 : i32
    %c0_i32_1 = arith.constant 0 : i32
    return %c0_i32, %arg0, %c0_i32_0 : i32, i32, i32
  }
  func.func @transform_2(%arg0: i32) -> (i32, i32, i32) {
    %c0_i32 = arith.constant 0 : i32
    %c0_i32_0 = arith.constant 0 : i32
    %c0_i32_1 = arith.constant 0 : i32
    return %c0_i32, %arg0, %c0_i32_0 : i32, i32, i32
  }
  func.func @transform_3(%arg0: i32) -> (i32, i32) {
    %c0_i32 = arith.constant 0 : i32
    %c0_i32_0 = arith.constant 0 : i32
    %c0_i32_1 = arith.constant 0 : i32
    return %c0_i32, %c0_i32_0 : i32, i32
  }
  func.func @transform_4(%arg0: i32) -> (i32, i32) {
    %c0_i32 = arith.constant 0 : i32
    %c0_i32_0 = arith.constant 0 : i32
    %c0_i32_1 = arith.constant 0 : i32
    return %c0_i32, %c0_i32_0 : i32, i32
  }
  func.func @transform_5(%arg0: i32) -> (i32, i32) {
    %c0_i32 = arith.constant 0 : i32
    %c0_i32_0 = arith.constant 0 : i32
    %c0_i32_1 = arith.constant 0 : i32
    return %c0_i32, %c0_i32_0 : i32, i32
  }
  func.func @transform_6(%arg0: i32) -> (i32, i32) {
    %c0_i32 = arith.constant 0 : i32
    %c0_i32_0 = arith.constant 0 : i32
    return %arg0, %c0_i32 : i32, i32
  }
}

module attributes {stable_mosaic.version = 14 : i64} {
  func.func @_head_body(%arg0: i32, %arg1: memref<1000x128xf32, #tpu.memory_space<vmem>>, %arg2: memref<2x1000x128xf32, #tpu.memory_space<vmem>>, %arg3: memref<2x1000x128xf32, #tpu.memory_space<vmem>>, %arg4: memref<128x128xf32, #tpu.memory_space<vmem>>, %arg5: memref<128x128xf32, #tpu.memory_space<vmem>>, %arg6: memref<1x128xf32, #tpu.memory_space<vmem>>, %arg7: memref<1000x128xf32, #tpu.memory_space<vmem>>, %arg8: memref<128x16xf32, #tpu.memory_space<vmem>>, %arg9: memref<128x16xf32, #tpu.memory_space<vmem>>, %arg10: memref<1000x16xf32, #tpu.memory_space<vmem>>) attributes {dimension_semantics = [#tpu.dimension_semantics<arbitrary>], iteration_bounds = array<i64: 10>, scalar_prefetch = 0 : i64, scratch_operands = 0 : i64, tpu.core_type = #tpu.core_type<tc>, window_params = [{transform_indices = @transform_0, window_bounds = array<i64: 1000, 128>}, {transform_indices = @transform_1, window_bounds = array<i64: 2, 1000, 128>}, {transform_indices = @transform_2, window_bounds = array<i64: 2, 1000, 128>}, {pipeline_mode = #tpu.pipeline_mode<synchronous>, transform_indices = @transform_3, window_bounds = array<i64: 128, 128>}, {pipeline_mode = #tpu.pipeline_mode<synchronous>, transform_indices = @transform_4, window_bounds = array<i64: 128, 128>}, {pipeline_mode = #tpu.pipeline_mode<synchronous>, transform_indices = @transform_5, window_bounds = array<i64: 1, 128>}, {transform_indices = @transform_6, window_bounds = array<i64: 1000, 128>}, {pipeline_mode = #tpu.pipeline_mode<synchronous>, transform_indices = @transform_7, window_bounds = array<i64: 128, 16>}, {pipeline_mode = #tpu.pipeline_mode<synchronous>, transform_indices = @transform_8, window_bounds = array<i64: 128, 16>}, {transform_indices = @transform_9, window_bounds = array<i64: 1000, 16>}]} {
    %get3A = arith.constant 0 : index
    %get3A_0 = arith.constant 0 : index
    %get3A_1 = arith.constant 0 : index
    %get3A_2 = vector.load %arg2[%get3A, %get3A_0, %get3A_1] : memref<2x1000x128xf32, #tpu.memory_space<vmem>>, vector<2x1000x128xf32>
    %slice3A = vector.extract_strided_slice %get3A_2 {offsets = [0, 0, 0], sizes = [1, 1000, 128], strides = [1, 1, 1]} : vector<2x1000x128xf32> to vector<1x1000x128xf32>
    %squeeze3A = vector.shape_cast %slice3A : vector<1x1000x128xf32> to vector<1000x128xf32>
    %slice3A_3 = vector.extract_strided_slice %get3A_2 {offsets = [1, 0, 0], sizes = [1, 1000, 128], strides = [1, 1, 1]} : vector<2x1000x128xf32> to vector<1x1000x128xf32>
    %squeeze3A_4 = vector.shape_cast %slice3A_3 : vector<1x1000x128xf32> to vector<1000x128xf32>
    %add3A = arith.addf %squeeze3A, %squeeze3A_4 : vector<1000x128xf32>
    %get3A_5 = arith.constant 0 : index
    %get3A_6 = arith.constant 0 : index
    %get3A_7 = arith.constant 0 : index
    %get3A_8 = vector.load %arg3[%get3A_5, %get3A_6, %get3A_7] : memref<2x1000x128xf32, #tpu.memory_space<vmem>>, vector<2x1000x128xf32>
    %slice3A_9 = vector.extract_strided_slice %get3A_8 {offsets = [0, 0, 0], sizes = [1, 1000, 128], strides = [1, 1, 1]} : vector<2x1000x128xf32> to vector<1x1000x128xf32>
    %squeeze3A_10 = vector.shape_cast %slice3A_9 : vector<1x1000x128xf32> to vector<1000x128xf32>
    %slice3A_11 = vector.extract_strided_slice %get3A_8 {offsets = [1, 0, 0], sizes = [1, 1000, 128], strides = [1, 1, 1]} : vector<2x1000x128xf32> to vector<1x1000x128xf32>
    %squeeze3A_12 = vector.shape_cast %slice3A_11 : vector<1x1000x128xf32> to vector<1000x128xf32>
    %add3A_13 = arith.addf %squeeze3A_10, %squeeze3A_12 : vector<1000x128xf32>
    %slice3A_14 = vector.extract_strided_slice %add3A_13 {offsets = [0, 0], sizes = [1000, 1], strides = [1, 1]} : vector<1000x128xf32> to vector<1000x1xf32>
    %max3A = arith.constant 1.000000e+00 : f32
    %max3A_15 = vector.broadcast %max3A : f32 to vector<1000x1xf32>
    %max3A_16 = arith.maximumf %slice3A_14, %max3A_15 : vector<1000x1xf32>
    %div3A = vector.broadcast %max3A_16 : vector<1000x1xf32> to vector<1000x128xf32>
    %div3A_17 = arith.divf %add3A, %div3A : vector<1000x128xf32>
    %get3A_18 = arith.constant 0 : index
    %get3A_19 = arith.constant 0 : index
    %get3A_20 = vector.load %arg1[%get3A_18, %get3A_19] : memref<1000x128xf32, #tpu.memory_space<vmem>>, vector<1000x128xf32>
    %get3A_21 = arith.constant 0 : index
    %get3A_22 = arith.constant 0 : index
    %get3A_23 = vector.load %arg4[%get3A_21, %get3A_22] : memref<128x128xf32, #tpu.memory_space<vmem>>, vector<128x128xf32>
    %dot_general3A = arith.constant dense<0.000000e+00> : vector<1000x128xf32>
    %dot_general3A_24 = tpu.matmul %get3A_20, %get3A_23, %dot_general3A {dimension_numbers = #tpu.dot_dimension_numbers<[1], [0], [0], [1], [0, 0, 1, 1], [], []>, transpose_lhs_hint = false} : vector<1000x128xf32>, vector<128x128xf32>, vector<1000x128xf32> -> vector<1000x128xf32>
    %get3A_25 = arith.constant 0 : index
    %get3A_26 = arith.constant 0 : index
    %get3A_27 = vector.load %arg5[%get3A_25, %get3A_26] : memref<128x128xf32, #tpu.memory_space<vmem>>, vector<128x128xf32>
    %dot_general3A_28 = arith.constant dense<0.000000e+00> : vector<1000x128xf32>
    %dot_general3A_29 = tpu.matmul %div3A_17, %get3A_27, %dot_general3A_28 {dimension_numbers = #tpu.dot_dimension_numbers<[1], [0], [0], [1], [0, 0, 1, 1], [], []>, transpose_lhs_hint = false} : vector<1000x128xf32>, vector<128x128xf32>, vector<1000x128xf32> -> vector<1000x128xf32>
    %add3A_30 = arith.addf %dot_general3A_24, %dot_general3A_29 : vector<1000x128xf32>
    %get3A_31 = arith.constant 0 : index
    %get3A_32 = arith.constant 0 : index
    %get3A_33 = vector.load %arg6[%get3A_31, %get3A_32] : memref<1x128xf32, #tpu.memory_space<vmem>>, vector<1x128xf32>
    %add3A_34 = vector.broadcast %get3A_33 : vector<1x128xf32> to vector<1000x128xf32>
    %add3A_35 = arith.addf %add3A_30, %add3A_34 : vector<1000x128xf32>
    %max3A_36 = arith.constant 0.000000e+00 : f32
    %max3A_37 = vector.broadcast %max3A_36 : f32 to vector<1000x128xf32>
    %max3A_38 = arith.maximumf %add3A_35, %max3A_37 : vector<1000x128xf32>
    %get3A_39 = arith.constant 0 : index
    %get3A_40 = arith.constant 0 : index
    %get3A_41 = vector.load %arg7[%get3A_39, %get3A_40] : memref<1000x128xf32, #tpu.memory_space<vmem>>, vector<1000x128xf32>
    %get3A_42 = arith.constant 0 : index
    %get3A_43 = arith.constant 0 : index
    %get3A_44 = vector.load %arg8[%get3A_42, %get3A_43] : memref<128x16xf32, #tpu.memory_space<vmem>>, vector<128x16xf32>
    %get3A_45 = arith.constant 0 : index
    %get3A_46 = arith.constant 0 : index
    %get3A_47 = vector.load %arg9[%get3A_45, %get3A_46] : memref<128x16xf32, #tpu.memory_space<vmem>>, vector<128x16xf32>
    %mul3A = arith.mulf %get3A_44, %get3A_44 : vector<128x16xf32>
    %reduce_sum3A = arith.constant dense<0.000000e+00> : vector<16xf32>
    %reduce_sum3A_48 = vector.multi_reduction <add>, %mul3A, %reduce_sum3A [0] : vector<128x16xf32> to vector<16xf32>
    %mul3A_49 = arith.mulf %get3A_47, %get3A_47 : vector<128x16xf32>
    %reduce_sum3A_50 = arith.constant dense<0.000000e+00> : vector<16xf32>
    %reduce_sum3A_51 = vector.multi_reduction <add>, %mul3A_49, %reduce_sum3A_50 [0] : vector<128x16xf32> to vector<16xf32>
    %add3A_52 = arith.addf %reduce_sum3A_48, %reduce_sum3A_51 : vector<16xf32>
    %mul3A_53 = arith.mulf %max3A_38, %max3A_38 : vector<1000x128xf32>
    %reduce_sum3A_54 = arith.constant dense<0.000000e+00> : vector<1000xf32>
    %reduce_sum3A_55 = vector.multi_reduction <add>, %mul3A_53, %reduce_sum3A_54 [1] : vector<1000x128xf32> to vector<1000xf32>
    %broadcast_in_dim3A = vector.shape_cast %reduce_sum3A_55 : vector<1000xf32> to vector<1000x1xf32>
    %mul3A_56 = arith.mulf %get3A_41, %get3A_41 : vector<1000x128xf32>
    %reduce_sum3A_57 = arith.constant dense<0.000000e+00> : vector<1000xf32>
    %reduce_sum3A_58 = vector.multi_reduction <add>, %mul3A_56, %reduce_sum3A_57 [1] : vector<1000x128xf32> to vector<1000xf32>
    %broadcast_in_dim3A_59 = vector.shape_cast %reduce_sum3A_58 : vector<1000xf32> to vector<1000x1xf32>
    %add3A_60 = arith.addf %broadcast_in_dim3A, %broadcast_in_dim3A_59 : vector<1000x1xf32>
    %dot_general3A_61 = arith.constant dense<0.000000e+00> : vector<1000x16xf32>
    %dot_general3A_62 = tpu.matmul %max3A_38, %get3A_44, %dot_general3A_61 {dimension_numbers = #tpu.dot_dimension_numbers<[1], [0], [0], [1], [0, 0, 1, 1], [], []>, transpose_lhs_hint = false} : vector<1000x128xf32>, vector<128x16xf32>, vector<1000x16xf32> -> vector<1000x16xf32>
    %dot_general3A_63 = arith.constant dense<0.000000e+00> : vector<1000x16xf32>
    %dot_general3A_64 = tpu.matmul %get3A_41, %get3A_47, %dot_general3A_63 {dimension_numbers = #tpu.dot_dimension_numbers<[1], [0], [0], [1], [0, 0, 1, 1], [], []>, transpose_lhs_hint = false} : vector<1000x128xf32>, vector<128x16xf32>, vector<1000x16xf32> -> vector<1000x16xf32>
    %add3A_65 = arith.addf %dot_general3A_62, %dot_general3A_64 : vector<1000x16xf32>
    %mul3A_66 = arith.constant 2.000000e+00 : f32
    %mul3A_67 = vector.broadcast %mul3A_66 : f32 to vector<1000x16xf32>
    %mul3A_68 = arith.mulf %mul3A_67, %add3A_65 : vector<1000x16xf32>
    %sub3A = vector.broadcast %add3A_60 : vector<1000x1xf32> to vector<1000x16xf32>
    %sub3A_69 = arith.subf %mul3A_68, %sub3A : vector<1000x16xf32>
    %broadcast_in_dim3A_70 = vector.shape_cast %add3A_52 : vector<16xf32> to vector<1x16xf32>
    %sub3A_71 = vector.broadcast %broadcast_in_dim3A_70 : vector<1x16xf32> to vector<1000x16xf32>
    %sub3A_72 = arith.subf %sub3A_69, %sub3A_71 : vector<1000x16xf32>
    %swap3A = arith.constant 0 : index
    %swap3A_73 = arith.constant 0 : index
    %swap3A_74 = vector.load %arg10[%swap3A, %swap3A_73] : memref<1000x16xf32, #tpu.memory_space<vmem>>, vector<1000x16xf32>
    tpu.vector_store %arg10[%swap3A, %swap3A_73], %sub3A_72 {strides = array<i32>} : memref<1000x16xf32, #tpu.memory_space<vmem>>, vector<1000x16xf32>,
    return
  }
  func.func @transform_0(%arg0: i32) -> (i32, i32) {
    %c0_i32 = arith.constant 0 : i32
    %c0_i32_0 = arith.constant 0 : i32
    return %arg0, %c0_i32 : i32, i32
  }
  func.func @transform_1(%arg0: i32) -> (i32, i32, i32) {
    %c0_i32 = arith.constant 0 : i32
    %c0_i32_0 = arith.constant 0 : i32
    %c0_i32_1 = arith.constant 0 : i32
    return %c0_i32, %arg0, %c0_i32_0 : i32, i32, i32
  }
  func.func @transform_2(%arg0: i32) -> (i32, i32, i32) {
    %c0_i32 = arith.constant 0 : i32
    %c0_i32_0 = arith.constant 0 : i32
    %c0_i32_1 = arith.constant 0 : i32
    return %c0_i32, %arg0, %c0_i32_0 : i32, i32, i32
  }
  func.func @transform_3(%arg0: i32) -> (i32, i32) {
    %c0_i32 = arith.constant 0 : i32
    %c0_i32_0 = arith.constant 0 : i32
    %c0_i32_1 = arith.constant 0 : i32
    return %c0_i32, %c0_i32_0 : i32, i32
  }
  func.func @transform_4(%arg0: i32) -> (i32, i32) {
    %c0_i32 = arith.constant 0 : i32
    %c0_i32_0 = arith.constant 0 : i32
    %c0_i32_1 = arith.constant 0 : i32
    return %c0_i32, %c0_i32_0 : i32, i32
  }
  func.func @transform_5(%arg0: i32) -> (i32, i32) {
    %c0_i32 = arith.constant 0 : i32
    %c0_i32_0 = arith.constant 0 : i32
    %c0_i32_1 = arith.constant 0 : i32
    return %c0_i32, %c0_i32_0 : i32, i32
  }
  func.func @transform_6(%arg0: i32) -> (i32, i32) {
    %c0_i32 = arith.constant 0 : i32
    %c0_i32_0 = arith.constant 0 : i32
    return %arg0, %c0_i32 : i32, i32
  }
  func.func @transform_7(%arg0: i32) -> (i32, i32) {
    %c0_i32 = arith.constant 0 : i32
    %c0_i32_0 = arith.constant 0 : i32
    %c0_i32_1 = arith.constant 0 : i32
    return %c0_i32, %c0_i32_0 : i32, i32
  }
  func.func @transform_8(%arg0: i32) -> (i32, i32) {
    %c0_i32 = arith.constant 0 : i32
    %c0_i32_0 = arith.constant 0 : i32
    %c0_i32_1 = arith.constant 0 : i32
    return %c0_i32, %c0_i32_0 : i32, i32
  }
  func.func @transform_9(%arg0: i32) -> (i32, i32) {
    %c0_i32 = arith.constant 0 : i32
    %c0_i32_0 = arith.constant 0 : i32
    return %arg0, %c0_i32 : i32, i32
  }
}

</mosaic_0001>

<sc_bundles>
// kernel: kernel.10.cloned.1.call-start
scs
__scs_entry_jumppad:
0x0: {  	(pc) =	sbr.rel $0x88, $3  }
0x1: {  	(tag) =	ssettag $0x0;
	lr =	simm.s32 $0x1  }
0x2: {  	[smem:$0x3F97] =	sst lr;
	_ =	strace $0xD0000000  }
0x3: {  	_ = 	snop  }
0x4: {  	_ = 	snop  }
0x5: {  	_ = 	snop  }
0x6: {  	_ = 	snop  }
0x7: {  	_ = 	snop  }
__scs_overlays_trampoline_lowered:
0x8: {  	[smem:$0x3FA6] =	sst s0  }
0x9: {  	[smem:$0x3FA7] =	sst s1  }
0xa: {  	[smem:$0x3FA8] =	sst s2  }
0xb: {  	[smem:$0x3FA9] =	sst s3  }
0xc: {  	[smem:$0x3FAA] =	sst s4  }
0xd: {  	[smem:$0x3FAB] =	sst s5  }
0xe: {  	[smem:$0x3FAC] =	sst s6  }
0xf: {  	[smem:$0x3FAD] =	sst s7  }
0x10: {  	[smem:$0x3FAE] =	sst s8  }
0x11: {  	[smem:$0x3FAF] =	sst s9;
	s0 =	simm.s32 @!p0 $0x0  }
0x12: {  	s1 =	sld [smem:$0x3F95];
	s0 =	simm.s32 @p0 $0x1  }
0x13: {  	[smem:$0x3FB0] =	sst s0;
	s0 =	simm.s32 @!p1 $0x0  }
0x14: {  	s2 =	sld [smem:$0x3F94];
	s0 =	simm.s32 @p1 $0x1  }
0x15: {  	[smem:$0x3FB1] =	sst s0;
	s0 =	simm.s32 @!p2 $0x0  }
0x16: {  	s3 =	sld [smem:$0x3FDB];
	s0 =	simm.s32 @p2 $0x1  }
0x17: {  	s4 =	simm.s32 $0x1BF5;
	[smem:$0x3FB3] =	sst s0  }
0x18: {  	s0 =	sld [smem:$0x3F96];
	_ =	swait.ge [sflag:s4], $0x0  }
0x19: {  	s7 =	sld [smem:$0x3F97]  }
0x1a: {  	s8 =	sadd.s32 $0xFFFFE003, lr  }
0x1b: {  	s9 =	sadd.s32 $0xFFFFFEF7, lr;
	s5 =	simm.s32 $0xFFFFFFFF;
	p2 =	slt.u32 s8, $0xFFFFF086  }
0x1c: {  	p1 =	slt.u32 s9, $0xF7A;
	s5 =	simm.s32 @!p2 $0x0  }
0x1d: {  	s5 =	simm.s32 @p1 $0x1;
	p0 =	seq.s32 s7, s2  }
0x1e: {  	s7 =	smul.u32 @!p0 $0xF7A, s2;
	p2 =	seq.s32 @!p0 s5, $0x0  }
0x1f: {  	s9 =	smul.u32 $0xF7A, s1;
	s8 =	simm.s32 @!p0 $0x1BF5;
	p2 =	por !p2, p0  }
0x20: {  	[sflag:s8] =	ssyncset.s32 @!p0 $0xFFFFF086;
	s6 =	sadd.s32 @!p0 s3, s7;
	s7 =	simm.s32 @!p0 $0x108  }
0x21: {  	s3 =	sadd.s32 s3, s9;
	s6 =	sadd.s32 @!p0 $0x88, s6;
	s7 =	simm.s32 @p2 $0x1082  }
0x22: {  	[simem:s7], [sflag:s8] =	dma.local @!p0 [hbm:s6], $0xF7A  }
0x23: {  	s9 =	sor.u32 $0xD0000000, s2;
	s6 =	simm.s32 $0x108;
	_ =	swait.ge @!p0 [sflag:s8], $0x0  }
0x24: {  	s3 =	sadd.s32 $0x88, s3;
	s6 =	simm.s32 @!p1 $0x1082;
	[sflag:s4] =	ssyncset.s32 $0xFFFFF086  }
0x25: {  	[simem:s6], [sflag:s4] =	dma.local [hbm:s3], $0xF7A  }
0x26: {  	[smem:$0x3F97] =	sst s1;
	(tag) =	ssettag s2;
	_ =	strace s9  }
0x27: {  	s1 =	sld [smem:$0x3FA7]  }
0x28: {  	s2 =	sld [smem:$0x3FA8]  }
0x29: {  	s4 =	sld [smem:$0x3FAA]  }
0x2a: {  	p0 =	seq.s32 s5, $0x0;
	s5 =	sld [smem:$0x3FAB]  }
0x2b: {  	s6 =	sld [smem:$0x3FAC]  }
0x2c: {  	s7 =	sld [smem:$0x3FAD]  }
0x2d: {  	s3 =	simm.s32 $0x108;
	s8 =	sld [smem:$0x3FAE]  }
0x2e: {  	s3 =	simm.s32 @!p0 $0x1082;
	s9 =	sld [smem:$0x3FAF]  }
0x2f: {  	lr =	sadd.s32 s0, s3;
	s0 =	sld [smem:$0x3FA6]  }
0x30: {  	s3 =	sld [smem:$0x3FA9]  }
0x31: {  	[smem:$0x3FB2] =	sst s10  }
0x32: {  	s10 =	sld [smem:$0x3FB0];
	_ =	sdelay $0x3  }
0x33: {  	p0 =	seq.s32 s10, $0x1;
	s10 =	sld [smem:$0x3FB2];
	_ =	sdelay $0x3  }
0x34: {  	[smem:$0x3FB2] =	sst s10  }
0x35: {  	s10 =	sld [smem:$0x3FB1];
	_ =	sdelay $0x3  }
0x36: {  	p1 =	seq.s32 s10, $0x1;
	s10 =	sld [smem:$0x3FB2];
	_ =	sdelay $0x3  }
0x37: {  	[smem:$0x3FB2] =	sst s10  }
0x38: {  	s10 =	sld [smem:$0x3FB3]  }
0x39: {  	_ = 	snop;
	(pc) =	sbr.ind lr, $3  }
0x3a: {  	_ = 	snop  }
0x3b: {  	_ = 	snop  }
0x3c: {  	p2 =	seq.s32 s10, $0x1;
	s10 =	sld [smem:$0x3FB2]  }
0x3d: {  	_ =	shalt  }
0x3e: {  	_ =	shalt  }
0x3f: {  	_ =	shalt  }
0x40: {  	_ =	shalt  }
0x41: {  	_ =	shalt  }
0x42: {  	_ =	shalt  }
0x43: {  	_ =	shalt  }
0x44: {  	_ =	shalt  }
0x45: {  	_ =	shalt  }
0x46: {  	_ =	shalt  }
0x47: {  	_ =	shalt  }
0x48: {  	_ =	shalt  }
0x49: {  	_ =	shalt  }
0x4a: {  	_ =	shalt  }
0x4b: {  	_ =	shalt  }
0x4c: {  	_ =	shalt  }
0x4d: {  	_ =	shalt  }
0x4e: {  	_ =	shalt  }
0x4f: {  	_ =	shalt  }
0x50: {  	_ =	shalt  }
0x51: {  	_ =	shalt  }
0x52: {  	_ =	shalt  }
0x53: {  	_ =	shalt  }
0x54: {  	_ =	shalt  }
0x55: {  	_ =	shalt  }
0x56: {  	_ =	shalt  }
0x57: {  	_ =	shalt  }
0x58: {  	_ =	shalt  }
0x59: {  	_ =	shalt  }
0x5a: {  	_ =	shalt  }
0x5b: {  	_ =	shalt  }
0x5c: {  	_ =	shalt  }
0x5d: {  	_ =	shalt  }
0x5e: {  	_ =	shalt  }
0x5f: {  	_ =	shalt  }
0x60: {  	_ =	shalt  }
0x61: {  	_ =	shalt  }
0x62: {  	_ =	shalt  }
0x63: {  	_ =	shalt  }
0x64: {  	_ =	shalt  }
0x65: {  	_ =	shalt  }
0x66: {  	_ =	shalt  }
0x67: {  	_ =	shalt  }
0x68: {  	_ =	shalt  }
0x69: {  	_ =	shalt  }
0x6a: {  	_ =	shalt  }
0x6b: {  	_ =	shalt  }
0x6c: {  	_ =	shalt  }
0x6d: {  	_ =	shalt  }
0x6e: {  	_ =	shalt  }
0x6f: {  	_ =	shalt  }
0x70: {  	_ =	shalt  }
0x71: {  	_ =	shalt  }
0x72: {  	_ =	shalt  }
0x73: {  	_ =	shalt  }
0x74: {  	_ =	shalt  }
0x75: {  	_ =	shalt  }
0x76: {  	_ =	shalt  }
0x77: {  	_ =	shalt  }
0x78: {  	_ =	shalt  }
0x79: {  	_ =	shalt  }
0x7a: {  	_ =	shalt  }
0x7b: {  	_ =	shalt  }
0x7c: {  	_ =	shalt  }
0x7d: {  	_ =	shalt  }
0x7e: {  	_ =	shalt  }
0x7f: {  	_ =	shalt  }
0x80: {  	_ =	shalt  }
0x81: {  	_ =	shalt  }
0x82: {  	_ =	shalt  }
0x83: {  	_ =	shalt  }
0x84: {  	_ =	shalt  }
0x85: {  	_ =	shalt  }
0x86: {  	_ =	shalt  }
0x87: {  	_ =	shalt  }
.Lfunc_end0:
.L_simem_size_0:
called_computation.1_lowered:
.L_overlay_start_0:
0x88: {  	s2 =	sld [smem:$0x3FD9]  }
0x89: {  	s3 =	sld [smem:$0x3FFE];
	_ =	sdelay $0x1  }
0x8a: {  	s1 =	srdreg.scid  }
0x8b: {  	s0 =	sand.u32 $0x1, s1  }
0x8c: {  	s17 =	sshll.u32 s0, $0xA;
	s2 =	sadd.s32 s3, s2  }
0x8d: {  	s2 =	sadd.s32 s2, s17  }
0x8e: {  	[smem:$0x3FBE] =	sst s2  }
0x8f: {  	_ = 	snop  }
0x90: {  	s2 =	sld [smem:$0x3FC9]  }
0x91: {  	s18 =	sld [smem:$0x3FD0];
	(tm) =	ssettm $0x1  }
0x92: {  	s4 =	sld [smem:$0x3FFB];
	_ =	sdelay $0x3  }
0x93: {  	_ =	strace s4  }
0x94: {  	s4 =	sld [smem:$0x3FFC];
	_ =	sdelay $0x3  }
0x95: {  	_ =	strace s4  }
0x96: {  	s4 =	sld [smem:$0x3FFD];
	_ =	sdelay $0x3  }
0x97: {  	_ =	strace s4  }
0x98: {  	_ =	strace $0x8FFFFFFF  }
0x99: {  	s19 =	sld [smem:$0x3FDB];
	_ =	sdelay $0x1  }
0x9a: {  	s5 =	simm.s32 $_scs_section_size  }
0x9b: {  	s6 =	simm.s32 $_size__tile_overlayer_lowered;
	s7 =	simm.s32 $_tile_overlayer_lowered  }
0x9c: {  	s22 =	simm.s32 $0x1BFF;
	s21 =	sshll.u32 s7, $0x1;
	s4 =	sadd.s32 s5, s19  }
0x9d: {  	s8 =	simm.s32 $0x0;
	s20 =	sshll.u32 s6, $0x1;
	s6 =	sadd.s32 s21, s4  }
0x9e: {  	[timem:s8], [sflag:s22] =	dma.local [hbm:s6], s20  }
0x9f: {  	_ =	swait.ge [sflag:s22], s20  }
0xa0: {  	s5 =	ssub.s32 $0x0, s20;
	[sflag:s22] =	ssyncset.done $0x0  }
0xa1: {  	[sflag:s22] =	ssyncadd.s32 s5;
	_ =	sdelay $0x1  }
0xa2: {  	s23 =	simm.s32 $0x1B8B  }
0xa3: {  	_ =	swait.ge [sflag:s23], $0x1  }
0xa4: {  	[sflag:s23] =	ssyncset.done $0x0  }
0xa5: {  	s25 =	simm.s32 $0x1B8E;
	s24 =	sld [smem:$0x3FFE];
	[sflag:s23] =	ssyncadd.s32 $0xFFFFFFFF  }
0xa6: {  	s26 =	simm.s32 $execute0_lowered;
	[smem:$0x3FD2] =	sst s25  }
0xa7: {  	s6 =	sshll.u32 s26, $0x1;
	_ =	strace $0x80000046;
	[dreg:$0x1] =	wrdreg $0xFFFFFFFF  }
0xa8: {  	s28 =	simm.s32 $_size_execute0_lowered;
	s4 =	sadd.s32 s4, s6;
	[dreg:$0x0] =	wrdreg $0x0  }
0xa9: {  	s6 =	sshll.u32 s28, $0x1;
	[dreg:$0x2] =	wrdreg s4  }
0xaa: {  	[dreg:$0x3] =	wrdreg s6  }
0xab: {  	[dreg:$0x4] =	wrdreg $0xC0  }
0xac: {  	_ =	task [dreg:s8], $0x5FFFF  }
0xad: {  	[dreg:$0x1] =	wrdreg $0xFFFFFFFF  }
0xae: {  	[dreg:$0x0] =	wrdreg $0x60  }
0xaf: {  	[dreg:$0x2] =	wrdreg s2  }
0xb0: {  	[dreg:$0x3] =	wrdreg s24  }
0xb1: {  	[dreg:$0x4] =	wrdreg s18  }
0xb2: {  	[dreg:$0x5] =	wrdreg $0x80000  }
0xb3: {  	[dreg:$0x6] =	wrdreg $0xA  }
0xb4: {  	_ =	task.clear_ibuf [dreg:s8], $0x7FFFF;
	_ =	strace $0x90000046  }
0xb5: {  	s29 =	simm.s32 $0xA;
	_ =	strace $0x80000048  }
0xb6: {  	_ =	swait.ge [sflag:s29], $0x1  }
0xb7: {  	[sflag:s29] =	ssyncadd.s32 $0xFFFFFFFF  }
0xb8: {  	_ =	strace $0x90000048  }
0xb9: {  	_ =	sfence  }
0xba: {  	s30 =	sld [smem:$0x0];
	_ =	sdelay $0x2  }
0xbb: {  	s31 =	sshll.u32 s1, $0xD;
	s1 =	sshrl.u32 s1, $0x2  }
0xbc: {  	s3 =	sand.u32 $0x4000, s31;
	s1 =	sadd.s32 s1, s30  }
0xbd: {  	s0 =	sor.u32 s3, s0;
	s1 =	sshll.u32 s1, $0x11  }
0xbe: {  	s0 =	sor.u32 s1, s0  }
0xbf: {  	s0 =	sadd.s32 $0x8F2B, s0  }
0xc0: {  	[sflag:s0] =	ssyncadd.remote.s32 $0x1  }
0xc1: {  	_ =	sfence.sel $0xFFFF  }
0xc2: {  	[dreg:$0x0] =	wrdreg $0xFFFFFFFF;
	(pc) =	sbr.abs _section_cstart, $3  }
0xc3: {  	[dreg:$0x1] =	wrdreg $0xFFFFFFFF  }
0xc4: {  	_ =	task.clear_ibuf [dreg:s8], $0x2FFFF;
	_ =	strace $0x9FFFFFFF  }
0xc5: {  	(tm) =	ssettm $0x7FFFFFFF  }
tec
execute0_lowered:
.L_overlay_start_1:
0x0: {  	(tag) =	ssettag $0x1  }
0x1: {  	s1 =	rddreg [dreg:$0x0]  }
0x2: {  	s0 =	rddreg [dreg:$0x1]  }
0x3: {  	s4 =	rddreg [dreg:$0x3];
	s5 =	simm.s32 $0x0;
	s2 =	srdreg.scid  }
0x4: {  	s13 =	stileid.u32;
	s28 =	simm.s32 $0x6400;
	s29 =	simm.s32 $0x1  }
0x5: {  	s30 =	simm.s32 $0x2;
	s31 =	simm.s32 $0x3;
	s3 =	smul.u32 $0x2800, s13  }
0x6: {  	[smem:$0x7FF] =	sst s5;
	s2 =	sand.u32 $0x1, s2;
	s17 =	smul.u32 $0x50000, s13  }
0x7: {  	s7 =	sadd.s32 $0x1BA00, s0;
	s8 =	sadd.s32 $0x2A00, s0;
	s23 =	smul.u32 $0x1900, s13  }
0x8: {  	s9 =	sshll.u32 s13, $0x1;
	s19 =	sshll.u32 s13, $0x6;
	s6 =	smul.u32 $0x28000, s2  }
0x9: {  	s16 =	sor.u32 s2, s9;
	s18 =	ssub.s32 $0x2, s2;
	s2 =	smul.u32 $0xC80, s2  }
0xa: {  	_ =	strace $0x80000047;
	s10 =	smul.u32 $0xC80, s16;
	s11 =	sshrl.u32 s18, $0x1  }
0xb: {  	s9 =	sshrl.u32 s17, $0x2;
	s12 =	smul.u32 $0x6400, s16;
	s25 =	sadd.s32 s23, s8  }
0xc: {  	s16 =	simm.s32 $0x6;
	s17 =	simm.s32 $0xB80;
	s3 =	sadd.s32 s3, s6  }
0xd: {  	s9 =	sadd.s32 s9, s4;
	s6 =	sor.u32 $0x1C06, s19;
	s19 =	simm.s32 $0xF00  }
0xe: {  	s0 =	sadd.s32 s3, s0;
	s3 =	ssub.s32 s18, s11;
	s20 =	sadd.s32 s7, s10  }
0xf: {  	s21 =	sshrl.u32 s12, $0x3;
	s10 =	sadd.s32 s8, s10;
	[dreg:$0x5] =	wrdreg s20  }
0x10: {  	s15 =	sshrl.u32 s9, $0x3;
	s18 =	simm.s32 $0xF80;
	[dreg:$0x6] =	wrdreg s10  }
0x11: {  	s22 =	sadd.s32 $0x80, s21;
	s0 =	sadd.s32 $0x34A00, s0;
	s3 =	smax.u32 s3, $0x1  }
0x12: {  	s20 =	simm.s32 $0x32;
	s21 =	simm.s32 $0x1000;
	s24 =	sadd.s32 s7, s22  }
0x13: {  	s10 =	sadd.s32 s8, s22;
	[dreg:$0x9] =	wrdreg s0;
	s7 =	sadd.s32 s23, s7  }
0x14: {  	[dreg:$0xa] =	wrdreg s3;
	s0 =	sadd.s32 s2, s25;
	s23 =	simm.s32 $0x2C00  }
.Ltmp0:
0x15: {  	s25 =	simm.s32 $0x4800;
	[dreg:$0x7] =	wrdreg s24;
	(pc) =	sbr.rel .LBB2_1-.Ltmp0, $4  }
0x16: {  	s3 =	simm.s32 $0xA80;
	s22 =	simm.s32 $0x5;
	[dreg:$0x8] =	wrdreg s10  }
0x17: {  	s2 =	sadd.s32 s2, s7;
	s0 =	sadd.s32 $0x100, s0;
	s24 =	simm.s32 $0xE80  }
0x18: {  	[dreg:$0xb] =	wrdreg s0;
	s26 =	sadd.s32 $0x100, s2;
	s0 =	simm.s32 $0x4  }
0x19: {  	s2 =	simm.s32 $0xB00;
	[dreg:$0xc] =	wrdreg s26;
	s26 =	simm.s32 $0x0  }
.LBB2_26:
0x1a: {  	[bflag:$0x0] =	sbarrier.arrive $0xFFFF  }
0x1b: {  	s7 =	rddreg [dreg:$0x9]  }
0x1c: {  	[hbm:s7], [sflag:s6] =	dma.local [spmem:s15], $0x2800  }
0x1d: {  	_ =	swait.ge [sflag:s16], $0x2800  }
0x1e: {  	s26 =	sadd.s32 $0x1, s26;
	s14 =	rddreg [dreg:$0xa]  }
0x1f: {  	p0 =	sne.s32 s26, s14  }
.Ltmp1:
0x20: {  	_ = 	snop;
	(pc) =	sbr.rel @!p0 .LBB2_27-.Ltmp1, $3  }
0x21: {  	_ =	sdelay $0x1  }
0x22: {  	[sflag:s16] =	ssyncset.done $0x0  }
0x23: {  	[sflag:s16] =	ssyncadd.s32 $0xFFFFD800  }
.LBB2_1:
0x24: {  	s7 =	rddreg [dreg:$0x2]  }
0x25: {  	[spmem:s15], [sflag:s6] =	dma.local [hbm:s7], $0x2800  }
0x26: {  	_ =	swait.ge [sflag:s16], $0x2800  }
0x27: {  	[sflag:s16] =	ssyncset.done $0x0  }
0x28: {  	s13 =	rddreg [dreg:$0x5];
	[sflag:s16] =	ssyncadd.s32 $0xFFFFD800  }
0x29: {  	[tilespmem:s5], [sflag:$0x6] =	stream.linear.gather [hbm4b:s13+s5], $0x400, $0x38;
	[tilespmem:$0x1C000] =	vst v63  }
0x2a: {  	_ =	swait.ge [sflag:s16], $0x400  }
0x2b: {  	[sflag:s16] =	ssyncset.done $0x0  }
0x2c: {  	s8 =	simm.s32 $0x800;
	s14 =	rddreg [dreg:$0x6];
	[sflag:s16] =	ssyncadd.s32 $0xFFFFFC00  }
0x2d: {  	[tilespmem:s8], [sflag:$0x6] =	stream.linear.gather [hbm4b:s14+s5], $0x400, $0x38;
	[tilespmem:$0x1C000] =	vst v63  }
0x2e: {  	_ =	swait.ge [sflag:s16], $0x400  }
0x2f: {  	[sflag:s16] =	ssyncset.done $0x0  }
0x30: {  	s9 =	simm.s32 $0x400;
	s8 =	rddreg [dreg:$0x7];
	[sflag:s16] =	ssyncadd.s32 $0xFFFFFC00  }
0x31: {  	[tilespmem:s9], [sflag:$0x5] =	stream.linear.gather [hbm4b:s8+s5], $0x400, $0x38;
	[tilespmem:$0x1C000] =	vst v63  }
0x32: {  	s11 =	simm.s32 $0xC00;
	s10 =	rddreg [dreg:$0x8]  }
0x33: {  	[tilespmem:s11], [sflag:$0x5] =	stream.linear.gather [hbm4b:s10+s5], $0x400, $0x38;
	[tilespmem:$0x1C000] =	vst v63  }
0x34: {  	[bflag:$0x0] =	sbarrier.arrive $0xFFFF  }
0x35: {  	[tilespmem:s21], [sflag:$0x1] =	stream.indirect.gather [hbm4b:s1+s20], $0x80, s5, s20, $0xb8;
	[tilespmem:$0x1C000] =	vst v63  }
0x36: {  	s12 =	simm.s32 $0x80  }
0x37: {  	[tilespmem:s23], [sflag:$0x2] =	stream.indirect.gather [hbm4b:s1+s20], $0x80, s12, s20, $0xb8;
	[tilespmem:$0x1C000] =	vst v63  }
.Ltmp2:
0x38: {  	s13 =	simm.s32 $0x100;
	(pc) =	sbr.rel .LBB2_2-.Ltmp2, $4  }
0x39: {  	[tilespmem:s25], [sflag:$0x3] =	stream.indirect.gather [hbm4b:s1+s20], $0x80, s13, s20, $0xb8;
	[tilespmem:$0x1C000] =	vst v63  }
0x3a: {  	s14 =	simm.s32 $0x180;
	s13 =	rddreg [dreg:$0xb]  }
0x3b: {  	[tilespmem:s28], [sflag:$0x4] =	stream.indirect.gather [hbm4b:s1+s20], $0x80, s14, s20, $0xb8;
	[tilespmem:$0x1C000] =	vst v63  }
0x3c: {  	s7 =	simm.s32 $0x1;
	s14 =	rddreg [dreg:$0xc]  }
.LBB2_24:
0x3d: {  	s9 =	simm.s32 $0x580  }
.LBB2_25:
0x3e: {  	[tilespmem:s28], [sflag:$0x4] =	stream.indirect.gather [hbm4b:s1+s20], $0x80, s9, s20, $0xb8;
	[tilespmem:$0x1C000] =	vst v63  }
0x3f: {  	p0 =	sgt.u32 s10, $0x16  }
0x40: {  	s8 =	simm.s32 @!p0 $0x0  }
0x41: {  	[tilespmem:s12], [sflag:$0x5] =	stream.linear.gather @!p0 [hbm4b:s14+s8], $0x400, $0x38;
	[tilespmem:$0x1C000] =	vst v63  }
0x42: {  	s7 =	sadd.s32 $0x1, s7  }
0x43: {  	[tilespmem:s11], [sflag:$0x5] =	stream.linear.gather @!p0 [hbm4b:s13+s8], $0x400, $0x38;
	[tilespmem:$0x1C000] =	vst v63  }
0x44: {  	p0 =	sne.s32 s7, $0x1A  }
.Ltmp3:
0x45: {  	_ = 	snop;
	(pc) =	sbr.rel @!p0 .LBB2_26-.Ltmp3, $2  }
0x46: {  	_ =	sdelay $0x2  }
0x47: {  	s14 =	sadd.s32 $0x80, s14;
	s13 =	sadd.s32 $0x80, s13  }
.LBB2_2:
0x48: {  	s10 =	sadd.s32 $0xFFFFFFFF, s7  }
0x49: {  	_ =	swait.ge [sflag:s29], $0x1900;
	s9 =	sand.u32 $0x1, s10  }
0x4a: {  	s11 =	simm.s32 $0x800;
	[sflag:s29] =	ssyncset.done $0x0;
	p0 =	seq.s32 s9, $0x0  }
0x4b: {  	[sflag:s29] =	ssyncadd.s32 $0xFFFFE700;
	s11 =	simm.s32 @!p0 $0xC00  }
0x4c: {  	[spmem:s4] =	stream.indirect.scatter.add.f32 [tilespmem:s21], [sflag:$0x6], $0x80, s11, s20, $0xb8;
	[tilespmem:$0x1C000] =	vst v63  }
0x4d: {  	s8 =	ssub.s32 $0x0, s9;
	_ =	swait.ge [sflag:s16], $0x1900  }
0x4e: {  	s12 =	sand.u32 $0x400, s8;
	[sflag:s16] =	ssyncset.done $0x0  }
0x4f: {  	s8 =	sor.u32 $0x200, s12;
	[sflag:s16] =	ssyncadd.s32 $0xFFFFE700  }
0x50: {  	[tilespmem:s21], [sflag:$0x1] =	stream.indirect.gather [hbm4b:s1+s20], $0x80, s8, s20, $0xb8;
	[tilespmem:$0x1C000] =	vst v63  }
0x51: {  	_ =	swait.ge [sflag:s30], $0x1900  }
0x52: {  	[sflag:s30] =	ssyncset.done $0x0  }
0x53: {  	s8 =	sor.u32 $0x80, s11;
	[sflag:s30] =	ssyncadd.s32 $0xFFFFE700  }
0x54: {  	[spmem:s4] =	stream.indirect.scatter.add.f32 [tilespmem:s23], [sflag:$0x6], $0x80, s8, s20, $0xb8;
	[tilespmem:$0x1C000] =	vst v63  }
0x55: {  	_ =	swait.ge [sflag:s16], $0x1900  }
0x56: {  	[sflag:s16] =	ssyncset.done $0x0  }
0x57: {  	s8 =	sor.u32 $0x280, s12;
	[sflag:s16] =	ssyncadd.s32 $0xFFFFE700  }
0x58: {  	[tilespmem:s23], [sflag:$0x2] =	stream.indirect.gather [hbm4b:s1+s20], $0x80, s8, s20, $0xb8;
	[tilespmem:$0x1C000] =	vst v63  }
0x59: {  	_ =	swait.ge [sflag:s31], $0x1900  }
0x5a: {  	[sflag:s31] =	ssyncset.done $0x0  }
0x5b: {  	s8 =	sor.u32 $0x100, s11;
	[sflag:s31] =	ssyncadd.s32 $0xFFFFE700  }
0x5c: {  	[spmem:s4] =	stream.indirect.scatter.add.f32 [tilespmem:s25], [sflag:$0x6], $0x80, s8, s20, $0xb8;
	[tilespmem:$0x1C000] =	vst v63  }
0x5d: {  	_ =	swait.ge [sflag:s16], $0x1900  }
0x5e: {  	[sflag:s16] =	ssyncset.done $0x0  }
0x5f: {  	s8 =	sor.u32 $0x300, s12;
	[sflag:s16] =	ssyncadd.s32 $0xFFFFE700  }
0x60: {  	[tilespmem:s25], [sflag:$0x3] =	stream.indirect.gather [hbm4b:s1+s20], $0x80, s8, s20, $0xb8;
	[tilespmem:$0x1C000] =	vst v63  }
0x61: {  	_ =	swait.ge [sflag:s0], $0x1900  }
0x62: {  	[sflag:s0] =	ssyncset.done $0x0  }
0x63: {  	s8 =	sor.u32 $0x180, s11;
	[sflag:s0] =	ssyncadd.s32 $0xFFFFE700  }
0x64: {  	[spmem:s4] =	stream.indirect.scatter.add.f32 [tilespmem:s28], [sflag:$0x6], $0x80, s8, s20, $0xb8;
	[tilespmem:$0x1C000] =	vst v63  }
0x65: {  	_ =	swait.ge [sflag:s16], $0x1900  }
0x66: {  	[sflag:s16] =	ssyncset.done $0x0  }
0x67: {  	s8 =	sor.u32 $0x380, s12;
	[sflag:s16] =	ssyncadd.s32 $0xFFFFE700  }
0x68: {  	[tilespmem:s28], [sflag:$0x4] =	stream.indirect.gather [hbm4b:s1+s20], $0x80, s8, s20, $0xb8;
	[tilespmem:$0x1C000] =	vst v63  }
0x69: {  	_ =	swait.ge [sflag:s29], $0x1900  }
0x6a: {  	p0 =	sne.s32 s7, $0x19;
	[sflag:s29] =	ssyncset.done $0x0  }
.Ltmp4:
0x6b: {  	s8 =	sor.u32 $0x200, s11;
	[sflag:s29] =	ssyncadd.s32 $0xFFFFE700;
	(pc) =	sbr.rel @p0 .LBB2_4-.Ltmp4, $4  }
0x6c: {  	[spmem:s4] =	stream.indirect.scatter.add.f32 [tilespmem:s21], [sflag:$0x6], $0x80, s8, s20, $0xb8;
	[tilespmem:$0x1C000] =	vst v63  }
0x6d: {  	_ =	swait.ge [sflag:s16], $0x1900  }
0x6e: {  	[sflag:s16] =	ssyncset.done $0x0  }
0x6f: {  	[sflag:s16] =	ssyncadd.s32 $0xFFFFE700  }
.Ltmp5:
0x70: {  	(pc) =	sbr.rel .LBB2_5-.Ltmp5, $4  }
0x71: {  	_ = 	snop  }
0x72: {  	_ =	swait.ge [sflag:s30], $0x1900  }
0x73: {  	[sflag:s30] =	ssyncset.done $0x0  }
0x74: {  	[sflag:s30] =	ssyncadd.s32 $0xFFFFE700  }
.LBB2_4:
0x75: {  	_ =	swait.ge [sflag:s22], $0x400  }
0x76: {  	[sflag:s22] =	ssyncset.done $0x0  }
0x77: {  	[sflag:s22] =	ssyncadd.s32 $0xFFFFFC00  }
0x78: {  	s8 =	sand.u32 $0x1, s7;
	p1 =	sne.s32 s9, $0x0;
	_ =	swait.ge [sflag:s22], $0x400  }
0x79: {  	p0 =	seq.s32 s8, $0x1;
	s8 =	simm.s32 $0x400;
	[sflag:s22] =	ssyncset.done $0x0  }
.Ltmp6:
0x7a: {  	s8 =	simm.s32 @!p0 $0x0;
	[sflag:s22] =	ssyncadd.s32 $0xFFFFFC00;
	(pc) =	sbr.rel @p1 .LBB2_9-.Ltmp6, $4  }
0x7b: {  	[tilespmem:s21], [sflag:$0x1] =	stream.indirect.gather [hbm4b:s1+s20], $0x80, s8, s20, $0xb8;
	[tilespmem:$0x1C000] =	vst v63  }
0x7c: {  	_ =	swait.ge [sflag:s30], $0x1900  }
0x7d: {  	[sflag:s30] =	ssyncset.done $0x0  }
0x7e: {  	[sflag:s30] =	ssyncadd.s32 $0xFFFFE700  }
.LBB2_5:
0x7f: {  	p0 =	seq.s32 s7, $0x19  }
.Ltmp7:
0x80: {  	_ = 	snop;
	(pc) =	sbr.rel @!p0 .LBB2_6-.Ltmp7, $4  }
0x81: {  	[spmem:s4] =	stream.indirect.scatter.add.f32 [tilespmem:s23], [sflag:$0x6], $0x80, s3, s20, $0xb8;
	[tilespmem:$0x1C000] =	vst v63  }
0x82: {  	_ =	swait.ge [sflag:s16], $0x1900  }
0x83: {  	[sflag:s16] =	ssyncset.done $0x0  }
0x84: {  	[sflag:s16] =	ssyncadd.s32 $0xFFFFE700  }
.Ltmp8:
0x85: {  	(pc) =	sbr.rel .LBB2_13-.Ltmp8, $4  }
0x86: {  	_ = 	snop  }
0x87: {  	_ =	swait.ge [sflag:s31], $0x1900  }
0x88: {  	[sflag:s31] =	ssyncset.done $0x0  }
0x89: {  	[sflag:s31] =	ssyncadd.s32 $0xFFFFE700  }
.LBB2_6:
0x8a: {  	s8 =	sand.u32 $0x1, s7  }
0x8b: {  	p0 =	seq.s32 s8, $0x1  }
.Ltmp9:
0x8c: {  	_ = 	snop;
	(pc) =	sbr.rel @p0 .LBB2_11-.Ltmp9, $1  }
0x8d: {  	_ =	sdelay $0x3  }
.Ltmp10:
0x8e: {  	(pc) =	sbr.rel .LBB2_12-.Ltmp10, $2  }
0x8f: {  	_ =	sdelay $0x2  }
0x90: {  	p0 =	por $0x0, $0x0;
	s8 =	simm.s32 $0x80  }
.LBB2_9:
.Ltmp11:
0x91: {  	(pc) =	sbr.rel @!p0 .LBB2_10-.Ltmp11, $4  }
0x92: {  	[spmem:s4] =	stream.indirect.scatter.add.f32 [tilespmem:s23], [sflag:$0x6], $0x80, s24, s20, $0xb8;
	[tilespmem:$0x1C000] =	vst v63  }
0x93: {  	_ =	swait.ge [sflag:s16], $0x1900  }
0x94: {  	[sflag:s16] =	ssyncset.done $0x0  }
0x95: {  	[sflag:s16] =	ssyncadd.s32 $0xFFFFE700  }
.LBB2_11:
.Ltmp12:
0x96: {  	(pc) =	sbr.rel .LBB2_12-.Ltmp12, $2  }
0x97: {  	_ =	sdelay $0x2  }
0x98: {  	p0 =	por $0x1, $0x1;
	s8 =	simm.s32 $0x480  }
.LBB2_10:
0x99: {  	p0 =	por $0x0, $0x0;
	s8 =	simm.s32 $0x80  }
.LBB2_12:
0x9a: {  	p1 =	sne.s32 s9, $0x0  }
.Ltmp13:
0x9b: {  	_ = 	snop;
	(pc) =	sbr.rel @p1 .LBB2_17-.Ltmp13, $4  }
0x9c: {  	[tilespmem:s23], [sflag:$0x2] =	stream.indirect.gather [hbm4b:s1+s20], $0x80, s8, s20, $0xb8;
	[tilespmem:$0x1C000] =	vst v63  }
0x9d: {  	_ =	swait.ge [sflag:s31], $0x1900  }
0x9e: {  	[sflag:s31] =	ssyncset.done $0x0  }
0x9f: {  	[sflag:s31] =	ssyncadd.s32 $0xFFFFE700  }
.LBB2_13:
0xa0: {  	p0 =	seq.s32 s7, $0x19  }
.Ltmp14:
0xa1: {  	_ = 	snop;
	(pc) =	sbr.rel @!p0 .LBB2_14-.Ltmp14, $4  }
0xa2: {  	[spmem:s4] =	stream.indirect.scatter.add.f32 [tilespmem:s25], [sflag:$0x6], $0x80, s2, s20, $0xb8;
	[tilespmem:$0x1C000] =	vst v63  }
0xa3: {  	_ =	swait.ge [sflag:s16], $0x1900  }
0xa4: {  	[sflag:s16] =	ssyncset.done $0x0  }
0xa5: {  	[sflag:s16] =	ssyncadd.s32 $0xFFFFE700  }
.Ltmp15:
0xa6: {  	(pc) =	sbr.rel .LBB2_21-.Ltmp15, $4  }
0xa7: {  	_ = 	snop  }
0xa8: {  	_ =	swait.ge [sflag:s0], $0x1900  }
0xa9: {  	[sflag:s0] =	ssyncset.done $0x0  }
0xaa: {  	[sflag:s0] =	ssyncadd.s32 $0xFFFFE700  }
.LBB2_14:
0xab: {  	s8 =	sand.u32 $0x1, s7  }
0xac: {  	p0 =	seq.s32 s8, $0x1  }
.Ltmp16:
0xad: {  	_ = 	snop;
	(pc) =	sbr.rel @p0 .LBB2_19-.Ltmp16, $1  }
0xae: {  	_ =	sdelay $0x3  }
.Ltmp17:
0xaf: {  	(pc) =	sbr.rel .LBB2_20-.Ltmp17, $2  }
0xb0: {  	_ =	sdelay $0x2  }
0xb1: {  	p0 =	por $0x0, $0x0;
	s8 =	simm.s32 $0x100  }
.LBB2_17:
.Ltmp18:
0xb2: {  	(pc) =	sbr.rel @!p0 .LBB2_18-.Ltmp18, $4  }
0xb3: {  	[spmem:s4] =	stream.indirect.scatter.add.f32 [tilespmem:s25], [sflag:$0x6], $0x80, s19, s20, $0xb8;
	[tilespmem:$0x1C000] =	vst v63  }
0xb4: {  	_ =	swait.ge [sflag:s16], $0x1900  }
0xb5: {  	[sflag:s16] =	ssyncset.done $0x0  }
0xb6: {  	[sflag:s16] =	ssyncadd.s32 $0xFFFFE700  }
.LBB2_19:
.Ltmp19:
0xb7: {  	(pc) =	sbr.rel .LBB2_20-.Ltmp19, $2  }
0xb8: {  	_ =	sdelay $0x2  }
0xb9: {  	p0 =	por $0x1, $0x1;
	s8 =	simm.s32 $0x500  }
.LBB2_18:
0xba: {  	p0 =	por $0x0, $0x0;
	s8 =	simm.s32 $0x100  }
.LBB2_20:
0xbb: {  	p1 =	sne.s32 s9, $0x0  }
.Ltmp20:
0xbc: {  	_ = 	snop;
	(pc) =	sbr.rel @p1 .LBB2_23-.Ltmp20, $4  }
0xbd: {  	[tilespmem:s25], [sflag:$0x3] =	stream.indirect.gather [hbm4b:s1+s20], $0x80, s8, s20, $0xb8;
	[tilespmem:$0x1C000] =	vst v63  }
0xbe: {  	_ =	swait.ge [sflag:s0], $0x1900  }
0xbf: {  	[sflag:s0] =	ssyncset.done $0x0  }
0xc0: {  	[sflag:s0] =	ssyncadd.s32 $0xFFFFE700  }
.LBB2_21:
0xc1: {  	p0 =	seq.s32 s7, $0x19  }
.Ltmp21:
0xc2: {  	_ = 	snop;
	(pc) =	sbr.rel @p0 .LBB2_26-.Ltmp21, $4  }
0xc3: {  	[spmem:s4] =	stream.indirect.scatter.add.f32 [tilespmem:s28], [sflag:$0x6], $0x80, s17, s20, $0xb8;
	[tilespmem:$0x1C000] =	vst v63  }
0xc4: {  	_ =	swait.ge [sflag:s16], $0x1900  }
0xc5: {  	[sflag:s16] =	ssyncset.done $0x0  }
0xc6: {  	[sflag:s16] =	ssyncadd.s32 $0xFFFFE700  }
0xc7: {  	s8 =	sand.u32 $0x1, s7  }
0xc8: {  	p0 =	seq.s32 s8, $0x1  }
.Ltmp22:
0xc9: {  	_ = 	snop;
	(pc) =	sbr.rel @p0 .LBB2_24-.Ltmp22, $4  }
.Ltmp23:
0xca: {  	_ = 	snop;
	(pc) =	sbr.rel @!p0 .LBB2_25-.Ltmp23, $4  }
0xcb: {  	_ = 	snop  }
0xcc: {  	_ = 	snop  }
0xcd: {  	s9 =	simm.s32 $0x180  }
0xce: {  	_ = 	snop  }
.LBB2_23:
0xcf: {  	[spmem:s4] =	stream.indirect.scatter.add.f32 [tilespmem:s28], [sflag:$0x6], $0x80, s18, s20, $0xb8;
	[tilespmem:$0x1C000] =	vst v63  }
.Ltmp24:
0xd0: {  	_ = 	snop;
	(pc) =	sbr.rel @!p0 .LBB2_25-.Ltmp24, $4  }
.Ltmp25:
0xd1: {  	_ = 	snop;
	(pc) =	sbr.rel @p0 .LBB2_24-.Ltmp25, $4  }
0xd2: {  	_ =	swait.ge [sflag:s16], $0x1900  }
0xd3: {  	[sflag:s16] =	ssyncset.done $0x0  }
0xd4: {  	s9 =	simm.s32 $0x180;
	[sflag:s16] =	ssyncadd.s32 $0xFFFFE700  }
0xd5: {  	_ = 	snop  }
.LBB2_27:
0xd6: {  	_ =	sfence.sel $0x180000  }
0xd7: {  	[bflag:$0x0] =	sbarrier.arrive $0xFFFF  }
0xd8: {  	_ =	strace $0x90000047  }
0xd9: {  	s0 =	stileid.u32;
	[bflag:$0x2] =	sbarrier.arrive $0xFFFF  }
0xda: {  	p0 =	sne.s32 s0, $0x0;
	s0 =	rddreg [dreg:$0x4]  }
0xdb: {  	s0 =	sadd.s32 @!p0 $0x100000, s0  }
0xdc: {  	[sflag:s0] =	ssyncadd.tile.s32 @!p0 $0x1;
	_ =	shalt  }
.Lfunc_end2:
_tile_overlayer_lowered:
.L_overlay_start_2:
0xdd: {  	(tag) =	ssettag $0x2  }
0xde: {  	s0 =	rddreg [dreg:$0x0];
	s2 =	stileid.u32  }
0xdf: {  	s1 =	rddreg [dreg:$0x1];
	p0 =	sne.s32 s2, $0x0  }
0xe0: {  	s3 =	rddreg [dreg:$0x2];
	[bflag:$0x3] =	sbarrier.arrive $0xFFFF;
	s2 =	simm.s32 @!p0 $0x1C06  }
0xe1: {  	[timem:s3], [sflag:s2] =	dma.local @!p0 [hbm:s0], s1  }
0xe2: {  	s0 =	simm.s32 @!p0 $0x6  }
0xe3: {  	_ =	swait.ge @!p0 [sflag:s0], s1  }
0xe4: {  	s1 =	ssub.s32 @!p0 $0x0, s1;
	[sflag:s0] =	ssyncset.done @!p0 $0x0  }
0xe5: {  	[sflag:s0] =	ssyncadd.s32 @!p0 s1  }
0xe6: {  	[bflag:$0x3] =	sbarrier.arrive $0xFFFF  }
0xe7: {  	_ =	shalt  }

// kernel: kernel.13.cloned.1.call-start
scs
__scs_entry_jumppad:
0x0: {  	(pc) =	sbr.rel $0x88, $3  }
0x1: {  	(tag) =	ssettag $0x0;
	lr =	simm.s32 $0x1  }
0x2: {  	[smem:$0x3F97] =	sst lr;
	_ =	strace $0xD0000000  }
0x3: {  	_ = 	snop  }
0x4: {  	_ = 	snop  }
0x5: {  	_ = 	snop  }
0x6: {  	_ = 	snop  }
0x7: {  	_ = 	snop  }
__scs_overlays_trampoline_lowered:
0x8: {  	[smem:$0x3FA6] =	sst s0  }
0x9: {  	[smem:$0x3FA7] =	sst s1  }
0xa: {  	[smem:$0x3FA8] =	sst s2  }
0xb: {  	[smem:$0x3FA9] =	sst s3  }
0xc: {  	[smem:$0x3FAA] =	sst s4  }
0xd: {  	[smem:$0x3FAB] =	sst s5  }
0xe: {  	[smem:$0x3FAC] =	sst s6  }
0xf: {  	[smem:$0x3FAD] =	sst s7  }
0x10: {  	[smem:$0x3FAE] =	sst s8  }
0x11: {  	[smem:$0x3FAF] =	sst s9;
	s0 =	simm.s32 @!p0 $0x0  }
0x12: {  	s1 =	sld [smem:$0x3F95];
	s0 =	simm.s32 @p0 $0x1  }
0x13: {  	[smem:$0x3FB0] =	sst s0;
	s0 =	simm.s32 @!p1 $0x0  }
0x14: {  	s2 =	sld [smem:$0x3F94];
	s0 =	simm.s32 @p1 $0x1  }
0x15: {  	[smem:$0x3FB1] =	sst s0;
	s0 =	simm.s32 @!p2 $0x0  }
0x16: {  	s3 =	sld [smem:$0x3FDB];
	s0 =	simm.s32 @p2 $0x1  }
0x17: {  	s4 =	simm.s32 $0x1BF5;
	[smem:$0x3FB3] =	sst s0  }
0x18: {  	s0 =	sld [smem:$0x3F96];
	_ =	swait.ge [sflag:s4], $0x0  }
0x19: {  	s7 =	sld [smem:$0x3F97]  }
0x1a: {  	s8 =	sadd.s32 $0xFFFFE003, lr  }
0x1b: {  	s9 =	sadd.s32 $0xFFFFFEF7, lr;
	s5 =	simm.s32 $0xFFFFFFFF;
	p2 =	slt.u32 s8, $0xFFFFF086  }
0x1c: {  	p1 =	slt.u32 s9, $0xF7A;
	s5 =	simm.s32 @!p2 $0x0  }
0x1d: {  	s5 =	simm.s32 @p1 $0x1;
	p0 =	seq.s32 s7, s2  }
0x1e: {  	s7 =	smul.u32 @!p0 $0xF7A, s2;
	p2 =	seq.s32 @!p0 s5, $0x0  }
0x1f: {  	s9 =	smul.u32 $0xF7A, s1;
	s8 =	simm.s32 @!p0 $0x1BF5;
	p2 =	por !p2, p0  }
0x20: {  	[sflag:s8] =	ssyncset.s32 @!p0 $0xFFFFF086;
	s6 =	sadd.s32 @!p0 s3, s7;
	s7 =	simm.s32 @!p0 $0x108  }
0x21: {  	s3 =	sadd.s32 s3, s9;
	s6 =	sadd.s32 @!p0 $0x88, s6;
	s7 =	simm.s32 @p2 $0x1082  }
0x22: {  	[simem:s7], [sflag:s8] =	dma.local @!p0 [hbm:s6], $0xF7A  }
0x23: {  	s9 =	sor.u32 $0xD0000000, s2;
	s6 =	simm.s32 $0x108;
	_ =	swait.ge @!p0 [sflag:s8], $0x0  }
0x24: {  	s3 =	sadd.s32 $0x88, s3;
	s6 =	simm.s32 @!p1 $0x1082;
	[sflag:s4] =	ssyncset.s32 $0xFFFFF086  }
0x25: {  	[simem:s6], [sflag:s4] =	dma.local [hbm:s3], $0xF7A  }
0x26: {  	[smem:$0x3F97] =	sst s1;
	(tag) =	ssettag s2;
	_ =	strace s9  }
0x27: {  	s1 =	sld [smem:$0x3FA7]  }
0x28: {  	s2 =	sld [smem:$0x3FA8]  }
0x29: {  	s4 =	sld [smem:$0x3FAA]  }
0x2a: {  	p0 =	seq.s32 s5, $0x0;
	s5 =	sld [smem:$0x3FAB]  }
0x2b: {  	s6 =	sld [smem:$0x3FAC]  }
0x2c: {  	s7 =	sld [smem:$0x3FAD]  }
0x2d: {  	s3 =	simm.s32 $0x108;
	s8 =	sld [smem:$0x3FAE]  }
0x2e: {  	s3 =	simm.s32 @!p0 $0x1082;
	s9 =	sld [smem:$0x3FAF]  }
0x2f: {  	lr =	sadd.s32 s0, s3;
	s0 =	sld [smem:$0x3FA6]  }
0x30: {  	s3 =	sld [smem:$0x3FA9]  }
0x31: {  	[smem:$0x3FB2] =	sst s10  }
0x32: {  	s10 =	sld [smem:$0x3FB0];
	_ =	sdelay $0x3  }
0x33: {  	p0 =	seq.s32 s10, $0x1;
	s10 =	sld [smem:$0x3FB2];
	_ =	sdelay $0x3  }
0x34: {  	[smem:$0x3FB2] =	sst s10  }
0x35: {  	s10 =	sld [smem:$0x3FB1];
	_ =	sdelay $0x3  }
0x36: {  	p1 =	seq.s32 s10, $0x1;
	s10 =	sld [smem:$0x3FB2];
	_ =	sdelay $0x3  }
0x37: {  	[smem:$0x3FB2] =	sst s10  }
0x38: {  	s10 =	sld [smem:$0x3FB3]  }
0x39: {  	_ = 	snop;
	(pc) =	sbr.ind lr, $3  }
0x3a: {  	_ = 	snop  }
0x3b: {  	_ = 	snop  }
0x3c: {  	p2 =	seq.s32 s10, $0x1;
	s10 =	sld [smem:$0x3FB2]  }
0x3d: {  	_ =	shalt  }
0x3e: {  	_ =	shalt  }
0x3f: {  	_ =	shalt  }
0x40: {  	_ =	shalt  }
0x41: {  	_ =	shalt  }
0x42: {  	_ =	shalt  }
0x43: {  	_ =	shalt  }
0x44: {  	_ =	shalt  }
0x45: {  	_ =	shalt  }
0x46: {  	_ =	shalt  }
0x47: {  	_ =	shalt  }
0x48: {  	_ =	shalt  }
0x49: {  	_ =	shalt  }
0x4a: {  	_ =	shalt  }
0x4b: {  	_ =	shalt  }
0x4c: {  	_ =	shalt  }
0x4d: {  	_ =	shalt  }
0x4e: {  	_ =	shalt  }
0x4f: {  	_ =	shalt  }
0x50: {  	_ =	shalt  }
0x51: {  	_ =	shalt  }
0x52: {  	_ =	shalt  }
0x53: {  	_ =	shalt  }
0x54: {  	_ =	shalt  }
0x55: {  	_ =	shalt  }
0x56: {  	_ =	shalt  }
0x57: {  	_ =	shalt  }
0x58: {  	_ =	shalt  }
0x59: {  	_ =	shalt  }
0x5a: {  	_ =	shalt  }
0x5b: {  	_ =	shalt  }
0x5c: {  	_ =	shalt  }
0x5d: {  	_ =	shalt  }
0x5e: {  	_ =	shalt  }
0x5f: {  	_ =	shalt  }
0x60: {  	_ =	shalt  }
0x61: {  	_ =	shalt  }
0x62: {  	_ =	shalt  }
0x63: {  	_ =	shalt  }
0x64: {  	_ =	shalt  }
0x65: {  	_ =	shalt  }
0x66: {  	_ =	shalt  }
0x67: {  	_ =	shalt  }
0x68: {  	_ =	shalt  }
0x69: {  	_ =	shalt  }
0x6a: {  	_ =	shalt  }
0x6b: {  	_ =	shalt  }
0x6c: {  	_ =	shalt  }
0x6d: {  	_ =	shalt  }
0x6e: {  	_ =	shalt  }
0x6f: {  	_ =	shalt  }
0x70: {  	_ =	shalt  }
0x71: {  	_ =	shalt  }
0x72: {  	_ =	shalt  }
0x73: {  	_ =	shalt  }
0x74: {  	_ =	shalt  }
0x75: {  	_ =	shalt  }
0x76: {  	_ =	shalt  }
0x77: {  	_ =	shalt  }
0x78: {  	_ =	shalt  }
0x79: {  	_ =	shalt  }
0x7a: {  	_ =	shalt  }
0x7b: {  	_ =	shalt  }
0x7c: {  	_ =	shalt  }
0x7d: {  	_ =	shalt  }
0x7e: {  	_ =	shalt  }
0x7f: {  	_ =	shalt  }
0x80: {  	_ =	shalt  }
0x81: {  	_ =	shalt  }
0x82: {  	_ =	shalt  }
0x83: {  	_ =	shalt  }
0x84: {  	_ =	shalt  }
0x85: {  	_ =	shalt  }
0x86: {  	_ =	shalt  }
0x87: {  	_ =	shalt  }
.Lfunc_end0:
.L_simem_size_0:
called_computation.2_lowered:
.L_overlay_start_0:
0x88: {  	s2 =	sld [smem:$0x3FD9]  }
0x89: {  	s3 =	sld [smem:$0x3FFE];
	_ =	sdelay $0x1  }
0x8a: {  	s1 =	srdreg.scid  }
0x8b: {  	s0 =	sand.u32 $0x1, s1  }
0x8c: {  	s17 =	sshll.u32 s0, $0xA;
	s2 =	sadd.s32 s3, s2  }
0x8d: {  	s2 =	sadd.s32 s2, s17  }
0x8e: {  	[smem:$0x3FBE] =	sst s2  }
0x8f: {  	_ = 	snop  }
0x90: {  	s2 =	sld [smem:$0x3FD0];
	(tm) =	ssettm $0x1  }
0x91: {  	s18 =	sld [smem:$0x3FFB];
	_ =	sdelay $0x3  }
0x92: {  	_ =	strace s18  }
0x93: {  	s3 =	sld [smem:$0x3FFC];
	_ =	sdelay $0x3  }
0x94: {  	_ =	strace s3  }
0x95: {  	s3 =	sld [smem:$0x3FFD];
	_ =	sdelay $0x3  }
0x96: {  	_ =	strace s3  }
0x97: {  	_ =	strace $0x8FFFFFFF  }
0x98: {  	s19 =	sld [smem:$0x3FDB];
	_ =	sdelay $0x1  }
0x99: {  	s4 =	simm.s32 $_scs_section_size  }
0x9a: {  	s5 =	simm.s32 $_size__tile_overlayer_lowered;
	s6 =	simm.s32 $_tile_overlayer_lowered  }
0x9b: {  	s22 =	simm.s32 $0x1BFF;
	s21 =	sshll.u32 s6, $0x1;
	s3 =	sadd.s32 s4, s19  }
0x9c: {  	s7 =	simm.s32 $0x0;
	s20 =	sshll.u32 s5, $0x1;
	s5 =	sadd.s32 s21, s3  }
0x9d: {  	[timem:s7], [sflag:s22] =	dma.local [hbm:s5], s20  }
0x9e: {  	_ =	swait.ge [sflag:s22], s20  }
0x9f: {  	s4 =	ssub.s32 $0x0, s20;
	[sflag:s22] =	ssyncset.done $0x0  }
0xa0: {  	[sflag:s22] =	ssyncadd.s32 s4;
	_ =	sdelay $0x1  }
0xa1: {  	s23 =	simm.s32 $0x1B8B  }
0xa2: {  	_ =	swait.ge [sflag:s23], $0x1  }
0xa3: {  	[sflag:s23] =	ssyncset.done $0x0  }
0xa4: {  	s25 =	simm.s32 $0x1B8E;
	s24 =	sld [smem:$0x3FFE];
	[sflag:s23] =	ssyncadd.s32 $0xFFFFFFFF  }
0xa5: {  	s26 =	simm.s32 $execute0_lowered;
	[smem:$0x3FD2] =	sst s25  }
0xa6: {  	s5 =	sshll.u32 s26, $0x1;
	_ =	strace $0x8000004C;
	[dreg:$0x1] =	wrdreg $0xFFFFFFFF  }
0xa7: {  	s28 =	simm.s32 $_size_execute0_lowered;
	s3 =	sadd.s32 s3, s5;
	[dreg:$0x0] =	wrdreg $0x0  }
0xa8: {  	s5 =	sshll.u32 s28, $0x1;
	[dreg:$0x2] =	wrdreg s3  }
0xa9: {  	[dreg:$0x3] =	wrdreg s5  }
0xaa: {  	[dreg:$0x4] =	wrdreg $0xC0  }
0xab: {  	_ =	task [dreg:s7], $0x5FFFF  }
0xac: {  	[dreg:$0x1] =	wrdreg $0xFFFFFFFF  }
0xad: {  	[dreg:$0x0] =	wrdreg $0x60  }
0xae: {  	[dreg:$0x2] =	wrdreg s24  }
0xaf: {  	[dreg:$0x3] =	wrdreg s2  }
0xb0: {  	[dreg:$0x4] =	wrdreg $0x80000  }
0xb1: {  	[dreg:$0x5] =	wrdreg $0x9  }
0xb2: {  	_ =	task.clear_ibuf [dreg:s7], $0x6FFFF;
	_ =	strace $0x9000004C  }
0xb3: {  	s29 =	simm.s32 $0x9;
	_ =	strace $0x8000004E  }
0xb4: {  	_ =	swait.ge [sflag:s29], $0x1  }
0xb5: {  	[sflag:s29] =	ssyncadd.s32 $0xFFFFFFFF  }
0xb6: {  	_ =	strace $0x9000004E  }
0xb7: {  	_ =	sfence  }
0xb8: {  	s30 =	sld [smem:$0x0];
	_ =	sdelay $0x2  }
0xb9: {  	s31 =	sshll.u32 s1, $0xD;
	s1 =	sshrl.u32 s1, $0x2  }
0xba: {  	s3 =	sand.u32 $0x4000, s31;
	s1 =	sadd.s32 s1, s30  }
0xbb: {  	s0 =	sor.u32 s3, s0;
	s1 =	sshll.u32 s1, $0x11  }
0xbc: {  	s0 =	sor.u32 s1, s0  }
0xbd: {  	s0 =	sadd.s32 $0x8F2B, s0  }
0xbe: {  	[sflag:s0] =	ssyncadd.remote.s32 $0x1  }
0xbf: {  	_ =	sfence.sel $0xFFFF  }
0xc0: {  	[dreg:$0x0] =	wrdreg $0xFFFFFFFF;
	(pc) =	sbr.abs _section_cstart, $3  }
0xc1: {  	[dreg:$0x1] =	wrdreg $0xFFFFFFFF  }
0xc2: {  	_ =	task.clear_ibuf [dreg:s7], $0x2FFFF;
	_ =	strace $0x9FFFFFFF  }
0xc3: {  	(tm) =	ssettm $0x7FFFFFFF  }
tec
execute0_lowered:
.L_overlay_start_1:
0x0: {  	(tag) =	ssettag $0x1  }
0x1: {  	s0 =	rddreg [dreg:$0x0]  }
0x2: {  	s3 =	rddreg [dreg:$0x2]  }
0x3: {  	s4 =	simm.s32 $0x0;
	s1 =	srdreg.scid;
	s13 =	stileid.u32  }
0x4: {  	s28 =	simm.s32 $0x6400;
	s29 =	simm.s32 $0x1;
	s30 =	simm.s32 $0x2  }
0x5: {  	s31 =	simm.s32 $0x3;
	[smem:$0x7FF] =	sst s4;
	s2 =	smul.u32 $0x2800, s13  }
0x6: {  	s1 =	sand.u32 $0x1, s1;
	s5 =	sadd.s32 $0x34A00, s0;
	s17 =	smul.u32 $0x50000, s13  }
0x7: {  	s7 =	sadd.s32 $0x1BA00, s0;
	s8 =	sadd.s32 $0x2A00, s0;
	s23 =	smul.u32 $0x1900, s13  }
0x8: {  	s9 =	sshll.u32 s13, $0x1;
	s19 =	sshll.u32 s13, $0x6;
	s6 =	smul.u32 $0x28000, s1  }
0x9: {  	s16 =	sor.u32 s1, s9;
	s18 =	ssub.s32 $0x2, s1;
	s1 =	smul.u32 $0xC80, s1  }
0xa: {  	_ =	strace $0x8000004D;
	s10 =	smul.u32 $0xC80, s16;
	s11 =	sshrl.u32 s18, $0x1  }
0xb: {  	s9 =	sshrl.u32 s17, $0x2;
	s12 =	smul.u32 $0x6400, s16;
	s25 =	sadd.s32 s23, s8  }
0xc: {  	s16 =	simm.s32 $0x6;
	s17 =	simm.s32 $0xB80;
	s2 =	sadd.s32 s2, s6  }
0xd: {  	s9 =	sadd.s32 s9, s3;
	s6 =	sor.u32 $0x1C06, s19;
	s19 =	simm.s32 $0xF00  }
0xe: {  	s0 =	sadd.s32 s2, s0;
	s2 =	ssub.s32 s18, s11;
	s20 =	sadd.s32 s7, s10  }
0xf: {  	s21 =	sshrl.u32 s12, $0x3;
	s10 =	sadd.s32 s8, s10;
	[dreg:$0x4] =	wrdreg s20  }
0x10: {  	s15 =	sshrl.u32 s9, $0x3;
	s18 =	simm.s32 $0xF80;
	[dreg:$0x5] =	wrdreg s10  }
0x11: {  	s22 =	sadd.s32 $0x80, s21;
	s0 =	sadd.s32 $0xDF200, s0;
	s2 =	smax.u32 s2, $0x1  }
0x12: {  	s20 =	simm.s32 $0x32;
	s21 =	simm.s32 $0x1000;
	s24 =	sadd.s32 s7, s22  }
0x13: {  	s10 =	sadd.s32 s8, s22;
	[dreg:$0x8] =	wrdreg s0;
	s7 =	sadd.s32 s23, s7  }
0x14: {  	[dreg:$0x9] =	wrdreg s2;
	s0 =	sadd.s32 s1, s25;
	s23 =	simm.s32 $0x2C00  }
.Ltmp0:
0x15: {  	s25 =	simm.s32 $0x4800;
	[dreg:$0x6] =	wrdreg s24;
	(pc) =	sbr.rel .LBB2_1-.Ltmp0, $4  }
0x16: {  	s2 =	simm.s32 $0xA80;
	s22 =	simm.s32 $0x5;
	[dreg:$0x7] =	wrdreg s10  }
0x17: {  	s1 =	sadd.s32 s1, s7;
	s0 =	sadd.s32 $0x100, s0;
	s24 =	simm.s32 $0xE80  }
0x18: {  	[dreg:$0xa] =	wrdreg s0;
	s26 =	sadd.s32 $0x100, s1;
	s0 =	simm.s32 $0x4  }
0x19: {  	s1 =	simm.s32 $0xB00;
	[dreg:$0xb] =	wrdreg s26;
	s26 =	simm.s32 $0x0  }
.LBB2_26:
0x1a: {  	[bflag:$0x0] =	sbarrier.arrive $0xFFFF  }
0x1b: {  	s7 =	rddreg [dreg:$0x8]  }
0x1c: {  	[hbm:s7], [sflag:s6] =	dma.local [spmem:s15], $0x2800  }
0x1d: {  	_ =	swait.ge [sflag:s16], $0x2800  }
0x1e: {  	s26 =	sadd.s32 $0x1, s26;
	s14 =	rddreg [dreg:$0x9]  }
0x1f: {  	p0 =	sne.s32 s26, s14  }
.Ltmp1:
0x20: {  	_ = 	snop;
	(pc) =	sbr.rel @!p0 .LBB2_27-.Ltmp1, $3  }
0x21: {  	_ =	sdelay $0x1  }
0x22: {  	[sflag:s16] =	ssyncset.done $0x0  }
0x23: {  	[sflag:s16] =	ssyncadd.s32 $0xFFFFD800  }
.LBB2_1:
0x24: {  	s7 =	rddreg [dreg:$0x1]  }
0x25: {  	[spmem:s15], [sflag:s6] =	dma.local [hbm:s7], $0x2800  }
0x26: {  	_ =	swait.ge [sflag:s16], $0x2800  }
0x27: {  	[sflag:s16] =	ssyncset.done $0x0  }
0x28: {  	s13 =	rddreg [dreg:$0x4];
	[sflag:s16] =	ssyncadd.s32 $0xFFFFD800  }
0x29: {  	[tilespmem:s4], [sflag:$0x6] =	stream.linear.gather [hbm4b:s13+s4], $0x400, $0x38;
	[tilespmem:$0x1C000] =	vst v63  }
0x2a: {  	_ =	swait.ge [sflag:s16], $0x400  }
0x2b: {  	[sflag:s16] =	ssyncset.done $0x0  }
0x2c: {  	s8 =	simm.s32 $0x800;
	s14 =	rddreg [dreg:$0x5];
	[sflag:s16] =	ssyncadd.s32 $0xFFFFFC00  }
0x2d: {  	[tilespmem:s8], [sflag:$0x6] =	stream.linear.gather [hbm4b:s14+s4], $0x400, $0x38;
	[tilespmem:$0x1C000] =	vst v63  }
0x2e: {  	_ =	swait.ge [sflag:s16], $0x400  }
0x2f: {  	[sflag:s16] =	ssyncset.done $0x0  }
0x30: {  	s9 =	simm.s32 $0x400;
	s8 =	rddreg [dreg:$0x6];
	[sflag:s16] =	ssyncadd.s32 $0xFFFFFC00  }
0x31: {  	[tilespmem:s9], [sflag:$0x5] =	stream.linear.gather [hbm4b:s8+s4], $0x400, $0x38;
	[tilespmem:$0x1C000] =	vst v63  }
0x32: {  	s11 =	simm.s32 $0xC00;
	s10 =	rddreg [dreg:$0x7]  }
0x33: {  	[tilespmem:s11], [sflag:$0x5] =	stream.linear.gather [hbm4b:s10+s4], $0x400, $0x38;
	[tilespmem:$0x1C000] =	vst v63  }
0x34: {  	[bflag:$0x0] =	sbarrier.arrive $0xFFFF  }
0x35: {  	[tilespmem:s21], [sflag:$0x1] =	stream.indirect.gather [hbm4b:s5+s20], $0x80, s4, s20, $0xb8;
	[tilespmem:$0x1C000] =	vst v63  }
0x36: {  	s12 =	simm.s32 $0x80  }
0x37: {  	[tilespmem:s23], [sflag:$0x2] =	stream.indirect.gather [hbm4b:s5+s20], $0x80, s12, s20, $0xb8;
	[tilespmem:$0x1C000] =	vst v63  }
.Ltmp2:
0x38: {  	s13 =	simm.s32 $0x100;
	(pc) =	sbr.rel .LBB2_2-.Ltmp2, $4  }
0x39: {  	[tilespmem:s25], [sflag:$0x3] =	stream.indirect.gather [hbm4b:s5+s20], $0x80, s13, s20, $0xb8;
	[tilespmem:$0x1C000] =	vst v63  }
0x3a: {  	s14 =	simm.s32 $0x180;
	s13 =	rddreg [dreg:$0xa]  }
0x3b: {  	[tilespmem:s28], [sflag:$0x4] =	stream.indirect.gather [hbm4b:s5+s20], $0x80, s14, s20, $0xb8;
	[tilespmem:$0x1C000] =	vst v63  }
0x3c: {  	s7 =	simm.s32 $0x1;
	s14 =	rddreg [dreg:$0xb]  }
.LBB2_24:
0x3d: {  	s9 =	simm.s32 $0x580  }
.LBB2_25:
0x3e: {  	[tilespmem:s28], [sflag:$0x4] =	stream.indirect.gather [hbm4b:s5+s20], $0x80, s9, s20, $0xb8;
	[tilespmem:$0x1C000] =	vst v63  }
0x3f: {  	p0 =	sgt.u32 s10, $0x16  }
0x40: {  	s8 =	simm.s32 @!p0 $0x0  }
0x41: {  	[tilespmem:s12], [sflag:$0x5] =	stream.linear.gather @!p0 [hbm4b:s14+s8], $0x400, $0x38;
	[tilespmem:$0x1C000] =	vst v63  }
0x42: {  	s7 =	sadd.s32 $0x1, s7  }
0x43: {  	[tilespmem:s11], [sflag:$0x5] =	stream.linear.gather @!p0 [hbm4b:s13+s8], $0x400, $0x38;
	[tilespmem:$0x1C000] =	vst v63  }
0x44: {  	p0 =	sne.s32 s7, $0x1A  }
.Ltmp3:
0x45: {  	_ = 	snop;
	(pc) =	sbr.rel @!p0 .LBB2_26-.Ltmp3, $2  }
0x46: {  	_ =	sdelay $0x2  }
0x47: {  	s14 =	sadd.s32 $0x80, s14;
	s13 =	sadd.s32 $0x80, s13  }
.LBB2_2:
0x48: {  	s10 =	sadd.s32 $0xFFFFFFFF, s7  }
0x49: {  	_ =	swait.ge [sflag:s29], $0x1900;
	s9 =	sand.u32 $0x1, s10  }
0x4a: {  	s11 =	simm.s32 $0x800;
	[sflag:s29] =	ssyncset.done $0x0;
	p0 =	seq.s32 s9, $0x0  }
0x4b: {  	[sflag:s29] =	ssyncadd.s32 $0xFFFFE700;
	s11 =	simm.s32 @!p0 $0xC00  }
0x4c: {  	[spmem:s3] =	stream.indirect.scatter.add.f32 [tilespmem:s21], [sflag:$0x6], $0x80, s11, s20, $0xb8;
	[tilespmem:$0x1C000] =	vst v63  }
0x4d: {  	s8 =	ssub.s32 $0x0, s9;
	_ =	swait.ge [sflag:s16], $0x1900  }
0x4e: {  	s12 =	sand.u32 $0x400, s8;
	[sflag:s16] =	ssyncset.done $0x0  }
0x4f: {  	s8 =	sor.u32 $0x200, s12;
	[sflag:s16] =	ssyncadd.s32 $0xFFFFE700  }
0x50: {  	[tilespmem:s21], [sflag:$0x1] =	stream.indirect.gather [hbm4b:s5+s20], $0x80, s8, s20, $0xb8;
	[tilespmem:$0x1C000] =	vst v63  }
0x51: {  	_ =	swait.ge [sflag:s30], $0x1900  }
0x52: {  	[sflag:s30] =	ssyncset.done $0x0  }
0x53: {  	s8 =	sor.u32 $0x80, s11;
	[sflag:s30] =	ssyncadd.s32 $0xFFFFE700  }
0x54: {  	[spmem:s3] =	stream.indirect.scatter.add.f32 [tilespmem:s23], [sflag:$0x6], $0x80, s8, s20, $0xb8;
	[tilespmem:$0x1C000] =	vst v63  }
0x55: {  	_ =	swait.ge [sflag:s16], $0x1900  }
0x56: {  	[sflag:s16] =	ssyncset.done $0x0  }
0x57: {  	s8 =	sor.u32 $0x280, s12;
	[sflag:s16] =	ssyncadd.s32 $0xFFFFE700  }
0x58: {  	[tilespmem:s23], [sflag:$0x2] =	stream.indirect.gather [hbm4b:s5+s20], $0x80, s8, s20, $0xb8;
	[tilespmem:$0x1C000] =	vst v63  }
0x59: {  	_ =	swait.ge [sflag:s31], $0x1900  }
0x5a: {  	[sflag:s31] =	ssyncset.done $0x0  }
0x5b: {  	s8 =	sor.u32 $0x100, s11;
	[sflag:s31] =	ssyncadd.s32 $0xFFFFE700  }
0x5c: {  	[spmem:s3] =	stream.indirect.scatter.add.f32 [tilespmem:s25], [sflag:$0x6], $0x80, s8, s20, $0xb8;
	[tilespmem:$0x1C000] =	vst v63  }
0x5d: {  	_ =	swait.ge [sflag:s16], $0x1900  }
0x5e: {  	[sflag:s16] =	ssyncset.done $0x0  }
0x5f: {  	s8 =	sor.u32 $0x300, s12;
	[sflag:s16] =	ssyncadd.s32 $0xFFFFE700  }
0x60: {  	[tilespmem:s25], [sflag:$0x3] =	stream.indirect.gather [hbm4b:s5+s20], $0x80, s8, s20, $0xb8;
	[tilespmem:$0x1C000] =	vst v63  }
0x61: {  	_ =	swait.ge [sflag:s0], $0x1900  }
0x62: {  	[sflag:s0] =	ssyncset.done $0x0  }
0x63: {  	s8 =	sor.u32 $0x180, s11;
	[sflag:s0] =	ssyncadd.s32 $0xFFFFE700  }
0x64: {  	[spmem:s3] =	stream.indirect.scatter.add.f32 [tilespmem:s28], [sflag:$0x6], $0x80, s8, s20, $0xb8;
	[tilespmem:$0x1C000] =	vst v63  }
0x65: {  	_ =	swait.ge [sflag:s16], $0x1900  }
0x66: {  	[sflag:s16] =	ssyncset.done $0x0  }
0x67: {  	s8 =	sor.u32 $0x380, s12;
	[sflag:s16] =	ssyncadd.s32 $0xFFFFE700  }
0x68: {  	[tilespmem:s28], [sflag:$0x4] =	stream.indirect.gather [hbm4b:s5+s20], $0x80, s8, s20, $0xb8;
	[tilespmem:$0x1C000] =	vst v63  }
0x69: {  	_ =	swait.ge [sflag:s29], $0x1900  }
0x6a: {  	p0 =	sne.s32 s7, $0x19;
	[sflag:s29] =	ssyncset.done $0x0  }
.Ltmp4:
0x6b: {  	s8 =	sor.u32 $0x200, s11;
	[sflag:s29] =	ssyncadd.s32 $0xFFFFE700;
	(pc) =	sbr.rel @p0 .LBB2_4-.Ltmp4, $4  }
0x6c: {  	[spmem:s3] =	stream.indirect.scatter.add.f32 [tilespmem:s21], [sflag:$0x6], $0x80, s8, s20, $0xb8;
	[tilespmem:$0x1C000] =	vst v63  }
0x6d: {  	_ =	swait.ge [sflag:s16], $0x1900  }
0x6e: {  	[sflag:s16] =	ssyncset.done $0x0  }
0x6f: {  	[sflag:s16] =	ssyncadd.s32 $0xFFFFE700  }
.Ltmp5:
0x70: {  	(pc) =	sbr.rel .LBB2_5-.Ltmp5, $4  }
0x71: {  	_ = 	snop  }
0x72: {  	_ =	swait.ge [sflag:s30], $0x1900  }
0x73: {  	[sflag:s30] =	ssyncset.done $0x0  }
0x74: {  	[sflag:s30] =	ssyncadd.s32 $0xFFFFE700  }
.LBB2_4:
0x75: {  	_ =	swait.ge [sflag:s22], $0x400  }
0x76: {  	[sflag:s22] =	ssyncset.done $0x0  }
0x77: {  	[sflag:s22] =	ssyncadd.s32 $0xFFFFFC00  }
0x78: {  	s8 =	sand.u32 $0x1, s7;
	p1 =	sne.s32 s9, $0x0;
	_ =	swait.ge [sflag:s22], $0x400  }
0x79: {  	p0 =	seq.s32 s8, $0x1;
	s8 =	simm.s32 $0x400;
	[sflag:s22] =	ssyncset.done $0x0  }
.Ltmp6:
0x7a: {  	s8 =	simm.s32 @!p0 $0x0;
	[sflag:s22] =	ssyncadd.s32 $0xFFFFFC00;
	(pc) =	sbr.rel @p1 .LBB2_9-.Ltmp6, $4  }
0x7b: {  	[tilespmem:s21], [sflag:$0x1] =	stream.indirect.gather [hbm4b:s5+s20], $0x80, s8, s20, $0xb8;
	[tilespmem:$0x1C000] =	vst v63  }
0x7c: {  	_ =	swait.ge [sflag:s30], $0x1900  }
0x7d: {  	[sflag:s30] =	ssyncset.done $0x0  }
0x7e: {  	[sflag:s30] =	ssyncadd.s32 $0xFFFFE700  }
.LBB2_5:
0x7f: {  	p0 =	seq.s32 s7, $0x19  }
.Ltmp7:
0x80: {  	_ = 	snop;
	(pc) =	sbr.rel @!p0 .LBB2_6-.Ltmp7, $4  }
0x81: {  	[spmem:s3] =	stream.indirect.scatter.add.f32 [tilespmem:s23], [sflag:$0x6], $0x80, s2, s20, $0xb8;
	[tilespmem:$0x1C000] =	vst v63  }
0x82: {  	_ =	swait.ge [sflag:s16], $0x1900  }
0x83: {  	[sflag:s16] =	ssyncset.done $0x0  }
0x84: {  	[sflag:s16] =	ssyncadd.s32 $0xFFFFE700  }
.Ltmp8:
0x85: {  	(pc) =	sbr.rel .LBB2_13-.Ltmp8, $4  }
0x86: {  	_ = 	snop  }
0x87: {  	_ =	swait.ge [sflag:s31], $0x1900  }
0x88: {  	[sflag:s31] =	ssyncset.done $0x0  }
0x89: {  	[sflag:s31] =	ssyncadd.s32 $0xFFFFE700  }
.LBB2_6:
0x8a: {  	s8 =	sand.u32 $0x1, s7  }
0x8b: {  	p0 =	seq.s32 s8, $0x1  }
.Ltmp9:
0x8c: {  	_ = 	snop;
	(pc) =	sbr.rel @p0 .LBB2_11-.Ltmp9, $1  }
0x8d: {  	_ =	sdelay $0x3  }
.Ltmp10:
0x8e: {  	(pc) =	sbr.rel .LBB2_12-.Ltmp10, $2  }
0x8f: {  	_ =	sdelay $0x2  }
0x90: {  	p0 =	por $0x0, $0x0;
	s8 =	simm.s32 $0x80  }
.LBB2_9:
.Ltmp11:
0x91: {  	(pc) =	sbr.rel @!p0 .LBB2_10-.Ltmp11, $4  }
0x92: {  	[spmem:s3] =	stream.indirect.scatter.add.f32 [tilespmem:s23], [sflag:$0x6], $0x80, s24, s20, $0xb8;
	[tilespmem:$0x1C000] =	vst v63  }
0x93: {  	_ =	swait.ge [sflag:s16], $0x1900  }
0x94: {  	[sflag:s16] =	ssyncset.done $0x0  }
0x95: {  	[sflag:s16] =	ssyncadd.s32 $0xFFFFE700  }
.LBB2_11:
.Ltmp12:
0x96: {  	(pc) =	sbr.rel .LBB2_12-.Ltmp12, $2  }
0x97: {  	_ =	sdelay $0x2  }
0x98: {  	p0 =	por $0x1, $0x1;
	s8 =	simm.s32 $0x480  }
.LBB2_10:
0x99: {  	p0 =	por $0x0, $0x0;
	s8 =	simm.s32 $0x80  }
.LBB2_12:
0x9a: {  	p1 =	sne.s32 s9, $0x0  }
.Ltmp13:
0x9b: {  	_ = 	snop;
	(pc) =	sbr.rel @p1 .LBB2_17-.Ltmp13, $4  }
0x9c: {  	[tilespmem:s23], [sflag:$0x2] =	stream.indirect.gather [hbm4b:s5+s20], $0x80, s8, s20, $0xb8;
	[tilespmem:$0x1C000] =	vst v63  }
0x9d: {  	_ =	swait.ge [sflag:s31], $0x1900  }
0x9e: {  	[sflag:s31] =	ssyncset.done $0x0  }
0x9f: {  	[sflag:s31] =	ssyncadd.s32 $0xFFFFE700  }
.LBB2_13:
0xa0: {  	p0 =	seq.s32 s7, $0x19  }
.Ltmp14:
0xa1: {  	_ = 	snop;
	(pc) =	sbr.rel @!p0 .LBB2_14-.Ltmp14, $4  }
0xa2: {  	[spmem:s3] =	stream.indirect.scatter.add.f32 [tilespmem:s25], [sflag:$0x6], $0x80, s1, s20, $0xb8;
	[tilespmem:$0x1C000] =	vst v63  }
0xa3: {  	_ =	swait.ge [sflag:s16], $0x1900  }
0xa4: {  	[sflag:s16] =	ssyncset.done $0x0  }
0xa5: {  	[sflag:s16] =	ssyncadd.s32 $0xFFFFE700  }
.Ltmp15:
0xa6: {  	(pc) =	sbr.rel .LBB2_21-.Ltmp15, $4  }
0xa7: {  	_ = 	snop  }
0xa8: {  	_ =	swait.ge [sflag:s0], $0x1900  }
0xa9: {  	[sflag:s0] =	ssyncset.done $0x0  }
0xaa: {  	[sflag:s0] =	ssyncadd.s32 $0xFFFFE700  }
.LBB2_14:
0xab: {  	s8 =	sand.u32 $0x1, s7  }
0xac: {  	p0 =	seq.s32 s8, $0x1  }
.Ltmp16:
0xad: {  	_ = 	snop;
	(pc) =	sbr.rel @p0 .LBB2_19-.Ltmp16, $1  }
0xae: {  	_ =	sdelay $0x3  }
.Ltmp17:
0xaf: {  	(pc) =	sbr.rel .LBB2_20-.Ltmp17, $2  }
0xb0: {  	_ =	sdelay $0x2  }
0xb1: {  	p0 =	por $0x0, $0x0;
	s8 =	simm.s32 $0x100  }
.LBB2_17:
.Ltmp18:
0xb2: {  	(pc) =	sbr.rel @!p0 .LBB2_18-.Ltmp18, $4  }
0xb3: {  	[spmem:s3] =	stream.indirect.scatter.add.f32 [tilespmem:s25], [sflag:$0x6], $0x80, s19, s20, $0xb8;
	[tilespmem:$0x1C000] =	vst v63  }
0xb4: {  	_ =	swait.ge [sflag:s16], $0x1900  }
0xb5: {  	[sflag:s16] =	ssyncset.done $0x0  }
0xb6: {  	[sflag:s16] =	ssyncadd.s32 $0xFFFFE700  }
.LBB2_19:
.Ltmp19:
0xb7: {  	(pc) =	sbr.rel .LBB2_20-.Ltmp19, $2  }
0xb8: {  	_ =	sdelay $0x2  }
0xb9: {  	p0 =	por $0x1, $0x1;
	s8 =	simm.s32 $0x500  }
.LBB2_18:
0xba: {  	p0 =	por $0x0, $0x0;
	s8 =	simm.s32 $0x100  }
.LBB2_20:
0xbb: {  	p1 =	sne.s32 s9, $0x0  }
.Ltmp20:
0xbc: {  	_ = 	snop;
	(pc) =	sbr.rel @p1 .LBB2_23-.Ltmp20, $4  }
0xbd: {  	[tilespmem:s25], [sflag:$0x3] =	stream.indirect.gather [hbm4b:s5+s20], $0x80, s8, s20, $0xb8;
	[tilespmem:$0x1C000] =	vst v63  }
0xbe: {  	_ =	swait.ge [sflag:s0], $0x1900  }
0xbf: {  	[sflag:s0] =	ssyncset.done $0x0  }
0xc0: {  	[sflag:s0] =	ssyncadd.s32 $0xFFFFE700  }
.LBB2_21:
0xc1: {  	p0 =	seq.s32 s7, $0x19  }
.Ltmp21:
0xc2: {  	_ = 	snop;
	(pc) =	sbr.rel @p0 .LBB2_26-.Ltmp21, $4  }
0xc3: {  	[spmem:s3] =	stream.indirect.scatter.add.f32 [tilespmem:s28], [sflag:$0x6], $0x80, s17, s20, $0xb8;
	[tilespmem:$0x1C000] =	vst v63  }
0xc4: {  	_ =	swait.ge [sflag:s16], $0x1900  }
0xc5: {  	[sflag:s16] =	ssyncset.done $0x0  }
0xc6: {  	[sflag:s16] =	ssyncadd.s32 $0xFFFFE700  }
0xc7: {  	s8 =	sand.u32 $0x1, s7  }
0xc8: {  	p0 =	seq.s32 s8, $0x1  }
.Ltmp22:
0xc9: {  	_ = 	snop;
	(pc) =	sbr.rel @p0 .LBB2_24-.Ltmp22, $4  }
.Ltmp23:
0xca: {  	_ = 	snop;
	(pc) =	sbr.rel @!p0 .LBB2_25-.Ltmp23, $4  }
0xcb: {  	_ = 	snop  }
0xcc: {  	_ = 	snop  }
0xcd: {  	s9 =	simm.s32 $0x180  }
0xce: {  	_ = 	snop  }
.LBB2_23:
0xcf: {  	[spmem:s3] =	stream.indirect.scatter.add.f32 [tilespmem:s28], [sflag:$0x6], $0x80, s18, s20, $0xb8;
	[tilespmem:$0x1C000] =	vst v63  }
.Ltmp24:
0xd0: {  	_ = 	snop;
	(pc) =	sbr.rel @!p0 .LBB2_25-.Ltmp24, $4  }
.Ltmp25:
0xd1: {  	_ = 	snop;
	(pc) =	sbr.rel @p0 .LBB2_24-.Ltmp25, $4  }
0xd2: {  	_ =	swait.ge [sflag:s16], $0x1900  }
0xd3: {  	[sflag:s16] =	ssyncset.done $0x0  }
0xd4: {  	s9 =	simm.s32 $0x180;
	[sflag:s16] =	ssyncadd.s32 $0xFFFFE700  }
0xd5: {  	_ = 	snop  }
.LBB2_27:
0xd6: {  	_ =	sfence.sel $0x180000  }
0xd7: {  	[bflag:$0x0] =	sbarrier.arrive $0xFFFF  }
0xd8: {  	_ =	strace $0x9000004D  }
0xd9: {  	s0 =	stileid.u32;
	[bflag:$0x2] =	sbarrier.arrive $0xFFFF  }
0xda: {  	p0 =	sne.s32 s0, $0x0;
	s0 =	rddreg [dreg:$0x3]  }
0xdb: {  	s0 =	sadd.s32 @!p0 $0x100000, s0  }
0xdc: {  	[sflag:s0] =	ssyncadd.tile.s32 @!p0 $0x1;
	_ =	shalt  }
.Lfunc_end2:
_tile_overlayer_lowered:
.L_overlay_start_2:
0xdd: {  	(tag) =	ssettag $0x2  }
0xde: {  	s0 =	rddreg [dreg:$0x0];
	s2 =	stileid.u32  }
0xdf: {  	s1 =	rddreg [dreg:$0x1];
	p0 =	sne.s32 s2, $0x0  }
0xe0: {  	s3 =	rddreg [dreg:$0x2];
	[bflag:$0x3] =	sbarrier.arrive $0xFFFF;
	s2 =	simm.s32 @!p0 $0x1C06  }
0xe1: {  	[timem:s3], [sflag:s2] =	dma.local @!p0 [hbm:s0], s1  }
0xe2: {  	s0 =	simm.s32 @!p0 $0x6  }
0xe3: {  	_ =	swait.ge @!p0 [sflag:s0], s1  }
0xe4: {  	s1 =	ssub.s32 @!p0 $0x0, s1;
	[sflag:s0] =	ssyncset.done @!p0 $0x0  }
0xe5: {  	[sflag:s0] =	ssyncadd.s32 @!p0 s1  }
0xe6: {  	[bflag:$0x3] =	sbarrier.arrive $0xFFFF  }
0xe7: {  	_ =	shalt  }

// kernel: kernel.7.cloned.1.call-start
scs
__scs_entry_jumppad:
0x0: {  	(pc) =	sbr.rel $0x88, $3  }
0x1: {  	(tag) =	ssettag $0x0;
	lr =	simm.s32 $0x1  }
0x2: {  	[smem:$0x3F97] =	sst lr;
	_ =	strace $0xD0000000  }
0x3: {  	_ = 	snop  }
0x4: {  	_ = 	snop  }
0x5: {  	_ = 	snop  }
0x6: {  	_ = 	snop  }
0x7: {  	_ = 	snop  }
__scs_overlays_trampoline_lowered:
0x8: {  	[smem:$0x3FA6] =	sst s0  }
0x9: {  	[smem:$0x3FA7] =	sst s1  }
0xa: {  	[smem:$0x3FA8] =	sst s2  }
0xb: {  	[smem:$0x3FA9] =	sst s3  }
0xc: {  	[smem:$0x3FAA] =	sst s4  }
0xd: {  	[smem:$0x3FAB] =	sst s5  }
0xe: {  	[smem:$0x3FAC] =	sst s6  }
0xf: {  	[smem:$0x3FAD] =	sst s7  }
0x10: {  	[smem:$0x3FAE] =	sst s8  }
0x11: {  	[smem:$0x3FAF] =	sst s9;
	s0 =	simm.s32 @!p0 $0x0  }
0x12: {  	s1 =	sld [smem:$0x3F95];
	s0 =	simm.s32 @p0 $0x1  }
0x13: {  	[smem:$0x3FB0] =	sst s0;
	s0 =	simm.s32 @!p1 $0x0  }
0x14: {  	s2 =	sld [smem:$0x3F94];
	s0 =	simm.s32 @p1 $0x1  }
0x15: {  	[smem:$0x3FB1] =	sst s0;
	s0 =	simm.s32 @!p2 $0x0  }
0x16: {  	s3 =	sld [smem:$0x3FDB];
	s0 =	simm.s32 @p2 $0x1  }
0x17: {  	s4 =	simm.s32 $0x1BF5;
	[smem:$0x3FB3] =	sst s0  }
0x18: {  	s0 =	sld [smem:$0x3F96];
	_ =	swait.ge [sflag:s4], $0x0  }
0x19: {  	s7 =	sld [smem:$0x3F97]  }
0x1a: {  	s8 =	sadd.s32 $0xFFFFE003, lr  }
0x1b: {  	s9 =	sadd.s32 $0xFFFFFEF7, lr;
	s5 =	simm.s32 $0xFFFFFFFF;
	p2 =	slt.u32 s8, $0xFFFFF086  }
0x1c: {  	p1 =	slt.u32 s9, $0xF7A;
	s5 =	simm.s32 @!p2 $0x0  }
0x1d: {  	s5 =	simm.s32 @p1 $0x1;
	p0 =	seq.s32 s7, s2  }
0x1e: {  	s7 =	smul.u32 @!p0 $0xF7A, s2;
	p2 =	seq.s32 @!p0 s5, $0x0  }
0x1f: {  	s9 =	smul.u32 $0xF7A, s1;
	s8 =	simm.s32 @!p0 $0x1BF5;
	p2 =	por !p2, p0  }
0x20: {  	[sflag:s8] =	ssyncset.s32 @!p0 $0xFFFFF086;
	s6 =	sadd.s32 @!p0 s3, s7;
	s7 =	simm.s32 @!p0 $0x108  }
0x21: {  	s3 =	sadd.s32 s3, s9;
	s6 =	sadd.s32 @!p0 $0x88, s6;
	s7 =	simm.s32 @p2 $0x1082  }
0x22: {  	[simem:s7], [sflag:s8] =	dma.local @!p0 [hbm:s6], $0xF7A  }
0x23: {  	s9 =	sor.u32 $0xD0000000, s2;
	s6 =	simm.s32 $0x108;
	_ =	swait.ge @!p0 [sflag:s8], $0x0  }
0x24: {  	s3 =	sadd.s32 $0x88, s3;
	s6 =	simm.s32 @!p1 $0x1082;
	[sflag:s4] =	ssyncset.s32 $0xFFFFF086  }
0x25: {  	[simem:s6], [sflag:s4] =	dma.local [hbm:s3], $0xF7A  }
0x26: {  	[smem:$0x3F97] =	sst s1;
	(tag) =	ssettag s2;
	_ =	strace s9  }
0x27: {  	s1 =	sld [smem:$0x3FA7]  }
0x28: {  	s2 =	sld [smem:$0x3FA8]  }
0x29: {  	s4 =	sld [smem:$0x3FAA]  }
0x2a: {  	p0 =	seq.s32 s5, $0x0;
	s5 =	sld [smem:$0x3FAB]  }
0x2b: {  	s6 =	sld [smem:$0x3FAC]  }
0x2c: {  	s7 =	sld [smem:$0x3FAD]  }
0x2d: {  	s3 =	simm.s32 $0x108;
	s8 =	sld [smem:$0x3FAE]  }
0x2e: {  	s3 =	simm.s32 @!p0 $0x1082;
	s9 =	sld [smem:$0x3FAF]  }
0x2f: {  	lr =	sadd.s32 s0, s3;
	s0 =	sld [smem:$0x3FA6]  }
0x30: {  	s3 =	sld [smem:$0x3FA9]  }
0x31: {  	[smem:$0x3FB2] =	sst s10  }
0x32: {  	s10 =	sld [smem:$0x3FB0];
	_ =	sdelay $0x3  }
0x33: {  	p0 =	seq.s32 s10, $0x1;
	s10 =	sld [smem:$0x3FB2];
	_ =	sdelay $0x3  }
0x34: {  	[smem:$0x3FB2] =	sst s10  }
0x35: {  	s10 =	sld [smem:$0x3FB1];
	_ =	sdelay $0x3  }
0x36: {  	p1 =	seq.s32 s10, $0x1;
	s10 =	sld [smem:$0x3FB2];
	_ =	sdelay $0x3  }
0x37: {  	[smem:$0x3FB2] =	sst s10  }
0x38: {  	s10 =	sld [smem:$0x3FB3]  }
0x39: {  	_ = 	snop;
	(pc) =	sbr.ind lr, $3  }
0x3a: {  	_ = 	snop  }
0x3b: {  	_ = 	snop  }
0x3c: {  	p2 =	seq.s32 s10, $0x1;
	s10 =	sld [smem:$0x3FB2]  }
0x3d: {  	_ =	shalt  }
0x3e: {  	_ =	shalt  }
0x3f: {  	_ =	shalt  }
0x40: {  	_ =	shalt  }
0x41: {  	_ =	shalt  }
0x42: {  	_ =	shalt  }
0x43: {  	_ =	shalt  }
0x44: {  	_ =	shalt  }
0x45: {  	_ =	shalt  }
0x46: {  	_ =	shalt  }
0x47: {  	_ =	shalt  }
0x48: {  	_ =	shalt  }
0x49: {  	_ =	shalt  }
0x4a: {  	_ =	shalt  }
0x4b: {  	_ =	shalt  }
0x4c: {  	_ =	shalt  }
0x4d: {  	_ =	shalt  }
0x4e: {  	_ =	shalt  }
0x4f: {  	_ =	shalt  }
0x50: {  	_ =	shalt  }
0x51: {  	_ =	shalt  }
0x52: {  	_ =	shalt  }
0x53: {  	_ =	shalt  }
0x54: {  	_ =	shalt  }
0x55: {  	_ =	shalt  }
0x56: {  	_ =	shalt  }
0x57: {  	_ =	shalt  }
0x58: {  	_ =	shalt  }
0x59: {  	_ =	shalt  }
0x5a: {  	_ =	shalt  }
0x5b: {  	_ =	shalt  }
0x5c: {  	_ =	shalt  }
0x5d: {  	_ =	shalt  }
0x5e: {  	_ =	shalt  }
0x5f: {  	_ =	shalt  }
0x60: {  	_ =	shalt  }
0x61: {  	_ =	shalt  }
0x62: {  	_ =	shalt  }
0x63: {  	_ =	shalt  }
0x64: {  	_ =	shalt  }
0x65: {  	_ =	shalt  }
0x66: {  	_ =	shalt  }
0x67: {  	_ =	shalt  }
0x68: {  	_ =	shalt  }
0x69: {  	_ =	shalt  }
0x6a: {  	_ =	shalt  }
0x6b: {  	_ =	shalt  }
0x6c: {  	_ =	shalt  }
0x6d: {  	_ =	shalt  }
0x6e: {  	_ =	shalt  }
0x6f: {  	_ =	shalt  }
0x70: {  	_ =	shalt  }
0x71: {  	_ =	shalt  }
0x72: {  	_ =	shalt  }
0x73: {  	_ =	shalt  }
0x74: {  	_ =	shalt  }
0x75: {  	_ =	shalt  }
0x76: {  	_ =	shalt  }
0x77: {  	_ =	shalt  }
0x78: {  	_ =	shalt  }
0x79: {  	_ =	shalt  }
0x7a: {  	_ =	shalt  }
0x7b: {  	_ =	shalt  }
0x7c: {  	_ =	shalt  }
0x7d: {  	_ =	shalt  }
0x7e: {  	_ =	shalt  }
0x7f: {  	_ =	shalt  }
0x80: {  	_ =	shalt  }
0x81: {  	_ =	shalt  }
0x82: {  	_ =	shalt  }
0x83: {  	_ =	shalt  }
0x84: {  	_ =	shalt  }
0x85: {  	_ =	shalt  }
0x86: {  	_ =	shalt  }
0x87: {  	_ =	shalt  }
.Lfunc_end0:
.L_simem_size_0:
called_computation_lowered:
.L_overlay_start_0:
0x88: {  	s2 =	sld [smem:$0x3FD9]  }
0x89: {  	s3 =	sld [smem:$0x3FFE];
	_ =	sdelay $0x1  }
0x8a: {  	s1 =	srdreg.scid  }
0x8b: {  	s0 =	sand.u32 $0x1, s1  }
0x8c: {  	s17 =	sshll.u32 s0, $0xA;
	s2 =	sadd.s32 s3, s2  }
0x8d: {  	s2 =	sadd.s32 s2, s17  }
0x8e: {  	[smem:$0x3FBE] =	sst s2  }
0x8f: {  	_ = 	snop  }
0x90: {  	s18 =	sld [smem:$0x3FD0];
	(tm) =	ssettm $0x1  }
0x91: {  	s19 =	sld [smem:$0x3FFB];
	_ =	sdelay $0x3  }
0x92: {  	_ =	strace s19  }
0x93: {  	s2 =	sld [smem:$0x3FFC];
	_ =	sdelay $0x3  }
0x94: {  	_ =	strace s2  }
0x95: {  	s2 =	sld [smem:$0x3FFD];
	_ =	sdelay $0x3  }
0x96: {  	_ =	strace s2  }
0x97: {  	_ =	strace $0x8FFFFFFF  }
0x98: {  	s20 =	sld [smem:$0x3FDB];
	_ =	sdelay $0x1  }
0x99: {  	s4 =	simm.s32 $_scs_section_size  }
0x9a: {  	s5 =	simm.s32 $_size__tile_overlayer_lowered;
	s6 =	simm.s32 $_tile_overlayer_lowered  }
0x9b: {  	s7 =	simm.s32 $0x1BFF;
	s21 =	sshll.u32 s6, $0x1;
	s4 =	sadd.s32 s4, s20  }
0x9c: {  	s22 =	simm.s32 $0x0;
	s5 =	sshll.u32 s5, $0x1;
	s6 =	sadd.s32 s21, s4  }
0x9d: {  	[timem:s22], [sflag:s7] =	dma.local [hbm:s6], s5  }
0x9e: {  	_ =	swait.ge [sflag:s7], s5  }
0x9f: {  	s5 =	ssub.s32 $0x0, s5;
	[sflag:s7] =	ssyncset.done $0x0  }
0xa0: {  	[sflag:s7] =	ssyncadd.s32 s5;
	_ =	sdelay $0x1  }
0xa1: {  	s23 =	simm.s32 $0x1B8B  }
0xa2: {  	_ =	swait.ge [sflag:s23], $0x1  }
0xa3: {  	[sflag:s23] =	ssyncset.done $0x0  }
0xa4: {  	[sflag:s23] =	ssyncadd.s32 $0xFFFFFFFF  }
0xa5: {  	s5 =	sld [smem:$0x0]  }
0xa6: {  	s6 =	sand.u32 $0xFFFFFFFE, s1  }
0xa7: {  	p0 =	sne.s32 s1, s6  }
0xa8: {  	s6 =	sshll.u32 @p0 s6, $0xE  }
0xa9: {  	s6 =	sadd.s32 @p0 $0x11B8D, s6;
	s7 =	sshll.u32 @p0 s5, $0x11  }
0xaa: {  	s6 =	sor.u32 @p0 s7, s6  }
0xab: {  	[sflag:s6] =	ssyncadd.remote.s32 @p0 $0x1;
	_ =	sdelay $0x1  }
0xac: {  	s6 =	simm.s32 @p0 $0x1B8D  }
0xad: {  	_ =	swait.eq @p0 [sflag:s6], $0x1  }
0xae: {  	[sflag:s6] =	ssyncadd.s32 @p0 $0xFFFFFFFF  }
0xaf: {  	s7 =	sshll.u32 @!p0 s1, $0xE  }
0xb0: {  	s7 =	sor.u32 @!p0 $0x4000, s7;
	s6 =	simm.s32 @!p0 $0x1B8D  }
0xb1: {  	s5 =	sshll.u32 @!p0 s5, $0x11;
	s7 =	sadd.s32 @!p0 $0x11B8D, s7;
	_ =	swait.eq @!p0 [sflag:s6], $0x1  }
0xb2: {  	s5 =	sor.u32 @!p0 s5, s7;
	[sflag:s6] =	ssyncadd.s32 @!p0 $0xFFFFFFFF  }
0xb3: {  	s25 =	simm.s32 $0x1B8E;
	s24 =	sld [smem:$0x3FFE];
	[sflag:s5] =	ssyncadd.remote.s32 @!p0 $0x1  }
0xb4: {  	s26 =	simm.s32 $execute0_lowered;
	[smem:$0x3FD2] =	sst s25  }
0xb5: {  	s6 =	sshll.u32 s26, $0x1;
	_ =	strace $0x80000049;
	[dreg:$0x1] =	wrdreg $0xFFFFFFFF  }
0xb6: {  	s28 =	simm.s32 $_size_execute0_lowered;
	s4 =	sadd.s32 s4, s6;
	[dreg:$0x0] =	wrdreg $0x0  }
0xb7: {  	s6 =	sshll.u32 s28, $0x1;
	[dreg:$0x2] =	wrdreg s4  }
0xb8: {  	[dreg:$0x3] =	wrdreg s6  }
0xb9: {  	[dreg:$0x4] =	wrdreg $0xC0  }
0xba: {  	_ =	task [dreg:s22], $0x5FFFF  }
0xbb: {  	[dreg:$0x1] =	wrdreg $0xFFFFFFFF  }
0xbc: {  	[dreg:$0x0] =	wrdreg $0x60  }
0xbd: {  	[dreg:$0x2] =	wrdreg s24  }
0xbe: {  	[dreg:$0x3] =	wrdreg s18  }
0xbf: {  	[dreg:$0x4] =	wrdreg $0x68000  }
0xc0: {  	[dreg:$0x5] =	wrdreg $0x9  }
0xc1: {  	_ =	task.clear_ibuf [dreg:s22], $0x6FFFF;
	_ =	strace $0x90000049  }
0xc2: {  	s29 =	simm.s32 $0x9;
	_ =	strace $0x8000004B  }
0xc3: {  	_ =	swait.ge [sflag:s29], $0x1  }
0xc4: {  	[sflag:s29] =	ssyncadd.s32 $0xFFFFFFFF  }
0xc5: {  	_ =	strace $0x9000004B  }
0xc6: {  	_ =	sfence  }
0xc7: {  	s30 =	sld [smem:$0x0];
	_ =	sdelay $0x2  }
0xc8: {  	s31 =	sshll.u32 s1, $0xD;
	s1 =	sshrl.u32 s1, $0x2  }
0xc9: {  	s4 =	sand.u32 $0x4000, s31;
	s1 =	sadd.s32 s1, s30  }
0xca: {  	s0 =	sor.u32 s4, s0;
	s1 =	sshll.u32 s1, $0x11  }
0xcb: {  	s0 =	sor.u32 s1, s0  }
0xcc: {  	s0 =	sadd.s32 $0x8F2B, s0  }
0xcd: {  	[sflag:s0] =	ssyncadd.remote.s32 $0x1  }
0xce: {  	_ =	sfence.sel $0xFFFF  }
0xcf: {  	[dreg:$0x0] =	wrdreg $0xFFFFFFFF;
	(pc) =	sbr.abs _section_cstart, $3  }
0xd0: {  	[dreg:$0x1] =	wrdreg $0xFFFFFFFF  }
0xd1: {  	_ =	task.clear_ibuf [dreg:s22], $0x2FFFF;
	_ =	strace $0x9FFFFFFF  }
0xd2: {  	(tm) =	ssettm $0x7FFFFFFF  }
0xd3: {  	_ =	shalt  }
tec
execute0_lowered:
.L_overlay_start_1:
0x0: {  	(tag) =	ssettag $0x1  }
0x1: {  	s1 =	srdreg.scid;
	s6 =	rddreg [dreg:$0x0]  }
0x2: {  	s0 =	stileid.u32;
	s2 =	rddreg [dreg:$0x1]  }
0x3: {  	s3 =	rddreg [dreg:$0x2];
	s4 =	simm.s32 $0x0;
	s12 =	simm.s32 $0x2800  }
0x4: {  	s13 =	simm.s32 $0x7D;
	s14 =	simm.s32 $0x80;
	s15 =	simm.s32 $0x100  }
0x5: {  	s16 =	simm.s32 $0x180;
	s17 =	simm.s32 $0x200;
	s18 =	simm.s32 $0x280  }
0x6: {  	s19 =	simm.s32 $0x300;
	s20 =	simm.s32 $0x380;
	s21 =	simm.s32 $0x1  }
0x7: {  	s22 =	simm.s32 $0x0;
	s5 =	sand.u32 $0x1, s1;
	s8 =	smul.u32 $0x2800, s0  }
0x8: {  	s26 =	sshll.u32 s0, $0x1;
	[smem:$0x7FF] =	sst s4;
	s10 =	smul.u32 $0x50000, s0  }
0x9: {  	s31 =	sshll.u32 s0, $0x6;
	s1 =	sor.u32 s5, s26;
	s9 =	smul.u32 $0x28000, s5  }
0xa: {  	s28 =	ssub.s32 $0x2, s5;
	s5 =	sadd.s32 $0x8EA00, s6;
	s7 =	smul.u32 $0x500, s1  }
0xb: {  	s1 =	rddreg [dreg:$0x3];
	_ =	strace $0x8000004A;
	s29 =	sshrl.u32 s28, $0x1  }
0xc: {  	s30 =	sshrl.u32 s10, $0x2;
	s8 =	sadd.s32 s8, s9;
	s9 =	ssub.s32 s28, s29  }
0xd: {  	s11 =	sadd.s32 s30, s3;
	s7 =	sadd.s32 s7, s6;
	s8 =	sadd.s32 s8, s6  }
0xe: {  	s6 =	sor.u32 $0x1C02, s31;
	s9 =	smax.u32 s9, $0x1;
	s10 =	sshrl.u32 s11, $0x3  }
0xf: {  	s11 =	simm.s32 $0x2;
	s7 =	sadd.s32 $0x84A00, s7;
	s8 =	sadd.s32 $0x8F200, s8  }
.LBB2_1:
0x10: {  	[spmem:s10], [sflag:s6] =	dma.local [hbm:s2], $0x2800  }
0x11: {  	_ =	swait.ge [sflag:s11], $0x2800  }
0x12: {  	[sflag:s11] =	ssyncset.done $0x0  }
0x13: {  	[sflag:s11] =	ssyncadd.s32 $0xFFFFD800  }
0x14: {  	[tilespmem:s4], [sflag:$0x2] =	stream.linear.gather [hbm4b:s7+s4], $0x2800, $0x38;
	[tilespmem:$0x1A800] =	vst v63  }
0x15: {  	_ =	swait.ge [sflag:s11], $0x2800  }
0x16: {  	[sflag:s11] =	ssyncset.done $0x0  }
0x17: {  	[sflag:s11] =	ssyncadd.s32 $0xFFFFD800  }
0x18: {  	[tilespmem:s12], [sflag:$0x2] =	stream.linear.gather [hbm4b:s5+s4], $0x3E80, $0x38;
	[tilespmem:$0x1A800] =	vst v63  }
0x19: {  	_ =	swait.ge [sflag:s11], $0x3E80  }
0x1a: {  	[sflag:s11] =	ssyncset.done $0x0  }
0x1b: {  	[sflag:s11] =	ssyncadd.s32 $0xFFFFC180  }
0x1c: {  	[bflag:$0x0] =	sbarrier.arrive $0xFFFF  }
0x1d: {  	[spmem:s3] =	stream.indirect.scatter.add.f32 [tilespmem:s12], [sflag:$0x1], $0x80, s4, s13, $0xb8;
	[tilespmem:$0x1A800] =	vst v63  }
0x1e: {  	_ = 	snop  }
0x1f: {  	[spmem:s3] =	stream.indirect.scatter.add.f32 [tilespmem:s12], [sflag:$0x1], $0x80, s14, s13, $0xb8;
	[tilespmem:$0x1A800] =	vst v63  }
0x20: {  	_ = 	snop  }
0x21: {  	[spmem:s3] =	stream.indirect.scatter.add.f32 [tilespmem:s12], [sflag:$0x1], $0x80, s15, s13, $0xb8;
	[tilespmem:$0x1A800] =	vst v63  }
0x22: {  	_ = 	snop  }
0x23: {  	[spmem:s3] =	stream.indirect.scatter.add.f32 [tilespmem:s12], [sflag:$0x1], $0x80, s16, s13, $0xb8;
	[tilespmem:$0x1A800] =	vst v63  }
0x24: {  	_ = 	snop  }
0x25: {  	[spmem:s3] =	stream.indirect.scatter.add.f32 [tilespmem:s12], [sflag:$0x1], $0x80, s17, s13, $0xb8;
	[tilespmem:$0x1A800] =	vst v63  }
0x26: {  	_ = 	snop  }
0x27: {  	[spmem:s3] =	stream.indirect.scatter.add.f32 [tilespmem:s12], [sflag:$0x1], $0x80, s18, s13, $0xb8;
	[tilespmem:$0x1A800] =	vst v63  }
0x28: {  	_ = 	snop  }
0x29: {  	[spmem:s3] =	stream.indirect.scatter.add.f32 [tilespmem:s12], [sflag:$0x1], $0x80, s19, s13, $0xb8;
	[tilespmem:$0x1A800] =	vst v63  }
0x2a: {  	_ = 	snop  }
0x2b: {  	[spmem:s3] =	stream.indirect.scatter.add.f32 [tilespmem:s12], [sflag:$0x1], $0x80, s20, s13, $0xb8;
	[tilespmem:$0x1A800] =	vst v63  }
0x2c: {  	_ =	swait.ge [sflag:s21], $0x3E80  }
0x2d: {  	[sflag:s21] =	ssyncset.done $0x0  }
0x2e: {  	s23 =	simm.s32 $0x1200;
	s24 =	simm.s32 $0x400;
	[sflag:s21] =	ssyncadd.s32 $0xFFFFC180  }
.LBB2_2:
0x2f: {  	[spmem:s3] =	stream.indirect.scatter.add.f32 [tilespmem:s12], [sflag:$0x1], $0x80, s24, s13, $0xb8;
	[tilespmem:$0x1A800] =	vst v63  }
0x30: {  	s24 =	smov.u32 s23;
	p0 =	sne.s32 s23, $0x9E00  }
.Ltmp0:
0x31: {  	s23 =	sadd.s32 $0x200, s23;
	(pc) =	sbr.rel @p0 .LBB2_2-.Ltmp0, $4  }
0x32: {  	_ = 	snop  }
0x33: {  	_ =	swait.ge [sflag:s21], $0x3E80  }
0x34: {  	[sflag:s21] =	ssyncset.done $0x0  }
0x35: {  	s24 =	sshra.s32 s24, $0x2;
	[sflag:s21] =	ssyncadd.s32 $0xFFFFC180  }
0x36: {  	[spmem:s3] =	stream.indirect.scatter.add.f32 [tilespmem:s12], [sflag:$0x1], $0x80, s24, s13, $0xb8;
	[tilespmem:$0x1A800] =	vst v63  }
0x37: {  	_ =	swait.ge [sflag:s21], $0x3E80  }
0x38: {  	[sflag:s21] =	ssyncset.done $0x0  }
0x39: {  	[sflag:s21] =	ssyncadd.s32 $0xFFFFC180  }
0x3a: {  	_ =	swait.ge [sflag:s21], $0x3E80  }
0x3b: {  	[sflag:s21] =	ssyncset.done $0x0  }
0x3c: {  	[sflag:s21] =	ssyncadd.s32 $0xFFFFC180  }
0x3d: {  	_ =	swait.ge [sflag:s21], $0x3E80  }
0x3e: {  	[sflag:s21] =	ssyncset.done $0x0  }
0x3f: {  	[sflag:s21] =	ssyncadd.s32 $0xFFFFC180  }
0x40: {  	_ =	swait.ge [sflag:s21], $0x3E80  }
0x41: {  	[sflag:s21] =	ssyncset.done $0x0  }
0x42: {  	[sflag:s21] =	ssyncadd.s32 $0xFFFFC180  }
0x43: {  	_ =	swait.ge [sflag:s21], $0x3E80  }
0x44: {  	[sflag:s21] =	ssyncset.done $0x0  }
0x45: {  	[sflag:s21] =	ssyncadd.s32 $0xFFFFC180  }
0x46: {  	_ =	swait.ge [sflag:s21], $0x3E80  }
0x47: {  	[sflag:s21] =	ssyncset.done $0x0  }
0x48: {  	[sflag:s21] =	ssyncadd.s32 $0xFFFFC180  }
0x49: {  	_ =	swait.ge [sflag:s21], $0x3E80  }
0x4a: {  	[sflag:s21] =	ssyncset.done $0x0  }
0x4b: {  	[sflag:s21] =	ssyncadd.s32 $0xFFFFC180  }
0x4c: {  	_ =	swait.ge [sflag:s21], $0x3E80  }
0x4d: {  	s22 =	sadd.s32 $0x1, s22;
	[sflag:s21] =	ssyncset.done $0x0  }
0x4e: {  	p0 =	sne.s32 s22, s9;
	[sflag:s21] =	ssyncadd.s32 $0xFFFFC180  }
.Ltmp1:
0x4f: {  	[bflag:$0x0] =	sbarrier.arrive $0xFFFF;
	(pc) =	sbr.rel @p0 .LBB2_1-.Ltmp1, $4  }
0x50: {  	[hbm:s8], [sflag:s6] =	dma.local [spmem:s10], $0x2800  }
0x51: {  	_ =	swait.ge [sflag:s11], $0x2800  }
0x52: {  	[sflag:s11] =	ssyncset.done $0x0  }
0x53: {  	[sflag:s11] =	ssyncadd.s32 $0xFFFFD800  }
0x54: {  	_ =	sfence.sel $0x180000  }
0x55: {  	[bflag:$0x0] =	sbarrier.arrive $0xFFFF  }
0x56: {  	p0 =	sne.s32 s0, $0x0;
	_ =	strace $0x9000004A  }
0x57: {  	s0 =	sadd.s32 @!p0 $0x100000, s1;
	[bflag:$0x2] =	sbarrier.arrive $0xFFFF  }
0x58: {  	[sflag:s0] =	ssyncadd.tile.s32 @!p0 $0x1;
	_ =	shalt  }
.Lfunc_end2:
_tile_overlayer_lowered:
.L_overlay_start_2:
0x59: {  	(tag) =	ssettag $0x2  }
0x5a: {  	s0 =	rddreg [dreg:$0x0];
	s2 =	stileid.u32  }
0x5b: {  	s1 =	rddreg [dreg:$0x1];
	p0 =	sne.s32 s2, $0x0  }
0x5c: {  	s3 =	rddreg [dreg:$0x2];
	[bflag:$0x3] =	sbarrier.arrive $0xFFFF;
	s2 =	simm.s32 @!p0 $0x1C02  }
0x5d: {  	[timem:s3], [sflag:s2] =	dma.local @!p0 [hbm:s0], s1  }
0x5e: {  	s0 =	simm.s32 @!p0 $0x2  }
0x5f: {  	_ =	swait.ge @!p0 [sflag:s0], s1  }
0x60: {  	s1 =	ssub.s32 @!p0 $0x0, s1;
	[sflag:s0] =	ssyncset.done @!p0 $0x0  }
0x61: {  	[sflag:s0] =	ssyncadd.s32 @!p0 s1  }
0x62: {  	[bflag:$0x3] =	sbarrier.arrive $0xFFFF  }
0x63: {  	_ =	shalt  }

</sc_bundles>
